<compile_context>
chip_gen: v7x
topology: tpu7x:2x2x1
jax: 0.10.2.dev20260603
libtpu: 0.0.44.dev20260713+nightly
codegen_flags: <defaults>
</compile_context>

<pallas_src>
import functools
import math

import jax
import jax.numpy as jnp
from jax.experimental import pallas as pl
from jax.experimental.pallas import tpu as pltpu

_EMBED_DIM = 64
_LOG10000 = math.log(10000.0)


def _body(var_ref, out_ref, acc_ref, pe_ref, sem, *, B, T, F, chunk):
    n_chunks = T // chunk
    E = _EMBED_DIM
    pos = jax.lax.broadcasted_iota(jnp.int32, (T, 128), 0).astype(jnp.float32)
    lane = jax.lax.broadcasted_iota(jnp.int32, (T, 128), 1)
    k = ((lane & (E - 1)) >> 1).astype(jnp.float32)
    freq = jnp.exp(k * (-2.0 * _LOG10000 / E))
    angle = pos * freq
    pe_ref[...] = jnp.where(lane & 1 == 0, jnp.sin(angle), jnp.cos(angle))
    for c in range(n_chunks):
        t0 = c * chunk
        pe = pe_ref[pl.ds(t0, chunk), :]
        for g in range(F // 128):
            acc_ref[pl.ds(t0, chunk), pl.ds(g * 128, 128)] = (
                var_ref[:, pl.ds(g * 128, 128)] + pe)
        for b in range(B):
            pltpu.make_async_copy(
                acc_ref.at[pl.ds(t0, chunk), :],
                out_ref.at[b, pl.ds(t0, chunk), :],
                sem.at[b],
            ).start()
    for c in range(n_chunks):
        t0 = c * chunk
        for b in range(B):
            pltpu.make_async_copy(
                acc_ref.at[pl.ds(t0, chunk), :],
                out_ref.at[b, pl.ds(t0, chunk), :],
                sem.at[b],
            ).wait()


def kernel(x, var_table):
    B, T, D = x.shape
    E = _EMBED_DIM
    F = D * E
    chunk = 40
    var_flat = var_table.reshape(1, F)
    out = pl.pallas_call(
        functools.partial(_body, B=B, T=T, F=F, chunk=chunk),
        in_specs=[pl.BlockSpec((1, F), lambda: (0, 0))],
        out_specs=pl.BlockSpec(memory_space=pl.ANY),
        out_shape=jax.ShapeDtypeStruct((B, T, F), jnp.float32),
        scratch_shapes=[
            pltpu.VMEM((T, F), jnp.float32),
            pltpu.VMEM((T, 128), jnp.float32),
            pltpu.SemaphoreType.DMA((B,)),
        ],
    )(var_flat)
    return out.reshape(B, T, D, E)

# --- scband reference (transcript-rebuilt; emitter-appended) ---
"""Pipeline reference for scband-variates-embedding-62105227100524 (READ-ONLY COPY).

The authoritative reference and input builder live on the scoring server;
editing this copy changes nothing except your own understanding.
"""

import math
import jax, jax.numpy as jnp
import numpy as np

NUM_VARS = 100
EMBED_DIM = 64
MAX_LEN = 5000


def _positional_encoding(embedding_dim, max_len):
    position = jnp.arange(max_len, dtype=jnp.float32)[:, None]
    div_term = jnp.exp(jnp.arange(0, embedding_dim, 2, dtype=jnp.float32) * -(math.log(10000.0) / embedding_dim))
    pe = jnp.zeros((max_len, embedding_dim), dtype=jnp.float32)
    pe = pe.at[:, 0::2].set(jnp.sin(position * div_term))
    pe = pe.at[:, 1::2].set(jnp.cos(position * div_term))
    return pe


def setup_inputs(seed: int = 0) -> dict:
    key = jax.random.key(seed)
    k1, k2 = jax.random.split(key)
    x = jax.random.normal(k1, (16, 200, 100), dtype=jnp.float32)
    var_table = jax.random.normal(k2, (NUM_VARS, EMBED_DIM), dtype=jnp.float32)
    return {"x": x, "var_table": var_table}


def reference(x, var_table):
    B, T, D = x.shape
    pe = _positional_encoding(EMBED_DIM, MAX_LEN)
    # embedding lookup of variate ids 0..D-1
    var_embed = jnp.take(var_table, jnp.arange(D), axis=0)  # [D, E]
    pos_embed = pe[:T, :]  # [T, E]
    var_embed_b = jnp.broadcast_to(var_embed[None, None, :, :], (B, T, D, EMBED_DIM))
    pos_embed_b = jnp.broadcast_to(pos_embed[None, :, None, :], (B, T, D, EMBED_DIM))
    return var_embed_b + pos_embed_b

if __name__ == "__main__":
    import jax
    _d = setup_inputs()
    print(jax.jit(kernel)(*tuple(_d.values())))

</pallas_src>

<mosaic_0001>
module attributes {stable_mosaic.version = 14 : i64} {
  func.func @_body(%arg0: memref<1x6400xf32, #tpu.memory_space<vmem>>, %arg1: memref<16x200x6400xf32, #tpu.memory_space<any>>, %arg2: memref<200x6400xf32, #tpu.memory_space<vmem>>, %arg3: memref<200x128xf32, #tpu.memory_space<vmem>>, %arg4: memref<16x!tpu.dma_semaphore, #tpu.memory_space<semaphore_mem>>) attributes {dimension_semantics = [], scalar_prefetch = 0 : i64, scratch_operands = 3 : i64, tpu.core_type = #tpu.core_type<tc>} {
    %iota3A = tpu.iota {dimensions = array<i32: 0>} : vector<200x128xi32>
    %convert_element_type3A = arith.sitofp %iota3A : vector<200x128xi32> to vector<200x128xf32>
    %iota3A_0 = tpu.iota {dimensions = array<i32: 1>} : vector<200x128xi32>
    %and3A = arith.constant 63 : i32
    %and3A_1 = vector.broadcast %and3A : i32 to vector<200x128xi32>
    %and3A_2 = arith.andi %iota3A_0, %and3A_1 : vector<200x128xi32>
    %shift_right_arithmetic3A = arith.constant 1 : i32
    %shift_right_arithmetic3A_3 = vector.broadcast %shift_right_arithmetic3A : i32 to vector<200x128xi32>
    %shift_right_arithmetic3A_4 = arith.shrsi %and3A_2, %shift_right_arithmetic3A_3 : vector<200x128xi32>
    %convert_element_type3A_5 = arith.sitofp %shift_right_arithmetic3A_4 : vector<200x128xi32> to vector<200x128xf32>
    %mul3A = arith.constant -0.287823141 : f32
    %mul3A_6 = vector.broadcast %mul3A : f32 to vector<200x128xf32>
    %mul3A_7 = arith.mulf %convert_element_type3A_5, %mul3A_6 : vector<200x128xf32>
    %exp3A = math.exp %mul3A_7 : vector<200x128xf32>
    %mul3A_8 = arith.mulf %convert_element_type3A, %exp3A : vector<200x128xf32>
    %and3A_9 = arith.constant 1 : i32
    %and3A_10 = vector.broadcast %and3A_9 : i32 to vector<200x128xi32>
    %and3A_11 = arith.andi %iota3A_0, %and3A_10 : vector<200x128xi32>
    %eq3A = arith.constant 0 : i32
    %eq3A_12 = vector.broadcast %eq3A : i32 to vector<200x128xi32>
    %eq3A_13 = arith.cmpi eq, %and3A_11, %eq3A_12 : vector<200x128xi32>
    %sin3A = math.sin %mul3A_8 : vector<200x128xf32>
    %cos3A = math.cos %mul3A_8 : vector<200x128xf32>
    %select_n3A = arith.select %eq3A_13, %sin3A, %cos3A : vector<200x128xi1>, vector<200x128xf32>
    %swap3A = arith.constant 0 : index
    %swap3A_14 = arith.constant 0 : index
    %swap3A_15 = vector.load %arg3[%swap3A, %swap3A_14] : memref<200x128xf32, #tpu.memory_space<vmem>>, vector<200x128xf32>
    tpu.vector_store %arg3[%swap3A, %swap3A_14], %select_n3A {strides = array<i32>} : memref<200x128xf32, #tpu.memory_space<vmem>>, vector<200x128xf32>,
    %get3A = arith.constant 0 : index
    %get3A_16 = arith.constant 0 : index
    %get3A_17 = vector.load %arg3[%get3A, %get3A_16] : memref<200x128xf32, #tpu.memory_space<vmem>>, vector<40x128xf32>
    %get3A_18 = arith.constant 0 : index
    %get3A_19 = arith.constant 0 : index
    %get3A_20 = vector.load %arg0[%get3A_18, %get3A_19] : memref<1x6400xf32, #tpu.memory_space<vmem>>, vector<1x128xf32>
    %add3A = vector.broadcast %get3A_20 : vector<1x128xf32> to vector<40x128xf32>
    %add3A_21 = arith.addf %add3A, %get3A_17 : vector<40x128xf32>
    %swap3A_22 = arith.constant 0 : index
    %swap3A_23 = arith.constant 0 : index
    %swap3A_24 = vector.load %arg2[%swap3A_22, %swap3A_23] : memref<200x6400xf32, #tpu.memory_space<vmem>>, vector<40x128xf32>
    tpu.vector_store %arg2[%swap3A_22, %swap3A_23], %add3A_21 {strides = array<i32>} : memref<200x6400xf32, #tpu.memory_space<vmem>>, vector<40x128xf32>,
    %get3A_25 = arith.constant 0 : index
    %get3A_26 = arith.constant 128 : index
    %get3A_27 = vector.load %arg0[%get3A_25, %get3A_26] : memref<1x6400xf32, #tpu.memory_space<vmem>>, vector<1x128xf32>
    %add3A_28 = vector.broadcast %get3A_27 : vector<1x128xf32> to vector<40x128xf32>
    %add3A_29 = arith.addf %add3A_28, %get3A_17 : vector<40x128xf32>
    %swap3A_30 = arith.constant 0 : index
    %swap3A_31 = arith.constant 128 : index
    %swap3A_32 = vector.load %arg2[%swap3A_30, %swap3A_31] : memref<200x6400xf32, #tpu.memory_space<vmem>>, vector<40x128xf32>
    tpu.vector_store %arg2[%swap3A_30, %swap3A_31], %add3A_29 {strides = array<i32>} : memref<200x6400xf32, #tpu.memory_space<vmem>>, vector<40x128xf32>,
    %get3A_33 = arith.constant 0 : index
    %get3A_34 = arith.constant 256 : index
    %get3A_35 = vector.load %arg0[%get3A_33, %get3A_34] : memref<1x6400xf32, #tpu.memory_space<vmem>>, vector<1x128xf32>
    %add3A_36 = vector.broadcast %get3A_35 : vector<1x128xf32> to vector<40x128xf32>
    %add3A_37 = arith.addf %add3A_36, %get3A_17 : vector<40x128xf32>
    %swap3A_38 = arith.constant 0 : index
    %swap3A_39 = arith.constant 256 : index
    %swap3A_40 = vector.load %arg2[%swap3A_38, %swap3A_39] : memref<200x6400xf32, #tpu.memory_space<vmem>>, vector<40x128xf32>
    tpu.vector_store %arg2[%swap3A_38, %swap3A_39], %add3A_37 {strides = array<i32>} : memref<200x6400xf32, #tpu.memory_space<vmem>>, vector<40x128xf32>,
    %get3A_41 = arith.constant 0 : index
    %get3A_42 = arith.constant 384 : index
    %get3A_43 = vector.load %arg0[%get3A_41, %get3A_42] : memref<1x6400xf32, #tpu.memory_space<vmem>>, vector<1x128xf32>
    %add3A_44 = vector.broadcast %get3A_43 : vector<1x128xf32> to vector<40x128xf32>
    %add3A_45 = arith.addf %add3A_44, %get3A_17 : vector<40x128xf32>
    %swap3A_46 = arith.constant 0 : index
    %swap3A_47 = arith.constant 384 : index
    %swap3A_48 = vector.load %arg2[%swap3A_46, %swap3A_47] : memref<200x6400xf32, #tpu.memory_space<vmem>>, vector<40x128xf32>
    tpu.vector_store %arg2[%swap3A_46, %swap3A_47], %add3A_45 {strides = array<i32>} : memref<200x6400xf32, #tpu.memory_space<vmem>>, vector<40x128xf32>,
    %get3A_49 = arith.constant 0 : index
    %get3A_50 = arith.constant 512 : index
    %get3A_51 = vector.load %arg0[%get3A_49, %get3A_50] : memref<1x6400xf32, #tpu.memory_space<vmem>>, vector<1x128xf32>
    %add3A_52 = vector.broadcast %get3A_51 : vector<1x128xf32> to vector<40x128xf32>
    %add3A_53 = arith.addf %add3A_52, %get3A_17 : vector<40x128xf32>
    %swap3A_54 = arith.constant 0 : index
    %swap3A_55 = arith.constant 512 : index
    %swap3A_56 = vector.load %arg2[%swap3A_54, %swap3A_55] : memref<200x6400xf32, #tpu.memory_space<vmem>>, vector<40x128xf32>
    tpu.vector_store %arg2[%swap3A_54, %swap3A_55], %add3A_53 {strides = array<i32>} : memref<200x6400xf32, #tpu.memory_space<vmem>>, vector<40x128xf32>,
    %get3A_57 = arith.constant 0 : index
    %get3A_58 = arith.constant 640 : index
    %get3A_59 = vector.load %arg0[%get3A_57, %get3A_58] : memref<1x6400xf32, #tpu.memory_space<vmem>>, vector<1x128xf32>
    %add3A_60 = vector.broadcast %get3A_59 : vector<1x128xf32> to vector<40x128xf32>
    %add3A_61 = arith.addf %add3A_60, %get3A_17 : vector<40x128xf32>
    %swap3A_62 = arith.constant 0 : index
    %swap3A_63 = arith.constant 640 : index
    %swap3A_64 = vector.load %arg2[%swap3A_62, %swap3A_63] : memref<200x6400xf32, #tpu.memory_space<vmem>>, vector<40x128xf32>
    tpu.vector_store %arg2[%swap3A_62, %swap3A_63], %add3A_61 {strides = array<i32>} : memref<200x6400xf32, #tpu.memory_space<vmem>>, vector<40x128xf32>,
    %get3A_65 = arith.constant 0 : index
    %get3A_66 = arith.constant 768 : index
    %get3A_67 = vector.load %arg0[%get3A_65, %get3A_66] : memref<1x6400xf32, #tpu.memory_space<vmem>>, vector<1x128xf32>
    %add3A_68 = vector.broadcast %get3A_67 : vector<1x128xf32> to vector<40x128xf32>
    %add3A_69 = arith.addf %add3A_68, %get3A_17 : vector<40x128xf32>
    %swap3A_70 = arith.constant 0 : index
    %swap3A_71 = arith.constant 768 : index
    %swap3A_72 = vector.load %arg2[%swap3A_70, %swap3A_71] : memref<200x6400xf32, #tpu.memory_space<vmem>>, vector<40x128xf32>
    tpu.vector_store %arg2[%swap3A_70, %swap3A_71], %add3A_69 {strides = array<i32>} : memref<200x6400xf32, #tpu.memory_space<vmem>>, vector<40x128xf32>,
    %get3A_73 = arith.constant 0 : index
    %get3A_74 = arith.constant 896 : index
    %get3A_75 = vector.load %arg0[%get3A_73, %get3A_74] : memref<1x6400xf32, #tpu.memory_space<vmem>>, vector<1x128xf32>
    %add3A_76 = vector.broadcast %get3A_75 : vector<1x128xf32> to vector<40x128xf32>
    %add3A_77 = arith.addf %add3A_76, %get3A_17 : vector<40x128xf32>
    %swap3A_78 = arith.constant 0 : index
    %swap3A_79 = arith.constant 896 : index
    %swap3A_80 = vector.load %arg2[%swap3A_78, %swap3A_79] : memref<200x6400xf32, #tpu.memory_space<vmem>>, vector<40x128xf32>
    tpu.vector_store %arg2[%swap3A_78, %swap3A_79], %add3A_77 {strides = array<i32>} : memref<200x6400xf32, #tpu.memory_space<vmem>>, vector<40x128xf32>,
    %get3A_81 = arith.constant 0 : index
    %get3A_82 = arith.constant 1024 : index
    %get3A_83 = vector.load %arg0[%get3A_81, %get3A_82] : memref<1x6400xf32, #tpu.memory_space<vmem>>, vector<1x128xf32>
    %add3A_84 = vector.broadcast %get3A_83 : vector<1x128xf32> to vector<40x128xf32>
    %add3A_85 = arith.addf %add3A_84, %get3A_17 : vector<40x128xf32>
    %swap3A_86 = arith.constant 0 : index
    %swap3A_87 = arith.constant 1024 : index
    %swap3A_88 = vector.load %arg2[%swap3A_86, %swap3A_87] : memref<200x6400xf32, #tpu.memory_space<vmem>>, vector<40x128xf32>
    tpu.vector_store %arg2[%swap3A_86, %swap3A_87], %add3A_85 {strides = array<i32>} : memref<200x6400xf32, #tpu.memory_space<vmem>>, vector<40x128xf32>,
    %get3A_89 = arith.constant 0 : index
    %get3A_90 = arith.constant 1152 : index
    %get3A_91 = vector.load %arg0[%get3A_89, %get3A_90] : memref<1x6400xf32, #tpu.memory_space<vmem>>, vector<1x128xf32>
    %add3A_92 = vector.broadcast %get3A_91 : vector<1x128xf32> to vector<40x128xf32>
    %add3A_93 = arith.addf %add3A_92, %get3A_17 : vector<40x128xf32>
    %swap3A_94 = arith.constant 0 : index
    %swap3A_95 = arith.constant 1152 : index
    %swap3A_96 = vector.load %arg2[%swap3A_94, %swap3A_95] : memref<200x6400xf32, #tpu.memory_space<vmem>>, vector<40x128xf32>
    tpu.vector_store %arg2[%swap3A_94, %swap3A_95], %add3A_93 {strides = array<i32>} : memref<200x6400xf32, #tpu.memory_space<vmem>>, vector<40x128xf32>,
    %get3A_97 = arith.constant 0 : index
    %get3A_98 = arith.constant 1280 : index
    %get3A_99 = vector.load %arg0[%get3A_97, %get3A_98] : memref<1x6400xf32, #tpu.memory_space<vmem>>, vector<1x128xf32>
    %add3A_100 = vector.broadcast %get3A_99 : vector<1x128xf32> to vector<40x128xf32>
    %add3A_101 = arith.addf %add3A_100, %get3A_17 : vector<40x128xf32>
    %swap3A_102 = arith.constant 0 : index
    %swap3A_103 = arith.constant 1280 : index
    %swap3A_104 = vector.load %arg2[%swap3A_102, %swap3A_103] : memref<200x6400xf32, #tpu.memory_space<vmem>>, vector<40x128xf32>
    tpu.vector_store %arg2[%swap3A_102, %swap3A_103], %add3A_101 {strides = array<i32>} : memref<200x6400xf32, #tpu.memory_space<vmem>>, vector<40x128xf32>,
    %get3A_105 = arith.constant 0 : index
    %get3A_106 = arith.constant 1408 : index
    %get3A_107 = vector.load %arg0[%get3A_105, %get3A_106] : memref<1x6400xf32, #tpu.memory_space<vmem>>, vector<1x128xf32>
    %add3A_108 = vector.broadcast %get3A_107 : vector<1x128xf32> to vector<40x128xf32>
    %add3A_109 = arith.addf %add3A_108, %get3A_17 : vector<40x128xf32>
    %swap3A_110 = arith.constant 0 : index
    %swap3A_111 = arith.constant 1408 : index
    %swap3A_112 = vector.load %arg2[%swap3A_110, %swap3A_111] : memref<200x6400xf32, #tpu.memory_space<vmem>>, vector<40x128xf32>
    tpu.vector_store %arg2[%swap3A_110, %swap3A_111], %add3A_109 {strides = array<i32>} : memref<200x6400xf32, #tpu.memory_space<vmem>>, vector<40x128xf32>,
    %get3A_113 = arith.constant 0 : index
    %get3A_114 = arith.constant 1536 : index
    %get3A_115 = vector.load %arg0[%get3A_113, %get3A_114] : memref<1x6400xf32, #tpu.memory_space<vmem>>, vector<1x128xf32>
    %add3A_116 = vector.broadcast %get3A_115 : vector<1x128xf32> to vector<40x128xf32>
    %add3A_117 = arith.addf %add3A_116, %get3A_17 : vector<40x128xf32>
    %swap3A_118 = arith.constant 0 : index
    %swap3A_119 = arith.constant 1536 : index
    %swap3A_120 = vector.load %arg2[%swap3A_118, %swap3A_119] : memref<200x6400xf32, #tpu.memory_space<vmem>>, vector<40x128xf32>
    tpu.vector_store %arg2[%swap3A_118, %swap3A_119], %add3A_117 {strides = array<i32>} : memref<200x6400xf32, #tpu.memory_space<vmem>>, vector<40x128xf32>,
    %get3A_121 = arith.constant 0 : index
    %get3A_122 = arith.constant 1664 : index
    %get3A_123 = vector.load %arg0[%get3A_121, %get3A_122] : memref<1x6400xf32, #tpu.memory_space<vmem>>, vector<1x128xf32>
    %add3A_124 = vector.broadcast %get3A_123 : vector<1x128xf32> to vector<40x128xf32>
    %add3A_125 = arith.addf %add3A_124, %get3A_17 : vector<40x128xf32>
    %swap3A_126 = arith.constant 0 : index
    %swap3A_127 = arith.constant 1664 : index
    %swap3A_128 = vector.load %arg2[%swap3A_126, %swap3A_127] : memref<200x6400xf32, #tpu.memory_space<vmem>>, vector<40x128xf32>
    tpu.vector_store %arg2[%swap3A_126, %swap3A_127], %add3A_125 {strides = array<i32>} : memref<200x6400xf32, #tpu.memory_space<vmem>>, vector<40x128xf32>,
    %get3A_129 = arith.constant 0 : index
    %get3A_130 = arith.constant 1792 : index
    %get3A_131 = vector.load %arg0[%get3A_129, %get3A_130] : memref<1x6400xf32, #tpu.memory_space<vmem>>, vector<1x128xf32>
    %add3A_132 = vector.broadcast %get3A_131 : vector<1x128xf32> to vector<40x128xf32>
    %add3A_133 = arith.addf %add3A_132, %get3A_17 : vector<40x128xf32>
    %swap3A_134 = arith.constant 0 : index
    %swap3A_135 = arith.constant 1792 : index
    %swap3A_136 = vector.load %arg2[%swap3A_134, %swap3A_135] : memref<200x6400xf32, #tpu.memory_space<vmem>>, vector<40x128xf32>
    tpu.vector_store %arg2[%swap3A_134, %swap3A_135], %add3A_133 {strides = array<i32>} : memref<200x6400xf32, #tpu.memory_space<vmem>>, vector<40x128xf32>,
    %get3A_137 = arith.constant 0 : index
    %get3A_138 = arith.constant 1920 : index
    %get3A_139 = vector.load %arg0[%get3A_137, %get3A_138] : memref<1x6400xf32, #tpu.memory_space<vmem>>, vector<1x128xf32>
    %add3A_140 = vector.broadcast %get3A_139 : vector<1x128xf32> to vector<40x128xf32>
    %add3A_141 = arith.addf %add3A_140, %get3A_17 : vector<40x128xf32>
    %swap3A_142 = arith.constant 0 : index
    %swap3A_143 = arith.constant 1920 : index
    %swap3A_144 = vector.load %arg2[%swap3A_142, %swap3A_143] : memref<200x6400xf32, #tpu.memory_space<vmem>>, vector<40x128xf32>
    tpu.vector_store %arg2[%swap3A_142, %swap3A_143], %add3A_141 {strides = array<i32>} : memref<200x6400xf32, #tpu.memory_space<vmem>>, vector<40x128xf32>,
    %get3A_145 = arith.constant 0 : index
    %get3A_146 = arith.constant 2048 : index
    %get3A_147 = vector.load %arg0[%get3A_145, %get3A_146] : memref<1x6400xf32, #tpu.memory_space<vmem>>, vector<1x128xf32>
    %add3A_148 = vector.broadcast %get3A_147 : vector<1x128xf32> to vector<40x128xf32>
    %add3A_149 = arith.addf %add3A_148, %get3A_17 : vector<40x128xf32>
    %swap3A_150 = arith.constant 0 : index
    %swap3A_151 = arith.constant 2048 : index
    %swap3A_152 = vector.load %arg2[%swap3A_150, %swap3A_151] : memref<200x6400xf32, #tpu.memory_space<vmem>>, vector<40x128xf32>
    tpu.vector_store %arg2[%swap3A_150, %swap3A_151], %add3A_149 {strides = array<i32>} : memref<200x6400xf32, #tpu.memory_space<vmem>>, vector<40x128xf32>,
    %get3A_153 = arith.constant 0 : index
    %get3A_154 = arith.constant 2176 : index
    %get3A_155 = vector.load %arg0[%get3A_153, %get3A_154] : memref<1x6400xf32, #tpu.memory_space<vmem>>, vector<1x128xf32>
    %add3A_156 = vector.broadcast %get3A_155 : vector<1x128xf32> to vector<40x128xf32>
    %add3A_157 = arith.addf %add3A_156, %get3A_17 : vector<40x128xf32>
    %swap3A_158 = arith.constant 0 : index
    %swap3A_159 = arith.constant 2176 : index
    %swap3A_160 = vector.load %arg2[%swap3A_158, %swap3A_159] : memref<200x6400xf32, #tpu.memory_space<vmem>>, vector<40x128xf32>
    tpu.vector_store %arg2[%swap3A_158, %swap3A_159], %add3A_157 {strides = array<i32>} : memref<200x6400xf32, #tpu.memory_space<vmem>>, vector<40x128xf32>,
    %get3A_161 = arith.constant 0 : index
    %get3A_162 = arith.constant 2304 : index
    %get3A_163 = vector.load %arg0[%get3A_161, %get3A_162] : memref<1x6400xf32, #tpu.memory_space<vmem>>, vector<1x128xf32>
    %add3A_164 = vector.broadcast %get3A_163 : vector<1x128xf32> to vector<40x128xf32>
    %add3A_165 = arith.addf %add3A_164, %get3A_17 : vector<40x128xf32>
    %swap3A_166 = arith.constant 0 : index
    %swap3A_167 = arith.constant 2304 : index
    %swap3A_168 = vector.load %arg2[%swap3A_166, %swap3A_167] : memref<200x6400xf32, #tpu.memory_space<vmem>>, vector<40x128xf32>
    tpu.vector_store %arg2[%swap3A_166, %swap3A_167], %add3A_165 {strides = array<i32>} : memref<200x6400xf32, #tpu.memory_space<vmem>>, vector<40x128xf32>,
    %get3A_169 = arith.constant 0 : index
    %get3A_170 = arith.constant 2432 : index
    %get3A_171 = vector.load %arg0[%get3A_169, %get3A_170] : memref<1x6400xf32, #tpu.memory_space<vmem>>, vector<1x128xf32>
    %add3A_172 = vector.broadcast %get3A_171 : vector<1x128xf32> to vector<40x128xf32>
    %add3A_173 = arith.addf %add3A_172, %get3A_17 : vector<40x128xf32>
    %swap3A_174 = arith.constant 0 : index
    %swap3A_175 = arith.constant 2432 : index
    %swap3A_176 = vector.load %arg2[%swap3A_174, %swap3A_175] : memref<200x6400xf32, #tpu.memory_space<vmem>>, vector<40x128xf32>
    tpu.vector_store %arg2[%swap3A_174, %swap3A_175], %add3A_173 {strides = array<i32>} : memref<200x6400xf32, #tpu.memory_space<vmem>>, vector<40x128xf32>,
    %get3A_177 = arith.constant 0 : index
    %get3A_178 = arith.constant 2560 : index
    %get3A_179 = vector.load %arg0[%get3A_177, %get3A_178] : memref<1x6400xf32, #tpu.memory_space<vmem>>, vector<1x128xf32>
    %add3A_180 = vector.broadcast %get3A_179 : vector<1x128xf32> to vector<40x128xf32>
    %add3A_181 = arith.addf %add3A_180, %get3A_17 : vector<40x128xf32>
    %swap3A_182 = arith.constant 0 : index
    %swap3A_183 = arith.constant 2560 : index
    %swap3A_184 = vector.load %arg2[%swap3A_182, %swap3A_183] : memref<200x6400xf32, #tpu.memory_space<vmem>>, vector<40x128xf32>
    tpu.vector_store %arg2[%swap3A_182, %swap3A_183], %add3A_181 {strides = array<i32>} : memref<200x6400xf32, #tpu.memory_space<vmem>>, vector<40x128xf32>,
    %get3A_185 = arith.constant 0 : index
    %get3A_186 = arith.constant 2688 : index
    %get3A_187 = vector.load %arg0[%get3A_185, %get3A_186] : memref<1x6400xf32, #tpu.memory_space<vmem>>, vector<1x128xf32>
    %add3A_188 = vector.broadcast %get3A_187 : vector<1x128xf32> to vector<40x128xf32>
    %add3A_189 = arith.addf %add3A_188, %get3A_17 : vector<40x128xf32>
    %swap3A_190 = arith.constant 0 : index
    %swap3A_191 = arith.constant 2688 : index
    %swap3A_192 = vector.load %arg2[%swap3A_190, %swap3A_191] : memref<200x6400xf32, #tpu.memory_space<vmem>>, vector<40x128xf32>
    tpu.vector_store %arg2[%swap3A_190, %swap3A_191], %add3A_189 {strides = array<i32>} : memref<200x6400xf32, #tpu.memory_space<vmem>>, vector<40x128xf32>,
    %get3A_193 = arith.constant 0 : index
    %get3A_194 = arith.constant 2816 : index
    %get3A_195 = vector.load %arg0[%get3A_193, %get3A_194] : memref<1x6400xf32, #tpu.memory_space<vmem>>, vector<1x128xf32>
    %add3A_196 = vector.broadcast %get3A_195 : vector<1x128xf32> to vector<40x128xf32>
    %add3A_197 = arith.addf %add3A_196, %get3A_17 : vector<40x128xf32>
    %swap3A_198 = arith.constant 0 : index
    %swap3A_199 = arith.constant 2816 : index
    %swap3A_200 = vector.load %arg2[%swap3A_198, %swap3A_199] : memref<200x6400xf32, #tpu.memory_space<vmem>>, vector<40x128xf32>
    tpu.vector_store %arg2[%swap3A_198, %swap3A_199], %add3A_197 {strides = array<i32>} : memref<200x6400xf32, #tpu.memory_space<vmem>>, vector<40x128xf32>,
    %get3A_201 = arith.constant 0 : index
    %get3A_202 = arith.constant 2944 : index
    %get3A_203 = vector.load %arg0[%get3A_201, %get3A_202] : memref<1x6400xf32, #tpu.memory_space<vmem>>, vector<1x128xf32>
    %add3A_204 = vector.broadcast %get3A_203 : vector<1x128xf32> to vector<40x128xf32>
    %add3A_205 = arith.addf %add3A_204, %get3A_17 : vector<40x128xf32>
    %swap3A_206 = arith.constant 0 : index
    %swap3A_207 = arith.constant 2944 : index
    %swap3A_208 = vector.load %arg2[%swap3A_206, %swap3A_207] : memref<200x6400xf32, #tpu.memory_space<vmem>>, vector<40x128xf32>
    tpu.vector_store %arg2[%swap3A_206, %swap3A_207], %add3A_205 {strides = array<i32>} : memref<200x6400xf32, #tpu.memory_space<vmem>>, vector<40x128xf32>,
    %get3A_209 = arith.constant 0 : index
    %get3A_210 = arith.constant 3072 : index
    %get3A_211 = vector.load %arg0[%get3A_209, %get3A_210] : memref<1x6400xf32, #tpu.memory_space<vmem>>, vector<1x128xf32>
    %add3A_212 = vector.broadcast %get3A_211 : vector<1x128xf32> to vector<40x128xf32>
    %add3A_213 = arith.addf %add3A_212, %get3A_17 : vector<40x128xf32>
    %swap3A_214 = arith.constant 0 : index
    %swap3A_215 = arith.constant 3072 : index
    %swap3A_216 = vector.load %arg2[%swap3A_214, %swap3A_215] : memref<200x6400xf32, #tpu.memory_space<vmem>>, vector<40x128xf32>
    tpu.vector_store %arg2[%swap3A_214, %swap3A_215], %add3A_213 {strides = array<i32>} : memref<200x6400xf32, #tpu.memory_space<vmem>>, vector<40x128xf32>,
    %get3A_217 = arith.constant 0 : index
    %get3A_218 = arith.constant 3200 : index
    %get3A_219 = vector.load %arg0[%get3A_217, %get3A_218] : memref<1x6400xf32, #tpu.memory_space<vmem>>, vector<1x128xf32>
    %add3A_220 = vector.broadcast %get3A_219 : vector<1x128xf32> to vector<40x128xf32>
    %add3A_221 = arith.addf %add3A_220, %get3A_17 : vector<40x128xf32>
    %swap3A_222 = arith.constant 0 : index
    %swap3A_223 = arith.constant 3200 : index
    %swap3A_224 = vector.load %arg2[%swap3A_222, %swap3A_223] : memref<200x6400xf32, #tpu.memory_space<vmem>>, vector<40x128xf32>
    tpu.vector_store %arg2[%swap3A_222, %swap3A_223], %add3A_221 {strides = array<i32>} : memref<200x6400xf32, #tpu.memory_space<vmem>>, vector<40x128xf32>,
    %get3A_225 = arith.constant 0 : index
    %get3A_226 = arith.constant 3328 : index
    %get3A_227 = vector.load %arg0[%get3A_225, %get3A_226] : memref<1x6400xf32, #tpu.memory_space<vmem>>, vector<1x128xf32>
    %add3A_228 = vector.broadcast %get3A_227 : vector<1x128xf32> to vector<40x128xf32>
    %add3A_229 = arith.addf %add3A_228, %get3A_17 : vector<40x128xf32>
    %swap3A_230 = arith.constant 0 : index
    %swap3A_231 = arith.constant 3328 : index
    %swap3A_232 = vector.load %arg2[%swap3A_230, %swap3A_231] : memref<200x6400xf32, #tpu.memory_space<vmem>>, vector<40x128xf32>
    tpu.vector_store %arg2[%swap3A_230, %swap3A_231], %add3A_229 {strides = array<i32>} : memref<200x6400xf32, #tpu.memory_space<vmem>>, vector<40x128xf32>,
    %get3A_233 = arith.constant 0 : index
    %get3A_234 = arith.constant 3456 : index
    %get3A_235 = vector.load %arg0[%get3A_233, %get3A_234] : memref<1x6400xf32, #tpu.memory_space<vmem>>, vector<1x128xf32>
    %add3A_236 = vector.broadcast %get3A_235 : vector<1x128xf32> to vector<40x128xf32>
    %add3A_237 = arith.addf %add3A_236, %get3A_17 : vector<40x128xf32>
    %swap3A_238 = arith.constant 0 : index
    %swap3A_239 = arith.constant 3456 : index
    %swap3A_240 = vector.load %arg2[%swap3A_238, %swap3A_239] : memref<200x6400xf32, #tpu.memory_space<vmem>>, vector<40x128xf32>
    tpu.vector_store %arg2[%swap3A_238, %swap3A_239], %add3A_237 {strides = array<i32>} : memref<200x6400xf32, #tpu.memory_space<vmem>>, vector<40x128xf32>,
    %get3A_241 = arith.constant 0 : index
    %get3A_242 = arith.constant 3584 : index
    %get3A_243 = vector.load %arg0[%get3A_241, %get3A_242] : memref<1x6400xf32, #tpu.memory_space<vmem>>, vector<1x128xf32>
    %add3A_244 = vector.broadcast %get3A_243 : vector<1x128xf32> to vector<40x128xf32>
    %add3A_245 = arith.addf %add3A_244, %get3A_17 : vector<40x128xf32>
    %swap3A_246 = arith.constant 0 : index
    %swap3A_247 = arith.constant 3584 : index
    %swap3A_248 = vector.load %arg2[%swap3A_246, %swap3A_247] : memref<200x6400xf32, #tpu.memory_space<vmem>>, vector<40x128xf32>
    tpu.vector_store %arg2[%swap3A_246, %swap3A_247], %add3A_245 {strides = array<i32>} : memref<200x6400xf32, #tpu.memory_space<vmem>>, vector<40x128xf32>,
    %get3A_249 = arith.constant 0 : index
    %get3A_250 = arith.constant 3712 : index
    %get3A_251 = vector.load %arg0[%get3A_249, %get3A_250] : memref<1x6400xf32, #tpu.memory_space<vmem>>, vector<1x128xf32>
    %add3A_252 = vector.broadcast %get3A_251 : vector<1x128xf32> to vector<40x128xf32>
    %add3A_253 = arith.addf %add3A_252, %get3A_17 : vector<40x128xf32>
    %swap3A_254 = arith.constant 0 : index
    %swap3A_255 = arith.constant 3712 : index
    %swap3A_256 = vector.load %arg2[%swap3A_254, %swap3A_255] : memref<200x6400xf32, #tpu.memory_space<vmem>>, vector<40x128xf32>
    tpu.vector_store %arg2[%swap3A_254, %swap3A_255], %add3A_253 {strides = array<i32>} : memref<200x6400xf32, #tpu.memory_space<vmem>>, vector<40x128xf32>,
    %get3A_257 = arith.constant 0 : index
    %get3A_258 = arith.constant 3840 : index
    %get3A_259 = vector.load %arg0[%get3A_257, %get3A_258] : memref<1x6400xf32, #tpu.memory_space<vmem>>, vector<1x128xf32>
    %add3A_260 = vector.broadcast %get3A_259 : vector<1x128xf32> to vector<40x128xf32>
    %add3A_261 = arith.addf %add3A_260, %get3A_17 : vector<40x128xf32>
    %swap3A_262 = arith.constant 0 : index
    %swap3A_263 = arith.constant 3840 : index
    %swap3A_264 = vector.load %arg2[%swap3A_262, %swap3A_263] : memref<200x6400xf32, #tpu.memory_space<vmem>>, vector<40x128xf32>
    tpu.vector_store %arg2[%swap3A_262, %swap3A_263], %add3A_261 {strides = array<i32>} : memref<200x6400xf32, #tpu.memory_space<vmem>>, vector<40x128xf32>,
    %get3A_265 = arith.constant 0 : index
    %get3A_266 = arith.constant 3968 : index
    %get3A_267 = vector.load %arg0[%get3A_265, %get3A_266] : memref<1x6400xf32, #tpu.memory_space<vmem>>, vector<1x128xf32>
    %add3A_268 = vector.broadcast %get3A_267 : vector<1x128xf32> to vector<40x128xf32>
    %add3A_269 = arith.addf %add3A_268, %get3A_17 : vector<40x128xf32>
    %swap3A_270 = arith.constant 0 : index
    %swap3A_271 = arith.constant 3968 : index
    %swap3A_272 = vector.load %arg2[%swap3A_270, %swap3A_271] : memref<200x6400xf32, #tpu.memory_space<vmem>>, vector<40x128xf32>
    tpu.vector_store %arg2[%swap3A_270, %swap3A_271], %add3A_269 {strides = array<i32>} : memref<200x6400xf32, #tpu.memory_space<vmem>>, vector<40x128xf32>,
    %get3A_273 = arith.constant 0 : index
    %get3A_274 = arith.constant 4096 : index
    %get3A_275 = vector.load %arg0[%get3A_273, %get3A_274] : memref<1x6400xf32, #tpu.memory_space<vmem>>, vector<1x128xf32>
    %add3A_276 = vector.broadcast %get3A_275 : vector<1x128xf32> to vector<40x128xf32>
    %add3A_277 = arith.addf %add3A_276, %get3A_17 : vector<40x128xf32>
    %swap3A_278 = arith.constant 0 : index
    %swap3A_279 = arith.constant 4096 : index
    %swap3A_280 = vector.load %arg2[%swap3A_278, %swap3A_279] : memref<200x6400xf32, #tpu.memory_space<vmem>>, vector<40x128xf32>
    tpu.vector_store %arg2[%swap3A_278, %swap3A_279], %add3A_277 {strides = array<i32>} : memref<200x6400xf32, #tpu.memory_space<vmem>>, vector<40x128xf32>,
    %get3A_281 = arith.constant 0 : index
    %get3A_282 = arith.constant 4224 : index
    %get3A_283 = vector.load %arg0[%get3A_281, %get3A_282] : memref<1x6400xf32, #tpu.memory_space<vmem>>, vector<1x128xf32>
    %add3A_284 = vector.broadcast %get3A_283 : vector<1x128xf32> to vector<40x128xf32>
    %add3A_285 = arith.addf %add3A_284, %get3A_17 : vector<40x128xf32>
    %swap3A_286 = arith.constant 0 : index
    %swap3A_287 = arith.constant 4224 : index
    %swap3A_288 = vector.load %arg2[%swap3A_286, %swap3A_287] : memref<200x6400xf32, #tpu.memory_space<vmem>>, vector<40x128xf32>
    tpu.vector_store %arg2[%swap3A_286, %swap3A_287], %add3A_285 {strides = array<i32>} : memref<200x6400xf32, #tpu.memory_space<vmem>>, vector<40x128xf32>,
    %get3A_289 = arith.constant 0 : index
    %get3A_290 = arith.constant 4352 : index
    %get3A_291 = vector.load %arg0[%get3A_289, %get3A_290] : memref<1x6400xf32, #tpu.memory_space<vmem>>, vector<1x128xf32>
    %add3A_292 = vector.broadcast %get3A_291 : vector<1x128xf32> to vector<40x128xf32>
    %add3A_293 = arith.addf %add3A_292, %get3A_17 : vector<40x128xf32>
    %swap3A_294 = arith.constant 0 : index
    %swap3A_295 = arith.constant 4352 : index
    %swap3A_296 = vector.load %arg2[%swap3A_294, %swap3A_295] : memref<200x6400xf32, #tpu.memory_space<vmem>>, vector<40x128xf32>
    tpu.vector_store %arg2[%swap3A_294, %swap3A_295], %add3A_293 {strides = array<i32>} : memref<200x6400xf32, #tpu.memory_space<vmem>>, vector<40x128xf32>,
    %get3A_297 = arith.constant 0 : index
    %get3A_298 = arith.constant 4480 : index
    %get3A_299 = vector.load %arg0[%get3A_297, %get3A_298] : memref<1x6400xf32, #tpu.memory_space<vmem>>, vector<1x128xf32>
    %add3A_300 = vector.broadcast %get3A_299 : vector<1x128xf32> to vector<40x128xf32>
    %add3A_301 = arith.addf %add3A_300, %get3A_17 : vector<40x128xf32>
    %swap3A_302 = arith.constant 0 : index
    %swap3A_303 = arith.constant 4480 : index
    %swap3A_304 = vector.load %arg2[%swap3A_302, %swap3A_303] : memref<200x6400xf32, #tpu.memory_space<vmem>>, vector<40x128xf32>
    tpu.vector_store %arg2[%swap3A_302, %swap3A_303], %add3A_301 {strides = array<i32>} : memref<200x6400xf32, #tpu.memory_space<vmem>>, vector<40x128xf32>,
    %get3A_305 = arith.constant 0 : index
    %get3A_306 = arith.constant 4608 : index
    %get3A_307 = vector.load %arg0[%get3A_305, %get3A_306] : memref<1x6400xf32, #tpu.memory_space<vmem>>, vector<1x128xf32>
    %add3A_308 = vector.broadcast %get3A_307 : vector<1x128xf32> to vector<40x128xf32>
    %add3A_309 = arith.addf %add3A_308, %get3A_17 : vector<40x128xf32>
    %swap3A_310 = arith.constant 0 : index
    %swap3A_311 = arith.constant 4608 : index
    %swap3A_312 = vector.load %arg2[%swap3A_310, %swap3A_311] : memref<200x6400xf32, #tpu.memory_space<vmem>>, vector<40x128xf32>
    tpu.vector_store %arg2[%swap3A_310, %swap3A_311], %add3A_309 {strides = array<i32>} : memref<200x6400xf32, #tpu.memory_space<vmem>>, vector<40x128xf32>,
    %get3A_313 = arith.constant 0 : index
    %get3A_314 = arith.constant 4736 : index
    %get3A_315 = vector.load %arg0[%get3A_313, %get3A_314] : memref<1x6400xf32, #tpu.memory_space<vmem>>, vector<1x128xf32>
    %add3A_316 = vector.broadcast %get3A_315 : vector<1x128xf32> to vector<40x128xf32>
    %add3A_317 = arith.addf %add3A_316, %get3A_17 : vector<40x128xf32>
    %swap3A_318 = arith.constant 0 : index
    %swap3A_319 = arith.constant 4736 : index
    %swap3A_320 = vector.load %arg2[%swap3A_318, %swap3A_319] : memref<200x6400xf32, #tpu.memory_space<vmem>>, vector<40x128xf32>
    tpu.vector_store %arg2[%swap3A_318, %swap3A_319], %add3A_317 {strides = array<i32>} : memref<200x6400xf32, #tpu.memory_space<vmem>>, vector<40x128xf32>,
    %get3A_321 = arith.constant 0 : index
    %get3A_322 = arith.constant 4864 : index
    %get3A_323 = vector.load %arg0[%get3A_321, %get3A_322] : memref<1x6400xf32, #tpu.memory_space<vmem>>, vector<1x128xf32>
    %add3A_324 = vector.broadcast %get3A_323 : vector<1x128xf32> to vector<40x128xf32>
    %add3A_325 = arith.addf %add3A_324, %get3A_17 : vector<40x128xf32>
    %swap3A_326 = arith.constant 0 : index
    %swap3A_327 = arith.constant 4864 : index
    %swap3A_328 = vector.load %arg2[%swap3A_326, %swap3A_327] : memref<200x6400xf32, #tpu.memory_space<vmem>>, vector<40x128xf32>
    tpu.vector_store %arg2[%swap3A_326, %swap3A_327], %add3A_325 {strides = array<i32>} : memref<200x6400xf32, #tpu.memory_space<vmem>>, vector<40x128xf32>,
    %get3A_329 = arith.constant 0 : index
    %get3A_330 = arith.constant 4992 : index
    %get3A_331 = vector.load %arg0[%get3A_329, %get3A_330] : memref<1x6400xf32, #tpu.memory_space<vmem>>, vector<1x128xf32>
    %add3A_332 = vector.broadcast %get3A_331 : vector<1x128xf32> to vector<40x128xf32>
    %add3A_333 = arith.addf %add3A_332, %get3A_17 : vector<40x128xf32>
    %swap3A_334 = arith.constant 0 : index
    %swap3A_335 = arith.constant 4992 : index
    %swap3A_336 = vector.load %arg2[%swap3A_334, %swap3A_335] : memref<200x6400xf32, #tpu.memory_space<vmem>>, vector<40x128xf32>
    tpu.vector_store %arg2[%swap3A_334, %swap3A_335], %add3A_333 {strides = array<i32>} : memref<200x6400xf32, #tpu.memory_space<vmem>>, vector<40x128xf32>,
    %get3A_337 = arith.constant 0 : index
    %get3A_338 = arith.constant 5120 : index
    %get3A_339 = vector.load %arg0[%get3A_337, %get3A_338] : memref<1x6400xf32, #tpu.memory_space<vmem>>, vector<1x128xf32>
    %add3A_340 = vector.broadcast %get3A_339 : vector<1x128xf32> to vector<40x128xf32>
    %add3A_341 = arith.addf %add3A_340, %get3A_17 : vector<40x128xf32>
    %swap3A_342 = arith.constant 0 : index
    %swap3A_343 = arith.constant 5120 : index
    %swap3A_344 = vector.load %arg2[%swap3A_342, %swap3A_343] : memref<200x6400xf32, #tpu.memory_space<vmem>>, vector<40x128xf32>
    tpu.vector_store %arg2[%swap3A_342, %swap3A_343], %add3A_341 {strides = array<i32>} : memref<200x6400xf32, #tpu.memory_space<vmem>>, vector<40x128xf32>,
    %get3A_345 = arith.constant 0 : index
    %get3A_346 = arith.constant 5248 : index
    %get3A_347 = vector.load %arg0[%get3A_345, %get3A_346] : memref<1x6400xf32, #tpu.memory_space<vmem>>, vector<1x128xf32>
    %add3A_348 = vector.broadcast %get3A_347 : vector<1x128xf32> to vector<40x128xf32>
    %add3A_349 = arith.addf %add3A_348, %get3A_17 : vector<40x128xf32>
    %swap3A_350 = arith.constant 0 : index
    %swap3A_351 = arith.constant 5248 : index
    %swap3A_352 = vector.load %arg2[%swap3A_350, %swap3A_351] : memref<200x6400xf32, #tpu.memory_space<vmem>>, vector<40x128xf32>
    tpu.vector_store %arg2[%swap3A_350, %swap3A_351], %add3A_349 {strides = array<i32>} : memref<200x6400xf32, #tpu.memory_space<vmem>>, vector<40x128xf32>,
    %get3A_353 = arith.constant 0 : index
    %get3A_354 = arith.constant 5376 : index
    %get3A_355 = vector.load %arg0[%get3A_353, %get3A_354] : memref<1x6400xf32, #tpu.memory_space<vmem>>, vector<1x128xf32>
    %add3A_356 = vector.broadcast %get3A_355 : vector<1x128xf32> to vector<40x128xf32>
    %add3A_357 = arith.addf %add3A_356, %get3A_17 : vector<40x128xf32>
    %swap3A_358 = arith.constant 0 : index
    %swap3A_359 = arith.constant 5376 : index
    %swap3A_360 = vector.load %arg2[%swap3A_358, %swap3A_359] : memref<200x6400xf32, #tpu.memory_space<vmem>>, vector<40x128xf32>
    tpu.vector_store %arg2[%swap3A_358, %swap3A_359], %add3A_357 {strides = array<i32>} : memref<200x6400xf32, #tpu.memory_space<vmem>>, vector<40x128xf32>,
    %get3A_361 = arith.constant 0 : index
    %get3A_362 = arith.constant 5504 : index
    %get3A_363 = vector.load %arg0[%get3A_361, %get3A_362] : memref<1x6400xf32, #tpu.memory_space<vmem>>, vector<1x128xf32>
    %add3A_364 = vector.broadcast %get3A_363 : vector<1x128xf32> to vector<40x128xf32>
    %add3A_365 = arith.addf %add3A_364, %get3A_17 : vector<40x128xf32>
    %swap3A_366 = arith.constant 0 : index
    %swap3A_367 = arith.constant 5504 : index
    %swap3A_368 = vector.load %arg2[%swap3A_366, %swap3A_367] : memref<200x6400xf32, #tpu.memory_space<vmem>>, vector<40x128xf32>
    tpu.vector_store %arg2[%swap3A_366, %swap3A_367], %add3A_365 {strides = array<i32>} : memref<200x6400xf32, #tpu.memory_space<vmem>>, vector<40x128xf32>,
    %get3A_369 = arith.constant 0 : index
    %get3A_370 = arith.constant 5632 : index
    %get3A_371 = vector.load %arg0[%get3A_369, %get3A_370] : memref<1x6400xf32, #tpu.memory_space<vmem>>, vector<1x128xf32>
    %add3A_372 = vector.broadcast %get3A_371 : vector<1x128xf32> to vector<40x128xf32>
    %add3A_373 = arith.addf %add3A_372, %get3A_17 : vector<40x128xf32>
    %swap3A_374 = arith.constant 0 : index
    %swap3A_375 = arith.constant 5632 : index
    %swap3A_376 = vector.load %arg2[%swap3A_374, %swap3A_375] : memref<200x6400xf32, #tpu.memory_space<vmem>>, vector<40x128xf32>
    tpu.vector_store %arg2[%swap3A_374, %swap3A_375], %add3A_373 {strides = array<i32>} : memref<200x6400xf32, #tpu.memory_space<vmem>>, vector<40x128xf32>,
    %get3A_377 = arith.constant 0 : index
    %get3A_378 = arith.constant 5760 : index
    %get3A_379 = vector.load %arg0[%get3A_377, %get3A_378] : memref<1x6400xf32, #tpu.memory_space<vmem>>, vector<1x128xf32>
    %add3A_380 = vector.broadcast %get3A_379 : vector<1x128xf32> to vector<40x128xf32>
    %add3A_381 = arith.addf %add3A_380, %get3A_17 : vector<40x128xf32>
    %swap3A_382 = arith.constant 0 : index
    %swap3A_383 = arith.constant 5760 : index
    %swap3A_384 = vector.load %arg2[%swap3A_382, %swap3A_383] : memref<200x6400xf32, #tpu.memory_space<vmem>>, vector<40x128xf32>
    tpu.vector_store %arg2[%swap3A_382, %swap3A_383], %add3A_381 {strides = array<i32>} : memref<200x6400xf32, #tpu.memory_space<vmem>>, vector<40x128xf32>,
    %get3A_385 = arith.constant 0 : index
    %get3A_386 = arith.constant 5888 : index
    %get3A_387 = vector.load %arg0[%get3A_385, %get3A_386] : memref<1x6400xf32, #tpu.memory_space<vmem>>, vector<1x128xf32>
    %add3A_388 = vector.broadcast %get3A_387 : vector<1x128xf32> to vector<40x128xf32>
    %add3A_389 = arith.addf %add3A_388, %get3A_17 : vector<40x128xf32>
    %swap3A_390 = arith.constant 0 : index
    %swap3A_391 = arith.constant 5888 : index
    %swap3A_392 = vector.load %arg2[%swap3A_390, %swap3A_391] : memref<200x6400xf32, #tpu.memory_space<vmem>>, vector<40x128xf32>
    tpu.vector_store %arg2[%swap3A_390, %swap3A_391], %add3A_389 {strides = array<i32>} : memref<200x6400xf32, #tpu.memory_space<vmem>>, vector<40x128xf32>,
    %get3A_393 = arith.constant 0 : index
    %get3A_394 = arith.constant 6016 : index
    %get3A_395 = vector.load %arg0[%get3A_393, %get3A_394] : memref<1x6400xf32, #tpu.memory_space<vmem>>, vector<1x128xf32>
    %add3A_396 = vector.broadcast %get3A_395 : vector<1x128xf32> to vector<40x128xf32>
    %add3A_397 = arith.addf %add3A_396, %get3A_17 : vector<40x128xf32>
    %swap3A_398 = arith.constant 0 : index
    %swap3A_399 = arith.constant 6016 : index
    %swap3A_400 = vector.load %arg2[%swap3A_398, %swap3A_399] : memref<200x6400xf32, #tpu.memory_space<vmem>>, vector<40x128xf32>
    tpu.vector_store %arg2[%swap3A_398, %swap3A_399], %add3A_397 {strides = array<i32>} : memref<200x6400xf32, #tpu.memory_space<vmem>>, vector<40x128xf32>,
    %get3A_401 = arith.constant 0 : index
    %get3A_402 = arith.constant 6144 : index
    %get3A_403 = vector.load %arg0[%get3A_401, %get3A_402] : memref<1x6400xf32, #tpu.memory_space<vmem>>, vector<1x128xf32>
    %add3A_404 = vector.broadcast %get3A_403 : vector<1x128xf32> to vector<40x128xf32>
    %add3A_405 = arith.addf %add3A_404, %get3A_17 : vector<40x128xf32>
    %swap3A_406 = arith.constant 0 : index
    %swap3A_407 = arith.constant 6144 : index
    %swap3A_408 = vector.load %arg2[%swap3A_406, %swap3A_407] : memref<200x6400xf32, #tpu.memory_space<vmem>>, vector<40x128xf32>
    tpu.vector_store %arg2[%swap3A_406, %swap3A_407], %add3A_405 {strides = array<i32>} : memref<200x6400xf32, #tpu.memory_space<vmem>>, vector<40x128xf32>,
    %get3A_409 = arith.constant 0 : index
    %get3A_410 = arith.constant 6272 : index
    %get3A_411 = vector.load %arg0[%get3A_409, %get3A_410] : memref<1x6400xf32, #tpu.memory_space<vmem>>, vector<1x128xf32>
    %add3A_412 = vector.broadcast %get3A_411 : vector<1x128xf32> to vector<40x128xf32>
    %add3A_413 = arith.addf %add3A_412, %get3A_17 : vector<40x128xf32>
    %swap3A_414 = arith.constant 0 : index
    %swap3A_415 = arith.constant 6272 : index
    %swap3A_416 = vector.load %arg2[%swap3A_414, %swap3A_415] : memref<200x6400xf32, #tpu.memory_space<vmem>>, vector<40x128xf32>
    tpu.vector_store %arg2[%swap3A_414, %swap3A_415], %add3A_413 {strides = array<i32>} : memref<200x6400xf32, #tpu.memory_space<vmem>>, vector<40x128xf32>,
    %dma_start3A = arith.constant 0 : i32
    %dma_start3A_417 = arith.constant 0 : i32
    %dma_start3A_418 = tpu.memref_slice %arg4[%dma_start3A_417] : memref<16x!tpu.dma_semaphore, #tpu.memory_space<semaphore_mem>> -> memref<1x!tpu.dma_semaphore, #tpu.memory_space<semaphore_mem>>
    %dma_start3A_419 = tpu.memref_squeeze %dma_start3A_418 : memref<1x!tpu.dma_semaphore, #tpu.memory_space<semaphore_mem>> -> memref<!tpu.dma_semaphore, #tpu.memory_space<semaphore_mem>>
    %dma_start3A_420 = arith.constant 0 : i32
    %dma_start3A_421 = arith.constant 0 : i32
    %dma_start3A_422 = tpu.memref_slice %arg1[%dma_start3A, %dma_start3A_420, %dma_start3A_421] : memref<16x200x6400xf32, #tpu.memory_space<any>> -> memref<1x40x6400xf32, #tpu.memory_space<any>>
    %dma_start3A_423 = tpu.memref_squeeze %dma_start3A_422 : memref<1x40x6400xf32, #tpu.memory_space<any>> -> memref<40x6400xf32, #tpu.memory_space<any>>
    %dma_start3A_424 = arith.constant 0 : i32
    %dma_start3A_425 = arith.constant 0 : i32
    %dma_start3A_426 = tpu.memref_slice %arg2[%dma_start3A_424, %dma_start3A_425] : memref<200x6400xf32, #tpu.memory_space<vmem>> -> memref<40x6400xf32, #tpu.memory_space<vmem>>
    tpu.enqueue_dma source(%dma_start3A_426 : memref<40x6400xf32, #tpu.memory_space<vmem>>) target(%dma_start3A_423 : memref<40x6400xf32, #tpu.memory_space<any>>) target_semaphore(%dma_start3A_419 : memref<!tpu.dma_semaphore, #tpu.memory_space<semaphore_mem>>)
    %dma_start3A_427 = arith.constant 1 : i32
    %dma_start3A_428 = arith.constant 1 : i32
    %dma_start3A_429 = tpu.memref_slice %arg4[%dma_start3A_428] : memref<16x!tpu.dma_semaphore, #tpu.memory_space<semaphore_mem>> -> memref<1x!tpu.dma_semaphore, #tpu.memory_space<semaphore_mem>>
    %dma_start3A_430 = tpu.memref_squeeze %dma_start3A_429 : memref<1x!tpu.dma_semaphore, #tpu.memory_space<semaphore_mem>> -> memref<!tpu.dma_semaphore, #tpu.memory_space<semaphore_mem>>
    %dma_start3A_431 = arith.constant 0 : i32
    %dma_start3A_432 = arith.constant 0 : i32
    %dma_start3A_433 = tpu.memref_slice %arg1[%dma_start3A_427, %dma_start3A_431, %dma_start3A_432] : memref<16x200x6400xf32, #tpu.memory_space<any>> -> memref<1x40x6400xf32, #tpu.memory_space<any>>
    %dma_start3A_434 = tpu.memref_squeeze %dma_start3A_433 : memref<1x40x6400xf32, #tpu.memory_space<any>> -> memref<40x6400xf32, #tpu.memory_space<any>>
    %dma_start3A_435 = arith.constant 0 : i32
    %dma_start3A_436 = arith.constant 0 : i32
    %dma_start3A_437 = tpu.memref_slice %arg2[%dma_start3A_435, %dma_start3A_436] : memref<200x6400xf32, #tpu.memory_space<vmem>> -> memref<40x6400xf32, #tpu.memory_space<vmem>>
    tpu.enqueue_dma source(%dma_start3A_437 : memref<40x6400xf32, #tpu.memory_space<vmem>>) target(%dma_start3A_434 : memref<40x6400xf32, #tpu.memory_space<any>>) target_semaphore(%dma_start3A_430 : memref<!tpu.dma_semaphore, #tpu.memory_space<semaphore_mem>>)
    %dma_start3A_438 = arith.constant 2 : i32
    %dma_start3A_439 = arith.constant 2 : i32
    %dma_start3A_440 = tpu.memref_slice %arg4[%dma_start3A_439] : memref<16x!tpu.dma_semaphore, #tpu.memory_space<semaphore_mem>> -> memref<1x!tpu.dma_semaphore, #tpu.memory_space<semaphore_mem>>
    %dma_start3A_441 = tpu.memref_squeeze %dma_start3A_440 : memref<1x!tpu.dma_semaphore, #tpu.memory_space<semaphore_mem>> -> memref<!tpu.dma_semaphore, #tpu.memory_space<semaphore_mem>>
    %dma_start3A_442 = arith.constant 0 : i32
    %dma_start3A_443 = arith.constant 0 : i32
    %dma_start3A_444 = tpu.memref_slice %arg1[%dma_start3A_438, %dma_start3A_442, %dma_start3A_443] : memref<16x200x6400xf32, #tpu.memory_space<any>> -> memref<1x40x6400xf32, #tpu.memory_space<any>>
    %dma_start3A_445 = tpu.memref_squeeze %dma_start3A_444 : memref<1x40x6400xf32, #tpu.memory_space<any>> -> memref<40x6400xf32, #tpu.memory_space<any>>
    %dma_start3A_446 = arith.constant 0 : i32
    %dma_start3A_447 = arith.constant 0 : i32
    %dma_start3A_448 = tpu.memref_slice %arg2[%dma_start3A_446, %dma_start3A_447] : memref<200x6400xf32, #tpu.memory_space<vmem>> -> memref<40x6400xf32, #tpu.memory_space<vmem>>
    tpu.enqueue_dma source(%dma_start3A_448 : memref<40x6400xf32, #tpu.memory_space<vmem>>) target(%dma_start3A_445 : memref<40x6400xf32, #tpu.memory_space<any>>) target_semaphore(%dma_start3A_441 : memref<!tpu.dma_semaphore, #tpu.memory_space<semaphore_mem>>)
    %dma_start3A_449 = arith.constant 3 : i32
    %dma_start3A_450 = arith.constant 3 : i32
    %dma_start3A_451 = tpu.memref_slice %arg4[%dma_start3A_450] : memref<16x!tpu.dma_semaphore, #tpu.memory_space<semaphore_mem>> -> memref<1x!tpu.dma_semaphore, #tpu.memory_space<semaphore_mem>>
    %dma_start3A_452 = tpu.memref_squeeze %dma_start3A_451 : memref<1x!tpu.dma_semaphore, #tpu.memory_space<semaphore_mem>> -> memref<!tpu.dma_semaphore, #tpu.memory_space<semaphore_mem>>
    %dma_start3A_453 = arith.constant 0 : i32
    %dma_start3A_454 = arith.constant 0 : i32
    %dma_start3A_455 = tpu.memref_slice %arg1[%dma_start3A_449, %dma_start3A_453, %dma_start3A_454] : memref<16x200x6400xf32, #tpu.memory_space<any>> -> memref<1x40x6400xf32, #tpu.memory_space<any>>
    %dma_start3A_456 = tpu.memref_squeeze %dma_start3A_455 : memref<1x40x6400xf32, #tpu.memory_space<any>> -> memref<40x6400xf32, #tpu.memory_space<any>>
    %dma_start3A_457 = arith.constant 0 : i32
    %dma_start3A_458 = arith.constant 0 : i32
    %dma_start3A_459 = tpu.memref_slice %arg2[%dma_start3A_457, %dma_start3A_458] : memref<200x6400xf32, #tpu.memory_space<vmem>> -> memref<40x6400xf32, #tpu.memory_space<vmem>>
    tpu.enqueue_dma source(%dma_start3A_459 : memref<40x6400xf32, #tpu.memory_space<vmem>>) target(%dma_start3A_456 : memref<40x6400xf32, #tpu.memory_space<any>>) target_semaphore(%dma_start3A_452 : memref<!tpu.dma_semaphore, #tpu.memory_space<semaphore_mem>>)
    %dma_start3A_460 = arith.constant 4 : i32
    %dma_start3A_461 = arith.constant 4 : i32
    %dma_start3A_462 = tpu.memref_slice %arg4[%dma_start3A_461] : memref<16x!tpu.dma_semaphore, #tpu.memory_space<semaphore_mem>> -> memref<1x!tpu.dma_semaphore, #tpu.memory_space<semaphore_mem>>
    %dma_start3A_463 = tpu.memref_squeeze %dma_start3A_462 : memref<1x!tpu.dma_semaphore, #tpu.memory_space<semaphore_mem>> -> memref<!tpu.dma_semaphore, #tpu.memory_space<semaphore_mem>>
    %dma_start3A_464 = arith.constant 0 : i32
    %dma_start3A_465 = arith.constant 0 : i32
    %dma_start3A_466 = tpu.memref_slice %arg1[%dma_start3A_460, %dma_start3A_464, %dma_start3A_465] : memref<16x200x6400xf32, #tpu.memory_space<any>> -> memref<1x40x6400xf32, #tpu.memory_space<any>>
    %dma_start3A_467 = tpu.memref_squeeze %dma_start3A_466 : memref<1x40x6400xf32, #tpu.memory_space<any>> -> memref<40x6400xf32, #tpu.memory_space<any>>
    %dma_start3A_468 = arith.constant 0 : i32
    %dma_start3A_469 = arith.constant 0 : i32
    %dma_start3A_470 = tpu.memref_slice %arg2[%dma_start3A_468, %dma_start3A_469] : memref<200x6400xf32, #tpu.memory_space<vmem>> -> memref<40x6400xf32, #tpu.memory_space<vmem>>
    tpu.enqueue_dma source(%dma_start3A_470 : memref<40x6400xf32, #tpu.memory_space<vmem>>) target(%dma_start3A_467 : memref<40x6400xf32, #tpu.memory_space<any>>) target_semaphore(%dma_start3A_463 : memref<!tpu.dma_semaphore, #tpu.memory_space<semaphore_mem>>)
    %dma_start3A_471 = arith.constant 5 : i32
    %dma_start3A_472 = arith.constant 5 : i32
    %dma_start3A_473 = tpu.memref_slice %arg4[%dma_start3A_472] : memref<16x!tpu.dma_semaphore, #tpu.memory_space<semaphore_mem>> -> memref<1x!tpu.dma_semaphore, #tpu.memory_space<semaphore_mem>>
    %dma_start3A_474 = tpu.memref_squeeze %dma_start3A_473 : memref<1x!tpu.dma_semaphore, #tpu.memory_space<semaphore_mem>> -> memref<!tpu.dma_semaphore, #tpu.memory_space<semaphore_mem>>
    %dma_start3A_475 = arith.constant 0 : i32
    %dma_start3A_476 = arith.constant 0 : i32
    %dma_start3A_477 = tpu.memref_slice %arg1[%dma_start3A_471, %dma_start3A_475, %dma_start3A_476] : memref<16x200x6400xf32, #tpu.memory_space<any>> -> memref<1x40x6400xf32, #tpu.memory_space<any>>
    %dma_start3A_478 = tpu.memref_squeeze %dma_start3A_477 : memref<1x40x6400xf32, #tpu.memory_space<any>> -> memref<40x6400xf32, #tpu.memory_space<any>>
    %dma_start3A_479 = arith.constant 0 : i32
    %dma_start3A_480 = arith.constant 0 : i32
    %dma_start3A_481 = tpu.memref_slice %arg2[%dma_start3A_479, %dma_start3A_480] : memref<200x6400xf32, #tpu.memory_space<vmem>> -> memref<40x6400xf32, #tpu.memory_space<vmem>>
    tpu.enqueue_dma source(%dma_start3A_481 : memref<40x6400xf32, #tpu.memory_space<vmem>>) target(%dma_start3A_478 : memref<40x6400xf32, #tpu.memory_space<any>>) target_semaphore(%dma_start3A_474 : memref<!tpu.dma_semaphore, #tpu.memory_space<semaphore_mem>>)
    %dma_start3A_482 = arith.constant 6 : i32
    %dma_start3A_483 = arith.constant 6 : i32
    %dma_start3A_484 = tpu.memref_slice %arg4[%dma_start3A_483] : memref<16x!tpu.dma_semaphore, #tpu.memory_space<semaphore_mem>> -> memref<1x!tpu.dma_semaphore, #tpu.memory_space<semaphore_mem>>
    %dma_start3A_485 = tpu.memref_squeeze %dma_start3A_484 : memref<1x!tpu.dma_semaphore, #tpu.memory_space<semaphore_mem>> -> memref<!tpu.dma_semaphore, #tpu.memory_space<semaphore_mem>>
    %dma_start3A_486 = arith.constant 0 : i32
    %dma_start3A_487 = arith.constant 0 : i32
    %dma_start3A_488 = tpu.memref_slice %arg1[%dma_start3A_482, %dma_start3A_486, %dma_start3A_487] : memref<16x200x6400xf32, #tpu.memory_space<any>> -> memref<1x40x6400xf32, #tpu.memory_space<any>>
    %dma_start3A_489 = tpu.memref_squeeze %dma_start3A_488 : memref<1x40x6400xf32, #tpu.memory_space<any>> -> memref<40x6400xf32, #tpu.memory_space<any>>
    %dma_start3A_490 = arith.constant 0 : i32
    %dma_start3A_491 = arith.constant 0 : i32
    %dma_start3A_492 = tpu.memref_slice %arg2[%dma_start3A_490, %dma_start3A_491] : memref<200x6400xf32, #tpu.memory_space<vmem>> -> memref<40x6400xf32, #tpu.memory_space<vmem>>
    tpu.enqueue_dma source(%dma_start3A_492 : memref<40x6400xf32, #tpu.memory_space<vmem>>) target(%dma_start3A_489 : memref<40x6400xf32, #tpu.memory_space<any>>) target_semaphore(%dma_start3A_485 : memref<!tpu.dma_semaphore, #tpu.memory_space<semaphore_mem>>)
    %dma_start3A_493 = arith.constant 7 : i32
    %dma_start3A_494 = arith.constant 7 : i32
    %dma_start3A_495 = tpu.memref_slice %arg4[%dma_start3A_494] : memref<16x!tpu.dma_semaphore, #tpu.memory_space<semaphore_mem>> -> memref<1x!tpu.dma_semaphore, #tpu.memory_space<semaphore_mem>>
    %dma_start3A_496 = tpu.memref_squeeze %dma_start3A_495 : memref<1x!tpu.dma_semaphore, #tpu.memory_space<semaphore_mem>> -> memref<!tpu.dma_semaphore, #tpu.memory_space<semaphore_mem>>
    %dma_start3A_497 = arith.constant 0 : i32
    %dma_start3A_498 = arith.constant 0 : i32
    %dma_start3A_499 = tpu.memref_slice %arg1[%dma_start3A_493, %dma_start3A_497, %dma_start3A_498] : memref<16x200x6400xf32, #tpu.memory_space<any>> -> memref<1x40x6400xf32, #tpu.memory_space<any>>
    %dma_start3A_500 = tpu.memref_squeeze %dma_start3A_499 : memref<1x40x6400xf32, #tpu.memory_space<any>> -> memref<40x6400xf32, #tpu.memory_space<any>>
    %dma_start3A_501 = arith.constant 0 : i32
    %dma_start3A_502 = arith.constant 0 : i32
    %dma_start3A_503 = tpu.memref_slice %arg2[%dma_start3A_501, %dma_start3A_502] : memref<200x6400xf32, #tpu.memory_space<vmem>> -> memref<40x6400xf32, #tpu.memory_space<vmem>>
    tpu.enqueue_dma source(%dma_start3A_503 : memref<40x6400xf32, #tpu.memory_space<vmem>>) target(%dma_start3A_500 : memref<40x6400xf32, #tpu.memory_space<any>>) target_semaphore(%dma_start3A_496 : memref<!tpu.dma_semaphore, #tpu.memory_space<semaphore_mem>>)
    %dma_start3A_504 = arith.constant 8 : i32
    %dma_start3A_505 = arith.constant 8 : i32
    %dma_start3A_506 = tpu.memref_slice %arg4[%dma_start3A_505] : memref<16x!tpu.dma_semaphore, #tpu.memory_space<semaphore_mem>> -> memref<1x!tpu.dma_semaphore, #tpu.memory_space<semaphore_mem>>
    %dma_start3A_507 = tpu.memref_squeeze %dma_start3A_506 : memref<1x!tpu.dma_semaphore, #tpu.memory_space<semaphore_mem>> -> memref<!tpu.dma_semaphore, #tpu.memory_space<semaphore_mem>>
    %dma_start3A_508 = arith.constant 0 : i32
    %dma_start3A_509 = arith.constant 0 : i32
    %dma_start3A_510 = tpu.memref_slice %arg1[%dma_start3A_504, %dma_start3A_508, %dma_start3A_509] : memref<16x200x6400xf32, #tpu.memory_space<any>> -> memref<1x40x6400xf32, #tpu.memory_space<any>>
    %dma_start3A_511 = tpu.memref_squeeze %dma_start3A_510 : memref<1x40x6400xf32, #tpu.memory_space<any>> -> memref<40x6400xf32, #tpu.memory_space<any>>
    %dma_start3A_512 = arith.constant 0 : i32
    %dma_start3A_513 = arith.constant 0 : i32
    %dma_start3A_514 = tpu.memref_slice %arg2[%dma_start3A_512, %dma_start3A_513] : memref<200x6400xf32, #tpu.memory_space<vmem>> -> memref<40x6400xf32, #tpu.memory_space<vmem>>
    tpu.enqueue_dma source(%dma_start3A_514 : memref<40x6400xf32, #tpu.memory_space<vmem>>) target(%dma_start3A_511 : memref<40x6400xf32, #tpu.memory_space<any>>) target_semaphore(%dma_start3A_507 : memref<!tpu.dma_semaphore, #tpu.memory_space<semaphore_mem>>)
    %dma_start3A_515 = arith.constant 9 : i32
    %dma_start3A_516 = arith.constant 9 : i32
    %dma_start3A_517 = tpu.memref_slice %arg4[%dma_start3A_516] : memref<16x!tpu.dma_semaphore, #tpu.memory_space<semaphore_mem>> -> memref<1x!tpu.dma_semaphore, #tpu.memory_space<semaphore_mem>>
    %dma_start3A_518 = tpu.memref_squeeze %dma_start3A_517 : memref<1x!tpu.dma_semaphore, #tpu.memory_space<semaphore_mem>> -> memref<!tpu.dma_semaphore, #tpu.memory_space<semaphore_mem>>
    %dma_start3A_519 = arith.constant 0 : i32
    %dma_start3A_520 = arith.constant 0 : i32
    %dma_start3A_521 = tpu.memref_slice %arg1[%dma_start3A_515, %dma_start3A_519, %dma_start3A_520] : memref<16x200x6400xf32, #tpu.memory_space<any>> -> memref<1x40x6400xf32, #tpu.memory_space<any>>
    %dma_start3A_522 = tpu.memref_squeeze %dma_start3A_521 : memref<1x40x6400xf32, #tpu.memory_space<any>> -> memref<40x6400xf32, #tpu.memory_space<any>>
    %dma_start3A_523 = arith.constant 0 : i32
    %dma_start3A_524 = arith.constant 0 : i32
    %dma_start3A_525 = tpu.memref_slice %arg2[%dma_start3A_523, %dma_start3A_524] : memref<200x6400xf32, #tpu.memory_space<vmem>> -> memref<40x6400xf32, #tpu.memory_space<vmem>>
    tpu.enqueue_dma source(%dma_start3A_525 : memref<40x6400xf32, #tpu.memory_space<vmem>>) target(%dma_start3A_522 : memref<40x6400xf32, #tpu.memory_space<any>>) target_semaphore(%dma_start3A_518 : memref<!tpu.dma_semaphore, #tpu.memory_space<semaphore_mem>>)
    %dma_start3A_526 = arith.constant 10 : i32
    %dma_start3A_527 = arith.constant 10 : i32
    %dma_start3A_528 = tpu.memref_slice %arg4[%dma_start3A_527] : memref<16x!tpu.dma_semaphore, #tpu.memory_space<semaphore_mem>> -> memref<1x!tpu.dma_semaphore, #tpu.memory_space<semaphore_mem>>
    %dma_start3A_529 = tpu.memref_squeeze %dma_start3A_528 : memref<1x!tpu.dma_semaphore, #tpu.memory_space<semaphore_mem>> -> memref<!tpu.dma_semaphore, #tpu.memory_space<semaphore_mem>>
    %dma_start3A_530 = arith.constant 0 : i32
    %dma_start3A_531 = arith.constant 0 : i32
    %dma_start3A_532 = tpu.memref_slice %arg1[%dma_start3A_526, %dma_start3A_530, %dma_start3A_531] : memref<16x200x6400xf32, #tpu.memory_space<any>> -> memref<1x40x6400xf32, #tpu.memory_space<any>>
    %dma_start3A_533 = tpu.memref_squeeze %dma_start3A_532 : memref<1x40x6400xf32, #tpu.memory_space<any>> -> memref<40x6400xf32, #tpu.memory_space<any>>
    %dma_start3A_534 = arith.constant 0 : i32
    %dma_start3A_535 = arith.constant 0 : i32
    %dma_start3A_536 = tpu.memref_slice %arg2[%dma_start3A_534, %dma_start3A_535] : memref<200x6400xf32, #tpu.memory_space<vmem>> -> memref<40x6400xf32, #tpu.memory_space<vmem>>
    tpu.enqueue_dma source(%dma_start3A_536 : memref<40x6400xf32, #tpu.memory_space<vmem>>) target(%dma_start3A_533 : memref<40x6400xf32, #tpu.memory_space<any>>) target_semaphore(%dma_start3A_529 : memref<!tpu.dma_semaphore, #tpu.memory_space<semaphore_mem>>)
    %dma_start3A_537 = arith.constant 11 : i32
    %dma_start3A_538 = arith.constant 11 : i32
    %dma_start3A_539 = tpu.memref_slice %arg4[%dma_start3A_538] : memref<16x!tpu.dma_semaphore, #tpu.memory_space<semaphore_mem>> -> memref<1x!tpu.dma_semaphore, #tpu.memory_space<semaphore_mem>>
    %dma_start3A_540 = tpu.memref_squeeze %dma_start3A_539 : memref<1x!tpu.dma_semaphore, #tpu.memory_space<semaphore_mem>> -> memref<!tpu.dma_semaphore, #tpu.memory_space<semaphore_mem>>
    %dma_start3A_541 = arith.constant 0 : i32
    %dma_start3A_542 = arith.constant 0 : i32
    %dma_start3A_543 = tpu.memref_slice %arg1[%dma_start3A_537, %dma_start3A_541, %dma_start3A_542] : memref<16x200x6400xf32, #tpu.memory_space<any>> -> memref<1x40x6400xf32, #tpu.memory_space<any>>
    %dma_start3A_544 = tpu.memref_squeeze %dma_start3A_543 : memref<1x40x6400xf32, #tpu.memory_space<any>> -> memref<40x6400xf32, #tpu.memory_space<any>>
    %dma_start3A_545 = arith.constant 0 : i32
    %dma_start3A_546 = arith.constant 0 : i32
    %dma_start3A_547 = tpu.memref_slice %arg2[%dma_start3A_545, %dma_start3A_546] : memref<200x6400xf32, #tpu.memory_space<vmem>> -> memref<40x6400xf32, #tpu.memory_space<vmem>>
    tpu.enqueue_dma source(%dma_start3A_547 : memref<40x6400xf32, #tpu.memory_space<vmem>>) target(%dma_start3A_544 : memref<40x6400xf32, #tpu.memory_space<any>>) target_semaphore(%dma_start3A_540 : memref<!tpu.dma_semaphore, #tpu.memory_space<semaphore_mem>>)
    %dma_start3A_548 = arith.constant 12 : i32
    %dma_start3A_549 = arith.constant 12 : i32
    %dma_start3A_550 = tpu.memref_slice %arg4[%dma_start3A_549] : memref<16x!tpu.dma_semaphore, #tpu.memory_space<semaphore_mem>> -> memref<1x!tpu.dma_semaphore, #tpu.memory_space<semaphore_mem>>
    %dma_start3A_551 = tpu.memref_squeeze %dma_start3A_550 : memref<1x!tpu.dma_semaphore, #tpu.memory_space<semaphore_mem>> -> memref<!tpu.dma_semaphore, #tpu.memory_space<semaphore_mem>>
    %dma_start3A_552 = arith.constant 0 : i32
    %dma_start3A_553 = arith.constant 0 : i32
    %dma_start3A_554 = tpu.memref_slice %arg1[%dma_start3A_548, %dma_start3A_552, %dma_start3A_553] : memref<16x200x6400xf32, #tpu.memory_space<any>> -> memref<1x40x6400xf32, #tpu.memory_space<any>>
    %dma_start3A_555 = tpu.memref_squeeze %dma_start3A_554 : memref<1x40x6400xf32, #tpu.memory_space<any>> -> memref<40x6400xf32, #tpu.memory_space<any>>
    %dma_start3A_556 = arith.constant 0 : i32
    %dma_start3A_557 = arith.constant 0 : i32
    %dma_start3A_558 = tpu.memref_slice %arg2[%dma_start3A_556, %dma_start3A_557] : memref<200x6400xf32, #tpu.memory_space<vmem>> -> memref<40x6400xf32, #tpu.memory_space<vmem>>
    tpu.enqueue_dma source(%dma_start3A_558 : memref<40x6400xf32, #tpu.memory_space<vmem>>) target(%dma_start3A_555 : memref<40x6400xf32, #tpu.memory_space<any>>) target_semaphore(%dma_start3A_551 : memref<!tpu.dma_semaphore, #tpu.memory_space<semaphore_mem>>)
    %dma_start3A_559 = arith.constant 13 : i32
    %dma_start3A_560 = arith.constant 13 : i32
    %dma_start3A_561 = tpu.memref_slice %arg4[%dma_start3A_560] : memref<16x!tpu.dma_semaphore, #tpu.memory_space<semaphore_mem>> -> memref<1x!tpu.dma_semaphore, #tpu.memory_space<semaphore_mem>>
    %dma_start3A_562 = tpu.memref_squeeze %dma_start3A_561 : memref<1x!tpu.dma_semaphore, #tpu.memory_space<semaphore_mem>> -> memref<!tpu.dma_semaphore, #tpu.memory_space<semaphore_mem>>
    %dma_start3A_563 = arith.constant 0 : i32
    %dma_start3A_564 = arith.constant 0 : i32
    %dma_start3A_565 = tpu.memref_slice %arg1[%dma_start3A_559, %dma_start3A_563, %dma_start3A_564] : memref<16x200x6400xf32, #tpu.memory_space<any>> -> memref<1x40x6400xf32, #tpu.memory_space<any>>
    %dma_start3A_566 = tpu.memref_squeeze %dma_start3A_565 : memref<1x40x6400xf32, #tpu.memory_space<any>> -> memref<40x6400xf32, #tpu.memory_space<any>>
    %dma_start3A_567 = arith.constant 0 : i32
    %dma_start3A_568 = arith.constant 0 : i32
    %dma_start3A_569 = tpu.memref_slice %arg2[%dma_start3A_567, %dma_start3A_568] : memref<200x6400xf32, #tpu.memory_space<vmem>> -> memref<40x6400xf32, #tpu.memory_space<vmem>>
    tpu.enqueue_dma source(%dma_start3A_569 : memref<40x6400xf32, #tpu.memory_space<vmem>>) target(%dma_start3A_566 : memref<40x6400xf32, #tpu.memory_space<any>>) target_semaphore(%dma_start3A_562 : memref<!tpu.dma_semaphore, #tpu.memory_space<semaphore_mem>>)
    %dma_start3A_570 = arith.constant 14 : i32
    %dma_start3A_571 = arith.constant 14 : i32
    %dma_start3A_572 = tpu.memref_slice %arg4[%dma_start3A_571] : memref<16x!tpu.dma_semaphore, #tpu.memory_space<semaphore_mem>> -> memref<1x!tpu.dma_semaphore, #tpu.memory_space<semaphore_mem>>
    %dma_start3A_573 = tpu.memref_squeeze %dma_start3A_572 : memref<1x!tpu.dma_semaphore, #tpu.memory_space<semaphore_mem>> -> memref<!tpu.dma_semaphore, #tpu.memory_space<semaphore_mem>>
    %dma_start3A_574 = arith.constant 0 : i32
    %dma_start3A_575 = arith.constant 0 : i32
    %dma_start3A_576 = tpu.memref_slice %arg1[%dma_start3A_570, %dma_start3A_574, %dma_start3A_575] : memref<16x200x6400xf32, #tpu.memory_space<any>> -> memref<1x40x6400xf32, #tpu.memory_space<any>>
    %dma_start3A_577 = tpu.memref_squeeze %dma_start3A_576 : memref<1x40x6400xf32, #tpu.memory_space<any>> -> memref<40x6400xf32, #tpu.memory_space<any>>
    %dma_start3A_578 = arith.constant 0 : i32
    %dma_start3A_579 = arith.constant 0 : i32
    %dma_start3A_580 = tpu.memref_slice %arg2[%dma_start3A_578, %dma_start3A_579] : memref<200x6400xf32, #tpu.memory_space<vmem>> -> memref<40x6400xf32, #tpu.memory_space<vmem>>
    tpu.enqueue_dma source(%dma_start3A_580 : memref<40x6400xf32, #tpu.memory_space<vmem>>) target(%dma_start3A_577 : memref<40x6400xf32, #tpu.memory_space<any>>) target_semaphore(%dma_start3A_573 : memref<!tpu.dma_semaphore, #tpu.memory_space<semaphore_mem>>)
    %dma_start3A_581 = arith.constant 15 : i32
    %dma_start3A_582 = arith.constant 15 : i32
    %dma_start3A_583 = tpu.memref_slice %arg4[%dma_start3A_582] : memref<16x!tpu.dma_semaphore, #tpu.memory_space<semaphore_mem>> -> memref<1x!tpu.dma_semaphore, #tpu.memory_space<semaphore_mem>>
    %dma_start3A_584 = tpu.memref_squeeze %dma_start3A_583 : memref<1x!tpu.dma_semaphore, #tpu.memory_space<semaphore_mem>> -> memref<!tpu.dma_semaphore, #tpu.memory_space<semaphore_mem>>
    %dma_start3A_585 = arith.constant 0 : i32
    %dma_start3A_586 = arith.constant 0 : i32
    %dma_start3A_587 = tpu.memref_slice %arg1[%dma_start3A_581, %dma_start3A_585, %dma_start3A_586] : memref<16x200x6400xf32, #tpu.memory_space<any>> -> memref<1x40x6400xf32, #tpu.memory_space<any>>
    %dma_start3A_588 = tpu.memref_squeeze %dma_start3A_587 : memref<1x40x6400xf32, #tpu.memory_space<any>> -> memref<40x6400xf32, #tpu.memory_space<any>>
    %dma_start3A_589 = arith.constant 0 : i32
    %dma_start3A_590 = arith.constant 0 : i32
    %dma_start3A_591 = tpu.memref_slice %arg2[%dma_start3A_589, %dma_start3A_590] : memref<200x6400xf32, #tpu.memory_space<vmem>> -> memref<40x6400xf32, #tpu.memory_space<vmem>>
    tpu.enqueue_dma source(%dma_start3A_591 : memref<40x6400xf32, #tpu.memory_space<vmem>>) target(%dma_start3A_588 : memref<40x6400xf32, #tpu.memory_space<any>>) target_semaphore(%dma_start3A_584 : memref<!tpu.dma_semaphore, #tpu.memory_space<semaphore_mem>>)
    %get3A_592 = arith.constant 40 : index
    %get3A_593 = arith.constant 0 : index
    %get3A_594 = vector.load %arg3[%get3A_592, %get3A_593] : memref<200x128xf32, #tpu.memory_space<vmem>>, vector<40x128xf32>
    %get3A_595 = arith.constant 0 : index
    %get3A_596 = arith.constant 0 : index
    %get3A_597 = vector.load %arg0[%get3A_595, %get3A_596] : memref<1x6400xf32, #tpu.memory_space<vmem>>, vector<1x128xf32>
    %add3A_598 = vector.broadcast %get3A_597 : vector<1x128xf32> to vector<40x128xf32>
    %add3A_599 = arith.addf %add3A_598, %get3A_594 : vector<40x128xf32>
    %swap3A_600 = arith.constant 40 : index
    %swap3A_601 = arith.constant 0 : index
    %swap3A_602 = vector.load %arg2[%swap3A_600, %swap3A_601] : memref<200x6400xf32, #tpu.memory_space<vmem>>, vector<40x128xf32>
    tpu.vector_store %arg2[%swap3A_600, %swap3A_601], %add3A_599 {strides = array<i32>} : memref<200x6400xf32, #tpu.memory_space<vmem>>, vector<40x128xf32>,
    %get3A_603 = arith.constant 0 : index
    %get3A_604 = arith.constant 128 : index
    %get3A_605 = vector.load %arg0[%get3A_603, %get3A_604] : memref<1x6400xf32, #tpu.memory_space<vmem>>, vector<1x128xf32>
    %add3A_606 = vector.broadcast %get3A_605 : vector<1x128xf32> to vector<40x128xf32>
    %add3A_607 = arith.addf %add3A_606, %get3A_594 : vector<40x128xf32>
    %swap3A_608 = arith.constant 40 : index
    %swap3A_609 = arith.constant 128 : index
    %swap3A_610 = vector.load %arg2[%swap3A_608, %swap3A_609] : memref<200x6400xf32, #tpu.memory_space<vmem>>, vector<40x128xf32>
    tpu.vector_store %arg2[%swap3A_608, %swap3A_609], %add3A_607 {strides = array<i32>} : memref<200x6400xf32, #tpu.memory_space<vmem>>, vector<40x128xf32>,
    %get3A_611 = arith.constant 0 : index
    %get3A_612 = arith.constant 256 : index
    %get3A_613 = vector.load %arg0[%get3A_611, %get3A_612] : memref<1x6400xf32, #tpu.memory_space<vmem>>, vector<1x128xf32>
    %add3A_614 = vector.broadcast %get3A_613 : vector<1x128xf32> to vector<40x128xf32>
    %add3A_615 = arith.addf %add3A_614, %get3A_594 : vector<40x128xf32>
    %swap3A_616 = arith.constant 40 : index
    %swap3A_617 = arith.constant 256 : index
    %swap3A_618 = vector.load %arg2[%swap3A_616, %swap3A_617] : memref<200x6400xf32, #tpu.memory_space<vmem>>, vector<40x128xf32>
    tpu.vector_store %arg2[%swap3A_616, %swap3A_617], %add3A_615 {strides = array<i32>} : memref<200x6400xf32, #tpu.memory_space<vmem>>, vector<40x128xf32>,
    %get3A_619 = arith.constant 0 : index
    %get3A_620 = arith.constant 384 : index
    %get3A_621 = vector.load %arg0[%get3A_619, %get3A_620] : memref<1x6400xf32, #tpu.memory_space<vmem>>, vector<1x128xf32>
    %add3A_622 = vector.broadcast %get3A_621 : vector<1x128xf32> to vector<40x128xf32>
    %add3A_623 = arith.addf %add3A_622, %get3A_594 : vector<40x128xf32>
    %swap3A_624 = arith.constant 40 : index
    %swap3A_625 = arith.constant 384 : index
    %swap3A_626 = vector.load %arg2[%swap3A_624, %swap3A_625] : memref<200x6400xf32, #tpu.memory_space<vmem>>, vector<40x128xf32>
    tpu.vector_store %arg2[%swap3A_624, %swap3A_625], %add3A_623 {strides = array<i32>} : memref<200x6400xf32, #tpu.memory_space<vmem>>, vector<40x128xf32>,
    %get3A_627 = arith.constant 0 : index
    %get3A_628 = arith.constant 512 : index
    %get3A_629 = vector.load %arg0[%get3A_627, %get3A_628] : memref<1x6400xf32, #tpu.memory_space<vmem>>, vector<1x128xf32>
    %add3A_630 = vector.broadcast %get3A_629 : vector<1x128xf32> to vector<40x128xf32>
    %add3A_631 = arith.addf %add3A_630, %get3A_594 : vector<40x128xf32>
    %swap3A_632 = arith.constant 40 : index
    %swap3A_633 = arith.constant 512 : index
    %swap3A_634 = vector.load %arg2[%swap3A_632, %swap3A_633] : memref<200x6400xf32, #tpu.memory_space<vmem>>, vector<40x128xf32>
    tpu.vector_store %arg2[%swap3A_632, %swap3A_633], %add3A_631 {strides = array<i32>} : memref<200x6400xf32, #tpu.memory_space<vmem>>, vector<40x128xf32>,
    %get3A_635 = arith.constant 0 : index
    %get3A_636 = arith.constant 640 : index
    %get3A_637 = vector.load %arg0[%get3A_635, %get3A_636] : memref<1x6400xf32, #tpu.memory_space<vmem>>, vector<1x128xf32>
    %add3A_638 = vector.broadcast %get3A_637 : vector<1x128xf32> to vector<40x128xf32>
    %add3A_639 = arith.addf %add3A_638, %get3A_594 : vector<40x128xf32>
    %swap3A_640 = arith.constant 40 : index
    %swap3A_641 = arith.constant 640 : index
    %swap3A_642 = vector.load %arg2[%swap3A_640, %swap3A_641] : memref<200x6400xf32, #tpu.memory_space<vmem>>, vector<40x128xf32>
    tpu.vector_store %arg2[%swap3A_640, %swap3A_641], %add3A_639 {strides = array<i32>} : memref<200x6400xf32, #tpu.memory_space<vmem>>, vector<40x128xf32>,
    %get3A_643 = arith.constant 0 : index
    %get3A_644 = arith.constant 768 : index
    %get3A_645 = vector.load %arg0[%get3A_643, %get3A_644] : memref<1x6400xf32, #tpu.memory_space<vmem>>, vector<1x128xf32>
    %add3A_646 = vector.broadcast %get3A_645 : vector<1x128xf32> to vector<40x128xf32>
    %add3A_647 = arith.addf %add3A_646, %get3A_594 : vector<40x128xf32>
    %swap3A_648 = arith.constant 40 : index
    %swap3A_649 = arith.constant 768 : index
    %swap3A_650 = vector.load %arg2[%swap3A_648, %swap3A_649] : memref<200x6400xf32, #tpu.memory_space<vmem>>, vector<40x128xf32>
    tpu.vector_store %arg2[%swap3A_648, %swap3A_649], %add3A_647 {strides = array<i32>} : memref<200x6400xf32, #tpu.memory_space<vmem>>, vector<40x128xf32>,
    %get3A_651 = arith.constant 0 : index
    %get3A_652 = arith.constant 896 : index
    %get3A_653 = vector.load %arg0[%get3A_651, %get3A_652] : memref<1x6400xf32, #tpu.memory_space<vmem>>, vector<1x128xf32>
    %add3A_654 = vector.broadcast %get3A_653 : vector<1x128xf32> to vector<40x128xf32>
    %add3A_655 = arith.addf %add3A_654, %get3A_594 : vector<40x128xf32>
    %swap3A_656 = arith.constant 40 : index
    %swap3A_657 = arith.constant 896 : index
    %swap3A_658 = vector.load %arg2[%swap3A_656, %swap3A_657] : memref<200x6400xf32, #tpu.memory_space<vmem>>, vector<40x128xf32>
    tpu.vector_store %arg2[%swap3A_656, %swap3A_657], %add3A_655 {strides = array<i32>} : memref<200x6400xf32, #tpu.memory_space<vmem>>, vector<40x128xf32>,
    %get3A_659 = arith.constant 0 : index
    %get3A_660 = arith.constant 1024 : index
    %get3A_661 = vector.load %arg0[%get3A_659, %get3A_660] : memref<1x6400xf32, #tpu.memory_space<vmem>>, vector<1x128xf32>
    %add3A_662 = vector.broadcast %get3A_661 : vector<1x128xf32> to vector<40x128xf32>
    %add3A_663 = arith.addf %add3A_662, %get3A_594 : vector<40x128xf32>
    %swap3A_664 = arith.constant 40 : index
    %swap3A_665 = arith.constant 1024 : index
    %swap3A_666 = vector.load %arg2[%swap3A_664, %swap3A_665] : memref<200x6400xf32, #tpu.memory_space<vmem>>, vector<40x128xf32>
    tpu.vector_store %arg2[%swap3A_664, %swap3A_665], %add3A_663 {strides = array<i32>} : memref<200x6400xf32, #tpu.memory_space<vmem>>, vector<40x128xf32>,
    %get3A_667 = arith.constant 0 : index
    %get3A_668 = arith.constant 1152 : index
    %get3A_669 = vector.load %arg0[%get3A_667, %get3A_668] : memref<1x6400xf32, #tpu.memory_space<vmem>>, vector<1x128xf32>
    %add3A_670 = vector.broadcast %get3A_669 : vector<1x128xf32> to vector<40x128xf32>
    %add3A_671 = arith.addf %add3A_670, %get3A_594 : vector<40x128xf32>
    %swap3A_672 = arith.constant 40 : index
    %swap3A_673 = arith.constant 1152 : index
    %swap3A_674 = vector.load %arg2[%swap3A_672, %swap3A_673] : memref<200x6400xf32, #tpu.memory_space<vmem>>, vector<40x128xf32>
    tpu.vector_store %arg2[%swap3A_672, %swap3A_673], %add3A_671 {strides = array<i32>} : memref<200x6400xf32, #tpu.memory_space<vmem>>, vector<40x128xf32>,
    %get3A_675 = arith.constant 0 : index
    %get3A_676 = arith.constant 1280 : index
    %get3A_677 = vector.load %arg0[%get3A_675, %get3A_676] : memref<1x6400xf32, #tpu.memory_space<vmem>>, vector<1x128xf32>
    %add3A_678 = vector.broadcast %get3A_677 : vector<1x128xf32> to vector<40x128xf32>
    %add3A_679 = arith.addf %add3A_678, %get3A_594 : vector<40x128xf32>
    %swap3A_680 = arith.constant 40 : index
    %swap3A_681 = arith.constant 1280 : index
    %swap3A_682 = vector.load %arg2[%swap3A_680, %swap3A_681] : memref<200x6400xf32, #tpu.memory_space<vmem>>, vector<40x128xf32>
    tpu.vector_store %arg2[%swap3A_680, %swap3A_681], %add3A_679 {strides = array<i32>} : memref<200x6400xf32, #tpu.memory_space<vmem>>, vector<40x128xf32>,
    %get3A_683 = arith.constant 0 : index
    %get3A_684 = arith.constant 1408 : index
    %get3A_685 = vector.load %arg0[%get3A_683, %get3A_684] : memref<1x6400xf32, #tpu.memory_space<vmem>>, vector<1x128xf32>
    %add3A_686 = vector.broadcast %get3A_685 : vector<1x128xf32> to vector<40x128xf32>
    %add3A_687 = arith.addf %add3A_686, %get3A_594 : vector<40x128xf32>
    %swap3A_688 = arith.constant 40 : index
    %swap3A_689 = arith.constant 1408 : index
    %swap3A_690 = vector.load %arg2[%swap3A_688, %swap3A_689] : memref<200x6400xf32, #tpu.memory_space<vmem>>, vector<40x128xf32>
    tpu.vector_store %arg2[%swap3A_688, %swap3A_689], %add3A_687 {strides = array<i32>} : memref<200x6400xf32, #tpu.memory_space<vmem>>, vector<40x128xf32>,
    %get3A_691 = arith.constant 0 : index
    %get3A_692 = arith.constant 1536 : index
    %get3A_693 = vector.load %arg0[%get3A_691, %get3A_692] : memref<1x6400xf32, #tpu.memory_space<vmem>>, vector<1x128xf32>
    %add3A_694 = vector.broadcast %get3A_693 : vector<1x128xf32> to vector<40x128xf32>
    %add3A_695 = arith.addf %add3A_694, %get3A_594 : vector<40x128xf32>
    %swap3A_696 = arith.constant 40 : index
    %swap3A_697 = arith.constant 1536 : index
    %swap3A_698 = vector.load %arg2[%swap3A_696, %swap3A_697] : memref<200x6400xf32, #tpu.memory_space<vmem>>, vector<40x128xf32>
    tpu.vector_store %arg2[%swap3A_696, %swap3A_697], %add3A_695 {strides = array<i32>} : memref<200x6400xf32, #tpu.memory_space<vmem>>, vector<40x128xf32>,
    %get3A_699 = arith.constant 0 : index
    %get3A_700 = arith.constant 1664 : index
    %get3A_701 = vector.load %arg0[%get3A_699, %get3A_700] : memref<1x6400xf32, #tpu.memory_space<vmem>>, vector<1x128xf32>
    %add3A_702 = vector.broadcast %get3A_701 : vector<1x128xf32> to vector<40x128xf32>
    %add3A_703 = arith.addf %add3A_702, %get3A_594 : vector<40x128xf32>
    %swap3A_704 = arith.constant 40 : index
    %swap3A_705 = arith.constant 1664 : index
    %swap3A_706 = vector.load %arg2[%swap3A_704, %swap3A_705] : memref<200x6400xf32, #tpu.memory_space<vmem>>, vector<40x128xf32>
    tpu.vector_store %arg2[%swap3A_704, %swap3A_705], %add3A_703 {strides = array<i32>} : memref<200x6400xf32, #tpu.memory_space<vmem>>, vector<40x128xf32>,
    %get3A_707 = arith.constant 0 : index
    %get3A_708 = arith.constant 1792 : index
    %get3A_709 = vector.load %arg0[%get3A_707, %get3A_708] : memref<1x6400xf32, #tpu.memory_space<vmem>>, vector<1x128xf32>
    %add3A_710 = vector.broadcast %get3A_709 : vector<1x128xf32> to vector<40x128xf32>
    %add3A_711 = arith.addf %add3A_710, %get3A_594 : vector<40x128xf32>
    %swap3A_712 = arith.constant 40 : index
    %swap3A_713 = arith.constant 1792 : index
    %swap3A_714 = vector.load %arg2[%swap3A_712, %swap3A_713] : memref<200x6400xf32, #tpu.memory_space<vmem>>, vector<40x128xf32>
    tpu.vector_store %arg2[%swap3A_712, %swap3A_713], %add3A_711 {strides = array<i32>} : memref<200x6400xf32, #tpu.memory_space<vmem>>, vector<40x128xf32>,
    %get3A_715 = arith.constant 0 : index
    %get3A_716 = arith.constant 1920 : index
    %get3A_717 = vector.load %arg0[%get3A_715, %get3A_716] : memref<1x6400xf32, #tpu.memory_space<vmem>>, vector<1x128xf32>
    %add3A_718 = vector.broadcast %get3A_717 : vector<1x128xf32> to vector<40x128xf32>
    %add3A_719 = arith.addf %add3A_718, %get3A_594 : vector<40x128xf32>
    %swap3A_720 = arith.constant 40 : index
    %swap3A_721 = arith.constant 1920 : index
    %swap3A_722 = vector.load %arg2[%swap3A_720, %swap3A_721] : memref<200x6400xf32, #tpu.memory_space<vmem>>, vector<40x128xf32>
    tpu.vector_store %arg2[%swap3A_720, %swap3A_721], %add3A_719 {strides = array<i32>} : memref<200x6400xf32, #tpu.memory_space<vmem>>, vector<40x128xf32>,
    %get3A_723 = arith.constant 0 : index
    %get3A_724 = arith.constant 2048 : index
    %get3A_725 = vector.load %arg0[%get3A_723, %get3A_724] : memref<1x6400xf32, #tpu.memory_space<vmem>>, vector<1x128xf32>
    %add3A_726 = vector.broadcast %get3A_725 : vector<1x128xf32> to vector<40x128xf32>
    %add3A_727 = arith.addf %add3A_726, %get3A_594 : vector<40x128xf32>
    %swap3A_728 = arith.constant 40 : index
    %swap3A_729 = arith.constant 2048 : index
    %swap3A_730 = vector.load %arg2[%swap3A_728, %swap3A_729] : memref<200x6400xf32, #tpu.memory_space<vmem>>, vector<40x128xf32>
    tpu.vector_store %arg2[%swap3A_728, %swap3A_729], %add3A_727 {strides = array<i32>} : memref<200x6400xf32, #tpu.memory_space<vmem>>, vector<40x128xf32>,
    %get3A_731 = arith.constant 0 : index
    %get3A_732 = arith.constant 2176 : index
    %get3A_733 = vector.load %arg0[%get3A_731, %get3A_732] : memref<1x6400xf32, #tpu.memory_space<vmem>>, vector<1x128xf32>
    %add3A_734 = vector.broadcast %get3A_733 : vector<1x128xf32> to vector<40x128xf32>
    %add3A_735 = arith.addf %add3A_734, %get3A_594 : vector<40x128xf32>
    %swap3A_736 = arith.constant 40 : index
    %swap3A_737 = arith.constant 2176 : index
    %swap3A_738 = vector.load %arg2[%swap3A_736, %swap3A_737] : memref<200x6400xf32, #tpu.memory_space<vmem>>, vector<40x128xf32>
    tpu.vector_store %arg2[%swap3A_736, %swap3A_737], %add3A_735 {strides = array<i32>} : memref<200x6400xf32, #tpu.memory_space<vmem>>, vector<40x128xf32>,
    %get3A_739 = arith.constant 0 : index
    %get3A_740 = arith.constant 2304 : index
    %get3A_741 = vector.load %arg0[%get3A_739, %get3A_740] : memref<1x6400xf32, #tpu.memory_space<vmem>>, vector<1x128xf32>
    %add3A_742 = vector.broadcast %get3A_741 : vector<1x128xf32> to vector<40x128xf32>
    %add3A_743 = arith.addf %add3A_742, %get3A_594 : vector<40x128xf32>
    %swap3A_744 = arith.constant 40 : index
    %swap3A_745 = arith.constant 2304 : index
    %swap3A_746 = vector.load %arg2[%swap3A_744, %swap3A_745] : memref<200x6400xf32, #tpu.memory_space<vmem>>, vector<40x128xf32>
    tpu.vector_store %arg2[%swap3A_744, %swap3A_745], %add3A_743 {strides = array<i32>} : memref<200x6400xf32, #tpu.memory_space<vmem>>, vector<40x128xf32>,
    %get3A_747 = arith.constant 0 : index
    %get3A_748 = arith.constant 2432 : index
    %get3A_749 = vector.load %arg0[%get3A_747, %get3A_748] : memref<1x6400xf32, #tpu.memory_space<vmem>>, vector<1x128xf32>
    %add3A_750 = vector.broadcast %get3A_749 : vector<1x128xf32> to vector<40x128xf32>
    %add3A_751 = arith.addf %add3A_750, %get3A_594 : vector<40x128xf32>
    %swap3A_752 = arith.constant 40 : index
    %swap3A_753 = arith.constant 2432 : index
    %swap3A_754 = vector.load %arg2[%swap3A_752, %swap3A_753] : memref<200x6400xf32, #tpu.memory_space<vmem>>, vector<40x128xf32>
    tpu.vector_store %arg2[%swap3A_752, %swap3A_753], %add3A_751 {strides = array<i32>} : memref<200x6400xf32, #tpu.memory_space<vmem>>, vector<40x128xf32>,
    %get3A_755 = arith.constant 0 : index
    %get3A_756 = arith.constant 2560 : index
    %get3A_757 = vector.load %arg0[%get3A_755, %get3A_756] : memref<1x6400xf32, #tpu.memory_space<vmem>>, vector<1x128xf32>
    %add3A_758 = vector.broadcast %get3A_757 : vector<1x128xf32> to vector<40x128xf32>
    %add3A_759 = arith.addf %add3A_758, %get3A_594 : vector<40x128xf32>
    %swap3A_760 = arith.constant 40 : index
    %swap3A_761 = arith.constant 2560 : index
    %swap3A_762 = vector.load %arg2[%swap3A_760, %swap3A_761] : memref<200x6400xf32, #tpu.memory_space<vmem>>, vector<40x128xf32>
    tpu.vector_store %arg2[%swap3A_760, %swap3A_761], %add3A_759 {strides = array<i32>} : memref<200x6400xf32, #tpu.memory_space<vmem>>, vector<40x128xf32>,
    %get3A_763 = arith.constant 0 : index
    %get3A_764 = arith.constant 2688 : index
    %get3A_765 = vector.load %arg0[%get3A_763, %get3A_764] : memref<1x6400xf32, #tpu.memory_space<vmem>>, vector<1x128xf32>
    %add3A_766 = vector.broadcast %get3A_765 : vector<1x128xf32> to vector<40x128xf32>
    %add3A_767 = arith.addf %add3A_766, %get3A_594 : vector<40x128xf32>
    %swap3A_768 = arith.constant 40 : index
    %swap3A_769 = arith.constant 2688 : index
    %swap3A_770 = vector.load %arg2[%swap3A_768, %swap3A_769] : memref<200x6400xf32, #tpu.memory_space<vmem>>, vector<40x128xf32>
    tpu.vector_store %arg2[%swap3A_768, %swap3A_769], %add3A_767 {strides = array<i32>} : memref<200x6400xf32, #tpu.memory_space<vmem>>, vector<40x128xf32>,
    %get3A_771 = arith.constant 0 : index
    %get3A_772 = arith.constant 2816 : index
    %get3A_773 = vector.load %arg0[%get3A_771, %get3A_772] : memref<1x6400xf32, #tpu.memory_space<vmem>>, vector<1x128xf32>
    %add3A_774 = vector.broadcast %get3A_773 : vector<1x128xf32> to vector<40x128xf32>
    %add3A_775 = arith.addf %add3A_774, %get3A_594 : vector<40x128xf32>
    %swap3A_776 = arith.constant 40 : index
    %swap3A_777 = arith.constant 2816 : index
    %swap3A_778 = vector.load %arg2[%swap3A_776, %swap3A_777] : memref<200x6400xf32, #tpu.memory_space<vmem>>, vector<40x128xf32>
    tpu.vector_store %arg2[%swap3A_776, %swap3A_777], %add3A_775 {strides = array<i32>} : memref<200x6400xf32, #tpu.memory_space<vmem>>, vector<40x128xf32>,
    %get3A_779 = arith.constant 0 : index
    %get3A_780 = arith.constant 2944 : index
    %get3A_781 = vector.load %arg0[%get3A_779, %get3A_780] : memref<1x6400xf32, #tpu.memory_space<vmem>>, vector<1x128xf32>
    %add3A_782 = vector.broadcast %get3A_781 : vector<1x128xf32> to vector<40x128xf32>
    %add3A_783 = arith.addf %add3A_782, %get3A_594 : vector<40x128xf32>
    %swap3A_784 = arith.constant 40 : index
    %swap3A_785 = arith.constant 2944 : index
    %swap3A_786 = vector.load %arg2[%swap3A_784, %swap3A_785] : memref<200x6400xf32, #tpu.memory_space<vmem>>, vector<40x128xf32>
    tpu.vector_store %arg2[%swap3A_784, %swap3A_785], %add3A_783 {strides = array<i32>} : memref<200x6400xf32, #tpu.memory_space<vmem>>, vector<40x128xf32>,
    %get3A_787 = arith.constant 0 : index
    %get3A_788 = arith.constant 3072 : index
    %get3A_789 = vector.load %arg0[%get3A_787, %get3A_788] : memref<1x6400xf32, #tpu.memory_space<vmem>>, vector<1x128xf32>
    %add3A_790 = vector.broadcast %get3A_789 : vector<1x128xf32> to vector<40x128xf32>
    %add3A_791 = arith.addf %add3A_790, %get3A_594 : vector<40x128xf32>
    %swap3A_792 = arith.constant 40 : index
    %swap3A_793 = arith.constant 3072 : index
    %swap3A_794 = vector.load %arg2[%swap3A_792, %swap3A_793] : memref<200x6400xf32, #tpu.memory_space<vmem>>, vector<40x128xf32>
    tpu.vector_store %arg2[%swap3A_792, %swap3A_793], %add3A_791 {strides = array<i32>} : memref<200x6400xf32, #tpu.memory_space<vmem>>, vector<40x128xf32>,
    %get3A_795 = arith.constant 0 : index
    %get3A_796 = arith.constant 3200 : index
    %get3A_797 = vector.load %arg0[%get3A_795, %get3A_796] : memref<1x6400xf32, #tpu.memory_space<vmem>>, vector<1x128xf32>
    %add3A_798 = vector.broadcast %get3A_797 : vector<1x128xf32> to vector<40x128xf32>
    %add3A_799 = arith.addf %add3A_798, %get3A_594 : vector<40x128xf32>
    %swap3A_800 = arith.constant 40 : index
    %swap3A_801 = arith.constant 3200 : index
    %swap3A_802 = vector.load %arg2[%swap3A_800, %swap3A_801] : memref<200x6400xf32, #tpu.memory_space<vmem>>, vector<40x128xf32>
    tpu.vector_store %arg2[%swap3A_800, %swap3A_801], %add3A_799 {strides = array<i32>} : memref<200x6400xf32, #tpu.memory_space<vmem>>, vector<40x128xf32>,
    %get3A_803 = arith.constant 0 : index
    %get3A_804 = arith.constant 3328 : index
    %get3A_805 = vector.load %arg0[%get3A_803, %get3A_804] : memref<1x6400xf32, #tpu.memory_space<vmem>>, vector<1x128xf32>
    %add3A_806 = vector.broadcast %get3A_805 : vector<1x128xf32> to vector<40x128xf32>
    %add3A_807 = arith.addf %add3A_806, %get3A_594 : vector<40x128xf32>
    %swap3A_808 = arith.constant 40 : index
    %swap3A_809 = arith.constant 3328 : index
    %swap3A_810 = vector.load %arg2[%swap3A_808, %swap3A_809] : memref<200x6400xf32, #tpu.memory_space<vmem>>, vector<40x128xf32>
    tpu.vector_store %arg2[%swap3A_808, %swap3A_809], %add3A_807 {strides = array<i32>} : memref<200x6400xf32, #tpu.memory_space<vmem>>, vector<40x128xf32>,
    %get3A_811 = arith.constant 0 : index
    %get3A_812 = arith.constant 3456 : index
    %get3A_813 = vector.load %arg0[%get3A_811, %get3A_812] : memref<1x6400xf32, #tpu.memory_space<vmem>>, vector<1x128xf32>
    %add3A_814 = vector.broadcast %get3A_813 : vector<1x128xf32> to vector<40x128xf32>
    %add3A_815 = arith.addf %add3A_814, %get3A_594 : vector<40x128xf32>
    %swap3A_816 = arith.constant 40 : index
    %swap3A_817 = arith.constant 3456 : index
    %swap3A_818 = vector.load %arg2[%swap3A_816, %swap3A_817] : memref<200x6400xf32, #tpu.memory_space<vmem>>, vector<40x128xf32>
    tpu.vector_store %arg2[%swap3A_816, %swap3A_817], %add3A_815 {strides = array<i32>} : memref<200x6400xf32, #tpu.memory_space<vmem>>, vector<40x128xf32>,
    %get3A_819 = arith.constant 0 : index
    %get3A_820 = arith.constant 3584 : index
    %get3A_821 = vector.load %arg0[%get3A_819, %get3A_820] : memref<1x6400xf32, #tpu.memory_space<vmem>>, vector<1x128xf32>
    %add3A_822 = vector.broadcast %get3A_821 : vector<1x128xf32> to vector<40x128xf32>
    %add3A_823 = arith.addf %add3A_822, %get3A_594 : vector<40x128xf32>
    %swap3A_824 = arith.constant 40 : index
    %swap3A_825 = arith.constant 3584 : index
    %swap3A_826 = vector.load %arg2[%swap3A_824, %swap3A_825] : memref<200x6400xf32, #tpu.memory_space<vmem>>, vector<40x128xf32>
    tpu.vector_store %arg2[%swap3A_824, %swap3A_825], %add3A_823 {strides = array<i32>} : memref<200x6400xf32, #tpu.memory_space<vmem>>, vector<40x128xf32>,
    %get3A_827 = arith.constant 0 : index
    %get3A_828 = arith.constant 3712 : index
    %get3A_829 = vector.load %arg0[%get3A_827, %get3A_828] : memref<1x6400xf32, #tpu.memory_space<vmem>>, vector<1x128xf32>
    %add3A_830 = vector.broadcast %get3A_829 : vector<1x128xf32> to vector<40x128xf32>
    %add3A_831 = arith.addf %add3A_830, %get3A_594 : vector<40x128xf32>
    %swap3A_832 = arith.constant 40 : index
    %swap3A_833 = arith.constant 3712 : index
    %swap3A_834 = vector.load %arg2[%swap3A_832, %swap3A_833] : memref<200x6400xf32, #tpu.memory_space<vmem>>, vector<40x128xf32>
    tpu.vector_store %arg2[%swap3A_832, %swap3A_833], %add3A_831 {strides = array<i32>} : memref<200x6400xf32, #tpu.memory_space<vmem>>, vector<40x128xf32>,
    %get3A_835 = arith.constant 0 : index
    %get3A_836 = arith.constant 3840 : index
    %get3A_837 = vector.load %arg0[%get3A_835, %get3A_836] : memref<1x6400xf32, #tpu.memory_space<vmem>>, vector<1x128xf32>
    %add3A_838 = vector.broadcast %get3A_837 : vector<1x128xf32> to vector<40x128xf32>
    %add3A_839 = arith.addf %add3A_838, %get3A_594 : vector<40x128xf32>
    %swap3A_840 = arith.constant 40 : index
    %swap3A_841 = arith.constant 3840 : index
    %swap3A_842 = vector.load %arg2[%swap3A_840, %swap3A_841] : memref<200x6400xf32, #tpu.memory_space<vmem>>, vector<40x128xf32>
    tpu.vector_store %arg2[%swap3A_840, %swap3A_841], %add3A_839 {strides = array<i32>} : memref<200x6400xf32, #tpu.memory_space<vmem>>, vector<40x128xf32>,
    %get3A_843 = arith.constant 0 : index
    %get3A_844 = arith.constant 3968 : index
    %get3A_845 = vector.load %arg0[%get3A_843, %get3A_844] : memref<1x6400xf32, #tpu.memory_space<vmem>>, vector<1x128xf32>
    %add3A_846 = vector.broadcast %get3A_845 : vector<1x128xf32> to vector<40x128xf32>
    %add3A_847 = arith.addf %add3A_846, %get3A_594 : vector<40x128xf32>
    %swap3A_848 = arith.constant 40 : index
    %swap3A_849 = arith.constant 3968 : index
    %swap3A_850 = vector.load %arg2[%swap3A_848, %swap3A_849] : memref<200x6400xf32, #tpu.memory_space<vmem>>, vector<40x128xf32>
    tpu.vector_store %arg2[%swap3A_848, %swap3A_849], %add3A_847 {strides = array<i32>} : memref<200x6400xf32, #tpu.memory_space<vmem>>, vector<40x128xf32>,
    %get3A_851 = arith.constant 0 : index
    %get3A_852 = arith.constant 4096 : index
    %get3A_853 = vector.load %arg0[%get3A_851, %get3A_852] : memref<1x6400xf32, #tpu.memory_space<vmem>>, vector<1x128xf32>
    %add3A_854 = vector.broadcast %get3A_853 : vector<1x128xf32> to vector<40x128xf32>
    %add3A_855 = arith.addf %add3A_854, %get3A_594 : vector<40x128xf32>
    %swap3A_856 = arith.constant 40 : index
    %swap3A_857 = arith.constant 4096 : index
    %swap3A_858 = vector.load %arg2[%swap3A_856, %swap3A_857] : memref<200x6400xf32, #tpu.memory_space<vmem>>, vector<40x128xf32>
    tpu.vector_store %arg2[%swap3A_856, %swap3A_857], %add3A_855 {strides = array<i32>} : memref<200x6400xf32, #tpu.memory_space<vmem>>, vector<40x128xf32>,
    %get3A_859 = arith.constant 0 : index
    %get3A_860 = arith.constant 4224 : index
    %get3A_861 = vector.load %arg0[%get3A_859, %get3A_860] : memref<1x6400xf32, #tpu.memory_space<vmem>>, vector<1x128xf32>
    %add3A_862 = vector.broadcast %get3A_861 : vector<1x128xf32> to vector<40x128xf32>
    %add3A_863 = arith.addf %add3A_862, %get3A_594 : vector<40x128xf32>
    %swap3A_864 = arith.constant 40 : index
    %swap3A_865 = arith.constant 4224 : index
    %swap3A_866 = vector.load %arg2[%swap3A_864, %swap3A_865] : memref<200x6400xf32, #tpu.memory_space<vmem>>, vector<40x128xf32>
    tpu.vector_store %arg2[%swap3A_864, %swap3A_865], %add3A_863 {strides = array<i32>} : memref<200x6400xf32, #tpu.memory_space<vmem>>, vector<40x128xf32>,
    %get3A_867 = arith.constant 0 : index
    %get3A_868 = arith.constant 4352 : index
    %get3A_869 = vector.load %arg0[%get3A_867, %get3A_868] : memref<1x6400xf32, #tpu.memory_space<vmem>>, vector<1x128xf32>
    %add3A_870 = vector.broadcast %get3A_869 : vector<1x128xf32> to vector<40x128xf32>
    %add3A_871 = arith.addf %add3A_870, %get3A_594 : vector<40x128xf32>
    %swap3A_872 = arith.constant 40 : index
    %swap3A_873 = arith.constant 4352 : index
    %swap3A_874 = vector.load %arg2[%swap3A_872, %swap3A_873] : memref<200x6400xf32, #tpu.memory_space<vmem>>, vector<40x128xf32>
    tpu.vector_store %arg2[%swap3A_872, %swap3A_873], %add3A_871 {strides = array<i32>} : memref<200x6400xf32, #tpu.memory_space<vmem>>, vector<40x128xf32>,
    %get3A_875 = arith.constant 0 : index
    %get3A_876 = arith.constant 4480 : index
    %get3A_877 = vector.load %arg0[%get3A_875, %get3A_876] : memref<1x6400xf32, #tpu.memory_space<vmem>>, vector<1x128xf32>
    %add3A_878 = vector.broadcast %get3A_877 : vector<1x128xf32> to vector<40x128xf32>
    %add3A_879 = arith.addf %add3A_878, %get3A_594 : vector<40x128xf32>
    %swap3A_880 = arith.constant 40 : index
    %swap3A_881 = arith.constant 4480 : index
    %swap3A_882 = vector.load %arg2[%swap3A_880, %swap3A_881] : memref<200x6400xf32, #tpu.memory_space<vmem>>, vector<40x128xf32>
    tpu.vector_store %arg2[%swap3A_880, %swap3A_881], %add3A_879 {strides = array<i32>} : memref<200x6400xf32, #tpu.memory_space<vmem>>, vector<40x128xf32>,
    %get3A_883 = arith.constant 0 : index
    %get3A_884 = arith.constant 4608 : index
    %get3A_885 = vector.load %arg0[%get3A_883, %get3A_884] : memref<1x6400xf32, #tpu.memory_space<vmem>>, vector<1x128xf32>
    %add3A_886 = vector.broadcast %get3A_885 : vector<1x128xf32> to vector<40x128xf32>
    %add3A_887 = arith.addf %add3A_886, %get3A_594 : vector<40x128xf32>
    %swap3A_888 = arith.constant 40 : index
    %swap3A_889 = arith.constant 4608 : index
    %swap3A_890 = vector.load %arg2[%swap3A_888, %swap3A_889] : memref<200x6400xf32, #tpu.memory_space<vmem>>, vector<40x128xf32>
    tpu.vector_store %arg2[%swap3A_888, %swap3A_889], %add3A_887 {strides = array<i32>} : memref<200x6400xf32, #tpu.memory_space<vmem>>, vector<40x128xf32>,
    %get3A_891 = arith.constant 0 : index
    %get3A_892 = arith.constant 4736 : index
    %get3A_893 = vector.load %arg0[%get3A_891, %get3A_892] : memref<1x6400xf32, #tpu.memory_space<vmem>>, vector<1x128xf32>
    %add3A_894 = vector.broadcast %get3A_893 : vector<1x128xf32> to vector<40x128xf32>
    %add3A_895 = arith.addf %add3A_894, %get3A_594 : vector<40x128xf32>
    %swap3A_896 = arith.constant 40 : index
    %swap3A_897 = arith.constant 4736 : index
    %swap3A_898 = vector.load %arg2[%swap3A_896, %swap3A_897] : memref<200x6400xf32, #tpu.memory_space<vmem>>, vector<40x128xf32>
    tpu.vector_store %arg2[%swap3A_896, %swap3A_897], %add3A_895 {strides = array<i32>} : memref<200x6400xf32, #tpu.memory_space<vmem>>, vector<40x128xf32>,
    %get3A_899 = arith.constant 0 : index
    %get3A_900 = arith.constant 4864 : index
    %get3A_901 = vector.load %arg0[%get3A_899, %get3A_900] : memref<1x6400xf32, #tpu.memory_space<vmem>>, vector<1x128xf32>
    %add3A_902 = vector.broadcast %get3A_901 : vector<1x128xf32> to vector<40x128xf32>
    %add3A_903 = arith.addf %add3A_902, %get3A_594 : vector<40x128xf32>
    %swap3A_904 = arith.constant 40 : index
    %swap3A_905 = arith.constant 4864 : index
    %swap3A_906 = vector.load %arg2[%swap3A_904, %swap3A_905] : memref<200x6400xf32, #tpu.memory_space<vmem>>, vector<40x128xf32>
    tpu.vector_store %arg2[%swap3A_904, %swap3A_905], %add3A_903 {strides = array<i32>} : memref<200x6400xf32, #tpu.memory_space<vmem>>, vector<40x128xf32>,
    %get3A_907 = arith.constant 0 : index
    %get3A_908 = arith.constant 4992 : index
    %get3A_909 = vector.load %arg0[%get3A_907, %get3A_908] : memref<1x6400xf32, #tpu.memory_space<vmem>>, vector<1x128xf32>
    %add3A_910 = vector.broadcast %get3A_909 : vector<1x128xf32> to vector<40x128xf32>
    %add3A_911 = arith.addf %add3A_910, %get3A_594 : vector<40x128xf32>
    %swap3A_912 = arith.constant 40 : index
    %swap3A_913 = arith.constant 4992 : index
    %swap3A_914 = vector.load %arg2[%swap3A_912, %swap3A_913] : memref<200x6400xf32, #tpu.memory_space<vmem>>, vector<40x128xf32>
    tpu.vector_store %arg2[%swap3A_912, %swap3A_913], %add3A_911 {strides = array<i32>} : memref<200x6400xf32, #tpu.memory_space<vmem>>, vector<40x128xf32>,
    %get3A_915 = arith.constant 0 : index
    %get3A_916 = arith.constant 5120 : index
    %get3A_917 = vector.load %arg0[%get3A_915, %get3A_916] : memref<1x6400xf32, #tpu.memory_space<vmem>>, vector<1x128xf32>
    %add3A_918 = vector.broadcast %get3A_917 : vector<1x128xf32> to vector<40x128xf32>
    %add3A_919 = arith.addf %add3A_918, %get3A_594 : vector<40x128xf32>
    %swap3A_920 = arith.constant 40 : index
    %swap3A_921 = arith.constant 5120 : index
    %swap3A_922 = vector.load %arg2[%swap3A_920, %swap3A_921] : memref<200x6400xf32, #tpu.memory_space<vmem>>, vector<40x128xf32>
    tpu.vector_store %arg2[%swap3A_920, %swap3A_921], %add3A_919 {strides = array<i32>} : memref<200x6400xf32, #tpu.memory_space<vmem>>, vector<40x128xf32>,
    %get3A_923 = arith.constant 0 : index
    %get3A_924 = arith.constant 5248 : index
    %get3A_925 = vector.load %arg0[%get3A_923, %get3A_924] : memref<1x6400xf32, #tpu.memory_space<vmem>>, vector<1x128xf32>
    %add3A_926 = vector.broadcast %get3A_925 : vector<1x128xf32> to vector<40x128xf32>
    %add3A_927 = arith.addf %add3A_926, %get3A_594 : vector<40x128xf32>
    %swap3A_928 = arith.constant 40 : index
    %swap3A_929 = arith.constant 5248 : index
    %swap3A_930 = vector.load %arg2[%swap3A_928, %swap3A_929] : memref<200x6400xf32, #tpu.memory_space<vmem>>, vector<40x128xf32>
    tpu.vector_store %arg2[%swap3A_928, %swap3A_929], %add3A_927 {strides = array<i32>} : memref<200x6400xf32, #tpu.memory_space<vmem>>, vector<40x128xf32>,
    %get3A_931 = arith.constant 0 : index
    %get3A_932 = arith.constant 5376 : index
    %get3A_933 = vector.load %arg0[%get3A_931, %get3A_932] : memref<1x6400xf32, #tpu.memory_space<vmem>>, vector<1x128xf32>
    %add3A_934 = vector.broadcast %get3A_933 : vector<1x128xf32> to vector<40x128xf32>
    %add3A_935 = arith.addf %add3A_934, %get3A_594 : vector<40x128xf32>
    %swap3A_936 = arith.constant 40 : index
    %swap3A_937 = arith.constant 5376 : index
    %swap3A_938 = vector.load %arg2[%swap3A_936, %swap3A_937] : memref<200x6400xf32, #tpu.memory_space<vmem>>, vector<40x128xf32>
    tpu.vector_store %arg2[%swap3A_936, %swap3A_937], %add3A_935 {strides = array<i32>} : memref<200x6400xf32, #tpu.memory_space<vmem>>, vector<40x128xf32>,
    %get3A_939 = arith.constant 0 : index
    %get3A_940 = arith.constant 5504 : index
    %get3A_941 = vector.load %arg0[%get3A_939, %get3A_940] : memref<1x6400xf32, #tpu.memory_space<vmem>>, vector<1x128xf32>
    %add3A_942 = vector.broadcast %get3A_941 : vector<1x128xf32> to vector<40x128xf32>
    %add3A_943 = arith.addf %add3A_942, %get3A_594 : vector<40x128xf32>
    %swap3A_944 = arith.constant 40 : index
    %swap3A_945 = arith.constant 5504 : index
    %swap3A_946 = vector.load %arg2[%swap3A_944, %swap3A_945] : memref<200x6400xf32, #tpu.memory_space<vmem>>, vector<40x128xf32>
    tpu.vector_store %arg2[%swap3A_944, %swap3A_945], %add3A_943 {strides = array<i32>} : memref<200x6400xf32, #tpu.memory_space<vmem>>, vector<40x128xf32>,
    %get3A_947 = arith.constant 0 : index
    %get3A_948 = arith.constant 5632 : index
    %get3A_949 = vector.load %arg0[%get3A_947, %get3A_948] : memref<1x6400xf32, #tpu.memory_space<vmem>>, vector<1x128xf32>
    %add3A_950 = vector.broadcast %get3A_949 : vector<1x128xf32> to vector<40x128xf32>
    %add3A_951 = arith.addf %add3A_950, %get3A_594 : vector<40x128xf32>
    %swap3A_952 = arith.constant 40 : index
    %swap3A_953 = arith.constant 5632 : index
    %swap3A_954 = vector.load %arg2[%swap3A_952, %swap3A_953] : memref<200x6400xf32, #tpu.memory_space<vmem>>, vector<40x128xf32>
    tpu.vector_store %arg2[%swap3A_952, %swap3A_953], %add3A_951 {strides = array<i32>} : memref<200x6400xf32, #tpu.memory_space<vmem>>, vector<40x128xf32>,
    %get3A_955 = arith.constant 0 : index
    %get3A_956 = arith.constant 5760 : index
    %get3A_957 = vector.load %arg0[%get3A_955, %get3A_956] : memref<1x6400xf32, #tpu.memory_space<vmem>>, vector<1x128xf32>
    %add3A_958 = vector.broadcast %get3A_957 : vector<1x128xf32> to vector<40x128xf32>
    %add3A_959 = arith.addf %add3A_958, %get3A_594 : vector<40x128xf32>
    %swap3A_960 = arith.constant 40 : index
    %swap3A_961 = arith.constant 5760 : index
    %swap3A_962 = vector.load %arg2[%swap3A_960, %swap3A_961] : memref<200x6400xf32, #tpu.memory_space<vmem>>, vector<40x128xf32>
    tpu.vector_store %arg2[%swap3A_960, %swap3A_961], %add3A_959 {strides = array<i32>} : memref<200x6400xf32, #tpu.memory_space<vmem>>, vector<40x128xf32>,
    %get3A_963 = arith.constant 0 : index
    %get3A_964 = arith.constant 5888 : index
    %get3A_965 = vector.load %arg0[%get3A_963, %get3A_964] : memref<1x6400xf32, #tpu.memory_space<vmem>>, vector<1x128xf32>
    %add3A_966 = vector.broadcast %get3A_965 : vector<1x128xf32> to vector<40x128xf32>
    %add3A_967 = arith.addf %add3A_966, %get3A_594 : vector<40x128xf32>
    %swap3A_968 = arith.constant 40 : index
    %swap3A_969 = arith.constant 5888 : index
    %swap3A_970 = vector.load %arg2[%swap3A_968, %swap3A_969] : memref<200x6400xf32, #tpu.memory_space<vmem>>, vector<40x128xf32>
    tpu.vector_store %arg2[%swap3A_968, %swap3A_969], %add3A_967 {strides = array<i32>} : memref<200x6400xf32, #tpu.memory_space<vmem>>, vector<40x128xf32>,
    %get3A_971 = arith.constant 0 : index
    %get3A_972 = arith.constant 6016 : index
    %get3A_973 = vector.load %arg0[%get3A_971, %get3A_972] : memref<1x6400xf32, #tpu.memory_space<vmem>>, vector<1x128xf32>
    %add3A_974 = vector.broadcast %get3A_973 : vector<1x128xf32> to vector<40x128xf32>
    %add3A_975 = arith.addf %add3A_974, %get3A_594 : vector<40x128xf32>
    %swap3A_976 = arith.constant 40 : index
    %swap3A_977 = arith.constant 6016 : index
    %swap3A_978 = vector.load %arg2[%swap3A_976, %swap3A_977] : memref<200x6400xf32, #tpu.memory_space<vmem>>, vector<40x128xf32>
    tpu.vector_store %arg2[%swap3A_976, %swap3A_977], %add3A_975 {strides = array<i32>} : memref<200x6400xf32, #tpu.memory_space<vmem>>, vector<40x128xf32>,
    %get3A_979 = arith.constant 0 : index
    %get3A_980 = arith.constant 6144 : index
    %get3A_981 = vector.load %arg0[%get3A_979, %get3A_980] : memref<1x6400xf32, #tpu.memory_space<vmem>>, vector<1x128xf32>
    %add3A_982 = vector.broadcast %get3A_981 : vector<1x128xf32> to vector<40x128xf32>
    %add3A_983 = arith.addf %add3A_982, %get3A_594 : vector<40x128xf32>
    %swap3A_984 = arith.constant 40 : index
    %swap3A_985 = arith.constant 6144 : index
    %swap3A_986 = vector.load %arg2[%swap3A_984, %swap3A_985] : memref<200x6400xf32, #tpu.memory_space<vmem>>, vector<40x128xf32>
    tpu.vector_store %arg2[%swap3A_984, %swap3A_985], %add3A_983 {strides = array<i32>} : memref<200x6400xf32, #tpu.memory_space<vmem>>, vector<40x128xf32>,
    %get3A_987 = arith.constant 0 : index
    %get3A_988 = arith.constant 6272 : index
    %get3A_989 = vector.load %arg0[%get3A_987, %get3A_988] : memref<1x6400xf32, #tpu.memory_space<vmem>>, vector<1x128xf32>
    %add3A_990 = vector.broadcast %get3A_989 : vector<1x128xf32> to vector<40x128xf32>
    %add3A_991 = arith.addf %add3A_990, %get3A_594 : vector<40x128xf32>
    %swap3A_992 = arith.constant 40 : index
    %swap3A_993 = arith.constant 6272 : index
    %swap3A_994 = vector.load %arg2[%swap3A_992, %swap3A_993] : memref<200x6400xf32, #tpu.memory_space<vmem>>, vector<40x128xf32>
    tpu.vector_store %arg2[%swap3A_992, %swap3A_993], %add3A_991 {strides = array<i32>} : memref<200x6400xf32, #tpu.memory_space<vmem>>, vector<40x128xf32>,
    %dma_start3A_995 = arith.constant 0 : i32
    %dma_start3A_996 = arith.constant 0 : i32
    %dma_start3A_997 = tpu.memref_slice %arg4[%dma_start3A_996] : memref<16x!tpu.dma_semaphore, #tpu.memory_space<semaphore_mem>> -> memref<1x!tpu.dma_semaphore, #tpu.memory_space<semaphore_mem>>
    %dma_start3A_998 = tpu.memref_squeeze %dma_start3A_997 : memref<1x!tpu.dma_semaphore, #tpu.memory_space<semaphore_mem>> -> memref<!tpu.dma_semaphore, #tpu.memory_space<semaphore_mem>>
    %dma_start3A_999 = arith.constant 40 : i32
    %dma_start3A_1000 = arith.constant 0 : i32
    %dma_start3A_1001 = tpu.memref_slice %arg1[%dma_start3A_995, %dma_start3A_999, %dma_start3A_1000] : memref<16x200x6400xf32, #tpu.memory_space<any>> -> memref<1x40x6400xf32, #tpu.memory_space<any>>
    %dma_start3A_1002 = tpu.memref_squeeze %dma_start3A_1001 : memref<1x40x6400xf32, #tpu.memory_space<any>> -> memref<40x6400xf32, #tpu.memory_space<any>>
    %dma_start3A_1003 = arith.constant 40 : i32
    %dma_start3A_1004 = arith.constant 0 : i32
    %dma_start3A_1005 = tpu.memref_slice %arg2[%dma_start3A_1003, %dma_start3A_1004] : memref<200x6400xf32, #tpu.memory_space<vmem>> -> memref<40x6400xf32, #tpu.memory_space<vmem>>
    tpu.enqueue_dma source(%dma_start3A_1005 : memref<40x6400xf32, #tpu.memory_space<vmem>>) target(%dma_start3A_1002 : memref<40x6400xf32, #tpu.memory_space<any>>) target_semaphore(%dma_start3A_998 : memref<!tpu.dma_semaphore, #tpu.memory_space<semaphore_mem>>)
    %dma_start3A_1006 = arith.constant 1 : i32
    %dma_start3A_1007 = arith.constant 1 : i32
    %dma_start3A_1008 = tpu.memref_slice %arg4[%dma_start3A_1007] : memref<16x!tpu.dma_semaphore, #tpu.memory_space<semaphore_mem>> -> memref<1x!tpu.dma_semaphore, #tpu.memory_space<semaphore_mem>>
    %dma_start3A_1009 = tpu.memref_squeeze %dma_start3A_1008 : memref<1x!tpu.dma_semaphore, #tpu.memory_space<semaphore_mem>> -> memref<!tpu.dma_semaphore, #tpu.memory_space<semaphore_mem>>
    %dma_start3A_1010 = arith.constant 40 : i32
    %dma_start3A_1011 = arith.constant 0 : i32
    %dma_start3A_1012 = tpu.memref_slice %arg1[%dma_start3A_1006, %dma_start3A_1010, %dma_start3A_1011] : memref<16x200x6400xf32, #tpu.memory_space<any>> -> memref<1x40x6400xf32, #tpu.memory_space<any>>
    %dma_start3A_1013 = tpu.memref_squeeze %dma_start3A_1012 : memref<1x40x6400xf32, #tpu.memory_space<any>> -> memref<40x6400xf32, #tpu.memory_space<any>>
    %dma_start3A_1014 = arith.constant 40 : i32
    %dma_start3A_1015 = arith.constant 0 : i32
    %dma_start3A_1016 = tpu.memref_slice %arg2[%dma_start3A_1014, %dma_start3A_1015] : memref<200x6400xf32, #tpu.memory_space<vmem>> -> memref<40x6400xf32, #tpu.memory_space<vmem>>
    tpu.enqueue_dma source(%dma_start3A_1016 : memref<40x6400xf32, #tpu.memory_space<vmem>>) target(%dma_start3A_1013 : memref<40x6400xf32, #tpu.memory_space<any>>) target_semaphore(%dma_start3A_1009 : memref<!tpu.dma_semaphore, #tpu.memory_space<semaphore_mem>>)
    %dma_start3A_1017 = arith.constant 2 : i32
    %dma_start3A_1018 = arith.constant 2 : i32
    %dma_start3A_1019 = tpu.memref_slice %arg4[%dma_start3A_1018] : memref<16x!tpu.dma_semaphore, #tpu.memory_space<semaphore_mem>> -> memref<1x!tpu.dma_semaphore, #tpu.memory_space<semaphore_mem>>
    %dma_start3A_1020 = tpu.memref_squeeze %dma_start3A_1019 : memref<1x!tpu.dma_semaphore, #tpu.memory_space<semaphore_mem>> -> memref<!tpu.dma_semaphore, #tpu.memory_space<semaphore_mem>>
    %dma_start3A_1021 = arith.constant 40 : i32
    %dma_start3A_1022 = arith.constant 0 : i32
    %dma_start3A_1023 = tpu.memref_slice %arg1[%dma_start3A_1017, %dma_start3A_1021, %dma_start3A_1022] : memref<16x200x6400xf32, #tpu.memory_space<any>> -> memref<1x40x6400xf32, #tpu.memory_space<any>>
    %dma_start3A_1024 = tpu.memref_squeeze %dma_start3A_1023 : memref<1x40x6400xf32, #tpu.memory_space<any>> -> memref<40x6400xf32, #tpu.memory_space<any>>
    %dma_start3A_1025 = arith.constant 40 : i32
    %dma_start3A_1026 = arith.constant 0 : i32
    %dma_start3A_1027 = tpu.memref_slice %arg2[%dma_start3A_1025, %dma_start3A_1026] : memref<200x6400xf32, #tpu.memory_space<vmem>> -> memref<40x6400xf32, #tpu.memory_space<vmem>>
    tpu.enqueue_dma source(%dma_start3A_1027 : memref<40x6400xf32, #tpu.memory_space<vmem>>) target(%dma_start3A_1024 : memref<40x6400xf32, #tpu.memory_space<any>>) target_semaphore(%dma_start3A_1020 : memref<!tpu.dma_semaphore, #tpu.memory_space<semaphore_mem>>)
    %dma_start3A_1028 = arith.constant 3 : i32
    %dma_start3A_1029 = arith.constant 3 : i32
    %dma_start3A_1030 = tpu.memref_slice %arg4[%dma_start3A_1029] : memref<16x!tpu.dma_semaphore, #tpu.memory_space<semaphore_mem>> -> memref<1x!tpu.dma_semaphore, #tpu.memory_space<semaphore_mem>>
    %dma_start3A_1031 = tpu.memref_squeeze %dma_start3A_1030 : memref<1x!tpu.dma_semaphore, #tpu.memory_space<semaphore_mem>> -> memref<!tpu.dma_semaphore, #tpu.memory_space<semaphore_mem>>
    %dma_start3A_1032 = arith.constant 40 : i32
    %dma_start3A_1033 = arith.constant 0 : i32
    %dma_start3A_1034 = tpu.memref_slice %arg1[%dma_start3A_1028, %dma_start3A_1032, %dma_start3A_1033] : memref<16x200x6400xf32, #tpu.memory_space<any>> -> memref<1x40x6400xf32, #tpu.memory_space<any>>
    %dma_start3A_1035 = tpu.memref_squeeze %dma_start3A_1034 : memref<1x40x6400xf32, #tpu.memory_space<any>> -> memref<40x6400xf32, #tpu.memory_space<any>>
    %dma_start3A_1036 = arith.constant 40 : i32
    %dma_start3A_1037 = arith.constant 0 : i32
    %dma_start3A_1038 = tpu.memref_slice %arg2[%dma_start3A_1036, %dma_start3A_1037] : memref<200x6400xf32, #tpu.memory_space<vmem>> -> memref<40x6400xf32, #tpu.memory_space<vmem>>
    tpu.enqueue_dma source(%dma_start3A_1038 : memref<40x6400xf32, #tpu.memory_space<vmem>>) target(%dma_start3A_1035 : memref<40x6400xf32, #tpu.memory_space<any>>) target_semaphore(%dma_start3A_1031 : memref<!tpu.dma_semaphore, #tpu.memory_space<semaphore_mem>>)
    %dma_start3A_1039 = arith.constant 4 : i32
    %dma_start3A_1040 = arith.constant 4 : i32
    %dma_start3A_1041 = tpu.memref_slice %arg4[%dma_start3A_1040] : memref<16x!tpu.dma_semaphore, #tpu.memory_space<semaphore_mem>> -> memref<1x!tpu.dma_semaphore, #tpu.memory_space<semaphore_mem>>
    %dma_start3A_1042 = tpu.memref_squeeze %dma_start3A_1041 : memref<1x!tpu.dma_semaphore, #tpu.memory_space<semaphore_mem>> -> memref<!tpu.dma_semaphore, #tpu.memory_space<semaphore_mem>>
    %dma_start3A_1043 = arith.constant 40 : i32
    %dma_start3A_1044 = arith.constant 0 : i32
    %dma_start3A_1045 = tpu.memref_slice %arg1[%dma_start3A_1039, %dma_start3A_1043, %dma_start3A_1044] : memref<16x200x6400xf32, #tpu.memory_space<any>> -> memref<1x40x6400xf32, #tpu.memory_space<any>>
    %dma_start3A_1046 = tpu.memref_squeeze %dma_start3A_1045 : memref<1x40x6400xf32, #tpu.memory_space<any>> -> memref<40x6400xf32, #tpu.memory_space<any>>
    %dma_start3A_1047 = arith.constant 40 : i32
    %dma_start3A_1048 = arith.constant 0 : i32
    %dma_start3A_1049 = tpu.memref_slice %arg2[%dma_start3A_1047, %dma_start3A_1048] : memref<200x6400xf32, #tpu.memory_space<vmem>> -> memref<40x6400xf32, #tpu.memory_space<vmem>>
    tpu.enqueue_dma source(%dma_start3A_1049 : memref<40x6400xf32, #tpu.memory_space<vmem>>) target(%dma_start3A_1046 : memref<40x6400xf32, #tpu.memory_space<any>>) target_semaphore(%dma_start3A_1042 : memref<!tpu.dma_semaphore, #tpu.memory_space<semaphore_mem>>)
    %dma_start3A_1050 = arith.constant 5 : i32
    %dma_start3A_1051 = arith.constant 5 : i32
    %dma_start3A_1052 = tpu.memref_slice %arg4[%dma_start3A_1051] : memref<16x!tpu.dma_semaphore, #tpu.memory_space<semaphore_mem>> -> memref<1x!tpu.dma_semaphore, #tpu.memory_space<semaphore_mem>>
    %dma_start3A_1053 = tpu.memref_squeeze %dma_start3A_1052 : memref<1x!tpu.dma_semaphore, #tpu.memory_space<semaphore_mem>> -> memref<!tpu.dma_semaphore, #tpu.memory_space<semaphore_mem>>
    %dma_start3A_1054 = arith.constant 40 : i32
    %dma_start3A_1055 = arith.constant 0 : i32
    %dma_start3A_1056 = tpu.memref_slice %arg1[%dma_start3A_1050, %dma_start3A_1054, %dma_start3A_1055] : memref<16x200x6400xf32, #tpu.memory_space<any>> -> memref<1x40x6400xf32, #tpu.memory_space<any>>
    %dma_start3A_1057 = tpu.memref_squeeze %dma_start3A_1056 : memref<1x40x6400xf32, #tpu.memory_space<any>> -> memref<40x6400xf32, #tpu.memory_space<any>>
    %dma_start3A_1058 = arith.constant 40 : i32
    %dma_start3A_1059 = arith.constant 0 : i32
    %dma_start3A_1060 = tpu.memref_slice %arg2[%dma_start3A_1058, %dma_start3A_1059] : memref<200x6400xf32, #tpu.memory_space<vmem>> -> memref<40x6400xf32, #tpu.memory_space<vmem>>
    tpu.enqueue_dma source(%dma_start3A_1060 : memref<40x6400xf32, #tpu.memory_space<vmem>>) target(%dma_start3A_1057 : memref<40x6400xf32, #tpu.memory_space<any>>) target_semaphore(%dma_start3A_1053 : memref<!tpu.dma_semaphore, #tpu.memory_space<semaphore_mem>>)
    %dma_start3A_1061 = arith.constant 6 : i32
    %dma_start3A_1062 = arith.constant 6 : i32
    %dma_start3A_1063 = tpu.memref_slice %arg4[%dma_start3A_1062] : memref<16x!tpu.dma_semaphore, #tpu.memory_space<semaphore_mem>> -> memref<1x!tpu.dma_semaphore, #tpu.memory_space<semaphore_mem>>
    %dma_start3A_1064 = tpu.memref_squeeze %dma_start3A_1063 : memref<1x!tpu.dma_semaphore, #tpu.memory_space<semaphore_mem>> -> memref<!tpu.dma_semaphore, #tpu.memory_space<semaphore_mem>>
    %dma_start3A_1065 = arith.constant 40 : i32
    %dma_start3A_1066 = arith.constant 0 : i32
    %dma_start3A_1067 = tpu.memref_slice %arg1[%dma_start3A_1061, %dma_start3A_1065, %dma_start3A_1066] : memref<16x200x6400xf32, #tpu.memory_space<any>> -> memref<1x40x6400xf32, #tpu.memory_space<any>>
    %dma_start3A_1068 = tpu.memref_squeeze %dma_start3A_1067 : memref<1x40x6400xf32, #tpu.memory_space<any>> -> memref<40x6400xf32, #tpu.memory_space<any>>
    %dma_start3A_1069 = arith.constant 40 : i32
    %dma_start3A_1070 = arith.constant 0 : i32
    %dma_start3A_1071 = tpu.memref_slice %arg2[%dma_start3A_1069, %dma_start3A_1070] : memref<200x6400xf32, #tpu.memory_space<vmem>> -> memref<40x6400xf32, #tpu.memory_space<vmem>>
    tpu.enqueue_dma source(%dma_start3A_1071 : memref<40x6400xf32, #tpu.memory_space<vmem>>) target(%dma_start3A_1068 : memref<40x6400xf32, #tpu.memory_space<any>>) target_semaphore(%dma_start3A_1064 : memref<!tpu.dma_semaphore, #tpu.memory_space<semaphore_mem>>)
    %dma_start3A_1072 = arith.constant 7 : i32
    %dma_start3A_1073 = arith.constant 7 : i32
    %dma_start3A_1074 = tpu.memref_slice %arg4[%dma_start3A_1073] : memref<16x!tpu.dma_semaphore, #tpu.memory_space<semaphore_mem>> -> memref<1x!tpu.dma_semaphore, #tpu.memory_space<semaphore_mem>>
    %dma_start3A_1075 = tpu.memref_squeeze %dma_start3A_1074 : memref<1x!tpu.dma_semaphore, #tpu.memory_space<semaphore_mem>> -> memref<!tpu.dma_semaphore, #tpu.memory_space<semaphore_mem>>
    %dma_start3A_1076 = arith.constant 40 : i32
    %dma_start3A_1077 = arith.constant 0 : i32
    %dma_start3A_1078 = tpu.memref_slice %arg1[%dma_start3A_1072, %dma_start3A_1076, %dma_start3A_1077] : memref<16x200x6400xf32, #tpu.memory_space<any>> -> memref<1x40x6400xf32, #tpu.memory_space<any>>
    %dma_start3A_1079 = tpu.memref_squeeze %dma_start3A_1078 : memref<1x40x6400xf32, #tpu.memory_space<any>> -> memref<40x6400xf32, #tpu.memory_space<any>>
    %dma_start3A_1080 = arith.constant 40 : i32
    %dma_start3A_1081 = arith.constant 0 : i32
    %dma_start3A_1082 = tpu.memref_slice %arg2[%dma_start3A_1080, %dma_start3A_1081] : memref<200x6400xf32, #tpu.memory_space<vmem>> -> memref<40x6400xf32, #tpu.memory_space<vmem>>
    tpu.enqueue_dma source(%dma_start3A_1082 : memref<40x6400xf32, #tpu.memory_space<vmem>>) target(%dma_start3A_1079 : memref<40x6400xf32, #tpu.memory_space<any>>) target_semaphore(%dma_start3A_1075 : memref<!tpu.dma_semaphore, #tpu.memory_space<semaphore_mem>>)
    %dma_start3A_1083 = arith.constant 8 : i32
    %dma_start3A_1084 = arith.constant 8 : i32
    %dma_start3A_1085 = tpu.memref_slice %arg4[%dma_start3A_1084] : memref<16x!tpu.dma_semaphore, #tpu.memory_space<semaphore_mem>> -> memref<1x!tpu.dma_semaphore, #tpu.memory_space<semaphore_mem>>
    %dma_start3A_1086 = tpu.memref_squeeze %dma_start3A_1085 : memref<1x!tpu.dma_semaphore, #tpu.memory_space<semaphore_mem>> -> memref<!tpu.dma_semaphore, #tpu.memory_space<semaphore_mem>>
    %dma_start3A_1087 = arith.constant 40 : i32
    %dma_start3A_1088 = arith.constant 0 : i32
    %dma_start3A_1089 = tpu.memref_slice %arg1[%dma_start3A_1083, %dma_start3A_1087, %dma_start3A_1088] : memref<16x200x6400xf32, #tpu.memory_space<any>> -> memref<1x40x6400xf32, #tpu.memory_space<any>>
    %dma_start3A_1090 = tpu.memref_squeeze %dma_start3A_1089 : memref<1x40x6400xf32, #tpu.memory_space<any>> -> memref<40x6400xf32, #tpu.memory_space<any>>
    %dma_start3A_1091 = arith.constant 40 : i32
    %dma_start3A_1092 = arith.constant 0 : i32
    %dma_start3A_1093 = tpu.memref_slice %arg2[%dma_start3A_1091, %dma_start3A_1092] : memref<200x6400xf32, #tpu.memory_space<vmem>> -> memref<40x6400xf32, #tpu.memory_space<vmem>>
    tpu.enqueue_dma source(%dma_start3A_1093 : memref<40x6400xf32, #tpu.memory_space<vmem>>) target(%dma_start3A_1090 : memref<40x6400xf32, #tpu.memory_space<any>>) target_semaphore(%dma_start3A_1086 : memref<!tpu.dma_semaphore, #tpu.memory_space<semaphore_mem>>)
    %dma_start3A_1094 = arith.constant 9 : i32
    %dma_start3A_1095 = arith.constant 9 : i32
    %dma_start3A_1096 = tpu.memref_slice %arg4[%dma_start3A_1095] : memref<16x!tpu.dma_semaphore, #tpu.memory_space<semaphore_mem>> -> memref<1x!tpu.dma_semaphore, #tpu.memory_space<semaphore_mem>>
    %dma_start3A_1097 = tpu.memref_squeeze %dma_start3A_1096 : memref<1x!tpu.dma_semaphore, #tpu.memory_space<semaphore_mem>> -> memref<!tpu.dma_semaphore, #tpu.memory_space<semaphore_mem>>
    %dma_start3A_1098 = arith.constant 40 : i32
    %dma_start3A_1099 = arith.constant 0 : i32
    %dma_start3A_1100 = tpu.memref_slice %arg1[%dma_start3A_1094, %dma_start3A_1098, %dma_start3A_1099] : memref<16x200x6400xf32, #tpu.memory_space<any>> -> memref<1x40x6400xf32, #tpu.memory_space<any>>
    %dma_start3A_1101 = tpu.memref_squeeze %dma_start3A_1100 : memref<1x40x6400xf32, #tpu.memory_space<any>> -> memref<40x6400xf32, #tpu.memory_space<any>>
    %dma_start3A_1102 = arith.constant 40 : i32
    %dma_start3A_1103 = arith.constant 0 : i32
    %dma_start3A_1104 = tpu.memref_slice %arg2[%dma_start3A_1102, %dma_start3A_1103] : memref<200x6400xf32, #tpu.memory_space<vmem>> -> memref<40x6400xf32, #tpu.memory_space<vmem>>
    tpu.enqueue_dma source(%dma_start3A_1104 : memref<40x6400xf32, #tpu.memory_space<vmem>>) target(%dma_start3A_1101 : memref<40x6400xf32, #tpu.memory_space<any>>) target_semaphore(%dma_start3A_1097 : memref<!tpu.dma_semaphore, #tpu.memory_space<semaphore_mem>>)
    %dma_start3A_1105 = arith.constant 10 : i32
    %dma_start3A_1106 = arith.constant 10 : i32
    %dma_start3A_1107 = tpu.memref_slice %arg4[%dma_start3A_1106] : memref<16x!tpu.dma_semaphore, #tpu.memory_space<semaphore_mem>> -> memref<1x!tpu.dma_semaphore, #tpu.memory_space<semaphore_mem>>
    %dma_start3A_1108 = tpu.memref_squeeze %dma_start3A_1107 : memref<1x!tpu.dma_semaphore, #tpu.memory_space<semaphore_mem>> -> memref<!tpu.dma_semaphore, #tpu.memory_space<semaphore_mem>>
    %dma_start3A_1109 = arith.constant 40 : i32
    %dma_start3A_1110 = arith.constant 0 : i32
    %dma_start3A_1111 = tpu.memref_slice %arg1[%dma_start3A_1105, %dma_start3A_1109, %dma_start3A_1110] : memref<16x200x6400xf32, #tpu.memory_space<any>> -> memref<1x40x6400xf32, #tpu.memory_space<any>>
    %dma_start3A_1112 = tpu.memref_squeeze %dma_start3A_1111 : memref<1x40x6400xf32, #tpu.memory_space<any>> -> memref<40x6400xf32, #tpu.memory_space<any>>
    %dma_start3A_1113 = arith.constant 40 : i32
    %dma_start3A_1114 = arith.constant 0 : i32
    %dma_start3A_1115 = tpu.memref_slice %arg2[%dma_start3A_1113, %dma_start3A_1114] : memref<200x6400xf32, #tpu.memory_space<vmem>> -> memref<40x6400xf32, #tpu.memory_space<vmem>>
    tpu.enqueue_dma source(%dma_start3A_1115 : memref<40x6400xf32, #tpu.memory_space<vmem>>) target(%dma_start3A_1112 : memref<40x6400xf32, #tpu.memory_space<any>>) target_semaphore(%dma_start3A_1108 : memref<!tpu.dma_semaphore, #tpu.memory_space<semaphore_mem>>)
    %dma_start3A_1116 = arith.constant 11 : i32
    %dma_start3A_1117 = arith.constant 11 : i32
    %dma_start3A_1118 = tpu.memref_slice %arg4[%dma_start3A_1117] : memref<16x!tpu.dma_semaphore, #tpu.memory_space<semaphore_mem>> -> memref<1x!tpu.dma_semaphore, #tpu.memory_space<semaphore_mem>>
    %dma_start3A_1119 = tpu.memref_squeeze %dma_start3A_1118 : memref<1x!tpu.dma_semaphore, #tpu.memory_space<semaphore_mem>> -> memref<!tpu.dma_semaphore, #tpu.memory_space<semaphore_mem>>
    %dma_start3A_1120 = arith.constant 40 : i32
    %dma_start3A_1121 = arith.constant 0 : i32
    %dma_start3A_1122 = tpu.memref_slice %arg1[%dma_start3A_1116, %dma_start3A_1120, %dma_start3A_1121] : memref<16x200x6400xf32, #tpu.memory_space<any>> -> memref<1x40x6400xf32, #tpu.memory_space<any>>
    %dma_start3A_1123 = tpu.memref_squeeze %dma_start3A_1122 : memref<1x40x6400xf32, #tpu.memory_space<any>> -> memref<40x6400xf32, #tpu.memory_space<any>>
    %dma_start3A_1124 = arith.constant 40 : i32
    %dma_start3A_1125 = arith.constant 0 : i32
    %dma_start3A_1126 = tpu.memref_slice %arg2[%dma_start3A_1124, %dma_start3A_1125] : memref<200x6400xf32, #tpu.memory_space<vmem>> -> memref<40x6400xf32, #tpu.memory_space<vmem>>
    tpu.enqueue_dma source(%dma_start3A_1126 : memref<40x6400xf32, #tpu.memory_space<vmem>>) target(%dma_start3A_1123 : memref<40x6400xf32, #tpu.memory_space<any>>) target_semaphore(%dma_start3A_1119 : memref<!tpu.dma_semaphore, #tpu.memory_space<semaphore_mem>>)
    %dma_start3A_1127 = arith.constant 12 : i32
    %dma_start3A_1128 = arith.constant 12 : i32
    %dma_start3A_1129 = tpu.memref_slice %arg4[%dma_start3A_1128] : memref<16x!tpu.dma_semaphore, #tpu.memory_space<semaphore_mem>> -> memref<1x!tpu.dma_semaphore, #tpu.memory_space<semaphore_mem>>
    %dma_start3A_1130 = tpu.memref_squeeze %dma_start3A_1129 : memref<1x!tpu.dma_semaphore, #tpu.memory_space<semaphore_mem>> -> memref<!tpu.dma_semaphore, #tpu.memory_space<semaphore_mem>>
    %dma_start3A_1131 = arith.constant 40 : i32
    %dma_start3A_1132 = arith.constant 0 : i32
    %dma_start3A_1133 = tpu.memref_slice %arg1[%dma_start3A_1127, %dma_start3A_1131, %dma_start3A_1132] : memref<16x200x6400xf32, #tpu.memory_space<any>> -> memref<1x40x6400xf32, #tpu.memory_space<any>>
    %dma_start3A_1134 = tpu.memref_squeeze %dma_start3A_1133 : memref<1x40x6400xf32, #tpu.memory_space<any>> -> memref<40x6400xf32, #tpu.memory_space<any>>
    %dma_start3A_1135 = arith.constant 40 : i32
    %dma_start3A_1136 = arith.constant 0 : i32
    %dma_start3A_1137 = tpu.memref_slice %arg2[%dma_start3A_1135, %dma_start3A_1136] : memref<200x6400xf32, #tpu.memory_space<vmem>> -> memref<40x6400xf32, #tpu.memory_space<vmem>>
    tpu.enqueue_dma source(%dma_start3A_1137 : memref<40x6400xf32, #tpu.memory_space<vmem>>) target(%dma_start3A_1134 : memref<40x6400xf32, #tpu.memory_space<any>>) target_semaphore(%dma_start3A_1130 : memref<!tpu.dma_semaphore, #tpu.memory_space<semaphore_mem>>)
    %dma_start3A_1138 = arith.constant 13 : i32
    %dma_start3A_1139 = arith.constant 13 : i32
    %dma_start3A_1140 = tpu.memref_slice %arg4[%dma_start3A_1139] : memref<16x!tpu.dma_semaphore, #tpu.memory_space<semaphore_mem>> -> memref<1x!tpu.dma_semaphore, #tpu.memory_space<semaphore_mem>>
    %dma_start3A_1141 = tpu.memref_squeeze %dma_start3A_1140 : memref<1x!tpu.dma_semaphore, #tpu.memory_space<semaphore_mem>> -> memref<!tpu.dma_semaphore, #tpu.memory_space<semaphore_mem>>
    %dma_start3A_1142 = arith.constant 40 : i32
    %dma_start3A_1143 = arith.constant 0 : i32
    %dma_start3A_1144 = tpu.memref_slice %arg1[%dma_start3A_1138, %dma_start3A_1142, %dma_start3A_1143] : memref<16x200x6400xf32, #tpu.memory_space<any>> -> memref<1x40x6400xf32, #tpu.memory_space<any>>
    %dma_start3A_1145 = tpu.memref_squeeze %dma_start3A_1144 : memref<1x40x6400xf32, #tpu.memory_space<any>> -> memref<40x6400xf32, #tpu.memory_space<any>>
    %dma_start3A_1146 = arith.constant 40 : i32
    %dma_start3A_1147 = arith.constant 0 : i32
    %dma_start3A_1148 = tpu.memref_slice %arg2[%dma_start3A_1146, %dma_start3A_1147] : memref<200x6400xf32, #tpu.memory_space<vmem>> -> memref<40x6400xf32, #tpu.memory_space<vmem>>
    tpu.enqueue_dma source(%dma_start3A_1148 : memref<40x6400xf32, #tpu.memory_space<vmem>>) target(%dma_start3A_1145 : memref<40x6400xf32, #tpu.memory_space<any>>) target_semaphore(%dma_start3A_1141 : memref<!tpu.dma_semaphore, #tpu.memory_space<semaphore_mem>>)
    %dma_start3A_1149 = arith.constant 14 : i32
    %dma_start3A_1150 = arith.constant 14 : i32
    %dma_start3A_1151 = tpu.memref_slice %arg4[%dma_start3A_1150] : memref<16x!tpu.dma_semaphore, #tpu.memory_space<semaphore_mem>> -> memref<1x!tpu.dma_semaphore, #tpu.memory_space<semaphore_mem>>
    %dma_start3A_1152 = tpu.memref_squeeze %dma_start3A_1151 : memref<1x!tpu.dma_semaphore, #tpu.memory_space<semaphore_mem>> -> memref<!tpu.dma_semaphore, #tpu.memory_space<semaphore_mem>>
    %dma_start3A_1153 = arith.constant 40 : i32
    %dma_start3A_1154 = arith.constant 0 : i32
    %dma_start3A_1155 = tpu.memref_slice %arg1[%dma_start3A_1149, %dma_start3A_1153, %dma_start3A_1154] : memref<16x200x6400xf32, #tpu.memory_space<any>> -> memref<1x40x6400xf32, #tpu.memory_space<any>>
    %dma_start3A_1156 = tpu.memref_squeeze %dma_start3A_1155 : memref<1x40x6400xf32, #tpu.memory_space<any>> -> memref<40x6400xf32, #tpu.memory_space<any>>
    %dma_start3A_1157 = arith.constant 40 : i32
    %dma_start3A_1158 = arith.constant 0 : i32
    %dma_start3A_1159 = tpu.memref_slice %arg2[%dma_start3A_1157, %dma_start3A_1158] : memref<200x6400xf32, #tpu.memory_space<vmem>> -> memref<40x6400xf32, #tpu.memory_space<vmem>>
    tpu.enqueue_dma source(%dma_start3A_1159 : memref<40x6400xf32, #tpu.memory_space<vmem>>) target(%dma_start3A_1156 : memref<40x6400xf32, #tpu.memory_space<any>>) target_semaphore(%dma_start3A_1152 : memref<!tpu.dma_semaphore, #tpu.memory_space<semaphore_mem>>)
    %dma_start3A_1160 = arith.constant 15 : i32
    %dma_start3A_1161 = arith.constant 15 : i32
    %dma_start3A_1162 = tpu.memref_slice %arg4[%dma_start3A_1161] : memref<16x!tpu.dma_semaphore, #tpu.memory_space<semaphore_mem>> -> memref<1x!tpu.dma_semaphore, #tpu.memory_space<semaphore_mem>>
    %dma_start3A_1163 = tpu.memref_squeeze %dma_start3A_1162 : memref<1x!tpu.dma_semaphore, #tpu.memory_space<semaphore_mem>> -> memref<!tpu.dma_semaphore, #tpu.memory_space<semaphore_mem>>
    %dma_start3A_1164 = arith.constant 40 : i32
    %dma_start3A_1165 = arith.constant 0 : i32
    %dma_start3A_1166 = tpu.memref_slice %arg1[%dma_start3A_1160, %dma_start3A_1164, %dma_start3A_1165] : memref<16x200x6400xf32, #tpu.memory_space<any>> -> memref<1x40x6400xf32, #tpu.memory_space<any>>
    %dma_start3A_1167 = tpu.memref_squeeze %dma_start3A_1166 : memref<1x40x6400xf32, #tpu.memory_space<any>> -> memref<40x6400xf32, #tpu.memory_space<any>>
    %dma_start3A_1168 = arith.constant 40 : i32
    %dma_start3A_1169 = arith.constant 0 : i32
    %dma_start3A_1170 = tpu.memref_slice %arg2[%dma_start3A_1168, %dma_start3A_1169] : memref<200x6400xf32, #tpu.memory_space<vmem>> -> memref<40x6400xf32, #tpu.memory_space<vmem>>
    tpu.enqueue_dma source(%dma_start3A_1170 : memref<40x6400xf32, #tpu.memory_space<vmem>>) target(%dma_start3A_1167 : memref<40x6400xf32, #tpu.memory_space<any>>) target_semaphore(%dma_start3A_1163 : memref<!tpu.dma_semaphore, #tpu.memory_space<semaphore_mem>>)
    %get3A_1171 = arith.constant 80 : index
    %get3A_1172 = arith.constant 0 : index
    %get3A_1173 = vector.load %arg3[%get3A_1171, %get3A_1172] : memref<200x128xf32, #tpu.memory_space<vmem>>, vector<40x128xf32>
    %get3A_1174 = arith.constant 0 : index
    %get3A_1175 = arith.constant 0 : index
    %get3A_1176 = vector.load %arg0[%get3A_1174, %get3A_1175] : memref<1x6400xf32, #tpu.memory_space<vmem>>, vector<1x128xf32>
    %add3A_1177 = vector.broadcast %get3A_1176 : vector<1x128xf32> to vector<40x128xf32>
    %add3A_1178 = arith.addf %add3A_1177, %get3A_1173 : vector<40x128xf32>
    %swap3A_1179 = arith.constant 80 : index
    %swap3A_1180 = arith.constant 0 : index
    %swap3A_1181 = vector.load %arg2[%swap3A_1179, %swap3A_1180] : memref<200x6400xf32, #tpu.memory_space<vmem>>, vector<40x128xf32>
    tpu.vector_store %arg2[%swap3A_1179, %swap3A_1180], %add3A_1178 {strides = array<i32>} : memref<200x6400xf32, #tpu.memory_space<vmem>>, vector<40x128xf32>,
    %get3A_1182 = arith.constant 0 : index
    %get3A_1183 = arith.constant 128 : index
    %get3A_1184 = vector.load %arg0[%get3A_1182, %get3A_1183] : memref<1x6400xf32, #tpu.memory_space<vmem>>, vector<1x128xf32>
    %add3A_1185 = vector.broadcast %get3A_1184 : vector<1x128xf32> to vector<40x128xf32>
    %add3A_1186 = arith.addf %add3A_1185, %get3A_1173 : vector<40x128xf32>
    %swap3A_1187 = arith.constant 80 : index
    %swap3A_1188 = arith.constant 128 : index
    %swap3A_1189 = vector.load %arg2[%swap3A_1187, %swap3A_1188] : memref<200x6400xf32, #tpu.memory_space<vmem>>, vector<40x128xf32>
    tpu.vector_store %arg2[%swap3A_1187, %swap3A_1188], %add3A_1186 {strides = array<i32>} : memref<200x6400xf32, #tpu.memory_space<vmem>>, vector<40x128xf32>,
    %get3A_1190 = arith.constant 0 : index
    %get3A_1191 = arith.constant 256 : index
    %get3A_1192 = vector.load %arg0[%get3A_1190, %get3A_1191] : memref<1x6400xf32, #tpu.memory_space<vmem>>, vector<1x128xf32>
    %add3A_1193 = vector.broadcast %get3A_1192 : vector<1x128xf32> to vector<40x128xf32>
    %add3A_1194 = arith.addf %add3A_1193, %get3A_1173 : vector<40x128xf32>
    %swap3A_1195 = arith.constant 80 : index
    %swap3A_1196 = arith.constant 256 : index
    %swap3A_1197 = vector.load %arg2[%swap3A_1195, %swap3A_1196] : memref<200x6400xf32, #tpu.memory_space<vmem>>, vector<40x128xf32>
    tpu.vector_store %arg2[%swap3A_1195, %swap3A_1196], %add3A_1194 {strides = array<i32>} : memref<200x6400xf32, #tpu.memory_space<vmem>>, vector<40x128xf32>,
    %get3A_1198 = arith.constant 0 : index
    %get3A_1199 = arith.constant 384 : index
    %get3A_1200 = vector.load %arg0[%get3A_1198, %get3A_1199] : memref<1x6400xf32, #tpu.memory_space<vmem>>, vector<1x128xf32>
    %add3A_1201 = vector.broadcast %get3A_1200 : vector<1x128xf32> to vector<40x128xf32>
    %add3A_1202 = arith.addf %add3A_1201, %get3A_1173 : vector<40x128xf32>
    %swap3A_1203 = arith.constant 80 : index
    %swap3A_1204 = arith.constant 384 : index
    %swap3A_1205 = vector.load %arg2[%swap3A_1203, %swap3A_1204] : memref<200x6400xf32, #tpu.memory_space<vmem>>, vector<40x128xf32>
    tpu.vector_store %arg2[%swap3A_1203, %swap3A_1204], %add3A_1202 {strides = array<i32>} : memref<200x6400xf32, #tpu.memory_space<vmem>>, vector<40x128xf32>,
    %get3A_1206 = arith.constant 0 : index
    %get3A_1207 = arith.constant 512 : index
    %get3A_1208 = vector.load %arg0[%get3A_1206, %get3A_1207] : memref<1x6400xf32, #tpu.memory_space<vmem>>, vector<1x128xf32>
    %add3A_1209 = vector.broadcast %get3A_1208 : vector<1x128xf32> to vector<40x128xf32>
    %add3A_1210 = arith.addf %add3A_1209, %get3A_1173 : vector<40x128xf32>
    %swap3A_1211 = arith.constant 80 : index
    %swap3A_1212 = arith.constant 512 : index
    %swap3A_1213 = vector.load %arg2[%swap3A_1211, %swap3A_1212] : memref<200x6400xf32, #tpu.memory_space<vmem>>, vector<40x128xf32>
    tpu.vector_store %arg2[%swap3A_1211, %swap3A_1212], %add3A_1210 {strides = array<i32>} : memref<200x6400xf32, #tpu.memory_space<vmem>>, vector<40x128xf32>,
    %get3A_1214 = arith.constant 0 : index
    %get3A_1215 = arith.constant 640 : index
    %get3A_1216 = vector.load %arg0[%get3A_1214, %get3A_1215] : memref<1x6400xf32, #tpu.memory_space<vmem>>, vector<1x128xf32>
    %add3A_1217 = vector.broadcast %get3A_1216 : vector<1x128xf32> to vector<40x128xf32>
    %add3A_1218 = arith.addf %add3A_1217, %get3A_1173 : vector<40x128xf32>
    %swap3A_1219 = arith.constant 80 : index
    %swap3A_1220 = arith.constant 640 : index
    %swap3A_1221 = vector.load %arg2[%swap3A_1219, %swap3A_1220] : memref<200x6400xf32, #tpu.memory_space<vmem>>, vector<40x128xf32>
    tpu.vector_store %arg2[%swap3A_1219, %swap3A_1220], %add3A_1218 {strides = array<i32>} : memref<200x6400xf32, #tpu.memory_space<vmem>>, vector<40x128xf32>,
    %get3A_1222 = arith.constant 0 : index
    %get3A_1223 = arith.constant 768 : index
    %get3A_1224 = vector.load %arg0[%get3A_1222, %get3A_1223] : memref<1x6400xf32, #tpu.memory_space<vmem>>, vector<1x128xf32>
    %add3A_1225 = vector.broadcast %get3A_1224 : vector<1x128xf32> to vector<40x128xf32>
    %add3A_1226 = arith.addf %add3A_1225, %get3A_1173 : vector<40x128xf32>
    %swap3A_1227 = arith.constant 80 : index
    %swap3A_1228 = arith.constant 768 : index
    %swap3A_1229 = vector.load %arg2[%swap3A_1227, %swap3A_1228] : memref<200x6400xf32, #tpu.memory_space<vmem>>, vector<40x128xf32>
    tpu.vector_store %arg2[%swap3A_1227, %swap3A_1228], %add3A_1226 {strides = array<i32>} : memref<200x6400xf32, #tpu.memory_space<vmem>>, vector<40x128xf32>,
    %get3A_1230 = arith.constant 0 : index
    %get3A_1231 = arith.constant 896 : index
    %get3A_1232 = vector.load %arg0[%get3A_1230, %get3A_1231] : memref<1x6400xf32, #tpu.memory_space<vmem>>, vector<1x128xf32>
    %add3A_1233 = vector.broadcast %get3A_1232 : vector<1x128xf32> to vector<40x128xf32>
    %add3A_1234 = arith.addf %add3A_1233, %get3A_1173 : vector<40x128xf32>
    %swap3A_1235 = arith.constant 80 : index
    %swap3A_1236 = arith.constant 896 : index
    %swap3A_1237 = vector.load %arg2[%swap3A_1235, %swap3A_1236] : memref<200x6400xf32, #tpu.memory_space<vmem>>, vector<40x128xf32>
    tpu.vector_store %arg2[%swap3A_1235, %swap3A_1236], %add3A_1234 {strides = array<i32>} : memref<200x6400xf32, #tpu.memory_space<vmem>>, vector<40x128xf32>,
    %get3A_1238 = arith.constant 0 : index
    %get3A_1239 = arith.constant 1024 : index
    %get3A_1240 = vector.load %arg0[%get3A_1238, %get3A_1239] : memref<1x6400xf32, #tpu.memory_space<vmem>>, vector<1x128xf32>
    %add3A_1241 = vector.broadcast %get3A_1240 : vector<1x128xf32> to vector<40x128xf32>
    %add3A_1242 = arith.addf %add3A_1241, %get3A_1173 : vector<40x128xf32>
    %swap3A_1243 = arith.constant 80 : index
    %swap3A_1244 = arith.constant 1024 : index
    %swap3A_1245 = vector.load %arg2[%swap3A_1243, %swap3A_1244] : memref<200x6400xf32, #tpu.memory_space<vmem>>, vector<40x128xf32>
    tpu.vector_store %arg2[%swap3A_1243, %swap3A_1244], %add3A_1242 {strides = array<i32>} : memref<200x6400xf32, #tpu.memory_space<vmem>>, vector<40x128xf32>,
    %get3A_1246 = arith.constant 0 : index
    %get3A_1247 = arith.constant 1152 : index
    %get3A_1248 = vector.load %arg0[%get3A_1246, %get3A_1247] : memref<1x6400xf32, #tpu.memory_space<vmem>>, vector<1x128xf32>
    %add3A_1249 = vector.broadcast %get3A_1248 : vector<1x128xf32> to vector<40x128xf32>
    %add3A_1250 = arith.addf %add3A_1249, %get3A_1173 : vector<40x128xf32>
    %swap3A_1251 = arith.constant 80 : index
    %swap3A_1252 = arith.constant 1152 : index
    %swap3A_1253 = vector.load %arg2[%swap3A_1251, %swap3A_1252] : memref<200x6400xf32, #tpu.memory_space<vmem>>, vector<40x128xf32>
    tpu.vector_store %arg2[%swap3A_1251, %swap3A_1252], %add3A_1250 {strides = array<i32>} : memref<200x6400xf32, #tpu.memory_space<vmem>>, vector<40x128xf32>,
    %get3A_1254 = arith.constant 0 : index
    %get3A_1255 = arith.constant 1280 : index
    %get3A_1256 = vector.load %arg0[%get3A_1254, %get3A_1255] : memref<1x6400xf32, #tpu.memory_space<vmem>>, vector<1x128xf32>
    %add3A_1257 = vector.broadcast %get3A_1256 : vector<1x128xf32> to vector<40x128xf32>
    %add3A_1258 = arith.addf %add3A_1257, %get3A_1173 : vector<40x128xf32>
    %swap3A_1259 = arith.constant 80 : index
    %swap3A_1260 = arith.constant 1280 : index
    %swap3A_1261 = vector.load %arg2[%swap3A_1259, %swap3A_1260] : memref<200x6400xf32, #tpu.memory_space<vmem>>, vector<40x128xf32>
    tpu.vector_store %arg2[%swap3A_1259, %swap3A_1260], %add3A_1258 {strides = array<i32>} : memref<200x6400xf32, #tpu.memory_space<vmem>>, vector<40x128xf32>,
    %get3A_1262 = arith.constant 0 : index
    %get3A_1263 = arith.constant 1408 : index
    %get3A_1264 = vector.load %arg0[%get3A_1262, %get3A_1263] : memref<1x6400xf32, #tpu.memory_space<vmem>>, vector<1x128xf32>
    %add3A_1265 = vector.broadcast %get3A_1264 : vector<1x128xf32> to vector<40x128xf32>
    %add3A_1266 = arith.addf %add3A_1265, %get3A_1173 : vector<40x128xf32>
    %swap3A_1267 = arith.constant 80 : index
    %swap3A_1268 = arith.constant 1408 : index
    %swap3A_1269 = vector.load %arg2[%swap3A_1267, %swap3A_1268] : memref<200x6400xf32, #tpu.memory_space<vmem>>, vector<40x128xf32>
    tpu.vector_store %arg2[%swap3A_1267, %swap3A_1268], %add3A_1266 {strides = array<i32>} : memref<200x6400xf32, #tpu.memory_space<vmem>>, vector<40x128xf32>,
    %get3A_1270 = arith.constant 0 : index
    %get3A_1271 = arith.constant 1536 : index
    %get3A_1272 = vector.load %arg0[%get3A_1270, %get3A_1271] : memref<1x6400xf32, #tpu.memory_space<vmem>>, vector<1x128xf32>
    %add3A_1273 = vector.broadcast %get3A_1272 : vector<1x128xf32> to vector<40x128xf32>
    %add3A_1274 = arith.addf %add3A_1273, %get3A_1173 : vector<40x128xf32>
    %swap3A_1275 = arith.constant 80 : index
    %swap3A_1276 = arith.constant 1536 : index
    %swap3A_1277 = vector.load %arg2[%swap3A_1275, %swap3A_1276] : memref<200x6400xf32, #tpu.memory_space<vmem>>, vector<40x128xf32>
    tpu.vector_store %arg2[%swap3A_1275, %swap3A_1276], %add3A_1274 {strides = array<i32>} : memref<200x6400xf32, #tpu.memory_space<vmem>>, vector<40x128xf32>,
    %get3A_1278 = arith.constant 0 : index
    %get3A_1279 = arith.constant 1664 : index
    %get3A_1280 = vector.load %arg0[%get3A_1278, %get3A_1279] : memref<1x6400xf32, #tpu.memory_space<vmem>>, vector<1x128xf32>
    %add3A_1281 = vector.broadcast %get3A_1280 : vector<1x128xf32> to vector<40x128xf32>
    %add3A_1282 = arith.addf %add3A_1281, %get3A_1173 : vector<40x128xf32>
    %swap3A_1283 = arith.constant 80 : index
    %swap3A_1284 = arith.constant 1664 : index
    %swap3A_1285 = vector.load %arg2[%swap3A_1283, %swap3A_1284] : memref<200x6400xf32, #tpu.memory_space<vmem>>, vector<40x128xf32>
    tpu.vector_store %arg2[%swap3A_1283, %swap3A_1284], %add3A_1282 {strides = array<i32>} : memref<200x6400xf32, #tpu.memory_space<vmem>>, vector<40x128xf32>,
    %get3A_1286 = arith.constant 0 : index
    %get3A_1287 = arith.constant 1792 : index
    %get3A_1288 = vector.load %arg0[%get3A_1286, %get3A_1287] : memref<1x6400xf32, #tpu.memory_space<vmem>>, vector<1x128xf32>
    %add3A_1289 = vector.broadcast %get3A_1288 : vector<1x128xf32> to vector<40x128xf32>
    %add3A_1290 = arith.addf %add3A_1289, %get3A_1173 : vector<40x128xf32>
    %swap3A_1291 = arith.constant 80 : index
    %swap3A_1292 = arith.constant 1792 : index
    %swap3A_1293 = vector.load %arg2[%swap3A_1291, %swap3A_1292] : memref<200x6400xf32, #tpu.memory_space<vmem>>, vector<40x128xf32>
    tpu.vector_store %arg2[%swap3A_1291, %swap3A_1292], %add3A_1290 {strides = array<i32>} : memref<200x6400xf32, #tpu.memory_space<vmem>>, vector<40x128xf32>,
    %get3A_1294 = arith.constant 0 : index
    %get3A_1295 = arith.constant 1920 : index
    %get3A_1296 = vector.load %arg0[%get3A_1294, %get3A_1295] : memref<1x6400xf32, #tpu.memory_space<vmem>>, vector<1x128xf32>
    %add3A_1297 = vector.broadcast %get3A_1296 : vector<1x128xf32> to vector<40x128xf32>
    %add3A_1298 = arith.addf %add3A_1297, %get3A_1173 : vector<40x128xf32>
    %swap3A_1299 = arith.constant 80 : index
    %swap3A_1300 = arith.constant 1920 : index
    %swap3A_1301 = vector.load %arg2[%swap3A_1299, %swap3A_1300] : memref<200x6400xf32, #tpu.memory_space<vmem>>, vector<40x128xf32>
    tpu.vector_store %arg2[%swap3A_1299, %swap3A_1300], %add3A_1298 {strides = array<i32>} : memref<200x6400xf32, #tpu.memory_space<vmem>>, vector<40x128xf32>,
    %get3A_1302 = arith.constant 0 : index
    %get3A_1303 = arith.constant 2048 : index
    %get3A_1304 = vector.load %arg0[%get3A_1302, %get3A_1303] : memref<1x6400xf32, #tpu.memory_space<vmem>>, vector<1x128xf32>
    %add3A_1305 = vector.broadcast %get3A_1304 : vector<1x128xf32> to vector<40x128xf32>
    %add3A_1306 = arith.addf %add3A_1305, %get3A_1173 : vector<40x128xf32>
    %swap3A_1307 = arith.constant 80 : index
    %swap3A_1308 = arith.constant 2048 : index
    %swap3A_1309 = vector.load %arg2[%swap3A_1307, %swap3A_1308] : memref<200x6400xf32, #tpu.memory_space<vmem>>, vector<40x128xf32>
    tpu.vector_store %arg2[%swap3A_1307, %swap3A_1308], %add3A_1306 {strides = array<i32>} : memref<200x6400xf32, #tpu.memory_space<vmem>>, vector<40x128xf32>,
    %get3A_1310 = arith.constant 0 : index
    %get3A_1311 = arith.constant 2176 : index
    %get3A_1312 = vector.load %arg0[%get3A_1310, %get3A_1311] : memref<1x6400xf32, #tpu.memory_space<vmem>>, vector<1x128xf32>
    %add3A_1313 = vector.broadcast %get3A_1312 : vector<1x128xf32> to vector<40x128xf32>
    %add3A_1314 = arith.addf %add3A_1313, %get3A_1173 : vector<40x128xf32>
    %swap3A_1315 = arith.constant 80 : index
    %swap3A_1316 = arith.constant 2176 : index
    %swap3A_1317 = vector.load %arg2[%swap3A_1315, %swap3A_1316] : memref<200x6400xf32, #tpu.memory_space<vmem>>, vector<40x128xf32>
    tpu.vector_store %arg2[%swap3A_1315, %swap3A_1316], %add3A_1314 {strides = array<i32>} : memref<200x6400xf32, #tpu.memory_space<vmem>>, vector<40x128xf32>,
    %get3A_1318 = arith.constant 0 : index
    %get3A_1319 = arith.constant 2304 : index
    %get3A_1320 = vector.load %arg0[%get3A_1318, %get3A_1319] : memref<1x6400xf32, #tpu.memory_space<vmem>>, vector<1x128xf32>
    %add3A_1321 = vector.broadcast %get3A_1320 : vector<1x128xf32> to vector<40x128xf32>
    %add3A_1322 = arith.addf %add3A_1321, %get3A_1173 : vector<40x128xf32>
    %swap3A_1323 = arith.constant 80 : index
    %swap3A_1324 = arith.constant 2304 : index
    %swap3A_1325 = vector.load %arg2[%swap3A_1323, %swap3A_1324] : memref<200x6400xf32, #tpu.memory_space<vmem>>, vector<40x128xf32>
    tpu.vector_store %arg2[%swap3A_1323, %swap3A_1324], %add3A_1322 {strides = array<i32>} : memref<200x6400xf32, #tpu.memory_space<vmem>>, vector<40x128xf32>,
    %get3A_1326 = arith.constant 0 : index
    %get3A_1327 = arith.constant 2432 : index
    %get3A_1328 = vector.load %arg0[%get3A_1326, %get3A_1327] : memref<1x6400xf32, #tpu.memory_space<vmem>>, vector<1x128xf32>
    %add3A_1329 = vector.broadcast %get3A_1328 : vector<1x128xf32> to vector<40x128xf32>
    %add3A_1330 = arith.addf %add3A_1329, %get3A_1173 : vector<40x128xf32>
    %swap3A_1331 = arith.constant 80 : index
    %swap3A_1332 = arith.constant 2432 : index
    %swap3A_1333 = vector.load %arg2[%swap3A_1331, %swap3A_1332] : memref<200x6400xf32, #tpu.memory_space<vmem>>, vector<40x128xf32>
    tpu.vector_store %arg2[%swap3A_1331, %swap3A_1332], %add3A_1330 {strides = array<i32>} : memref<200x6400xf32, #tpu.memory_space<vmem>>, vector<40x128xf32>,
    %get3A_1334 = arith.constant 0 : index
    %get3A_1335 = arith.constant 2560 : index
    %get3A_1336 = vector.load %arg0[%get3A_1334, %get3A_1335] : memref<1x6400xf32, #tpu.memory_space<vmem>>, vector<1x128xf32>
    %add3A_1337 = vector.broadcast %get3A_1336 : vector<1x128xf32> to vector<40x128xf32>
    %add3A_1338 = arith.addf %add3A_1337, %get3A_1173 : vector<40x128xf32>
    %swap3A_1339 = arith.constant 80 : index
    %swap3A_1340 = arith.constant 2560 : index
    %swap3A_1341 = vector.load %arg2[%swap3A_1339, %swap3A_1340] : memref<200x6400xf32, #tpu.memory_space<vmem>>, vector<40x128xf32>
    tpu.vector_store %arg2[%swap3A_1339, %swap3A_1340], %add3A_1338 {strides = array<i32>} : memref<200x6400xf32, #tpu.memory_space<vmem>>, vector<40x128xf32>,
    %get3A_1342 = arith.constant 0 : index
    %get3A_1343 = arith.constant 2688 : index
    %get3A_1344 = vector.load %arg0[%get3A_1342, %get3A_1343] : memref<1x6400xf32, #tpu.memory_space<vmem>>, vector<1x128xf32>
    %add3A_1345 = vector.broadcast %get3A_1344 : vector<1x128xf32> to vector<40x128xf32>
    %add3A_1346 = arith.addf %add3A_1345, %get3A_1173 : vector<40x128xf32>
    %swap3A_1347 = arith.constant 80 : index
    %swap3A_1348 = arith.constant 2688 : index
    %swap3A_1349 = vector.load %arg2[%swap3A_1347, %swap3A_1348] : memref<200x6400xf32, #tpu.memory_space<vmem>>, vector<40x128xf32>
    tpu.vector_store %arg2[%swap3A_1347, %swap3A_1348], %add3A_1346 {strides = array<i32>} : memref<200x6400xf32, #tpu.memory_space<vmem>>, vector<40x128xf32>,
    %get3A_1350 = arith.constant 0 : index
    %get3A_1351 = arith.constant 2816 : index
    %get3A_1352 = vector.load %arg0[%get3A_1350, %get3A_1351] : memref<1x6400xf32, #tpu.memory_space<vmem>>, vector<1x128xf32>
    %add3A_1353 = vector.broadcast %get3A_1352 : vector<1x128xf32> to vector<40x128xf32>
    %add3A_1354 = arith.addf %add3A_1353, %get3A_1173 : vector<40x128xf32>
    %swap3A_1355 = arith.constant 80 : index
    %swap3A_1356 = arith.constant 2816 : index
    %swap3A_1357 = vector.load %arg2[%swap3A_1355, %swap3A_1356] : memref<200x6400xf32, #tpu.memory_space<vmem>>, vector<40x128xf32>
    tpu.vector_store %arg2[%swap3A_1355, %swap3A_1356], %add3A_1354 {strides = array<i32>} : memref<200x6400xf32, #tpu.memory_space<vmem>>, vector<40x128xf32>,
    %get3A_1358 = arith.constant 0 : index
    %get3A_1359 = arith.constant 2944 : index
    %get3A_1360 = vector.load %arg0[%get3A_1358, %get3A_1359] : memref<1x6400xf32, #tpu.memory_space<vmem>>, vector<1x128xf32>
    %add3A_1361 = vector.broadcast %get3A_1360 : vector<1x128xf32> to vector<40x128xf32>
    %add3A_1362 = arith.addf %add3A_1361, %get3A_1173 : vector<40x128xf32>
    %swap3A_1363 = arith.constant 80 : index
    %swap3A_1364 = arith.constant 2944 : index
    %swap3A_1365 = vector.load %arg2[%swap3A_1363, %swap3A_1364] : memref<200x6400xf32, #tpu.memory_space<vmem>>, vector<40x128xf32>
    tpu.vector_store %arg2[%swap3A_1363, %swap3A_1364], %add3A_1362 {strides = array<i32>} : memref<200x6400xf32, #tpu.memory_space<vmem>>, vector<40x128xf32>,
    %get3A_1366 = arith.constant 0 : index
    %get3A_1367 = arith.constant 3072 : index
    %get3A_1368 = vector.load %arg0[%get3A_1366, %get3A_1367] : memref<1x6400xf32, #tpu.memory_space<vmem>>, vector<1x128xf32>
    %add3A_1369 = vector.broadcast %get3A_1368 : vector<1x128xf32> to vector<40x128xf32>
    %add3A_1370 = arith.addf %add3A_1369, %get3A_1173 : vector<40x128xf32>
    %swap3A_1371 = arith.constant 80 : index
    %swap3A_1372 = arith.constant 3072 : index
    %swap3A_1373 = vector.load %arg2[%swap3A_1371, %swap3A_1372] : memref<200x6400xf32, #tpu.memory_space<vmem>>, vector<40x128xf32>
    tpu.vector_store %arg2[%swap3A_1371, %swap3A_1372], %add3A_1370 {strides = array<i32>} : memref<200x6400xf32, #tpu.memory_space<vmem>>, vector<40x128xf32>,
    %get3A_1374 = arith.constant 0 : index
    %get3A_1375 = arith.constant 3200 : index
    %get3A_1376 = vector.load %arg0[%get3A_1374, %get3A_1375] : memref<1x6400xf32, #tpu.memory_space<vmem>>, vector<1x128xf32>
    %add3A_1377 = vector.broadcast %get3A_1376 : vector<1x128xf32> to vector<40x128xf32>
    %add3A_1378 = arith.addf %add3A_1377, %get3A_1173 : vector<40x128xf32>
    %swap3A_1379 = arith.constant 80 : index
    %swap3A_1380 = arith.constant 3200 : index
    %swap3A_1381 = vector.load %arg2[%swap3A_1379, %swap3A_1380] : memref<200x6400xf32, #tpu.memory_space<vmem>>, vector<40x128xf32>
    tpu.vector_store %arg2[%swap3A_1379, %swap3A_1380], %add3A_1378 {strides = array<i32>} : memref<200x6400xf32, #tpu.memory_space<vmem>>, vector<40x128xf32>,
    %get3A_1382 = arith.constant 0 : index
    %get3A_1383 = arith.constant 3328 : index
    %get3A_1384 = vector.load %arg0[%get3A_1382, %get3A_1383] : memref<1x6400xf32, #tpu.memory_space<vmem>>, vector<1x128xf32>
    %add3A_1385 = vector.broadcast %get3A_1384 : vector<1x128xf32> to vector<40x128xf32>
    %add3A_1386 = arith.addf %add3A_1385, %get3A_1173 : vector<40x128xf32>
    %swap3A_1387 = arith.constant 80 : index
    %swap3A_1388 = arith.constant 3328 : index
    %swap3A_1389 = vector.load %arg2[%swap3A_1387, %swap3A_1388] : memref<200x6400xf32, #tpu.memory_space<vmem>>, vector<40x128xf32>
    tpu.vector_store %arg2[%swap3A_1387, %swap3A_1388], %add3A_1386 {strides = array<i32>} : memref<200x6400xf32, #tpu.memory_space<vmem>>, vector<40x128xf32>,
    %get3A_1390 = arith.constant 0 : index
    %get3A_1391 = arith.constant 3456 : index
    %get3A_1392 = vector.load %arg0[%get3A_1390, %get3A_1391] : memref<1x6400xf32, #tpu.memory_space<vmem>>, vector<1x128xf32>
    %add3A_1393 = vector.broadcast %get3A_1392 : vector<1x128xf32> to vector<40x128xf32>
    %add3A_1394 = arith.addf %add3A_1393, %get3A_1173 : vector<40x128xf32>
    %swap3A_1395 = arith.constant 80 : index
    %swap3A_1396 = arith.constant 3456 : index
    %swap3A_1397 = vector.load %arg2[%swap3A_1395, %swap3A_1396] : memref<200x6400xf32, #tpu.memory_space<vmem>>, vector<40x128xf32>
    tpu.vector_store %arg2[%swap3A_1395, %swap3A_1396], %add3A_1394 {strides = array<i32>} : memref<200x6400xf32, #tpu.memory_space<vmem>>, vector<40x128xf32>,
    %get3A_1398 = arith.constant 0 : index
    %get3A_1399 = arith.constant 3584 : index
    %get3A_1400 = vector.load %arg0[%get3A_1398, %get3A_1399] : memref<1x6400xf32, #tpu.memory_space<vmem>>, vector<1x128xf32>
    %add3A_1401 = vector.broadcast %get3A_1400 : vector<1x128xf32> to vector<40x128xf32>
    %add3A_1402 = arith.addf %add3A_1401, %get3A_1173 : vector<40x128xf32>
    %swap3A_1403 = arith.constant 80 : index
    %swap3A_1404 = arith.constant 3584 : index
    %swap3A_1405 = vector.load %arg2[%swap3A_1403, %swap3A_1404] : memref<200x6400xf32, #tpu.memory_space<vmem>>, vector<40x128xf32>
    tpu.vector_store %arg2[%swap3A_1403, %swap3A_1404], %add3A_1402 {strides = array<i32>} : memref<200x6400xf32, #tpu.memory_space<vmem>>, vector<40x128xf32>,
    %get3A_1406 = arith.constant 0 : index
    %get3A_1407 = arith.constant 3712 : index
    %get3A_1408 = vector.load %arg0[%get3A_1406, %get3A_1407] : memref<1x6400xf32, #tpu.memory_space<vmem>>, vector<1x128xf32>
    %add3A_1409 = vector.broadcast %get3A_1408 : vector<1x128xf32> to vector<40x128xf32>
    %add3A_1410 = arith.addf %add3A_1409, %get3A_1173 : vector<40x128xf32>
    %swap3A_1411 = arith.constant 80 : index
    %swap3A_1412 = arith.constant 3712 : index
    %swap3A_1413 = vector.load %arg2[%swap3A_1411, %swap3A_1412] : memref<200x6400xf32, #tpu.memory_space<vmem>>, vector<40x128xf32>
    tpu.vector_store %arg2[%swap3A_1411, %swap3A_1412], %add3A_1410 {strides = array<i32>} : memref<200x6400xf32, #tpu.memory_space<vmem>>, vector<40x128xf32>,
    %get3A_1414 = arith.constant 0 : index
    %get3A_1415 = arith.constant 3840 : index
    %get3A_1416 = vector.load %arg0[%get3A_1414, %get3A_1415] : memref<1x6400xf32, #tpu.memory_space<vmem>>, vector<1x128xf32>
    %add3A_1417 = vector.broadcast %get3A_1416 : vector<1x128xf32> to vector<40x128xf32>
    %add3A_1418 = arith.addf %add3A_1417, %get3A_1173 : vector<40x128xf32>
    %swap3A_1419 = arith.constant 80 : index
    %swap3A_1420 = arith.constant 3840 : index
    %swap3A_1421 = vector.load %arg2[%swap3A_1419, %swap3A_1420] : memref<200x6400xf32, #tpu.memory_space<vmem>>, vector<40x128xf32>
    tpu.vector_store %arg2[%swap3A_1419, %swap3A_1420], %add3A_1418 {strides = array<i32>} : memref<200x6400xf32, #tpu.memory_space<vmem>>, vector<40x128xf32>,
    %get3A_1422 = arith.constant 0 : index
    %get3A_1423 = arith.constant 3968 : index
    %get3A_1424 = vector.load %arg0[%get3A_1422, %get3A_1423] : memref<1x6400xf32, #tpu.memory_space<vmem>>, vector<1x128xf32>
    %add3A_1425 = vector.broadcast %get3A_1424 : vector<1x128xf32> to vector<40x128xf32>
    %add3A_1426 = arith.addf %add3A_1425, %get3A_1173 : vector<40x128xf32>
    %swap3A_1427 = arith.constant 80 : index
    %swap3A_1428 = arith.constant 3968 : index
    %swap3A_1429 = vector.load %arg2[%swap3A_1427, %swap3A_1428] : memref<200x6400xf32, #tpu.memory_space<vmem>>, vector<40x128xf32>
    tpu.vector_store %arg2[%swap3A_1427, %swap3A_1428], %add3A_1426 {strides = array<i32>} : memref<200x6400xf32, #tpu.memory_space<vmem>>, vector<40x128xf32>,
    %get3A_1430 = arith.constant 0 : index
    %get3A_1431 = arith.constant 4096 : index
    %get3A_1432 = vector.load %arg0[%get3A_1430, %get3A_1431] : memref<1x6400xf32, #tpu.memory_space<vmem>>, vector<1x128xf32>
    %add3A_1433 = vector.broadcast %get3A_1432 : vector<1x128xf32> to vector<40x128xf32>
    %add3A_1434 = arith.addf %add3A_1433, %get3A_1173 : vector<40x128xf32>
    %swap3A_1435 = arith.constant 80 : index
    %swap3A_1436 = arith.constant 4096 : index
    %swap3A_1437 = vector.load %arg2[%swap3A_1435, %swap3A_1436] : memref<200x6400xf32, #tpu.memory_space<vmem>>, vector<40x128xf32>
    tpu.vector_store %arg2[%swap3A_1435, %swap3A_1436], %add3A_1434 {strides = array<i32>} : memref<200x6400xf32, #tpu.memory_space<vmem>>, vector<40x128xf32>,
    %get3A_1438 = arith.constant 0 : index
    %get3A_1439 = arith.constant 4224 : index
    %get3A_1440 = vector.load %arg0[%get3A_1438, %get3A_1439] : memref<1x6400xf32, #tpu.memory_space<vmem>>, vector<1x128xf32>
    %add3A_1441 = vector.broadcast %get3A_1440 : vector<1x128xf32> to vector<40x128xf32>
    %add3A_1442 = arith.addf %add3A_1441, %get3A_1173 : vector<40x128xf32>
    %swap3A_1443 = arith.constant 80 : index
    %swap3A_1444 = arith.constant 4224 : index
    %swap3A_1445 = vector.load %arg2[%swap3A_1443, %swap3A_1444] : memref<200x6400xf32, #tpu.memory_space<vmem>>, vector<40x128xf32>
    tpu.vector_store %arg2[%swap3A_1443, %swap3A_1444], %add3A_1442 {strides = array<i32>} : memref<200x6400xf32, #tpu.memory_space<vmem>>, vector<40x128xf32>,
    %get3A_1446 = arith.constant 0 : index
    %get3A_1447 = arith.constant 4352 : index
    %get3A_1448 = vector.load %arg0[%get3A_1446, %get3A_1447] : memref<1x6400xf32, #tpu.memory_space<vmem>>, vector<1x128xf32>
    %add3A_1449 = vector.broadcast %get3A_1448 : vector<1x128xf32> to vector<40x128xf32>
    %add3A_1450 = arith.addf %add3A_1449, %get3A_1173 : vector<40x128xf32>
    %swap3A_1451 = arith.constant 80 : index
    %swap3A_1452 = arith.constant 4352 : index
    %swap3A_1453 = vector.load %arg2[%swap3A_1451, %swap3A_1452] : memref<200x6400xf32, #tpu.memory_space<vmem>>, vector<40x128xf32>
    tpu.vector_store %arg2[%swap3A_1451, %swap3A_1452], %add3A_1450 {strides = array<i32>} : memref<200x6400xf32, #tpu.memory_space<vmem>>, vector<40x128xf32>,
    %get3A_1454 = arith.constant 0 : index
    %get3A_1455 = arith.constant 4480 : index
    %get3A_1456 = vector.load %arg0[%get3A_1454, %get3A_1455] : memref<1x6400xf32, #tpu.memory_space<vmem>>, vector<1x128xf32>
    %add3A_1457 = vector.broadcast %get3A_1456 : vector<1x128xf32> to vector<40x128xf32>
    %add3A_1458 = arith.addf %add3A_1457, %get3A_1173 : vector<40x128xf32>
    %swap3A_1459 = arith.constant 80 : index
    %swap3A_1460 = arith.constant 4480 : index
    %swap3A_1461 = vector.load %arg2[%swap3A_1459, %swap3A_1460] : memref<200x6400xf32, #tpu.memory_space<vmem>>, vector<40x128xf32>
    tpu.vector_store %arg2[%swap3A_1459, %swap3A_1460], %add3A_1458 {strides = array<i32>} : memref<200x6400xf32, #tpu.memory_space<vmem>>, vector<40x128xf32>,
    %get3A_1462 = arith.constant 0 : index
    %get3A_1463 = arith.constant 4608 : index
    %get3A_1464 = vector.load %arg0[%get3A_1462, %get3A_1463] : memref<1x6400xf32, #tpu.memory_space<vmem>>, vector<1x128xf32>
    %add3A_1465 = vector.broadcast %get3A_1464 : vector<1x128xf32> to vector<40x128xf32>
    %add3A_1466 = arith.addf %add3A_1465, %get3A_1173 : vector<40x128xf32>
    %swap3A_1467 = arith.constant 80 : index
    %swap3A_1468 = arith.constant 4608 : index
    %swap3A_1469 = vector.load %arg2[%swap3A_1467, %swap3A_1468] : memref<200x6400xf32, #tpu.memory_space<vmem>>, vector<40x128xf32>
    tpu.vector_store %arg2[%swap3A_1467, %swap3A_1468], %add3A_1466 {strides = array<i32>} : memref<200x6400xf32, #tpu.memory_space<vmem>>, vector<40x128xf32>,
    %get3A_1470 = arith.constant 0 : index
    %get3A_1471 = arith.constant 4736 : index
    %get3A_1472 = vector.load %arg0[%get3A_1470, %get3A_1471] : memref<1x6400xf32, #tpu.memory_space<vmem>>, vector<1x128xf32>
    %add3A_1473 = vector.broadcast %get3A_1472 : vector<1x128xf32> to vector<40x128xf32>
    %add3A_1474 = arith.addf %add3A_1473, %get3A_1173 : vector<40x128xf32>
    %swap3A_1475 = arith.constant 80 : index
    %swap3A_1476 = arith.constant 4736 : index
    %swap3A_1477 = vector.load %arg2[%swap3A_1475, %swap3A_1476] : memref<200x6400xf32, #tpu.memory_space<vmem>>, vector<40x128xf32>
    tpu.vector_store %arg2[%swap3A_1475, %swap3A_1476], %add3A_1474 {strides = array<i32>} : memref<200x6400xf32, #tpu.memory_space<vmem>>, vector<40x128xf32>,
    %get3A_1478 = arith.constant 0 : index
    %get3A_1479 = arith.constant 4864 : index
    %get3A_1480 = vector.load %arg0[%get3A_1478, %get3A_1479] : memref<1x6400xf32, #tpu.memory_space<vmem>>, vector<1x128xf32>
    %add3A_1481 = vector.broadcast %get3A_1480 : vector<1x128xf32> to vector<40x128xf32>
    %add3A_1482 = arith.addf %add3A_1481, %get3A_1173 : vector<40x128xf32>
    %swap3A_1483 = arith.constant 80 : index
    %swap3A_1484 = arith.constant 4864 : index
    %swap3A_1485 = vector.load %arg2[%swap3A_1483, %swap3A_1484] : memref<200x6400xf32, #tpu.memory_space<vmem>>, vector<40x128xf32>
    tpu.vector_store %arg2[%swap3A_1483, %swap3A_1484], %add3A_1482 {strides = array<i32>} : memref<200x6400xf32, #tpu.memory_space<vmem>>, vector<40x128xf32>,
    %get3A_1486 = arith.constant 0 : index
    %get3A_1487 = arith.constant 4992 : index
    %get3A_1488 = vector.load %arg0[%get3A_1486, %get3A_1487] : memref<1x6400xf32, #tpu.memory_space<vmem>>, vector<1x128xf32>
    %add3A_1489 = vector.broadcast %get3A_1488 : vector<1x128xf32> to vector<40x128xf32>
    %add3A_1490 = arith.addf %add3A_1489, %get3A_1173 : vector<40x128xf32>
    %swap3A_1491 = arith.constant 80 : index
    %swap3A_1492 = arith.constant 4992 : index
    %swap3A_1493 = vector.load %arg2[%swap3A_1491, %swap3A_1492] : memref<200x6400xf32, #tpu.memory_space<vmem>>, vector<40x128xf32>
    tpu.vector_store %arg2[%swap3A_1491, %swap3A_1492], %add3A_1490 {strides = array<i32>} : memref<200x6400xf32, #tpu.memory_space<vmem>>, vector<40x128xf32>,
    %get3A_1494 = arith.constant 0 : index
    %get3A_1495 = arith.constant 5120 : index
    %get3A_1496 = vector.load %arg0[%get3A_1494, %get3A_1495] : memref<1x6400xf32, #tpu.memory_space<vmem>>, vector<1x128xf32>
    %add3A_1497 = vector.broadcast %get3A_1496 : vector<1x128xf32> to vector<40x128xf32>
    %add3A_1498 = arith.addf %add3A_1497, %get3A_1173 : vector<40x128xf32>
    %swap3A_1499 = arith.constant 80 : index
    %swap3A_1500 = arith.constant 5120 : index
    %swap3A_1501 = vector.load %arg2[%swap3A_1499, %swap3A_1500] : memref<200x6400xf32, #tpu.memory_space<vmem>>, vector<40x128xf32>
    tpu.vector_store %arg2[%swap3A_1499, %swap3A_1500], %add3A_1498 {strides = array<i32>} : memref<200x6400xf32, #tpu.memory_space<vmem>>, vector<40x128xf32>,
    %get3A_1502 = arith.constant 0 : index
    %get3A_1503 = arith.constant 5248 : index
    %get3A_1504 = vector.load %arg0[%get3A_1502, %get3A_1503] : memref<1x6400xf32, #tpu.memory_space<vmem>>, vector<1x128xf32>
    %add3A_1505 = vector.broadcast %get3A_1504 : vector<1x128xf32> to vector<40x128xf32>
    %add3A_1506 = arith.addf %add3A_1505, %get3A_1173 : vector<40x128xf32>
    %swap3A_1507 = arith.constant 80 : index
    %swap3A_1508 = arith.constant 5248 : index
    %swap3A_1509 = vector.load %arg2[%swap3A_1507, %swap3A_1508] : memref<200x6400xf32, #tpu.memory_space<vmem>>, vector<40x128xf32>
    tpu.vector_store %arg2[%swap3A_1507, %swap3A_1508], %add3A_1506 {strides = array<i32>} : memref<200x6400xf32, #tpu.memory_space<vmem>>, vector<40x128xf32>,
    %get3A_1510 = arith.constant 0 : index
    %get3A_1511 = arith.constant 5376 : index
    %get3A_1512 = vector.load %arg0[%get3A_1510, %get3A_1511] : memref<1x6400xf32, #tpu.memory_space<vmem>>, vector<1x128xf32>
    %add3A_1513 = vector.broadcast %get3A_1512 : vector<1x128xf32> to vector<40x128xf32>
    %add3A_1514 = arith.addf %add3A_1513, %get3A_1173 : vector<40x128xf32>
    %swap3A_1515 = arith.constant 80 : index
    %swap3A_1516 = arith.constant 5376 : index
    %swap3A_1517 = vector.load %arg2[%swap3A_1515, %swap3A_1516] : memref<200x6400xf32, #tpu.memory_space<vmem>>, vector<40x128xf32>
    tpu.vector_store %arg2[%swap3A_1515, %swap3A_1516], %add3A_1514 {strides = array<i32>} : memref<200x6400xf32, #tpu.memory_space<vmem>>, vector<40x128xf32>,
    %get3A_1518 = arith.constant 0 : index
    %get3A_1519 = arith.constant 5504 : index
    %get3A_1520 = vector.load %arg0[%get3A_1518, %get3A_1519] : memref<1x6400xf32, #tpu.memory_space<vmem>>, vector<1x128xf32>
    %add3A_1521 = vector.broadcast %get3A_1520 : vector<1x128xf32> to vector<40x128xf32>
    %add3A_1522 = arith.addf %add3A_1521, %get3A_1173 : vector<40x128xf32>
    %swap3A_1523 = arith.constant 80 : index
    %swap3A_1524 = arith.constant 5504 : index
    %swap3A_1525 = vector.load %arg2[%swap3A_1523, %swap3A_1524] : memref<200x6400xf32, #tpu.memory_space<vmem>>, vector<40x128xf32>
    tpu.vector_store %arg2[%swap3A_1523, %swap3A_1524], %add3A_1522 {strides = array<i32>} : memref<200x6400xf32, #tpu.memory_space<vmem>>, vector<40x128xf32>,
    %get3A_1526 = arith.constant 0 : index
    %get3A_1527 = arith.constant 5632 : index
    %get3A_1528 = vector.load %arg0[%get3A_1526, %get3A_1527] : memref<1x6400xf32, #tpu.memory_space<vmem>>, vector<1x128xf32>
    %add3A_1529 = vector.broadcast %get3A_1528 : vector<1x128xf32> to vector<40x128xf32>
    %add3A_1530 = arith.addf %add3A_1529, %get3A_1173 : vector<40x128xf32>
    %swap3A_1531 = arith.constant 80 : index
    %swap3A_1532 = arith.constant 5632 : index
    %swap3A_1533 = vector.load %arg2[%swap3A_1531, %swap3A_1532] : memref<200x6400xf32, #tpu.memory_space<vmem>>, vector<40x128xf32>
    tpu.vector_store %arg2[%swap3A_1531, %swap3A_1532], %add3A_1530 {strides = array<i32>} : memref<200x6400xf32, #tpu.memory_space<vmem>>, vector<40x128xf32>,
    %get3A_1534 = arith.constant 0 : index
    %get3A_1535 = arith.constant 5760 : index
    %get3A_1536 = vector.load %arg0[%get3A_1534, %get3A_1535] : memref<1x6400xf32, #tpu.memory_space<vmem>>, vector<1x128xf32>
    %add3A_1537 = vector.broadcast %get3A_1536 : vector<1x128xf32> to vector<40x128xf32>
    %add3A_1538 = arith.addf %add3A_1537, %get3A_1173 : vector<40x128xf32>
    %swap3A_1539 = arith.constant 80 : index
    %swap3A_1540 = arith.constant 5760 : index
    %swap3A_1541 = vector.load %arg2[%swap3A_1539, %swap3A_1540] : memref<200x6400xf32, #tpu.memory_space<vmem>>, vector<40x128xf32>
    tpu.vector_store %arg2[%swap3A_1539, %swap3A_1540], %add3A_1538 {strides = array<i32>} : memref<200x6400xf32, #tpu.memory_space<vmem>>, vector<40x128xf32>,
    %get3A_1542 = arith.constant 0 : index
    %get3A_1543 = arith.constant 5888 : index
    %get3A_1544 = vector.load %arg0[%get3A_1542, %get3A_1543] : memref<1x6400xf32, #tpu.memory_space<vmem>>, vector<1x128xf32>
    %add3A_1545 = vector.broadcast %get3A_1544 : vector<1x128xf32> to vector<40x128xf32>
    %add3A_1546 = arith.addf %add3A_1545, %get3A_1173 : vector<40x128xf32>
    %swap3A_1547 = arith.constant 80 : index
    %swap3A_1548 = arith.constant 5888 : index
    %swap3A_1549 = vector.load %arg2[%swap3A_1547, %swap3A_1548] : memref<200x6400xf32, #tpu.memory_space<vmem>>, vector<40x128xf32>
    tpu.vector_store %arg2[%swap3A_1547, %swap3A_1548], %add3A_1546 {strides = array<i32>} : memref<200x6400xf32, #tpu.memory_space<vmem>>, vector<40x128xf32>,
    %get3A_1550 = arith.constant 0 : index
    %get3A_1551 = arith.constant 6016 : index
    %get3A_1552 = vector.load %arg0[%get3A_1550, %get3A_1551] : memref<1x6400xf32, #tpu.memory_space<vmem>>, vector<1x128xf32>
    %add3A_1553 = vector.broadcast %get3A_1552 : vector<1x128xf32> to vector<40x128xf32>
    %add3A_1554 = arith.addf %add3A_1553, %get3A_1173 : vector<40x128xf32>
    %swap3A_1555 = arith.constant 80 : index
    %swap3A_1556 = arith.constant 6016 : index
    %swap3A_1557 = vector.load %arg2[%swap3A_1555, %swap3A_1556] : memref<200x6400xf32, #tpu.memory_space<vmem>>, vector<40x128xf32>
    tpu.vector_store %arg2[%swap3A_1555, %swap3A_1556], %add3A_1554 {strides = array<i32>} : memref<200x6400xf32, #tpu.memory_space<vmem>>, vector<40x128xf32>,
    %get3A_1558 = arith.constant 0 : index
    %get3A_1559 = arith.constant 6144 : index
    %get3A_1560 = vector.load %arg0[%get3A_1558, %get3A_1559] : memref<1x6400xf32, #tpu.memory_space<vmem>>, vector<1x128xf32>
    %add3A_1561 = vector.broadcast %get3A_1560 : vector<1x128xf32> to vector<40x128xf32>
    %add3A_1562 = arith.addf %add3A_1561, %get3A_1173 : vector<40x128xf32>
    %swap3A_1563 = arith.constant 80 : index
    %swap3A_1564 = arith.constant 6144 : index
    %swap3A_1565 = vector.load %arg2[%swap3A_1563, %swap3A_1564] : memref<200x6400xf32, #tpu.memory_space<vmem>>, vector<40x128xf32>
    tpu.vector_store %arg2[%swap3A_1563, %swap3A_1564], %add3A_1562 {strides = array<i32>} : memref<200x6400xf32, #tpu.memory_space<vmem>>, vector<40x128xf32>,
    %get3A_1566 = arith.constant 0 : index
    %get3A_1567 = arith.constant 6272 : index
    %get3A_1568 = vector.load %arg0[%get3A_1566, %get3A_1567] : memref<1x6400xf32, #tpu.memory_space<vmem>>, vector<1x128xf32>
    %add3A_1569 = vector.broadcast %get3A_1568 : vector<1x128xf32> to vector<40x128xf32>
    %add3A_1570 = arith.addf %add3A_1569, %get3A_1173 : vector<40x128xf32>
    %swap3A_1571 = arith.constant 80 : index
    %swap3A_1572 = arith.constant 6272 : index
    %swap3A_1573 = vector.load %arg2[%swap3A_1571, %swap3A_1572] : memref<200x6400xf32, #tpu.memory_space<vmem>>, vector<40x128xf32>
    tpu.vector_store %arg2[%swap3A_1571, %swap3A_1572], %add3A_1570 {strides = array<i32>} : memref<200x6400xf32, #tpu.memory_space<vmem>>, vector<40x128xf32>,
    %dma_start3A_1574 = arith.constant 0 : i32
    %dma_start3A_1575 = arith.constant 0 : i32
    %dma_start3A_1576 = tpu.memref_slice %arg4[%dma_start3A_1575] : memref<16x!tpu.dma_semaphore, #tpu.memory_space<semaphore_mem>> -> memref<1x!tpu.dma_semaphore, #tpu.memory_space<semaphore_mem>>
    %dma_start3A_1577 = tpu.memref_squeeze %dma_start3A_1576 : memref<1x!tpu.dma_semaphore, #tpu.memory_space<semaphore_mem>> -> memref<!tpu.dma_semaphore, #tpu.memory_space<semaphore_mem>>
    %dma_start3A_1578 = arith.constant 80 : i32
    %dma_start3A_1579 = arith.constant 0 : i32
    %dma_start3A_1580 = tpu.memref_slice %arg1[%dma_start3A_1574, %dma_start3A_1578, %dma_start3A_1579] : memref<16x200x6400xf32, #tpu.memory_space<any>> -> memref<1x40x6400xf32, #tpu.memory_space<any>>
    %dma_start3A_1581 = tpu.memref_squeeze %dma_start3A_1580 : memref<1x40x6400xf32, #tpu.memory_space<any>> -> memref<40x6400xf32, #tpu.memory_space<any>>
    %dma_start3A_1582 = arith.constant 80 : i32
    %dma_start3A_1583 = arith.constant 0 : i32
    %dma_start3A_1584 = tpu.memref_slice %arg2[%dma_start3A_1582, %dma_start3A_1583] : memref<200x6400xf32, #tpu.memory_space<vmem>> -> memref<40x6400xf32, #tpu.memory_space<vmem>>
    tpu.enqueue_dma source(%dma_start3A_1584 : memref<40x6400xf32, #tpu.memory_space<vmem>>) target(%dma_start3A_1581 : memref<40x6400xf32, #tpu.memory_space<any>>) target_semaphore(%dma_start3A_1577 : memref<!tpu.dma_semaphore, #tpu.memory_space<semaphore_mem>>)
    %dma_start3A_1585 = arith.constant 1 : i32
    %dma_start3A_1586 = arith.constant 1 : i32
    %dma_start3A_1587 = tpu.memref_slice %arg4[%dma_start3A_1586] : memref<16x!tpu.dma_semaphore, #tpu.memory_space<semaphore_mem>> -> memref<1x!tpu.dma_semaphore, #tpu.memory_space<semaphore_mem>>
    %dma_start3A_1588 = tpu.memref_squeeze %dma_start3A_1587 : memref<1x!tpu.dma_semaphore, #tpu.memory_space<semaphore_mem>> -> memref<!tpu.dma_semaphore, #tpu.memory_space<semaphore_mem>>
    %dma_start3A_1589 = arith.constant 80 : i32
    %dma_start3A_1590 = arith.constant 0 : i32
    %dma_start3A_1591 = tpu.memref_slice %arg1[%dma_start3A_1585, %dma_start3A_1589, %dma_start3A_1590] : memref<16x200x6400xf32, #tpu.memory_space<any>> -> memref<1x40x6400xf32, #tpu.memory_space<any>>
    %dma_start3A_1592 = tpu.memref_squeeze %dma_start3A_1591 : memref<1x40x6400xf32, #tpu.memory_space<any>> -> memref<40x6400xf32, #tpu.memory_space<any>>
    %dma_start3A_1593 = arith.constant 80 : i32
    %dma_start3A_1594 = arith.constant 0 : i32
    %dma_start3A_1595 = tpu.memref_slice %arg2[%dma_start3A_1593, %dma_start3A_1594] : memref<200x6400xf32, #tpu.memory_space<vmem>> -> memref<40x6400xf32, #tpu.memory_space<vmem>>
    tpu.enqueue_dma source(%dma_start3A_1595 : memref<40x6400xf32, #tpu.memory_space<vmem>>) target(%dma_start3A_1592 : memref<40x6400xf32, #tpu.memory_space<any>>) target_semaphore(%dma_start3A_1588 : memref<!tpu.dma_semaphore, #tpu.memory_space<semaphore_mem>>)
    %dma_start3A_1596 = arith.constant 2 : i32
    %dma_start3A_1597 = arith.constant 2 : i32
    %dma_start3A_1598 = tpu.memref_slice %arg4[%dma_start3A_1597] : memref<16x!tpu.dma_semaphore, #tpu.memory_space<semaphore_mem>> -> memref<1x!tpu.dma_semaphore, #tpu.memory_space<semaphore_mem>>
    %dma_start3A_1599 = tpu.memref_squeeze %dma_start3A_1598 : memref<1x!tpu.dma_semaphore, #tpu.memory_space<semaphore_mem>> -> memref<!tpu.dma_semaphore, #tpu.memory_space<semaphore_mem>>
    %dma_start3A_1600 = arith.constant 80 : i32
    %dma_start3A_1601 = arith.constant 0 : i32
    %dma_start3A_1602 = tpu.memref_slice %arg1[%dma_start3A_1596, %dma_start3A_1600, %dma_start3A_1601] : memref<16x200x6400xf32, #tpu.memory_space<any>> -> memref<1x40x6400xf32, #tpu.memory_space<any>>
    %dma_start3A_1603 = tpu.memref_squeeze %dma_start3A_1602 : memref<1x40x6400xf32, #tpu.memory_space<any>> -> memref<40x6400xf32, #tpu.memory_space<any>>
    %dma_start3A_1604 = arith.constant 80 : i32
    %dma_start3A_1605 = arith.constant 0 : i32
    %dma_start3A_1606 = tpu.memref_slice %arg2[%dma_start3A_1604, %dma_start3A_1605] : memref<200x6400xf32, #tpu.memory_space<vmem>> -> memref<40x6400xf32, #tpu.memory_space<vmem>>
    tpu.enqueue_dma source(%dma_start3A_1606 : memref<40x6400xf32, #tpu.memory_space<vmem>>) target(%dma_start3A_1603 : memref<40x6400xf32, #tpu.memory_space<any>>) target_semaphore(%dma_start3A_1599 : memref<!tpu.dma_semaphore, #tpu.memory_space<semaphore_mem>>)
    %dma_start3A_1607 = arith.constant 3 : i32
    %dma_start3A_1608 = arith.constant 3 : i32
    %dma_start3A_1609 = tpu.memref_slice %arg4[%dma_start3A_1608] : memref<16x!tpu.dma_semaphore, #tpu.memory_space<semaphore_mem>> -> memref<1x!tpu.dma_semaphore, #tpu.memory_space<semaphore_mem>>
    %dma_start3A_1610 = tpu.memref_squeeze %dma_start3A_1609 : memref<1x!tpu.dma_semaphore, #tpu.memory_space<semaphore_mem>> -> memref<!tpu.dma_semaphore, #tpu.memory_space<semaphore_mem>>
    %dma_start3A_1611 = arith.constant 80 : i32
    %dma_start3A_1612 = arith.constant 0 : i32
    %dma_start3A_1613 = tpu.memref_slice %arg1[%dma_start3A_1607, %dma_start3A_1611, %dma_start3A_1612] : memref<16x200x6400xf32, #tpu.memory_space<any>> -> memref<1x40x6400xf32, #tpu.memory_space<any>>
    %dma_start3A_1614 = tpu.memref_squeeze %dma_start3A_1613 : memref<1x40x6400xf32, #tpu.memory_space<any>> -> memref<40x6400xf32, #tpu.memory_space<any>>
    %dma_start3A_1615 = arith.constant 80 : i32
    %dma_start3A_1616 = arith.constant 0 : i32
    %dma_start3A_1617 = tpu.memref_slice %arg2[%dma_start3A_1615, %dma_start3A_1616] : memref<200x6400xf32, #tpu.memory_space<vmem>> -> memref<40x6400xf32, #tpu.memory_space<vmem>>
    tpu.enqueue_dma source(%dma_start3A_1617 : memref<40x6400xf32, #tpu.memory_space<vmem>>) target(%dma_start3A_1614 : memref<40x6400xf32, #tpu.memory_space<any>>) target_semaphore(%dma_start3A_1610 : memref<!tpu.dma_semaphore, #tpu.memory_space<semaphore_mem>>)
    %dma_start3A_1618 = arith.constant 4 : i32
    %dma_start3A_1619 = arith.constant 4 : i32
    %dma_start3A_1620 = tpu.memref_slice %arg4[%dma_start3A_1619] : memref<16x!tpu.dma_semaphore, #tpu.memory_space<semaphore_mem>> -> memref<1x!tpu.dma_semaphore, #tpu.memory_space<semaphore_mem>>
    %dma_start3A_1621 = tpu.memref_squeeze %dma_start3A_1620 : memref<1x!tpu.dma_semaphore, #tpu.memory_space<semaphore_mem>> -> memref<!tpu.dma_semaphore, #tpu.memory_space<semaphore_mem>>
    %dma_start3A_1622 = arith.constant 80 : i32
    %dma_start3A_1623 = arith.constant 0 : i32
    %dma_start3A_1624 = tpu.memref_slice %arg1[%dma_start3A_1618, %dma_start3A_1622, %dma_start3A_1623] : memref<16x200x6400xf32, #tpu.memory_space<any>> -> memref<1x40x6400xf32, #tpu.memory_space<any>>
    %dma_start3A_1625 = tpu.memref_squeeze %dma_start3A_1624 : memref<1x40x6400xf32, #tpu.memory_space<any>> -> memref<40x6400xf32, #tpu.memory_space<any>>
    %dma_start3A_1626 = arith.constant 80 : i32
    %dma_start3A_1627 = arith.constant 0 : i32
    %dma_start3A_1628 = tpu.memref_slice %arg2[%dma_start3A_1626, %dma_start3A_1627] : memref<200x6400xf32, #tpu.memory_space<vmem>> -> memref<40x6400xf32, #tpu.memory_space<vmem>>
    tpu.enqueue_dma source(%dma_start3A_1628 : memref<40x6400xf32, #tpu.memory_space<vmem>>) target(%dma_start3A_1625 : memref<40x6400xf32, #tpu.memory_space<any>>) target_semaphore(%dma_start3A_1621 : memref<!tpu.dma_semaphore, #tpu.memory_space<semaphore_mem>>)
    %dma_start3A_1629 = arith.constant 5 : i32
    %dma_start3A_1630 = arith.constant 5 : i32
    %dma_start3A_1631 = tpu.memref_slice %arg4[%dma_start3A_1630] : memref<16x!tpu.dma_semaphore, #tpu.memory_space<semaphore_mem>> -> memref<1x!tpu.dma_semaphore, #tpu.memory_space<semaphore_mem>>
    %dma_start3A_1632 = tpu.memref_squeeze %dma_start3A_1631 : memref<1x!tpu.dma_semaphore, #tpu.memory_space<semaphore_mem>> -> memref<!tpu.dma_semaphore, #tpu.memory_space<semaphore_mem>>
    %dma_start3A_1633 = arith.constant 80 : i32
    %dma_start3A_1634 = arith.constant 0 : i32
    %dma_start3A_1635 = tpu.memref_slice %arg1[%dma_start3A_1629, %dma_start3A_1633, %dma_start3A_1634] : memref<16x200x6400xf32, #tpu.memory_space<any>> -> memref<1x40x6400xf32, #tpu.memory_space<any>>
    %dma_start3A_1636 = tpu.memref_squeeze %dma_start3A_1635 : memref<1x40x6400xf32, #tpu.memory_space<any>> -> memref<40x6400xf32, #tpu.memory_space<any>>
    %dma_start3A_1637 = arith.constant 80 : i32
    %dma_start3A_1638 = arith.constant 0 : i32
    %dma_start3A_1639 = tpu.memref_slice %arg2[%dma_start3A_1637, %dma_start3A_1638] : memref<200x6400xf32, #tpu.memory_space<vmem>> -> memref<40x6400xf32, #tpu.memory_space<vmem>>
    tpu.enqueue_dma source(%dma_start3A_1639 : memref<40x6400xf32, #tpu.memory_space<vmem>>) target(%dma_start3A_1636 : memref<40x6400xf32, #tpu.memory_space<any>>) target_semaphore(%dma_start3A_1632 : memref<!tpu.dma_semaphore, #tpu.memory_space<semaphore_mem>>)
    %dma_start3A_1640 = arith.constant 6 : i32
    %dma_start3A_1641 = arith.constant 6 : i32
    %dma_start3A_1642 = tpu.memref_slice %arg4[%dma_start3A_1641] : memref<16x!tpu.dma_semaphore, #tpu.memory_space<semaphore_mem>> -> memref<1x!tpu.dma_semaphore, #tpu.memory_space<semaphore_mem>>
    %dma_start3A_1643 = tpu.memref_squeeze %dma_start3A_1642 : memref<1x!tpu.dma_semaphore, #tpu.memory_space<semaphore_mem>> -> memref<!tpu.dma_semaphore, #tpu.memory_space<semaphore_mem>>
    %dma_start3A_1644 = arith.constant 80 : i32
    %dma_start3A_1645 = arith.constant 0 : i32
    %dma_start3A_1646 = tpu.memref_slice %arg1[%dma_start3A_1640, %dma_start3A_1644, %dma_start3A_1645] : memref<16x200x6400xf32, #tpu.memory_space<any>> -> memref<1x40x6400xf32, #tpu.memory_space<any>>
    %dma_start3A_1647 = tpu.memref_squeeze %dma_start3A_1646 : memref<1x40x6400xf32, #tpu.memory_space<any>> -> memref<40x6400xf32, #tpu.memory_space<any>>
    %dma_start3A_1648 = arith.constant 80 : i32
    %dma_start3A_1649 = arith.constant 0 : i32
    %dma_start3A_1650 = tpu.memref_slice %arg2[%dma_start3A_1648, %dma_start3A_1649] : memref<200x6400xf32, #tpu.memory_space<vmem>> -> memref<40x6400xf32, #tpu.memory_space<vmem>>
    tpu.enqueue_dma source(%dma_start3A_1650 : memref<40x6400xf32, #tpu.memory_space<vmem>>) target(%dma_start3A_1647 : memref<40x6400xf32, #tpu.memory_space<any>>) target_semaphore(%dma_start3A_1643 : memref<!tpu.dma_semaphore, #tpu.memory_space<semaphore_mem>>)
    %dma_start3A_1651 = arith.constant 7 : i32
    %dma_start3A_1652 = arith.constant 7 : i32
    %dma_start3A_1653 = tpu.memref_slice %arg4[%dma_start3A_1652] : memref<16x!tpu.dma_semaphore, #tpu.memory_space<semaphore_mem>> -> memref<1x!tpu.dma_semaphore, #tpu.memory_space<semaphore_mem>>
    %dma_start3A_1654 = tpu.memref_squeeze %dma_start3A_1653 : memref<1x!tpu.dma_semaphore, #tpu.memory_space<semaphore_mem>> -> memref<!tpu.dma_semaphore, #tpu.memory_space<semaphore_mem>>
    %dma_start3A_1655 = arith.constant 80 : i32
    %dma_start3A_1656 = arith.constant 0 : i32
    %dma_start3A_1657 = tpu.memref_slice %arg1[%dma_start3A_1651, %dma_start3A_1655, %dma_start3A_1656] : memref<16x200x6400xf32, #tpu.memory_space<any>> -> memref<1x40x6400xf32, #tpu.memory_space<any>>
    %dma_start3A_1658 = tpu.memref_squeeze %dma_start3A_1657 : memref<1x40x6400xf32, #tpu.memory_space<any>> -> memref<40x6400xf32, #tpu.memory_space<any>>
    %dma_start3A_1659 = arith.constant 80 : i32
    %dma_start3A_1660 = arith.constant 0 : i32
    %dma_start3A_1661 = tpu.memref_slice %arg2[%dma_start3A_1659, %dma_start3A_1660] : memref<200x6400xf32, #tpu.memory_space<vmem>> -> memref<40x6400xf32, #tpu.memory_space<vmem>>
    tpu.enqueue_dma source(%dma_start3A_1661 : memref<40x6400xf32, #tpu.memory_space<vmem>>) target(%dma_start3A_1658 : memref<40x6400xf32, #tpu.memory_space<any>>) target_semaphore(%dma_start3A_1654 : memref<!tpu.dma_semaphore, #tpu.memory_space<semaphore_mem>>)
    %dma_start3A_1662 = arith.constant 8 : i32
    %dma_start3A_1663 = arith.constant 8 : i32
    %dma_start3A_1664 = tpu.memref_slice %arg4[%dma_start3A_1663] : memref<16x!tpu.dma_semaphore, #tpu.memory_space<semaphore_mem>> -> memref<1x!tpu.dma_semaphore, #tpu.memory_space<semaphore_mem>>
    %dma_start3A_1665 = tpu.memref_squeeze %dma_start3A_1664 : memref<1x!tpu.dma_semaphore, #tpu.memory_space<semaphore_mem>> -> memref<!tpu.dma_semaphore, #tpu.memory_space<semaphore_mem>>
    %dma_start3A_1666 = arith.constant 80 : i32
    %dma_start3A_1667 = arith.constant 0 : i32
    %dma_start3A_1668 = tpu.memref_slice %arg1[%dma_start3A_1662, %dma_start3A_1666, %dma_start3A_1667] : memref<16x200x6400xf32, #tpu.memory_space<any>> -> memref<1x40x6400xf32, #tpu.memory_space<any>>
    %dma_start3A_1669 = tpu.memref_squeeze %dma_start3A_1668 : memref<1x40x6400xf32, #tpu.memory_space<any>> -> memref<40x6400xf32, #tpu.memory_space<any>>
    %dma_start3A_1670 = arith.constant 80 : i32
    %dma_start3A_1671 = arith.constant 0 : i32
    %dma_start3A_1672 = tpu.memref_slice %arg2[%dma_start3A_1670, %dma_start3A_1671] : memref<200x6400xf32, #tpu.memory_space<vmem>> -> memref<40x6400xf32, #tpu.memory_space<vmem>>
    tpu.enqueue_dma source(%dma_start3A_1672 : memref<40x6400xf32, #tpu.memory_space<vmem>>) target(%dma_start3A_1669 : memref<40x6400xf32, #tpu.memory_space<any>>) target_semaphore(%dma_start3A_1665 : memref<!tpu.dma_semaphore, #tpu.memory_space<semaphore_mem>>)
    %dma_start3A_1673 = arith.constant 9 : i32
    %dma_start3A_1674 = arith.constant 9 : i32
    %dma_start3A_1675 = tpu.memref_slice %arg4[%dma_start3A_1674] : memref<16x!tpu.dma_semaphore, #tpu.memory_space<semaphore_mem>> -> memref<1x!tpu.dma_semaphore, #tpu.memory_space<semaphore_mem>>
    %dma_start3A_1676 = tpu.memref_squeeze %dma_start3A_1675 : memref<1x!tpu.dma_semaphore, #tpu.memory_space<semaphore_mem>> -> memref<!tpu.dma_semaphore, #tpu.memory_space<semaphore_mem>>
    %dma_start3A_1677 = arith.constant 80 : i32
    %dma_start3A_1678 = arith.constant 0 : i32
    %dma_start3A_1679 = tpu.memref_slice %arg1[%dma_start3A_1673, %dma_start3A_1677, %dma_start3A_1678] : memref<16x200x6400xf32, #tpu.memory_space<any>> -> memref<1x40x6400xf32, #tpu.memory_space<any>>
    %dma_start3A_1680 = tpu.memref_squeeze %dma_start3A_1679 : memref<1x40x6400xf32, #tpu.memory_space<any>> -> memref<40x6400xf32, #tpu.memory_space<any>>
    %dma_start3A_1681 = arith.constant 80 : i32
    %dma_start3A_1682 = arith.constant 0 : i32
    %dma_start3A_1683 = tpu.memref_slice %arg2[%dma_start3A_1681, %dma_start3A_1682] : memref<200x6400xf32, #tpu.memory_space<vmem>> -> memref<40x6400xf32, #tpu.memory_space<vmem>>
    tpu.enqueue_dma source(%dma_start3A_1683 : memref<40x6400xf32, #tpu.memory_space<vmem>>) target(%dma_start3A_1680 : memref<40x6400xf32, #tpu.memory_space<any>>) target_semaphore(%dma_start3A_1676 : memref<!tpu.dma_semaphore, #tpu.memory_space<semaphore_mem>>)
    %dma_start3A_1684 = arith.constant 10 : i32
    %dma_start3A_1685 = arith.constant 10 : i32
    %dma_start3A_1686 = tpu.memref_slice %arg4[%dma_start3A_1685] : memref<16x!tpu.dma_semaphore, #tpu.memory_space<semaphore_mem>> -> memref<1x!tpu.dma_semaphore, #tpu.memory_space<semaphore_mem>>
    %dma_start3A_1687 = tpu.memref_squeeze %dma_start3A_1686 : memref<1x!tpu.dma_semaphore, #tpu.memory_space<semaphore_mem>> -> memref<!tpu.dma_semaphore, #tpu.memory_space<semaphore_mem>>
    %dma_start3A_1688 = arith.constant 80 : i32
    %dma_start3A_1689 = arith.constant 0 : i32
    %dma_start3A_1690 = tpu.memref_slice %arg1[%dma_start3A_1684, %dma_start3A_1688, %dma_start3A_1689] : memref<16x200x6400xf32, #tpu.memory_space<any>> -> memref<1x40x6400xf32, #tpu.memory_space<any>>
    %dma_start3A_1691 = tpu.memref_squeeze %dma_start3A_1690 : memref<1x40x6400xf32, #tpu.memory_space<any>> -> memref<40x6400xf32, #tpu.memory_space<any>>
    %dma_start3A_1692 = arith.constant 80 : i32
    %dma_start3A_1693 = arith.constant 0 : i32
    %dma_start3A_1694 = tpu.memref_slice %arg2[%dma_start3A_1692, %dma_start3A_1693] : memref<200x6400xf32, #tpu.memory_space<vmem>> -> memref<40x6400xf32, #tpu.memory_space<vmem>>
    tpu.enqueue_dma source(%dma_start3A_1694 : memref<40x6400xf32, #tpu.memory_space<vmem>>) target(%dma_start3A_1691 : memref<40x6400xf32, #tpu.memory_space<any>>) target_semaphore(%dma_start3A_1687 : memref<!tpu.dma_semaphore, #tpu.memory_space<semaphore_mem>>)
    %dma_start3A_1695 = arith.constant 11 : i32
    %dma_start3A_1696 = arith.constant 11 : i32
    %dma_start3A_1697 = tpu.memref_slice %arg4[%dma_start3A_1696] : memref<16x!tpu.dma_semaphore, #tpu.memory_space<semaphore_mem>> -> memref<1x!tpu.dma_semaphore, #tpu.memory_space<semaphore_mem>>
    %dma_start3A_1698 = tpu.memref_squeeze %dma_start3A_1697 : memref<1x!tpu.dma_semaphore, #tpu.memory_space<semaphore_mem>> -> memref<!tpu.dma_semaphore, #tpu.memory_space<semaphore_mem>>
    %dma_start3A_1699 = arith.constant 80 : i32
    %dma_start3A_1700 = arith.constant 0 : i32
    %dma_start3A_1701 = tpu.memref_slice %arg1[%dma_start3A_1695, %dma_start3A_1699, %dma_start3A_1700] : memref<16x200x6400xf32, #tpu.memory_space<any>> -> memref<1x40x6400xf32, #tpu.memory_space<any>>
    %dma_start3A_1702 = tpu.memref_squeeze %dma_start3A_1701 : memref<1x40x6400xf32, #tpu.memory_space<any>> -> memref<40x6400xf32, #tpu.memory_space<any>>
    %dma_start3A_1703 = arith.constant 80 : i32
    %dma_start3A_1704 = arith.constant 0 : i32
    %dma_start3A_1705 = tpu.memref_slice %arg2[%dma_start3A_1703, %dma_start3A_1704] : memref<200x6400xf32, #tpu.memory_space<vmem>> -> memref<40x6400xf32, #tpu.memory_space<vmem>>
    tpu.enqueue_dma source(%dma_start3A_1705 : memref<40x6400xf32, #tpu.memory_space<vmem>>) target(%dma_start3A_1702 : memref<40x6400xf32, #tpu.memory_space<any>>) target_semaphore(%dma_start3A_1698 : memref<!tpu.dma_semaphore, #tpu.memory_space<semaphore_mem>>)
    %dma_start3A_1706 = arith.constant 12 : i32
    %dma_start3A_1707 = arith.constant 12 : i32
    %dma_start3A_1708 = tpu.memref_slice %arg4[%dma_start3A_1707] : memref<16x!tpu.dma_semaphore, #tpu.memory_space<semaphore_mem>> -> memref<1x!tpu.dma_semaphore, #tpu.memory_space<semaphore_mem>>
    %dma_start3A_1709 = tpu.memref_squeeze %dma_start3A_1708 : memref<1x!tpu.dma_semaphore, #tpu.memory_space<semaphore_mem>> -> memref<!tpu.dma_semaphore, #tpu.memory_space<semaphore_mem>>
    %dma_start3A_1710 = arith.constant 80 : i32
    %dma_start3A_1711 = arith.constant 0 : i32
    %dma_start3A_1712 = tpu.memref_slice %arg1[%dma_start3A_1706, %dma_start3A_1710, %dma_start3A_1711] : memref<16x200x6400xf32, #tpu.memory_space<any>> -> memref<1x40x6400xf32, #tpu.memory_space<any>>
    %dma_start3A_1713 = tpu.memref_squeeze %dma_start3A_1712 : memref<1x40x6400xf32, #tpu.memory_space<any>> -> memref<40x6400xf32, #tpu.memory_space<any>>
    %dma_start3A_1714 = arith.constant 80 : i32
    %dma_start3A_1715 = arith.constant 0 : i32
    %dma_start3A_1716 = tpu.memref_slice %arg2[%dma_start3A_1714, %dma_start3A_1715] : memref<200x6400xf32, #tpu.memory_space<vmem>> -> memref<40x6400xf32, #tpu.memory_space<vmem>>
    tpu.enqueue_dma source(%dma_start3A_1716 : memref<40x6400xf32, #tpu.memory_space<vmem>>) target(%dma_start3A_1713 : memref<40x6400xf32, #tpu.memory_space<any>>) target_semaphore(%dma_start3A_1709 : memref<!tpu.dma_semaphore, #tpu.memory_space<semaphore_mem>>)
    %dma_start3A_1717 = arith.constant 13 : i32
    %dma_start3A_1718 = arith.constant 13 : i32
    %dma_start3A_1719 = tpu.memref_slice %arg4[%dma_start3A_1718] : memref<16x!tpu.dma_semaphore, #tpu.memory_space<semaphore_mem>> -> memref<1x!tpu.dma_semaphore, #tpu.memory_space<semaphore_mem>>
    %dma_start3A_1720 = tpu.memref_squeeze %dma_start3A_1719 : memref<1x!tpu.dma_semaphore, #tpu.memory_space<semaphore_mem>> -> memref<!tpu.dma_semaphore, #tpu.memory_space<semaphore_mem>>
    %dma_start3A_1721 = arith.constant 80 : i32
    %dma_start3A_1722 = arith.constant 0 : i32
    %dma_start3A_1723 = tpu.memref_slice %arg1[%dma_start3A_1717, %dma_start3A_1721, %dma_start3A_1722] : memref<16x200x6400xf32, #tpu.memory_space<any>> -> memref<1x40x6400xf32, #tpu.memory_space<any>>
    %dma_start3A_1724 = tpu.memref_squeeze %dma_start3A_1723 : memref<1x40x6400xf32, #tpu.memory_space<any>> -> memref<40x6400xf32, #tpu.memory_space<any>>
    %dma_start3A_1725 = arith.constant 80 : i32
    %dma_start3A_1726 = arith.constant 0 : i32
    %dma_start3A_1727 = tpu.memref_slice %arg2[%dma_start3A_1725, %dma_start3A_1726] : memref<200x6400xf32, #tpu.memory_space<vmem>> -> memref<40x6400xf32, #tpu.memory_space<vmem>>
    tpu.enqueue_dma source(%dma_start3A_1727 : memref<40x6400xf32, #tpu.memory_space<vmem>>) target(%dma_start3A_1724 : memref<40x6400xf32, #tpu.memory_space<any>>) target_semaphore(%dma_start3A_1720 : memref<!tpu.dma_semaphore, #tpu.memory_space<semaphore_mem>>)
    %dma_start3A_1728 = arith.constant 14 : i32
    %dma_start3A_1729 = arith.constant 14 : i32
    %dma_start3A_1730 = tpu.memref_slice %arg4[%dma_start3A_1729] : memref<16x!tpu.dma_semaphore, #tpu.memory_space<semaphore_mem>> -> memref<1x!tpu.dma_semaphore, #tpu.memory_space<semaphore_mem>>
    %dma_start3A_1731 = tpu.memref_squeeze %dma_start3A_1730 : memref<1x!tpu.dma_semaphore, #tpu.memory_space<semaphore_mem>> -> memref<!tpu.dma_semaphore, #tpu.memory_space<semaphore_mem>>
    %dma_start3A_1732 = arith.constant 80 : i32
    %dma_start3A_1733 = arith.constant 0 : i32
    %dma_start3A_1734 = tpu.memref_slice %arg1[%dma_start3A_1728, %dma_start3A_1732, %dma_start3A_1733] : memref<16x200x6400xf32, #tpu.memory_space<any>> -> memref<1x40x6400xf32, #tpu.memory_space<any>>
    %dma_start3A_1735 = tpu.memref_squeeze %dma_start3A_1734 : memref<1x40x6400xf32, #tpu.memory_space<any>> -> memref<40x6400xf32, #tpu.memory_space<any>>
    %dma_start3A_1736 = arith.constant 80 : i32
    %dma_start3A_1737 = arith.constant 0 : i32
    %dma_start3A_1738 = tpu.memref_slice %arg2[%dma_start3A_1736, %dma_start3A_1737] : memref<200x6400xf32, #tpu.memory_space<vmem>> -> memref<40x6400xf32, #tpu.memory_space<vmem>>
    tpu.enqueue_dma source(%dma_start3A_1738 : memref<40x6400xf32, #tpu.memory_space<vmem>>) target(%dma_start3A_1735 : memref<40x6400xf32, #tpu.memory_space<any>>) target_semaphore(%dma_start3A_1731 : memref<!tpu.dma_semaphore, #tpu.memory_space<semaphore_mem>>)
    %dma_start3A_1739 = arith.constant 15 : i32
    %dma_start3A_1740 = arith.constant 15 : i32
    %dma_start3A_1741 = tpu.memref_slice %arg4[%dma_start3A_1740] : memref<16x!tpu.dma_semaphore, #tpu.memory_space<semaphore_mem>> -> memref<1x!tpu.dma_semaphore, #tpu.memory_space<semaphore_mem>>
    %dma_start3A_1742 = tpu.memref_squeeze %dma_start3A_1741 : memref<1x!tpu.dma_semaphore, #tpu.memory_space<semaphore_mem>> -> memref<!tpu.dma_semaphore, #tpu.memory_space<semaphore_mem>>
    %dma_start3A_1743 = arith.constant 80 : i32
    %dma_start3A_1744 = arith.constant 0 : i32
    %dma_start3A_1745 = tpu.memref_slice %arg1[%dma_start3A_1739, %dma_start3A_1743, %dma_start3A_1744] : memref<16x200x6400xf32, #tpu.memory_space<any>> -> memref<1x40x6400xf32, #tpu.memory_space<any>>
    %dma_start3A_1746 = tpu.memref_squeeze %dma_start3A_1745 : memref<1x40x6400xf32, #tpu.memory_space<any>> -> memref<40x6400xf32, #tpu.memory_space<any>>
    %dma_start3A_1747 = arith.constant 80 : i32
    %dma_start3A_1748 = arith.constant 0 : i32
    %dma_start3A_1749 = tpu.memref_slice %arg2[%dma_start3A_1747, %dma_start3A_1748] : memref<200x6400xf32, #tpu.memory_space<vmem>> -> memref<40x6400xf32, #tpu.memory_space<vmem>>
    tpu.enqueue_dma source(%dma_start3A_1749 : memref<40x6400xf32, #tpu.memory_space<vmem>>) target(%dma_start3A_1746 : memref<40x6400xf32, #tpu.memory_space<any>>) target_semaphore(%dma_start3A_1742 : memref<!tpu.dma_semaphore, #tpu.memory_space<semaphore_mem>>)
    %get3A_1750 = arith.constant 120 : index
    %get3A_1751 = arith.constant 0 : index
    %get3A_1752 = vector.load %arg3[%get3A_1750, %get3A_1751] : memref<200x128xf32, #tpu.memory_space<vmem>>, vector<40x128xf32>
    %get3A_1753 = arith.constant 0 : index
    %get3A_1754 = arith.constant 0 : index
    %get3A_1755 = vector.load %arg0[%get3A_1753, %get3A_1754] : memref<1x6400xf32, #tpu.memory_space<vmem>>, vector<1x128xf32>
    %add3A_1756 = vector.broadcast %get3A_1755 : vector<1x128xf32> to vector<40x128xf32>
    %add3A_1757 = arith.addf %add3A_1756, %get3A_1752 : vector<40x128xf32>
    %swap3A_1758 = arith.constant 120 : index
    %swap3A_1759 = arith.constant 0 : index
    %swap3A_1760 = vector.load %arg2[%swap3A_1758, %swap3A_1759] : memref<200x6400xf32, #tpu.memory_space<vmem>>, vector<40x128xf32>
    tpu.vector_store %arg2[%swap3A_1758, %swap3A_1759], %add3A_1757 {strides = array<i32>} : memref<200x6400xf32, #tpu.memory_space<vmem>>, vector<40x128xf32>,
    %get3A_1761 = arith.constant 0 : index
    %get3A_1762 = arith.constant 128 : index
    %get3A_1763 = vector.load %arg0[%get3A_1761, %get3A_1762] : memref<1x6400xf32, #tpu.memory_space<vmem>>, vector<1x128xf32>
    %add3A_1764 = vector.broadcast %get3A_1763 : vector<1x128xf32> to vector<40x128xf32>
    %add3A_1765 = arith.addf %add3A_1764, %get3A_1752 : vector<40x128xf32>
    %swap3A_1766 = arith.constant 120 : index
    %swap3A_1767 = arith.constant 128 : index
    %swap3A_1768 = vector.load %arg2[%swap3A_1766, %swap3A_1767] : memref<200x6400xf32, #tpu.memory_space<vmem>>, vector<40x128xf32>
    tpu.vector_store %arg2[%swap3A_1766, %swap3A_1767], %add3A_1765 {strides = array<i32>} : memref<200x6400xf32, #tpu.memory_space<vmem>>, vector<40x128xf32>,
    %get3A_1769 = arith.constant 0 : index
    %get3A_1770 = arith.constant 256 : index
    %get3A_1771 = vector.load %arg0[%get3A_1769, %get3A_1770] : memref<1x6400xf32, #tpu.memory_space<vmem>>, vector<1x128xf32>
    %add3A_1772 = vector.broadcast %get3A_1771 : vector<1x128xf32> to vector<40x128xf32>
    %add3A_1773 = arith.addf %add3A_1772, %get3A_1752 : vector<40x128xf32>
    %swap3A_1774 = arith.constant 120 : index
    %swap3A_1775 = arith.constant 256 : index
    %swap3A_1776 = vector.load %arg2[%swap3A_1774, %swap3A_1775] : memref<200x6400xf32, #tpu.memory_space<vmem>>, vector<40x128xf32>
    tpu.vector_store %arg2[%swap3A_1774, %swap3A_1775], %add3A_1773 {strides = array<i32>} : memref<200x6400xf32, #tpu.memory_space<vmem>>, vector<40x128xf32>,
    %get3A_1777 = arith.constant 0 : index
    %get3A_1778 = arith.constant 384 : index
    %get3A_1779 = vector.load %arg0[%get3A_1777, %get3A_1778] : memref<1x6400xf32, #tpu.memory_space<vmem>>, vector<1x128xf32>
    %add3A_1780 = vector.broadcast %get3A_1779 : vector<1x128xf32> to vector<40x128xf32>
    %add3A_1781 = arith.addf %add3A_1780, %get3A_1752 : vector<40x128xf32>
    %swap3A_1782 = arith.constant 120 : index
    %swap3A_1783 = arith.constant 384 : index
    %swap3A_1784 = vector.load %arg2[%swap3A_1782, %swap3A_1783] : memref<200x6400xf32, #tpu.memory_space<vmem>>, vector<40x128xf32>
    tpu.vector_store %arg2[%swap3A_1782, %swap3A_1783], %add3A_1781 {strides = array<i32>} : memref<200x6400xf32, #tpu.memory_space<vmem>>, vector<40x128xf32>,
    %get3A_1785 = arith.constant 0 : index
    %get3A_1786 = arith.constant 512 : index
    %get3A_1787 = vector.load %arg0[%get3A_1785, %get3A_1786] : memref<1x6400xf32, #tpu.memory_space<vmem>>, vector<1x128xf32>
    %add3A_1788 = vector.broadcast %get3A_1787 : vector<1x128xf32> to vector<40x128xf32>
    %add3A_1789 = arith.addf %add3A_1788, %get3A_1752 : vector<40x128xf32>
    %swap3A_1790 = arith.constant 120 : index
    %swap3A_1791 = arith.constant 512 : index
    %swap3A_1792 = vector.load %arg2[%swap3A_1790, %swap3A_1791] : memref<200x6400xf32, #tpu.memory_space<vmem>>, vector<40x128xf32>
    tpu.vector_store %arg2[%swap3A_1790, %swap3A_1791], %add3A_1789 {strides = array<i32>} : memref<200x6400xf32, #tpu.memory_space<vmem>>, vector<40x128xf32>,
    %get3A_1793 = arith.constant 0 : index
    %get3A_1794 = arith.constant 640 : index
    %get3A_1795 = vector.load %arg0[%get3A_1793, %get3A_1794] : memref<1x6400xf32, #tpu.memory_space<vmem>>, vector<1x128xf32>
    %add3A_1796 = vector.broadcast %get3A_1795 : vector<1x128xf32> to vector<40x128xf32>
    %add3A_1797 = arith.addf %add3A_1796, %get3A_1752 : vector<40x128xf32>
    %swap3A_1798 = arith.constant 120 : index
    %swap3A_1799 = arith.constant 640 : index
    %swap3A_1800 = vector.load %arg2[%swap3A_1798, %swap3A_1799] : memref<200x6400xf32, #tpu.memory_space<vmem>>, vector<40x128xf32>
    tpu.vector_store %arg2[%swap3A_1798, %swap3A_1799], %add3A_1797 {strides = array<i32>} : memref<200x6400xf32, #tpu.memory_space<vmem>>, vector<40x128xf32>,
    %get3A_1801 = arith.constant 0 : index
    %get3A_1802 = arith.constant 768 : index
    %get3A_1803 = vector.load %arg0[%get3A_1801, %get3A_1802] : memref<1x6400xf32, #tpu.memory_space<vmem>>, vector<1x128xf32>
    %add3A_1804 = vector.broadcast %get3A_1803 : vector<1x128xf32> to vector<40x128xf32>
    %add3A_1805 = arith.addf %add3A_1804, %get3A_1752 : vector<40x128xf32>
    %swap3A_1806 = arith.constant 120 : index
    %swap3A_1807 = arith.constant 768 : index
    %swap3A_1808 = vector.load %arg2[%swap3A_1806, %swap3A_1807] : memref<200x6400xf32, #tpu.memory_space<vmem>>, vector<40x128xf32>
    tpu.vector_store %arg2[%swap3A_1806, %swap3A_1807], %add3A_1805 {strides = array<i32>} : memref<200x6400xf32, #tpu.memory_space<vmem>>, vector<40x128xf32>,
    %get3A_1809 = arith.constant 0 : index
    %get3A_1810 = arith.constant 896 : index
    %get3A_1811 = vector.load %arg0[%get3A_1809, %get3A_1810] : memref<1x6400xf32, #tpu.memory_space<vmem>>, vector<1x128xf32>
    %add3A_1812 = vector.broadcast %get3A_1811 : vector<1x128xf32> to vector<40x128xf32>
    %add3A_1813 = arith.addf %add3A_1812, %get3A_1752 : vector<40x128xf32>
    %swap3A_1814 = arith.constant 120 : index
    %swap3A_1815 = arith.constant 896 : index
    %swap3A_1816 = vector.load %arg2[%swap3A_1814, %swap3A_1815] : memref<200x6400xf32, #tpu.memory_space<vmem>>, vector<40x128xf32>
    tpu.vector_store %arg2[%swap3A_1814, %swap3A_1815], %add3A_1813 {strides = array<i32>} : memref<200x6400xf32, #tpu.memory_space<vmem>>, vector<40x128xf32>,
    %get3A_1817 = arith.constant 0 : index
    %get3A_1818 = arith.constant 1024 : index
    %get3A_1819 = vector.load %arg0[%get3A_1817, %get3A_1818] : memref<1x6400xf32, #tpu.memory_space<vmem>>, vector<1x128xf32>
    %add3A_1820 = vector.broadcast %get3A_1819 : vector<1x128xf32> to vector<40x128xf32>
    %add3A_1821 = arith.addf %add3A_1820, %get3A_1752 : vector<40x128xf32>
    %swap3A_1822 = arith.constant 120 : index
    %swap3A_1823 = arith.constant 1024 : index
    %swap3A_1824 = vector.load %arg2[%swap3A_1822, %swap3A_1823] : memref<200x6400xf32, #tpu.memory_space<vmem>>, vector<40x128xf32>
    tpu.vector_store %arg2[%swap3A_1822, %swap3A_1823], %add3A_1821 {strides = array<i32>} : memref<200x6400xf32, #tpu.memory_space<vmem>>, vector<40x128xf32>,
    %get3A_1825 = arith.constant 0 : index
    %get3A_1826 = arith.constant 1152 : index
    %get3A_1827 = vector.load %arg0[%get3A_1825, %get3A_1826] : memref<1x6400xf32, #tpu.memory_space<vmem>>, vector<1x128xf32>
    %add3A_1828 = vector.broadcast %get3A_1827 : vector<1x128xf32> to vector<40x128xf32>
    %add3A_1829 = arith.addf %add3A_1828, %get3A_1752 : vector<40x128xf32>
    %swap3A_1830 = arith.constant 120 : index
    %swap3A_1831 = arith.constant 1152 : index
    %swap3A_1832 = vector.load %arg2[%swap3A_1830, %swap3A_1831] : memref<200x6400xf32, #tpu.memory_space<vmem>>, vector<40x128xf32>
    tpu.vector_store %arg2[%swap3A_1830, %swap3A_1831], %add3A_1829 {strides = array<i32>} : memref<200x6400xf32, #tpu.memory_space<vmem>>, vector<40x128xf32>,
    %get3A_1833 = arith.constant 0 : index
    %get3A_1834 = arith.constant 1280 : index
    %get3A_1835 = vector.load %arg0[%get3A_1833, %get3A_1834] : memref<1x6400xf32, #tpu.memory_space<vmem>>, vector<1x128xf32>
    %add3A_1836 = vector.broadcast %get3A_1835 : vector<1x128xf32> to vector<40x128xf32>
    %add3A_1837 = arith.addf %add3A_1836, %get3A_1752 : vector<40x128xf32>
    %swap3A_1838 = arith.constant 120 : index
    %swap3A_1839 = arith.constant 1280 : index
    %swap3A_1840 = vector.load %arg2[%swap3A_1838, %swap3A_1839] : memref<200x6400xf32, #tpu.memory_space<vmem>>, vector<40x128xf32>
    tpu.vector_store %arg2[%swap3A_1838, %swap3A_1839], %add3A_1837 {strides = array<i32>} : memref<200x6400xf32, #tpu.memory_space<vmem>>, vector<40x128xf32>,
    %get3A_1841 = arith.constant 0 : index
    %get3A_1842 = arith.constant 1408 : index
    %get3A_1843 = vector.load %arg0[%get3A_1841, %get3A_1842] : memref<1x6400xf32, #tpu.memory_space<vmem>>, vector<1x128xf32>
    %add3A_1844 = vector.broadcast %get3A_1843 : vector<1x128xf32> to vector<40x128xf32>
    %add3A_1845 = arith.addf %add3A_1844, %get3A_1752 : vector<40x128xf32>
    %swap3A_1846 = arith.constant 120 : index
    %swap3A_1847 = arith.constant 1408 : index
    %swap3A_1848 = vector.load %arg2[%swap3A_1846, %swap3A_1847] : memref<200x6400xf32, #tpu.memory_space<vmem>>, vector<40x128xf32>
    tpu.vector_store %arg2[%swap3A_1846, %swap3A_1847], %add3A_1845 {strides = array<i32>} : memref<200x6400xf32, #tpu.memory_space<vmem>>, vector<40x128xf32>,
    %get3A_1849 = arith.constant 0 : index
    %get3A_1850 = arith.constant 1536 : index
    %get3A_1851 = vector.load %arg0[%get3A_1849, %get3A_1850] : memref<1x6400xf32, #tpu.memory_space<vmem>>, vector<1x128xf32>
    %add3A_1852 = vector.broadcast %get3A_1851 : vector<1x128xf32> to vector<40x128xf32>
    %add3A_1853 = arith.addf %add3A_1852, %get3A_1752 : vector<40x128xf32>
    %swap3A_1854 = arith.constant 120 : index
    %swap3A_1855 = arith.constant 1536 : index
    %swap3A_1856 = vector.load %arg2[%swap3A_1854, %swap3A_1855] : memref<200x6400xf32, #tpu.memory_space<vmem>>, vector<40x128xf32>
    tpu.vector_store %arg2[%swap3A_1854, %swap3A_1855], %add3A_1853 {strides = array<i32>} : memref<200x6400xf32, #tpu.memory_space<vmem>>, vector<40x128xf32>,
    %get3A_1857 = arith.constant 0 : index
    %get3A_1858 = arith.constant 1664 : index
    %get3A_1859 = vector.load %arg0[%get3A_1857, %get3A_1858] : memref<1x6400xf32, #tpu.memory_space<vmem>>, vector<1x128xf32>
    %add3A_1860 = vector.broadcast %get3A_1859 : vector<1x128xf32> to vector<40x128xf32>
    %add3A_1861 = arith.addf %add3A_1860, %get3A_1752 : vector<40x128xf32>
    %swap3A_1862 = arith.constant 120 : index
    %swap3A_1863 = arith.constant 1664 : index
    %swap3A_1864 = vector.load %arg2[%swap3A_1862, %swap3A_1863] : memref<200x6400xf32, #tpu.memory_space<vmem>>, vector<40x128xf32>
    tpu.vector_store %arg2[%swap3A_1862, %swap3A_1863], %add3A_1861 {strides = array<i32>} : memref<200x6400xf32, #tpu.memory_space<vmem>>, vector<40x128xf32>,
    %get3A_1865 = arith.constant 0 : index
    %get3A_1866 = arith.constant 1792 : index
    %get3A_1867 = vector.load %arg0[%get3A_1865, %get3A_1866] : memref<1x6400xf32, #tpu.memory_space<vmem>>, vector<1x128xf32>
    %add3A_1868 = vector.broadcast %get3A_1867 : vector<1x128xf32> to vector<40x128xf32>
    %add3A_1869 = arith.addf %add3A_1868, %get3A_1752 : vector<40x128xf32>
    %swap3A_1870 = arith.constant 120 : index
    %swap3A_1871 = arith.constant 1792 : index
    %swap3A_1872 = vector.load %arg2[%swap3A_1870, %swap3A_1871] : memref<200x6400xf32, #tpu.memory_space<vmem>>, vector<40x128xf32>
    tpu.vector_store %arg2[%swap3A_1870, %swap3A_1871], %add3A_1869 {strides = array<i32>} : memref<200x6400xf32, #tpu.memory_space<vmem>>, vector<40x128xf32>,
    %get3A_1873 = arith.constant 0 : index
    %get3A_1874 = arith.constant 1920 : index
    %get3A_1875 = vector.load %arg0[%get3A_1873, %get3A_1874] : memref<1x6400xf32, #tpu.memory_space<vmem>>, vector<1x128xf32>
    %add3A_1876 = vector.broadcast %get3A_1875 : vector<1x128xf32> to vector<40x128xf32>
    %add3A_1877 = arith.addf %add3A_1876, %get3A_1752 : vector<40x128xf32>
    %swap3A_1878 = arith.constant 120 : index
    %swap3A_1879 = arith.constant 1920 : index
    %swap3A_1880 = vector.load %arg2[%swap3A_1878, %swap3A_1879] : memref<200x6400xf32, #tpu.memory_space<vmem>>, vector<40x128xf32>
    tpu.vector_store %arg2[%swap3A_1878, %swap3A_1879], %add3A_1877 {strides = array<i32>} : memref<200x6400xf32, #tpu.memory_space<vmem>>, vector<40x128xf32>,
    %get3A_1881 = arith.constant 0 : index
    %get3A_1882 = arith.constant 2048 : index
    %get3A_1883 = vector.load %arg0[%get3A_1881, %get3A_1882] : memref<1x6400xf32, #tpu.memory_space<vmem>>, vector<1x128xf32>
    %add3A_1884 = vector.broadcast %get3A_1883 : vector<1x128xf32> to vector<40x128xf32>
    %add3A_1885 = arith.addf %add3A_1884, %get3A_1752 : vector<40x128xf32>
    %swap3A_1886 = arith.constant 120 : index
    %swap3A_1887 = arith.constant 2048 : index
    %swap3A_1888 = vector.load %arg2[%swap3A_1886, %swap3A_1887] : memref<200x6400xf32, #tpu.memory_space<vmem>>, vector<40x128xf32>
    tpu.vector_store %arg2[%swap3A_1886, %swap3A_1887], %add3A_1885 {strides = array<i32>} : memref<200x6400xf32, #tpu.memory_space<vmem>>, vector<40x128xf32>,
    %get3A_1889 = arith.constant 0 : index
    %get3A_1890 = arith.constant 2176 : index
    %get3A_1891 = vector.load %arg0[%get3A_1889, %get3A_1890] : memref<1x6400xf32, #tpu.memory_space<vmem>>, vector<1x128xf32>
    %add3A_1892 = vector.broadcast %get3A_1891 : vector<1x128xf32> to vector<40x128xf32>
    %add3A_1893 = arith.addf %add3A_1892, %get3A_1752 : vector<40x128xf32>
    %swap3A_1894 = arith.constant 120 : index
    %swap3A_1895 = arith.constant 2176 : index
    %swap3A_1896 = vector.load %arg2[%swap3A_1894, %swap3A_1895] : memref<200x6400xf32, #tpu.memory_space<vmem>>, vector<40x128xf32>
    tpu.vector_store %arg2[%swap3A_1894, %swap3A_1895], %add3A_1893 {strides = array<i32>} : memref<200x6400xf32, #tpu.memory_space<vmem>>, vector<40x128xf32>,
    %get3A_1897 = arith.constant 0 : index
    %get3A_1898 = arith.constant 2304 : index
    %get3A_1899 = vector.load %arg0[%get3A_1897, %get3A_1898] : memref<1x6400xf32, #tpu.memory_space<vmem>>, vector<1x128xf32>
    %add3A_1900 = vector.broadcast %get3A_1899 : vector<1x128xf32> to vector<40x128xf32>
    %add3A_1901 = arith.addf %add3A_1900, %get3A_1752 : vector<40x128xf32>
    %swap3A_1902 = arith.constant 120 : index
    %swap3A_1903 = arith.constant 2304 : index
    %swap3A_1904 = vector.load %arg2[%swap3A_1902, %swap3A_1903] : memref<200x6400xf32, #tpu.memory_space<vmem>>, vector<40x128xf32>
    tpu.vector_store %arg2[%swap3A_1902, %swap3A_1903], %add3A_1901 {strides = array<i32>} : memref<200x6400xf32, #tpu.memory_space<vmem>>, vector<40x128xf32>,
    %get3A_1905 = arith.constant 0 : index
    %get3A_1906 = arith.constant 2432 : index
    %get3A_1907 = vector.load %arg0[%get3A_1905, %get3A_1906] : memref<1x6400xf32, #tpu.memory_space<vmem>>, vector<1x128xf32>
    %add3A_1908 = vector.broadcast %get3A_1907 : vector<1x128xf32> to vector<40x128xf32>
    %add3A_1909 = arith.addf %add3A_1908, %get3A_1752 : vector<40x128xf32>
    %swap3A_1910 = arith.constant 120 : index
    %swap3A_1911 = arith.constant 2432 : index
    %swap3A_1912 = vector.load %arg2[%swap3A_1910, %swap3A_1911] : memref<200x6400xf32, #tpu.memory_space<vmem>>, vector<40x128xf32>
    tpu.vector_store %arg2[%swap3A_1910, %swap3A_1911], %add3A_1909 {strides = array<i32>} : memref<200x6400xf32, #tpu.memory_space<vmem>>, vector<40x128xf32>,
    %get3A_1913 = arith.constant 0 : index
    %get3A_1914 = arith.constant 2560 : index
    %get3A_1915 = vector.load %arg0[%get3A_1913, %get3A_1914] : memref<1x6400xf32, #tpu.memory_space<vmem>>, vector<1x128xf32>
    %add3A_1916 = vector.broadcast %get3A_1915 : vector<1x128xf32> to vector<40x128xf32>
    %add3A_1917 = arith.addf %add3A_1916, %get3A_1752 : vector<40x128xf32>
    %swap3A_1918 = arith.constant 120 : index
    %swap3A_1919 = arith.constant 2560 : index
    %swap3A_1920 = vector.load %arg2[%swap3A_1918, %swap3A_1919] : memref<200x6400xf32, #tpu.memory_space<vmem>>, vector<40x128xf32>
    tpu.vector_store %arg2[%swap3A_1918, %swap3A_1919], %add3A_1917 {strides = array<i32>} : memref<200x6400xf32, #tpu.memory_space<vmem>>, vector<40x128xf32>,
    %get3A_1921 = arith.constant 0 : index
    %get3A_1922 = arith.constant 2688 : index
    %get3A_1923 = vector.load %arg0[%get3A_1921, %get3A_1922] : memref<1x6400xf32, #tpu.memory_space<vmem>>, vector<1x128xf32>
    %add3A_1924 = vector.broadcast %get3A_1923 : vector<1x128xf32> to vector<40x128xf32>
    %add3A_1925 = arith.addf %add3A_1924, %get3A_1752 : vector<40x128xf32>
    %swap3A_1926 = arith.constant 120 : index
    %swap3A_1927 = arith.constant 2688 : index
    %swap3A_1928 = vector.load %arg2[%swap3A_1926, %swap3A_1927] : memref<200x6400xf32, #tpu.memory_space<vmem>>, vector<40x128xf32>
    tpu.vector_store %arg2[%swap3A_1926, %swap3A_1927], %add3A_1925 {strides = array<i32>} : memref<200x6400xf32, #tpu.memory_space<vmem>>, vector<40x128xf32>,
    %get3A_1929 = arith.constant 0 : index
    %get3A_1930 = arith.constant 2816 : index
    %get3A_1931 = vector.load %arg0[%get3A_1929, %get3A_1930] : memref<1x6400xf32, #tpu.memory_space<vmem>>, vector<1x128xf32>
    %add3A_1932 = vector.broadcast %get3A_1931 : vector<1x128xf32> to vector<40x128xf32>
    %add3A_1933 = arith.addf %add3A_1932, %get3A_1752 : vector<40x128xf32>
    %swap3A_1934 = arith.constant 120 : index
    %swap3A_1935 = arith.constant 2816 : index
    %swap3A_1936 = vector.load %arg2[%swap3A_1934, %swap3A_1935] : memref<200x6400xf32, #tpu.memory_space<vmem>>, vector<40x128xf32>
    tpu.vector_store %arg2[%swap3A_1934, %swap3A_1935], %add3A_1933 {strides = array<i32>} : memref<200x6400xf32, #tpu.memory_space<vmem>>, vector<40x128xf32>,
    %get3A_1937 = arith.constant 0 : index
    %get3A_1938 = arith.constant 2944 : index
    %get3A_1939 = vector.load %arg0[%get3A_1937, %get3A_1938] : memref<1x6400xf32, #tpu.memory_space<vmem>>, vector<1x128xf32>
    %add3A_1940 = vector.broadcast %get3A_1939 : vector<1x128xf32> to vector<40x128xf32>
    %add3A_1941 = arith.addf %add3A_1940, %get3A_1752 : vector<40x128xf32>
    %swap3A_1942 = arith.constant 120 : index
    %swap3A_1943 = arith.constant 2944 : index
    %swap3A_1944 = vector.load %arg2[%swap3A_1942, %swap3A_1943] : memref<200x6400xf32, #tpu.memory_space<vmem>>, vector<40x128xf32>
    tpu.vector_store %arg2[%swap3A_1942, %swap3A_1943], %add3A_1941 {strides = array<i32>} : memref<200x6400xf32, #tpu.memory_space<vmem>>, vector<40x128xf32>,
    %get3A_1945 = arith.constant 0 : index
    %get3A_1946 = arith.constant 3072 : index
    %get3A_1947 = vector.load %arg0[%get3A_1945, %get3A_1946] : memref<1x6400xf32, #tpu.memory_space<vmem>>, vector<1x128xf32>
    %add3A_1948 = vector.broadcast %get3A_1947 : vector<1x128xf32> to vector<40x128xf32>
    %add3A_1949 = arith.addf %add3A_1948, %get3A_1752 : vector<40x128xf32>
    %swap3A_1950 = arith.constant 120 : index
    %swap3A_1951 = arith.constant 3072 : index
    %swap3A_1952 = vector.load %arg2[%swap3A_1950, %swap3A_1951] : memref<200x6400xf32, #tpu.memory_space<vmem>>, vector<40x128xf32>
    tpu.vector_store %arg2[%swap3A_1950, %swap3A_1951], %add3A_1949 {strides = array<i32>} : memref<200x6400xf32, #tpu.memory_space<vmem>>, vector<40x128xf32>,
    %get3A_1953 = arith.constant 0 : index
    %get3A_1954 = arith.constant 3200 : index
    %get3A_1955 = vector.load %arg0[%get3A_1953, %get3A_1954] : memref<1x6400xf32, #tpu.memory_space<vmem>>, vector<1x128xf32>
    %add3A_1956 = vector.broadcast %get3A_1955 : vector<1x128xf32> to vector<40x128xf32>
    %add3A_1957 = arith.addf %add3A_1956, %get3A_1752 : vector<40x128xf32>
    %swap3A_1958 = arith.constant 120 : index
    %swap3A_1959 = arith.constant 3200 : index
    %swap3A_1960 = vector.load %arg2[%swap3A_1958, %swap3A_1959] : memref<200x6400xf32, #tpu.memory_space<vmem>>, vector<40x128xf32>
    tpu.vector_store %arg2[%swap3A_1958, %swap3A_1959], %add3A_1957 {strides = array<i32>} : memref<200x6400xf32, #tpu.memory_space<vmem>>, vector<40x128xf32>,
    %get3A_1961 = arith.constant 0 : index
    %get3A_1962 = arith.constant 3328 : index
    %get3A_1963 = vector.load %arg0[%get3A_1961, %get3A_1962] : memref<1x6400xf32, #tpu.memory_space<vmem>>, vector<1x128xf32>
    %add3A_1964 = vector.broadcast %get3A_1963 : vector<1x128xf32> to vector<40x128xf32>
    %add3A_1965 = arith.addf %add3A_1964, %get3A_1752 : vector<40x128xf32>
    %swap3A_1966 = arith.constant 120 : index
    %swap3A_1967 = arith.constant 3328 : index
    %swap3A_1968 = vector.load %arg2[%swap3A_1966, %swap3A_1967] : memref<200x6400xf32, #tpu.memory_space<vmem>>, vector<40x128xf32>
    tpu.vector_store %arg2[%swap3A_1966, %swap3A_1967], %add3A_1965 {strides = array<i32>} : memref<200x6400xf32, #tpu.memory_space<vmem>>, vector<40x128xf32>,
    %get3A_1969 = arith.constant 0 : index
    %get3A_1970 = arith.constant 3456 : index
    %get3A_1971 = vector.load %arg0[%get3A_1969, %get3A_1970] : memref<1x6400xf32, #tpu.memory_space<vmem>>, vector<1x128xf32>
    %add3A_1972 = vector.broadcast %get3A_1971 : vector<1x128xf32> to vector<40x128xf32>
    %add3A_1973 = arith.addf %add3A_1972, %get3A_1752 : vector<40x128xf32>
    %swap3A_1974 = arith.constant 120 : index
    %swap3A_1975 = arith.constant 3456 : index
    %swap3A_1976 = vector.load %arg2[%swap3A_1974, %swap3A_1975] : memref<200x6400xf32, #tpu.memory_space<vmem>>, vector<40x128xf32>
    tpu.vector_store %arg2[%swap3A_1974, %swap3A_1975], %add3A_1973 {strides = array<i32>} : memref<200x6400xf32, #tpu.memory_space<vmem>>, vector<40x128xf32>,
    %get3A_1977 = arith.constant 0 : index
    %get3A_1978 = arith.constant 3584 : index
    %get3A_1979 = vector.load %arg0[%get3A_1977, %get3A_1978] : memref<1x6400xf32, #tpu.memory_space<vmem>>, vector<1x128xf32>
    %add3A_1980 = vector.broadcast %get3A_1979 : vector<1x128xf32> to vector<40x128xf32>
    %add3A_1981 = arith.addf %add3A_1980, %get3A_1752 : vector<40x128xf32>
    %swap3A_1982 = arith.constant 120 : index
    %swap3A_1983 = arith.constant 3584 : index
    %swap3A_1984 = vector.load %arg2[%swap3A_1982, %swap3A_1983] : memref<200x6400xf32, #tpu.memory_space<vmem>>, vector<40x128xf32>
    tpu.vector_store %arg2[%swap3A_1982, %swap3A_1983], %add3A_1981 {strides = array<i32>} : memref<200x6400xf32, #tpu.memory_space<vmem>>, vector<40x128xf32>,
    %get3A_1985 = arith.constant 0 : index
    %get3A_1986 = arith.constant 3712 : index
    %get3A_1987 = vector.load %arg0[%get3A_1985, %get3A_1986] : memref<1x6400xf32, #tpu.memory_space<vmem>>, vector<1x128xf32>
    %add3A_1988 = vector.broadcast %get3A_1987 : vector<1x128xf32> to vector<40x128xf32>
    %add3A_1989 = arith.addf %add3A_1988, %get3A_1752 : vector<40x128xf32>
    %swap3A_1990 = arith.constant 120 : index
    %swap3A_1991 = arith.constant 3712 : index
    %swap3A_1992 = vector.load %arg2[%swap3A_1990, %swap3A_1991] : memref<200x6400xf32, #tpu.memory_space<vmem>>, vector<40x128xf32>
    tpu.vector_store %arg2[%swap3A_1990, %swap3A_1991], %add3A_1989 {strides = array<i32>} : memref<200x6400xf32, #tpu.memory_space<vmem>>, vector<40x128xf32>,
    %get3A_1993 = arith.constant 0 : index
    %get3A_1994 = arith.constant 3840 : index
    %get3A_1995 = vector.load %arg0[%get3A_1993, %get3A_1994] : memref<1x6400xf32, #tpu.memory_space<vmem>>, vector<1x128xf32>
    %add3A_1996 = vector.broadcast %get3A_1995 : vector<1x128xf32> to vector<40x128xf32>
    %add3A_1997 = arith.addf %add3A_1996, %get3A_1752 : vector<40x128xf32>
    %swap3A_1998 = arith.constant 120 : index
    %swap3A_1999 = arith.constant 3840 : index
    %swap3A_2000 = vector.load %arg2[%swap3A_1998, %swap3A_1999] : memref<200x6400xf32, #tpu.memory_space<vmem>>, vector<40x128xf32>
    tpu.vector_store %arg2[%swap3A_1998, %swap3A_1999], %add3A_1997 {strides = array<i32>} : memref<200x6400xf32, #tpu.memory_space<vmem>>, vector<40x128xf32>,
    %get3A_2001 = arith.constant 0 : index
    %get3A_2002 = arith.constant 3968 : index
    %get3A_2003 = vector.load %arg0[%get3A_2001, %get3A_2002] : memref<1x6400xf32, #tpu.memory_space<vmem>>, vector<1x128xf32>
    %add3A_2004 = vector.broadcast %get3A_2003 : vector<1x128xf32> to vector<40x128xf32>
    %add3A_2005 = arith.addf %add3A_2004, %get3A_1752 : vector<40x128xf32>
    %swap3A_2006 = arith.constant 120 : index
    %swap3A_2007 = arith.constant 3968 : index
    %swap3A_2008 = vector.load %arg2[%swap3A_2006, %swap3A_2007] : memref<200x6400xf32, #tpu.memory_space<vmem>>, vector<40x128xf32>
    tpu.vector_store %arg2[%swap3A_2006, %swap3A_2007], %add3A_2005 {strides = array<i32>} : memref<200x6400xf32, #tpu.memory_space<vmem>>, vector<40x128xf32>,
    %get3A_2009 = arith.constant 0 : index
    %get3A_2010 = arith.constant 4096 : index
    %get3A_2011 = vector.load %arg0[%get3A_2009, %get3A_2010] : memref<1x6400xf32, #tpu.memory_space<vmem>>, vector<1x128xf32>
    %add3A_2012 = vector.broadcast %get3A_2011 : vector<1x128xf32> to vector<40x128xf32>
    %add3A_2013 = arith.addf %add3A_2012, %get3A_1752 : vector<40x128xf32>
    %swap3A_2014 = arith.constant 120 : index
    %swap3A_2015 = arith.constant 4096 : index
    %swap3A_2016 = vector.load %arg2[%swap3A_2014, %swap3A_2015] : memref<200x6400xf32, #tpu.memory_space<vmem>>, vector<40x128xf32>
    tpu.vector_store %arg2[%swap3A_2014, %swap3A_2015], %add3A_2013 {strides = array<i32>} : memref<200x6400xf32, #tpu.memory_space<vmem>>, vector<40x128xf32>,
    %get3A_2017 = arith.constant 0 : index
    %get3A_2018 = arith.constant 4224 : index
    %get3A_2019 = vector.load %arg0[%get3A_2017, %get3A_2018] : memref<1x6400xf32, #tpu.memory_space<vmem>>, vector<1x128xf32>
    %add3A_2020 = vector.broadcast %get3A_2019 : vector<1x128xf32> to vector<40x128xf32>
    %add3A_2021 = arith.addf %add3A_2020, %get3A_1752 : vector<40x128xf32>
    %swap3A_2022 = arith.constant 120 : index
    %swap3A_2023 = arith.constant 4224 : index
    %swap3A_2024 = vector.load %arg2[%swap3A_2022, %swap3A_2023] : memref<200x6400xf32, #tpu.memory_space<vmem>>, vector<40x128xf32>
    tpu.vector_store %arg2[%swap3A_2022, %swap3A_2023], %add3A_2021 {strides = array<i32>} : memref<200x6400xf32, #tpu.memory_space<vmem>>, vector<40x128xf32>,
    %get3A_2025 = arith.constant 0 : index
    %get3A_2026 = arith.constant 4352 : index
    %get3A_2027 = vector.load %arg0[%get3A_2025, %get3A_2026] : memref<1x6400xf32, #tpu.memory_space<vmem>>, vector<1x128xf32>
    %add3A_2028 = vector.broadcast %get3A_2027 : vector<1x128xf32> to vector<40x128xf32>
    %add3A_2029 = arith.addf %add3A_2028, %get3A_1752 : vector<40x128xf32>
    %swap3A_2030 = arith.constant 120 : index
    %swap3A_2031 = arith.constant 4352 : index
    %swap3A_2032 = vector.load %arg2[%swap3A_2030, %swap3A_2031] : memref<200x6400xf32, #tpu.memory_space<vmem>>, vector<40x128xf32>
    tpu.vector_store %arg2[%swap3A_2030, %swap3A_2031], %add3A_2029 {strides = array<i32>} : memref<200x6400xf32, #tpu.memory_space<vmem>>, vector<40x128xf32>,
    %get3A_2033 = arith.constant 0 : index
    %get3A_2034 = arith.constant 4480 : index
    %get3A_2035 = vector.load %arg0[%get3A_2033, %get3A_2034] : memref<1x6400xf32, #tpu.memory_space<vmem>>, vector<1x128xf32>
    %add3A_2036 = vector.broadcast %get3A_2035 : vector<1x128xf32> to vector<40x128xf32>
    %add3A_2037 = arith.addf %add3A_2036, %get3A_1752 : vector<40x128xf32>
    %swap3A_2038 = arith.constant 120 : index
    %swap3A_2039 = arith.constant 4480 : index
    %swap3A_2040 = vector.load %arg2[%swap3A_2038, %swap3A_2039] : memref<200x6400xf32, #tpu.memory_space<vmem>>, vector<40x128xf32>
    tpu.vector_store %arg2[%swap3A_2038, %swap3A_2039], %add3A_2037 {strides = array<i32>} : memref<200x6400xf32, #tpu.memory_space<vmem>>, vector<40x128xf32>,
    %get3A_2041 = arith.constant 0 : index
    %get3A_2042 = arith.constant 4608 : index
    %get3A_2043 = vector.load %arg0[%get3A_2041, %get3A_2042] : memref<1x6400xf32, #tpu.memory_space<vmem>>, vector<1x128xf32>
    %add3A_2044 = vector.broadcast %get3A_2043 : vector<1x128xf32> to vector<40x128xf32>
    %add3A_2045 = arith.addf %add3A_2044, %get3A_1752 : vector<40x128xf32>
    %swap3A_2046 = arith.constant 120 : index
    %swap3A_2047 = arith.constant 4608 : index
    %swap3A_2048 = vector.load %arg2[%swap3A_2046, %swap3A_2047] : memref<200x6400xf32, #tpu.memory_space<vmem>>, vector<40x128xf32>
    tpu.vector_store %arg2[%swap3A_2046, %swap3A_2047], %add3A_2045 {strides = array<i32>} : memref<200x6400xf32, #tpu.memory_space<vmem>>, vector<40x128xf32>,
    %get3A_2049 = arith.constant 0 : index
    %get3A_2050 = arith.constant 4736 : index
    %get3A_2051 = vector.load %arg0[%get3A_2049, %get3A_2050] : memref<1x6400xf32, #tpu.memory_space<vmem>>, vector<1x128xf32>
    %add3A_2052 = vector.broadcast %get3A_2051 : vector<1x128xf32> to vector<40x128xf32>
    %add3A_2053 = arith.addf %add3A_2052, %get3A_1752 : vector<40x128xf32>
    %swap3A_2054 = arith.constant 120 : index
    %swap3A_2055 = arith.constant 4736 : index
    %swap3A_2056 = vector.load %arg2[%swap3A_2054, %swap3A_2055] : memref<200x6400xf32, #tpu.memory_space<vmem>>, vector<40x128xf32>
    tpu.vector_store %arg2[%swap3A_2054, %swap3A_2055], %add3A_2053 {strides = array<i32>} : memref<200x6400xf32, #tpu.memory_space<vmem>>, vector<40x128xf32>,
    %get3A_2057 = arith.constant 0 : index
    %get3A_2058 = arith.constant 4864 : index
    %get3A_2059 = vector.load %arg0[%get3A_2057, %get3A_2058] : memref<1x6400xf32, #tpu.memory_space<vmem>>, vector<1x128xf32>
    %add3A_2060 = vector.broadcast %get3A_2059 : vector<1x128xf32> to vector<40x128xf32>
    %add3A_2061 = arith.addf %add3A_2060, %get3A_1752 : vector<40x128xf32>
    %swap3A_2062 = arith.constant 120 : index
    %swap3A_2063 = arith.constant 4864 : index
    %swap3A_2064 = vector.load %arg2[%swap3A_2062, %swap3A_2063] : memref<200x6400xf32, #tpu.memory_space<vmem>>, vector<40x128xf32>
    tpu.vector_store %arg2[%swap3A_2062, %swap3A_2063], %add3A_2061 {strides = array<i32>} : memref<200x6400xf32, #tpu.memory_space<vmem>>, vector<40x128xf32>,
    %get3A_2065 = arith.constant 0 : index
    %get3A_2066 = arith.constant 4992 : index
    %get3A_2067 = vector.load %arg0[%get3A_2065, %get3A_2066] : memref<1x6400xf32, #tpu.memory_space<vmem>>, vector<1x128xf32>
    %add3A_2068 = vector.broadcast %get3A_2067 : vector<1x128xf32> to vector<40x128xf32>
    %add3A_2069 = arith.addf %add3A_2068, %get3A_1752 : vector<40x128xf32>
    %swap3A_2070 = arith.constant 120 : index
    %swap3A_2071 = arith.constant 4992 : index
    %swap3A_2072 = vector.load %arg2[%swap3A_2070, %swap3A_2071] : memref<200x6400xf32, #tpu.memory_space<vmem>>, vector<40x128xf32>
    tpu.vector_store %arg2[%swap3A_2070, %swap3A_2071], %add3A_2069 {strides = array<i32>} : memref<200x6400xf32, #tpu.memory_space<vmem>>, vector<40x128xf32>,
    %get3A_2073 = arith.constant 0 : index
    %get3A_2074 = arith.constant 5120 : index
    %get3A_2075 = vector.load %arg0[%get3A_2073, %get3A_2074] : memref<1x6400xf32, #tpu.memory_space<vmem>>, vector<1x128xf32>
    %add3A_2076 = vector.broadcast %get3A_2075 : vector<1x128xf32> to vector<40x128xf32>
    %add3A_2077 = arith.addf %add3A_2076, %get3A_1752 : vector<40x128xf32>
    %swap3A_2078 = arith.constant 120 : index
    %swap3A_2079 = arith.constant 5120 : index
    %swap3A_2080 = vector.load %arg2[%swap3A_2078, %swap3A_2079] : memref<200x6400xf32, #tpu.memory_space<vmem>>, vector<40x128xf32>
    tpu.vector_store %arg2[%swap3A_2078, %swap3A_2079], %add3A_2077 {strides = array<i32>} : memref<200x6400xf32, #tpu.memory_space<vmem>>, vector<40x128xf32>,
    %get3A_2081 = arith.constant 0 : index
    %get3A_2082 = arith.constant 5248 : index
    %get3A_2083 = vector.load %arg0[%get3A_2081, %get3A_2082] : memref<1x6400xf32, #tpu.memory_space<vmem>>, vector<1x128xf32>
    %add3A_2084 = vector.broadcast %get3A_2083 : vector<1x128xf32> to vector<40x128xf32>
    %add3A_2085 = arith.addf %add3A_2084, %get3A_1752 : vector<40x128xf32>
    %swap3A_2086 = arith.constant 120 : index
    %swap3A_2087 = arith.constant 5248 : index
    %swap3A_2088 = vector.load %arg2[%swap3A_2086, %swap3A_2087] : memref<200x6400xf32, #tpu.memory_space<vmem>>, vector<40x128xf32>
    tpu.vector_store %arg2[%swap3A_2086, %swap3A_2087], %add3A_2085 {strides = array<i32>} : memref<200x6400xf32, #tpu.memory_space<vmem>>, vector<40x128xf32>,
    %get3A_2089 = arith.constant 0 : index
    %get3A_2090 = arith.constant 5376 : index
    %get3A_2091 = vector.load %arg0[%get3A_2089, %get3A_2090] : memref<1x6400xf32, #tpu.memory_space<vmem>>, vector<1x128xf32>
    %add3A_2092 = vector.broadcast %get3A_2091 : vector<1x128xf32> to vector<40x128xf32>
    %add3A_2093 = arith.addf %add3A_2092, %get3A_1752 : vector<40x128xf32>
    %swap3A_2094 = arith.constant 120 : index
    %swap3A_2095 = arith.constant 5376 : index
    %swap3A_2096 = vector.load %arg2[%swap3A_2094, %swap3A_2095] : memref<200x6400xf32, #tpu.memory_space<vmem>>, vector<40x128xf32>
    tpu.vector_store %arg2[%swap3A_2094, %swap3A_2095], %add3A_2093 {strides = array<i32>} : memref<200x6400xf32, #tpu.memory_space<vmem>>, vector<40x128xf32>,
    %get3A_2097 = arith.constant 0 : index
    %get3A_2098 = arith.constant 5504 : index
    %get3A_2099 = vector.load %arg0[%get3A_2097, %get3A_2098] : memref<1x6400xf32, #tpu.memory_space<vmem>>, vector<1x128xf32>
    %add3A_2100 = vector.broadcast %get3A_2099 : vector<1x128xf32> to vector<40x128xf32>
    %add3A_2101 = arith.addf %add3A_2100, %get3A_1752 : vector<40x128xf32>
    %swap3A_2102 = arith.constant 120 : index
    %swap3A_2103 = arith.constant 5504 : index
    %swap3A_2104 = vector.load %arg2[%swap3A_2102, %swap3A_2103] : memref<200x6400xf32, #tpu.memory_space<vmem>>, vector<40x128xf32>
    tpu.vector_store %arg2[%swap3A_2102, %swap3A_2103], %add3A_2101 {strides = array<i32>} : memref<200x6400xf32, #tpu.memory_space<vmem>>, vector<40x128xf32>,
    %get3A_2105 = arith.constant 0 : index
    %get3A_2106 = arith.constant 5632 : index
    %get3A_2107 = vector.load %arg0[%get3A_2105, %get3A_2106] : memref<1x6400xf32, #tpu.memory_space<vmem>>, vector<1x128xf32>
    %add3A_2108 = vector.broadcast %get3A_2107 : vector<1x128xf32> to vector<40x128xf32>
    %add3A_2109 = arith.addf %add3A_2108, %get3A_1752 : vector<40x128xf32>
    %swap3A_2110 = arith.constant 120 : index
    %swap3A_2111 = arith.constant 5632 : index
    %swap3A_2112 = vector.load %arg2[%swap3A_2110, %swap3A_2111] : memref<200x6400xf32, #tpu.memory_space<vmem>>, vector<40x128xf32>
    tpu.vector_store %arg2[%swap3A_2110, %swap3A_2111], %add3A_2109 {strides = array<i32>} : memref<200x6400xf32, #tpu.memory_space<vmem>>, vector<40x128xf32>,
    %get3A_2113 = arith.constant 0 : index
    %get3A_2114 = arith.constant 5760 : index
    %get3A_2115 = vector.load %arg0[%get3A_2113, %get3A_2114] : memref<1x6400xf32, #tpu.memory_space<vmem>>, vector<1x128xf32>
    %add3A_2116 = vector.broadcast %get3A_2115 : vector<1x128xf32> to vector<40x128xf32>
    %add3A_2117 = arith.addf %add3A_2116, %get3A_1752 : vector<40x128xf32>
    %swap3A_2118 = arith.constant 120 : index
    %swap3A_2119 = arith.constant 5760 : index
    %swap3A_2120 = vector.load %arg2[%swap3A_2118, %swap3A_2119] : memref<200x6400xf32, #tpu.memory_space<vmem>>, vector<40x128xf32>
    tpu.vector_store %arg2[%swap3A_2118, %swap3A_2119], %add3A_2117 {strides = array<i32>} : memref<200x6400xf32, #tpu.memory_space<vmem>>, vector<40x128xf32>,
    %get3A_2121 = arith.constant 0 : index
    %get3A_2122 = arith.constant 5888 : index
    %get3A_2123 = vector.load %arg0[%get3A_2121, %get3A_2122] : memref<1x6400xf32, #tpu.memory_space<vmem>>, vector<1x128xf32>
    %add3A_2124 = vector.broadcast %get3A_2123 : vector<1x128xf32> to vector<40x128xf32>
    %add3A_2125 = arith.addf %add3A_2124, %get3A_1752 : vector<40x128xf32>
    %swap3A_2126 = arith.constant 120 : index
    %swap3A_2127 = arith.constant 5888 : index
    %swap3A_2128 = vector.load %arg2[%swap3A_2126, %swap3A_2127] : memref<200x6400xf32, #tpu.memory_space<vmem>>, vector<40x128xf32>
    tpu.vector_store %arg2[%swap3A_2126, %swap3A_2127], %add3A_2125 {strides = array<i32>} : memref<200x6400xf32, #tpu.memory_space<vmem>>, vector<40x128xf32>,
    %get3A_2129 = arith.constant 0 : index
    %get3A_2130 = arith.constant 6016 : index
    %get3A_2131 = vector.load %arg0[%get3A_2129, %get3A_2130] : memref<1x6400xf32, #tpu.memory_space<vmem>>, vector<1x128xf32>
    %add3A_2132 = vector.broadcast %get3A_2131 : vector<1x128xf32> to vector<40x128xf32>
    %add3A_2133 = arith.addf %add3A_2132, %get3A_1752 : vector<40x128xf32>
    %swap3A_2134 = arith.constant 120 : index
    %swap3A_2135 = arith.constant 6016 : index
    %swap3A_2136 = vector.load %arg2[%swap3A_2134, %swap3A_2135] : memref<200x6400xf32, #tpu.memory_space<vmem>>, vector<40x128xf32>
    tpu.vector_store %arg2[%swap3A_2134, %swap3A_2135], %add3A_2133 {strides = array<i32>} : memref<200x6400xf32, #tpu.memory_space<vmem>>, vector<40x128xf32>,
    %get3A_2137 = arith.constant 0 : index
    %get3A_2138 = arith.constant 6144 : index
    %get3A_2139 = vector.load %arg0[%get3A_2137, %get3A_2138] : memref<1x6400xf32, #tpu.memory_space<vmem>>, vector<1x128xf32>
    %add3A_2140 = vector.broadcast %get3A_2139 : vector<1x128xf32> to vector<40x128xf32>
    %add3A_2141 = arith.addf %add3A_2140, %get3A_1752 : vector<40x128xf32>
    %swap3A_2142 = arith.constant 120 : index
    %swap3A_2143 = arith.constant 6144 : index
    %swap3A_2144 = vector.load %arg2[%swap3A_2142, %swap3A_2143] : memref<200x6400xf32, #tpu.memory_space<vmem>>, vector<40x128xf32>
    tpu.vector_store %arg2[%swap3A_2142, %swap3A_2143], %add3A_2141 {strides = array<i32>} : memref<200x6400xf32, #tpu.memory_space<vmem>>, vector<40x128xf32>,
    %get3A_2145 = arith.constant 0 : index
    %get3A_2146 = arith.constant 6272 : index
    %get3A_2147 = vector.load %arg0[%get3A_2145, %get3A_2146] : memref<1x6400xf32, #tpu.memory_space<vmem>>, vector<1x128xf32>
    %add3A_2148 = vector.broadcast %get3A_2147 : vector<1x128xf32> to vector<40x128xf32>
    %add3A_2149 = arith.addf %add3A_2148, %get3A_1752 : vector<40x128xf32>
    %swap3A_2150 = arith.constant 120 : index
    %swap3A_2151 = arith.constant 6272 : index
    %swap3A_2152 = vector.load %arg2[%swap3A_2150, %swap3A_2151] : memref<200x6400xf32, #tpu.memory_space<vmem>>, vector<40x128xf32>
    tpu.vector_store %arg2[%swap3A_2150, %swap3A_2151], %add3A_2149 {strides = array<i32>} : memref<200x6400xf32, #tpu.memory_space<vmem>>, vector<40x128xf32>,
    %dma_start3A_2153 = arith.constant 0 : i32
    %dma_start3A_2154 = arith.constant 0 : i32
    %dma_start3A_2155 = tpu.memref_slice %arg4[%dma_start3A_2154] : memref<16x!tpu.dma_semaphore, #tpu.memory_space<semaphore_mem>> -> memref<1x!tpu.dma_semaphore, #tpu.memory_space<semaphore_mem>>
    %dma_start3A_2156 = tpu.memref_squeeze %dma_start3A_2155 : memref<1x!tpu.dma_semaphore, #tpu.memory_space<semaphore_mem>> -> memref<!tpu.dma_semaphore, #tpu.memory_space<semaphore_mem>>
    %dma_start3A_2157 = arith.constant 120 : i32
    %dma_start3A_2158 = arith.constant 0 : i32
    %dma_start3A_2159 = tpu.memref_slice %arg1[%dma_start3A_2153, %dma_start3A_2157, %dma_start3A_2158] : memref<16x200x6400xf32, #tpu.memory_space<any>> -> memref<1x40x6400xf32, #tpu.memory_space<any>>
    %dma_start3A_2160 = tpu.memref_squeeze %dma_start3A_2159 : memref<1x40x6400xf32, #tpu.memory_space<any>> -> memref<40x6400xf32, #tpu.memory_space<any>>
    %dma_start3A_2161 = arith.constant 120 : i32
    %dma_start3A_2162 = arith.constant 0 : i32
    %dma_start3A_2163 = tpu.memref_slice %arg2[%dma_start3A_2161, %dma_start3A_2162] : memref<200x6400xf32, #tpu.memory_space<vmem>> -> memref<40x6400xf32, #tpu.memory_space<vmem>>
    tpu.enqueue_dma source(%dma_start3A_2163 : memref<40x6400xf32, #tpu.memory_space<vmem>>) target(%dma_start3A_2160 : memref<40x6400xf32, #tpu.memory_space<any>>) target_semaphore(%dma_start3A_2156 : memref<!tpu.dma_semaphore, #tpu.memory_space<semaphore_mem>>)
    %dma_start3A_2164 = arith.constant 1 : i32
    %dma_start3A_2165 = arith.constant 1 : i32
    %dma_start3A_2166 = tpu.memref_slice %arg4[%dma_start3A_2165] : memref<16x!tpu.dma_semaphore, #tpu.memory_space<semaphore_mem>> -> memref<1x!tpu.dma_semaphore, #tpu.memory_space<semaphore_mem>>
    %dma_start3A_2167 = tpu.memref_squeeze %dma_start3A_2166 : memref<1x!tpu.dma_semaphore, #tpu.memory_space<semaphore_mem>> -> memref<!tpu.dma_semaphore, #tpu.memory_space<semaphore_mem>>
    %dma_start3A_2168 = arith.constant 120 : i32
    %dma_start3A_2169 = arith.constant 0 : i32
    %dma_start3A_2170 = tpu.memref_slice %arg1[%dma_start3A_2164, %dma_start3A_2168, %dma_start3A_2169] : memref<16x200x6400xf32, #tpu.memory_space<any>> -> memref<1x40x6400xf32, #tpu.memory_space<any>>
    %dma_start3A_2171 = tpu.memref_squeeze %dma_start3A_2170 : memref<1x40x6400xf32, #tpu.memory_space<any>> -> memref<40x6400xf32, #tpu.memory_space<any>>
    %dma_start3A_2172 = arith.constant 120 : i32
    %dma_start3A_2173 = arith.constant 0 : i32
    %dma_start3A_2174 = tpu.memref_slice %arg2[%dma_start3A_2172, %dma_start3A_2173] : memref<200x6400xf32, #tpu.memory_space<vmem>> -> memref<40x6400xf32, #tpu.memory_space<vmem>>
    tpu.enqueue_dma source(%dma_start3A_2174 : memref<40x6400xf32, #tpu.memory_space<vmem>>) target(%dma_start3A_2171 : memref<40x6400xf32, #tpu.memory_space<any>>) target_semaphore(%dma_start3A_2167 : memref<!tpu.dma_semaphore, #tpu.memory_space<semaphore_mem>>)
    %dma_start3A_2175 = arith.constant 2 : i32
    %dma_start3A_2176 = arith.constant 2 : i32
    %dma_start3A_2177 = tpu.memref_slice %arg4[%dma_start3A_2176] : memref<16x!tpu.dma_semaphore, #tpu.memory_space<semaphore_mem>> -> memref<1x!tpu.dma_semaphore, #tpu.memory_space<semaphore_mem>>
    %dma_start3A_2178 = tpu.memref_squeeze %dma_start3A_2177 : memref<1x!tpu.dma_semaphore, #tpu.memory_space<semaphore_mem>> -> memref<!tpu.dma_semaphore, #tpu.memory_space<semaphore_mem>>
    %dma_start3A_2179 = arith.constant 120 : i32
    %dma_start3A_2180 = arith.constant 0 : i32
    %dma_start3A_2181 = tpu.memref_slice %arg1[%dma_start3A_2175, %dma_start3A_2179, %dma_start3A_2180] : memref<16x200x6400xf32, #tpu.memory_space<any>> -> memref<1x40x6400xf32, #tpu.memory_space<any>>
    %dma_start3A_2182 = tpu.memref_squeeze %dma_start3A_2181 : memref<1x40x6400xf32, #tpu.memory_space<any>> -> memref<40x6400xf32, #tpu.memory_space<any>>
    %dma_start3A_2183 = arith.constant 120 : i32
    %dma_start3A_2184 = arith.constant 0 : i32
    %dma_start3A_2185 = tpu.memref_slice %arg2[%dma_start3A_2183, %dma_start3A_2184] : memref<200x6400xf32, #tpu.memory_space<vmem>> -> memref<40x6400xf32, #tpu.memory_space<vmem>>
    tpu.enqueue_dma source(%dma_start3A_2185 : memref<40x6400xf32, #tpu.memory_space<vmem>>) target(%dma_start3A_2182 : memref<40x6400xf32, #tpu.memory_space<any>>) target_semaphore(%dma_start3A_2178 : memref<!tpu.dma_semaphore, #tpu.memory_space<semaphore_mem>>)
    %dma_start3A_2186 = arith.constant 3 : i32
    %dma_start3A_2187 = arith.constant 3 : i32
    %dma_start3A_2188 = tpu.memref_slice %arg4[%dma_start3A_2187] : memref<16x!tpu.dma_semaphore, #tpu.memory_space<semaphore_mem>> -> memref<1x!tpu.dma_semaphore, #tpu.memory_space<semaphore_mem>>
    %dma_start3A_2189 = tpu.memref_squeeze %dma_start3A_2188 : memref<1x!tpu.dma_semaphore, #tpu.memory_space<semaphore_mem>> -> memref<!tpu.dma_semaphore, #tpu.memory_space<semaphore_mem>>
    %dma_start3A_2190 = arith.constant 120 : i32
    %dma_start3A_2191 = arith.constant 0 : i32
    %dma_start3A_2192 = tpu.memref_slice %arg1[%dma_start3A_2186, %dma_start3A_2190, %dma_start3A_2191] : memref<16x200x6400xf32, #tpu.memory_space<any>> -> memref<1x40x6400xf32, #tpu.memory_space<any>>
    %dma_start3A_2193 = tpu.memref_squeeze %dma_start3A_2192 : memref<1x40x6400xf32, #tpu.memory_space<any>> -> memref<40x6400xf32, #tpu.memory_space<any>>
    %dma_start3A_2194 = arith.constant 120 : i32
    %dma_start3A_2195 = arith.constant 0 : i32
    %dma_start3A_2196 = tpu.memref_slice %arg2[%dma_start3A_2194, %dma_start3A_2195] : memref<200x6400xf32, #tpu.memory_space<vmem>> -> memref<40x6400xf32, #tpu.memory_space<vmem>>
    tpu.enqueue_dma source(%dma_start3A_2196 : memref<40x6400xf32, #tpu.memory_space<vmem>>) target(%dma_start3A_2193 : memref<40x6400xf32, #tpu.memory_space<any>>) target_semaphore(%dma_start3A_2189 : memref<!tpu.dma_semaphore, #tpu.memory_space<semaphore_mem>>)
    %dma_start3A_2197 = arith.constant 4 : i32
    %dma_start3A_2198 = arith.constant 4 : i32
    %dma_start3A_2199 = tpu.memref_slice %arg4[%dma_start3A_2198] : memref<16x!tpu.dma_semaphore, #tpu.memory_space<semaphore_mem>> -> memref<1x!tpu.dma_semaphore, #tpu.memory_space<semaphore_mem>>
    %dma_start3A_2200 = tpu.memref_squeeze %dma_start3A_2199 : memref<1x!tpu.dma_semaphore, #tpu.memory_space<semaphore_mem>> -> memref<!tpu.dma_semaphore, #tpu.memory_space<semaphore_mem>>
    %dma_start3A_2201 = arith.constant 120 : i32
    %dma_start3A_2202 = arith.constant 0 : i32
    %dma_start3A_2203 = tpu.memref_slice %arg1[%dma_start3A_2197, %dma_start3A_2201, %dma_start3A_2202] : memref<16x200x6400xf32, #tpu.memory_space<any>> -> memref<1x40x6400xf32, #tpu.memory_space<any>>
    %dma_start3A_2204 = tpu.memref_squeeze %dma_start3A_2203 : memref<1x40x6400xf32, #tpu.memory_space<any>> -> memref<40x6400xf32, #tpu.memory_space<any>>
    %dma_start3A_2205 = arith.constant 120 : i32
    %dma_start3A_2206 = arith.constant 0 : i32
    %dma_start3A_2207 = tpu.memref_slice %arg2[%dma_start3A_2205, %dma_start3A_2206] : memref<200x6400xf32, #tpu.memory_space<vmem>> -> memref<40x6400xf32, #tpu.memory_space<vmem>>
    tpu.enqueue_dma source(%dma_start3A_2207 : memref<40x6400xf32, #tpu.memory_space<vmem>>) target(%dma_start3A_2204 : memref<40x6400xf32, #tpu.memory_space<any>>) target_semaphore(%dma_start3A_2200 : memref<!tpu.dma_semaphore, #tpu.memory_space<semaphore_mem>>)
    %dma_start3A_2208 = arith.constant 5 : i32
    %dma_start3A_2209 = arith.constant 5 : i32
    %dma_start3A_2210 = tpu.memref_slice %arg4[%dma_start3A_2209] : memref<16x!tpu.dma_semaphore, #tpu.memory_space<semaphore_mem>> -> memref<1x!tpu.dma_semaphore, #tpu.memory_space<semaphore_mem>>
    %dma_start3A_2211 = tpu.memref_squeeze %dma_start3A_2210 : memref<1x!tpu.dma_semaphore, #tpu.memory_space<semaphore_mem>> -> memref<!tpu.dma_semaphore, #tpu.memory_space<semaphore_mem>>
    %dma_start3A_2212 = arith.constant 120 : i32
    %dma_start3A_2213 = arith.constant 0 : i32
    %dma_start3A_2214 = tpu.memref_slice %arg1[%dma_start3A_2208, %dma_start3A_2212, %dma_start3A_2213] : memref<16x200x6400xf32, #tpu.memory_space<any>> -> memref<1x40x6400xf32, #tpu.memory_space<any>>
    %dma_start3A_2215 = tpu.memref_squeeze %dma_start3A_2214 : memref<1x40x6400xf32, #tpu.memory_space<any>> -> memref<40x6400xf32, #tpu.memory_space<any>>
    %dma_start3A_2216 = arith.constant 120 : i32
    %dma_start3A_2217 = arith.constant 0 : i32
    %dma_start3A_2218 = tpu.memref_slice %arg2[%dma_start3A_2216, %dma_start3A_2217] : memref<200x6400xf32, #tpu.memory_space<vmem>> -> memref<40x6400xf32, #tpu.memory_space<vmem>>
    tpu.enqueue_dma source(%dma_start3A_2218 : memref<40x6400xf32, #tpu.memory_space<vmem>>) target(%dma_start3A_2215 : memref<40x6400xf32, #tpu.memory_space<any>>) target_semaphore(%dma_start3A_2211 : memref<!tpu.dma_semaphore, #tpu.memory_space<semaphore_mem>>)
    %dma_start3A_2219 = arith.constant 6 : i32
    %dma_start3A_2220 = arith.constant 6 : i32
    %dma_start3A_2221 = tpu.memref_slice %arg4[%dma_start3A_2220] : memref<16x!tpu.dma_semaphore, #tpu.memory_space<semaphore_mem>> -> memref<1x!tpu.dma_semaphore, #tpu.memory_space<semaphore_mem>>
    %dma_start3A_2222 = tpu.memref_squeeze %dma_start3A_2221 : memref<1x!tpu.dma_semaphore, #tpu.memory_space<semaphore_mem>> -> memref<!tpu.dma_semaphore, #tpu.memory_space<semaphore_mem>>
    %dma_start3A_2223 = arith.constant 120 : i32
    %dma_start3A_2224 = arith.constant 0 : i32
    %dma_start3A_2225 = tpu.memref_slice %arg1[%dma_start3A_2219, %dma_start3A_2223, %dma_start3A_2224] : memref<16x200x6400xf32, #tpu.memory_space<any>> -> memref<1x40x6400xf32, #tpu.memory_space<any>>
    %dma_start3A_2226 = tpu.memref_squeeze %dma_start3A_2225 : memref<1x40x6400xf32, #tpu.memory_space<any>> -> memref<40x6400xf32, #tpu.memory_space<any>>
    %dma_start3A_2227 = arith.constant 120 : i32
    %dma_start3A_2228 = arith.constant 0 : i32
    %dma_start3A_2229 = tpu.memref_slice %arg2[%dma_start3A_2227, %dma_start3A_2228] : memref<200x6400xf32, #tpu.memory_space<vmem>> -> memref<40x6400xf32, #tpu.memory_space<vmem>>
    tpu.enqueue_dma source(%dma_start3A_2229 : memref<40x6400xf32, #tpu.memory_space<vmem>>) target(%dma_start3A_2226 : memref<40x6400xf32, #tpu.memory_space<any>>) target_semaphore(%dma_start3A_2222 : memref<!tpu.dma_semaphore, #tpu.memory_space<semaphore_mem>>)
    %dma_start3A_2230 = arith.constant 7 : i32
    %dma_start3A_2231 = arith.constant 7 : i32
    %dma_start3A_2232 = tpu.memref_slice %arg4[%dma_start3A_2231] : memref<16x!tpu.dma_semaphore, #tpu.memory_space<semaphore_mem>> -> memref<1x!tpu.dma_semaphore, #tpu.memory_space<semaphore_mem>>
    %dma_start3A_2233 = tpu.memref_squeeze %dma_start3A_2232 : memref<1x!tpu.dma_semaphore, #tpu.memory_space<semaphore_mem>> -> memref<!tpu.dma_semaphore, #tpu.memory_space<semaphore_mem>>
    %dma_start3A_2234 = arith.constant 120 : i32
    %dma_start3A_2235 = arith.constant 0 : i32
    %dma_start3A_2236 = tpu.memref_slice %arg1[%dma_start3A_2230, %dma_start3A_2234, %dma_start3A_2235] : memref<16x200x6400xf32, #tpu.memory_space<any>> -> memref<1x40x6400xf32, #tpu.memory_space<any>>
    %dma_start3A_2237 = tpu.memref_squeeze %dma_start3A_2236 : memref<1x40x6400xf32, #tpu.memory_space<any>> -> memref<40x6400xf32, #tpu.memory_space<any>>
    %dma_start3A_2238 = arith.constant 120 : i32
    %dma_start3A_2239 = arith.constant 0 : i32
    %dma_start3A_2240 = tpu.memref_slice %arg2[%dma_start3A_2238, %dma_start3A_2239] : memref<200x6400xf32, #tpu.memory_space<vmem>> -> memref<40x6400xf32, #tpu.memory_space<vmem>>
    tpu.enqueue_dma source(%dma_start3A_2240 : memref<40x6400xf32, #tpu.memory_space<vmem>>) target(%dma_start3A_2237 : memref<40x6400xf32, #tpu.memory_space<any>>) target_semaphore(%dma_start3A_2233 : memref<!tpu.dma_semaphore, #tpu.memory_space<semaphore_mem>>)
    %dma_start3A_2241 = arith.constant 8 : i32
    %dma_start3A_2242 = arith.constant 8 : i32
    %dma_start3A_2243 = tpu.memref_slice %arg4[%dma_start3A_2242] : memref<16x!tpu.dma_semaphore, #tpu.memory_space<semaphore_mem>> -> memref<1x!tpu.dma_semaphore, #tpu.memory_space<semaphore_mem>>
    %dma_start3A_2244 = tpu.memref_squeeze %dma_start3A_2243 : memref<1x!tpu.dma_semaphore, #tpu.memory_space<semaphore_mem>> -> memref<!tpu.dma_semaphore, #tpu.memory_space<semaphore_mem>>
    %dma_start3A_2245 = arith.constant 120 : i32
    %dma_start3A_2246 = arith.constant 0 : i32
    %dma_start3A_2247 = tpu.memref_slice %arg1[%dma_start3A_2241, %dma_start3A_2245, %dma_start3A_2246] : memref<16x200x6400xf32, #tpu.memory_space<any>> -> memref<1x40x6400xf32, #tpu.memory_space<any>>
    %dma_start3A_2248 = tpu.memref_squeeze %dma_start3A_2247 : memref<1x40x6400xf32, #tpu.memory_space<any>> -> memref<40x6400xf32, #tpu.memory_space<any>>
    %dma_start3A_2249 = arith.constant 120 : i32
    %dma_start3A_2250 = arith.constant 0 : i32
    %dma_start3A_2251 = tpu.memref_slice %arg2[%dma_start3A_2249, %dma_start3A_2250] : memref<200x6400xf32, #tpu.memory_space<vmem>> -> memref<40x6400xf32, #tpu.memory_space<vmem>>
    tpu.enqueue_dma source(%dma_start3A_2251 : memref<40x6400xf32, #tpu.memory_space<vmem>>) target(%dma_start3A_2248 : memref<40x6400xf32, #tpu.memory_space<any>>) target_semaphore(%dma_start3A_2244 : memref<!tpu.dma_semaphore, #tpu.memory_space<semaphore_mem>>)
    %dma_start3A_2252 = arith.constant 9 : i32
    %dma_start3A_2253 = arith.constant 9 : i32
    %dma_start3A_2254 = tpu.memref_slice %arg4[%dma_start3A_2253] : memref<16x!tpu.dma_semaphore, #tpu.memory_space<semaphore_mem>> -> memref<1x!tpu.dma_semaphore, #tpu.memory_space<semaphore_mem>>
    %dma_start3A_2255 = tpu.memref_squeeze %dma_start3A_2254 : memref<1x!tpu.dma_semaphore, #tpu.memory_space<semaphore_mem>> -> memref<!tpu.dma_semaphore, #tpu.memory_space<semaphore_mem>>
    %dma_start3A_2256 = arith.constant 120 : i32
    %dma_start3A_2257 = arith.constant 0 : i32
    %dma_start3A_2258 = tpu.memref_slice %arg1[%dma_start3A_2252, %dma_start3A_2256, %dma_start3A_2257] : memref<16x200x6400xf32, #tpu.memory_space<any>> -> memref<1x40x6400xf32, #tpu.memory_space<any>>
    %dma_start3A_2259 = tpu.memref_squeeze %dma_start3A_2258 : memref<1x40x6400xf32, #tpu.memory_space<any>> -> memref<40x6400xf32, #tpu.memory_space<any>>
    %dma_start3A_2260 = arith.constant 120 : i32
    %dma_start3A_2261 = arith.constant 0 : i32
    %dma_start3A_2262 = tpu.memref_slice %arg2[%dma_start3A_2260, %dma_start3A_2261] : memref<200x6400xf32, #tpu.memory_space<vmem>> -> memref<40x6400xf32, #tpu.memory_space<vmem>>
    tpu.enqueue_dma source(%dma_start3A_2262 : memref<40x6400xf32, #tpu.memory_space<vmem>>) target(%dma_start3A_2259 : memref<40x6400xf32, #tpu.memory_space<any>>) target_semaphore(%dma_start3A_2255 : memref<!tpu.dma_semaphore, #tpu.memory_space<semaphore_mem>>)
    %dma_start3A_2263 = arith.constant 10 : i32
    %dma_start3A_2264 = arith.constant 10 : i32
    %dma_start3A_2265 = tpu.memref_slice %arg4[%dma_start3A_2264] : memref<16x!tpu.dma_semaphore, #tpu.memory_space<semaphore_mem>> -> memref<1x!tpu.dma_semaphore, #tpu.memory_space<semaphore_mem>>
    %dma_start3A_2266 = tpu.memref_squeeze %dma_start3A_2265 : memref<1x!tpu.dma_semaphore, #tpu.memory_space<semaphore_mem>> -> memref<!tpu.dma_semaphore, #tpu.memory_space<semaphore_mem>>
    %dma_start3A_2267 = arith.constant 120 : i32
    %dma_start3A_2268 = arith.constant 0 : i32
    %dma_start3A_2269 = tpu.memref_slice %arg1[%dma_start3A_2263, %dma_start3A_2267, %dma_start3A_2268] : memref<16x200x6400xf32, #tpu.memory_space<any>> -> memref<1x40x6400xf32, #tpu.memory_space<any>>
    %dma_start3A_2270 = tpu.memref_squeeze %dma_start3A_2269 : memref<1x40x6400xf32, #tpu.memory_space<any>> -> memref<40x6400xf32, #tpu.memory_space<any>>
    %dma_start3A_2271 = arith.constant 120 : i32
    %dma_start3A_2272 = arith.constant 0 : i32
    %dma_start3A_2273 = tpu.memref_slice %arg2[%dma_start3A_2271, %dma_start3A_2272] : memref<200x6400xf32, #tpu.memory_space<vmem>> -> memref<40x6400xf32, #tpu.memory_space<vmem>>
    tpu.enqueue_dma source(%dma_start3A_2273 : memref<40x6400xf32, #tpu.memory_space<vmem>>) target(%dma_start3A_2270 : memref<40x6400xf32, #tpu.memory_space<any>>) target_semaphore(%dma_start3A_2266 : memref<!tpu.dma_semaphore, #tpu.memory_space<semaphore_mem>>)
    %dma_start3A_2274 = arith.constant 11 : i32
    %dma_start3A_2275 = arith.constant 11 : i32
    %dma_start3A_2276 = tpu.memref_slice %arg4[%dma_start3A_2275] : memref<16x!tpu.dma_semaphore, #tpu.memory_space<semaphore_mem>> -> memref<1x!tpu.dma_semaphore, #tpu.memory_space<semaphore_mem>>
    %dma_start3A_2277 = tpu.memref_squeeze %dma_start3A_2276 : memref<1x!tpu.dma_semaphore, #tpu.memory_space<semaphore_mem>> -> memref<!tpu.dma_semaphore, #tpu.memory_space<semaphore_mem>>
    %dma_start3A_2278 = arith.constant 120 : i32
    %dma_start3A_2279 = arith.constant 0 : i32
    %dma_start3A_2280 = tpu.memref_slice %arg1[%dma_start3A_2274, %dma_start3A_2278, %dma_start3A_2279] : memref<16x200x6400xf32, #tpu.memory_space<any>> -> memref<1x40x6400xf32, #tpu.memory_space<any>>
    %dma_start3A_2281 = tpu.memref_squeeze %dma_start3A_2280 : memref<1x40x6400xf32, #tpu.memory_space<any>> -> memref<40x6400xf32, #tpu.memory_space<any>>
    %dma_start3A_2282 = arith.constant 120 : i32
    %dma_start3A_2283 = arith.constant 0 : i32
    %dma_start3A_2284 = tpu.memref_slice %arg2[%dma_start3A_2282, %dma_start3A_2283] : memref<200x6400xf32, #tpu.memory_space<vmem>> -> memref<40x6400xf32, #tpu.memory_space<vmem>>
    tpu.enqueue_dma source(%dma_start3A_2284 : memref<40x6400xf32, #tpu.memory_space<vmem>>) target(%dma_start3A_2281 : memref<40x6400xf32, #tpu.memory_space<any>>) target_semaphore(%dma_start3A_2277 : memref<!tpu.dma_semaphore, #tpu.memory_space<semaphore_mem>>)
    %dma_start3A_2285 = arith.constant 12 : i32
    %dma_start3A_2286 = arith.constant 12 : i32
    %dma_start3A_2287 = tpu.memref_slice %arg4[%dma_start3A_2286] : memref<16x!tpu.dma_semaphore, #tpu.memory_space<semaphore_mem>> -> memref<1x!tpu.dma_semaphore, #tpu.memory_space<semaphore_mem>>
    %dma_start3A_2288 = tpu.memref_squeeze %dma_start3A_2287 : memref<1x!tpu.dma_semaphore, #tpu.memory_space<semaphore_mem>> -> memref<!tpu.dma_semaphore, #tpu.memory_space<semaphore_mem>>
    %dma_start3A_2289 = arith.constant 120 : i32
    %dma_start3A_2290 = arith.constant 0 : i32
    %dma_start3A_2291 = tpu.memref_slice %arg1[%dma_start3A_2285, %dma_start3A_2289, %dma_start3A_2290] : memref<16x200x6400xf32, #tpu.memory_space<any>> -> memref<1x40x6400xf32, #tpu.memory_space<any>>
    %dma_start3A_2292 = tpu.memref_squeeze %dma_start3A_2291 : memref<1x40x6400xf32, #tpu.memory_space<any>> -> memref<40x6400xf32, #tpu.memory_space<any>>
    %dma_start3A_2293 = arith.constant 120 : i32
    %dma_start3A_2294 = arith.constant 0 : i32
    %dma_start3A_2295 = tpu.memref_slice %arg2[%dma_start3A_2293, %dma_start3A_2294] : memref<200x6400xf32, #tpu.memory_space<vmem>> -> memref<40x6400xf32, #tpu.memory_space<vmem>>
    tpu.enqueue_dma source(%dma_start3A_2295 : memref<40x6400xf32, #tpu.memory_space<vmem>>) target(%dma_start3A_2292 : memref<40x6400xf32, #tpu.memory_space<any>>) target_semaphore(%dma_start3A_2288 : memref<!tpu.dma_semaphore, #tpu.memory_space<semaphore_mem>>)
    %dma_start3A_2296 = arith.constant 13 : i32
    %dma_start3A_2297 = arith.constant 13 : i32
    %dma_start3A_2298 = tpu.memref_slice %arg4[%dma_start3A_2297] : memref<16x!tpu.dma_semaphore, #tpu.memory_space<semaphore_mem>> -> memref<1x!tpu.dma_semaphore, #tpu.memory_space<semaphore_mem>>
    %dma_start3A_2299 = tpu.memref_squeeze %dma_start3A_2298 : memref<1x!tpu.dma_semaphore, #tpu.memory_space<semaphore_mem>> -> memref<!tpu.dma_semaphore, #tpu.memory_space<semaphore_mem>>
    %dma_start3A_2300 = arith.constant 120 : i32
    %dma_start3A_2301 = arith.constant 0 : i32
    %dma_start3A_2302 = tpu.memref_slice %arg1[%dma_start3A_2296, %dma_start3A_2300, %dma_start3A_2301] : memref<16x200x6400xf32, #tpu.memory_space<any>> -> memref<1x40x6400xf32, #tpu.memory_space<any>>
    %dma_start3A_2303 = tpu.memref_squeeze %dma_start3A_2302 : memref<1x40x6400xf32, #tpu.memory_space<any>> -> memref<40x6400xf32, #tpu.memory_space<any>>
    %dma_start3A_2304 = arith.constant 120 : i32
    %dma_start3A_2305 = arith.constant 0 : i32
    %dma_start3A_2306 = tpu.memref_slice %arg2[%dma_start3A_2304, %dma_start3A_2305] : memref<200x6400xf32, #tpu.memory_space<vmem>> -> memref<40x6400xf32, #tpu.memory_space<vmem>>
    tpu.enqueue_dma source(%dma_start3A_2306 : memref<40x6400xf32, #tpu.memory_space<vmem>>) target(%dma_start3A_2303 : memref<40x6400xf32, #tpu.memory_space<any>>) target_semaphore(%dma_start3A_2299 : memref<!tpu.dma_semaphore, #tpu.memory_space<semaphore_mem>>)
    %dma_start3A_2307 = arith.constant 14 : i32
    %dma_start3A_2308 = arith.constant 14 : i32
    %dma_start3A_2309 = tpu.memref_slice %arg4[%dma_start3A_2308] : memref<16x!tpu.dma_semaphore, #tpu.memory_space<semaphore_mem>> -> memref<1x!tpu.dma_semaphore, #tpu.memory_space<semaphore_mem>>
    %dma_start3A_2310 = tpu.memref_squeeze %dma_start3A_2309 : memref<1x!tpu.dma_semaphore, #tpu.memory_space<semaphore_mem>> -> memref<!tpu.dma_semaphore, #tpu.memory_space<semaphore_mem>>
    %dma_start3A_2311 = arith.constant 120 : i32
    %dma_start3A_2312 = arith.constant 0 : i32
    %dma_start3A_2313 = tpu.memref_slice %arg1[%dma_start3A_2307, %dma_start3A_2311, %dma_start3A_2312] : memref<16x200x6400xf32, #tpu.memory_space<any>> -> memref<1x40x6400xf32, #tpu.memory_space<any>>
    %dma_start3A_2314 = tpu.memref_squeeze %dma_start3A_2313 : memref<1x40x6400xf32, #tpu.memory_space<any>> -> memref<40x6400xf32, #tpu.memory_space<any>>
    %dma_start3A_2315 = arith.constant 120 : i32
    %dma_start3A_2316 = arith.constant 0 : i32
    %dma_start3A_2317 = tpu.memref_slice %arg2[%dma_start3A_2315, %dma_start3A_2316] : memref<200x6400xf32, #tpu.memory_space<vmem>> -> memref<40x6400xf32, #tpu.memory_space<vmem>>
    tpu.enqueue_dma source(%dma_start3A_2317 : memref<40x6400xf32, #tpu.memory_space<vmem>>) target(%dma_start3A_2314 : memref<40x6400xf32, #tpu.memory_space<any>>) target_semaphore(%dma_start3A_2310 : memref<!tpu.dma_semaphore, #tpu.memory_space<semaphore_mem>>)
    %dma_start3A_2318 = arith.constant 15 : i32
    %dma_start3A_2319 = arith.constant 15 : i32
    %dma_start3A_2320 = tpu.memref_slice %arg4[%dma_start3A_2319] : memref<16x!tpu.dma_semaphore, #tpu.memory_space<semaphore_mem>> -> memref<1x!tpu.dma_semaphore, #tpu.memory_space<semaphore_mem>>
    %dma_start3A_2321 = tpu.memref_squeeze %dma_start3A_2320 : memref<1x!tpu.dma_semaphore, #tpu.memory_space<semaphore_mem>> -> memref<!tpu.dma_semaphore, #tpu.memory_space<semaphore_mem>>
    %dma_start3A_2322 = arith.constant 120 : i32
    %dma_start3A_2323 = arith.constant 0 : i32
    %dma_start3A_2324 = tpu.memref_slice %arg1[%dma_start3A_2318, %dma_start3A_2322, %dma_start3A_2323] : memref<16x200x6400xf32, #tpu.memory_space<any>> -> memref<1x40x6400xf32, #tpu.memory_space<any>>
    %dma_start3A_2325 = tpu.memref_squeeze %dma_start3A_2324 : memref<1x40x6400xf32, #tpu.memory_space<any>> -> memref<40x6400xf32, #tpu.memory_space<any>>
    %dma_start3A_2326 = arith.constant 120 : i32
    %dma_start3A_2327 = arith.constant 0 : i32
    %dma_start3A_2328 = tpu.memref_slice %arg2[%dma_start3A_2326, %dma_start3A_2327] : memref<200x6400xf32, #tpu.memory_space<vmem>> -> memref<40x6400xf32, #tpu.memory_space<vmem>>
    tpu.enqueue_dma source(%dma_start3A_2328 : memref<40x6400xf32, #tpu.memory_space<vmem>>) target(%dma_start3A_2325 : memref<40x6400xf32, #tpu.memory_space<any>>) target_semaphore(%dma_start3A_2321 : memref<!tpu.dma_semaphore, #tpu.memory_space<semaphore_mem>>)
    %get3A_2329 = arith.constant 160 : index
    %get3A_2330 = arith.constant 0 : index
    %get3A_2331 = vector.load %arg3[%get3A_2329, %get3A_2330] : memref<200x128xf32, #tpu.memory_space<vmem>>, vector<40x128xf32>
    %get3A_2332 = arith.constant 0 : index
    %get3A_2333 = arith.constant 0 : index
    %get3A_2334 = vector.load %arg0[%get3A_2332, %get3A_2333] : memref<1x6400xf32, #tpu.memory_space<vmem>>, vector<1x128xf32>
    %add3A_2335 = vector.broadcast %get3A_2334 : vector<1x128xf32> to vector<40x128xf32>
    %add3A_2336 = arith.addf %add3A_2335, %get3A_2331 : vector<40x128xf32>
    %swap3A_2337 = arith.constant 160 : index
    %swap3A_2338 = arith.constant 0 : index
    %swap3A_2339 = vector.load %arg2[%swap3A_2337, %swap3A_2338] : memref<200x6400xf32, #tpu.memory_space<vmem>>, vector<40x128xf32>
    tpu.vector_store %arg2[%swap3A_2337, %swap3A_2338], %add3A_2336 {strides = array<i32>} : memref<200x6400xf32, #tpu.memory_space<vmem>>, vector<40x128xf32>,
    %get3A_2340 = arith.constant 0 : index
    %get3A_2341 = arith.constant 128 : index
    %get3A_2342 = vector.load %arg0[%get3A_2340, %get3A_2341] : memref<1x6400xf32, #tpu.memory_space<vmem>>, vector<1x128xf32>
    %add3A_2343 = vector.broadcast %get3A_2342 : vector<1x128xf32> to vector<40x128xf32>
    %add3A_2344 = arith.addf %add3A_2343, %get3A_2331 : vector<40x128xf32>
    %swap3A_2345 = arith.constant 160 : index
    %swap3A_2346 = arith.constant 128 : index
    %swap3A_2347 = vector.load %arg2[%swap3A_2345, %swap3A_2346] : memref<200x6400xf32, #tpu.memory_space<vmem>>, vector<40x128xf32>
    tpu.vector_store %arg2[%swap3A_2345, %swap3A_2346], %add3A_2344 {strides = array<i32>} : memref<200x6400xf32, #tpu.memory_space<vmem>>, vector<40x128xf32>,
    %get3A_2348 = arith.constant 0 : index
    %get3A_2349 = arith.constant 256 : index
    %get3A_2350 = vector.load %arg0[%get3A_2348, %get3A_2349] : memref<1x6400xf32, #tpu.memory_space<vmem>>, vector<1x128xf32>
    %add3A_2351 = vector.broadcast %get3A_2350 : vector<1x128xf32> to vector<40x128xf32>
    %add3A_2352 = arith.addf %add3A_2351, %get3A_2331 : vector<40x128xf32>
    %swap3A_2353 = arith.constant 160 : index
    %swap3A_2354 = arith.constant 256 : index
    %swap3A_2355 = vector.load %arg2[%swap3A_2353, %swap3A_2354] : memref<200x6400xf32, #tpu.memory_space<vmem>>, vector<40x128xf32>
    tpu.vector_store %arg2[%swap3A_2353, %swap3A_2354], %add3A_2352 {strides = array<i32>} : memref<200x6400xf32, #tpu.memory_space<vmem>>, vector<40x128xf32>,
    %get3A_2356 = arith.constant 0 : index
    %get3A_2357 = arith.constant 384 : index
    %get3A_2358 = vector.load %arg0[%get3A_2356, %get3A_2357] : memref<1x6400xf32, #tpu.memory_space<vmem>>, vector<1x128xf32>
    %add3A_2359 = vector.broadcast %get3A_2358 : vector<1x128xf32> to vector<40x128xf32>
    %add3A_2360 = arith.addf %add3A_2359, %get3A_2331 : vector<40x128xf32>
    %swap3A_2361 = arith.constant 160 : index
    %swap3A_2362 = arith.constant 384 : index
    %swap3A_2363 = vector.load %arg2[%swap3A_2361, %swap3A_2362] : memref<200x6400xf32, #tpu.memory_space<vmem>>, vector<40x128xf32>
    tpu.vector_store %arg2[%swap3A_2361, %swap3A_2362], %add3A_2360 {strides = array<i32>} : memref<200x6400xf32, #tpu.memory_space<vmem>>, vector<40x128xf32>,
    %get3A_2364 = arith.constant 0 : index
    %get3A_2365 = arith.constant 512 : index
    %get3A_2366 = vector.load %arg0[%get3A_2364, %get3A_2365] : memref<1x6400xf32, #tpu.memory_space<vmem>>, vector<1x128xf32>
    %add3A_2367 = vector.broadcast %get3A_2366 : vector<1x128xf32> to vector<40x128xf32>
    %add3A_2368 = arith.addf %add3A_2367, %get3A_2331 : vector<40x128xf32>
    %swap3A_2369 = arith.constant 160 : index
    %swap3A_2370 = arith.constant 512 : index
    %swap3A_2371 = vector.load %arg2[%swap3A_2369, %swap3A_2370] : memref<200x6400xf32, #tpu.memory_space<vmem>>, vector<40x128xf32>
    tpu.vector_store %arg2[%swap3A_2369, %swap3A_2370], %add3A_2368 {strides = array<i32>} : memref<200x6400xf32, #tpu.memory_space<vmem>>, vector<40x128xf32>,
    %get3A_2372 = arith.constant 0 : index
    %get3A_2373 = arith.constant 640 : index
    %get3A_2374 = vector.load %arg0[%get3A_2372, %get3A_2373] : memref<1x6400xf32, #tpu.memory_space<vmem>>, vector<1x128xf32>
    %add3A_2375 = vector.broadcast %get3A_2374 : vector<1x128xf32> to vector<40x128xf32>
    %add3A_2376 = arith.addf %add3A_2375, %get3A_2331 : vector<40x128xf32>
    %swap3A_2377 = arith.constant 160 : index
    %swap3A_2378 = arith.constant 640 : index
    %swap3A_2379 = vector.load %arg2[%swap3A_2377, %swap3A_2378] : memref<200x6400xf32, #tpu.memory_space<vmem>>, vector<40x128xf32>
    tpu.vector_store %arg2[%swap3A_2377, %swap3A_2378], %add3A_2376 {strides = array<i32>} : memref<200x6400xf32, #tpu.memory_space<vmem>>, vector<40x128xf32>,
    %get3A_2380 = arith.constant 0 : index
    %get3A_2381 = arith.constant 768 : index
    %get3A_2382 = vector.load %arg0[%get3A_2380, %get3A_2381] : memref<1x6400xf32, #tpu.memory_space<vmem>>, vector<1x128xf32>
    %add3A_2383 = vector.broadcast %get3A_2382 : vector<1x128xf32> to vector<40x128xf32>
    %add3A_2384 = arith.addf %add3A_2383, %get3A_2331 : vector<40x128xf32>
    %swap3A_2385 = arith.constant 160 : index
    %swap3A_2386 = arith.constant 768 : index
    %swap3A_2387 = vector.load %arg2[%swap3A_2385, %swap3A_2386] : memref<200x6400xf32, #tpu.memory_space<vmem>>, vector<40x128xf32>
    tpu.vector_store %arg2[%swap3A_2385, %swap3A_2386], %add3A_2384 {strides = array<i32>} : memref<200x6400xf32, #tpu.memory_space<vmem>>, vector<40x128xf32>,
    %get3A_2388 = arith.constant 0 : index
    %get3A_2389 = arith.constant 896 : index
    %get3A_2390 = vector.load %arg0[%get3A_2388, %get3A_2389] : memref<1x6400xf32, #tpu.memory_space<vmem>>, vector<1x128xf32>
    %add3A_2391 = vector.broadcast %get3A_2390 : vector<1x128xf32> to vector<40x128xf32>
    %add3A_2392 = arith.addf %add3A_2391, %get3A_2331 : vector<40x128xf32>
    %swap3A_2393 = arith.constant 160 : index
    %swap3A_2394 = arith.constant 896 : index
    %swap3A_2395 = vector.load %arg2[%swap3A_2393, %swap3A_2394] : memref<200x6400xf32, #tpu.memory_space<vmem>>, vector<40x128xf32>
    tpu.vector_store %arg2[%swap3A_2393, %swap3A_2394], %add3A_2392 {strides = array<i32>} : memref<200x6400xf32, #tpu.memory_space<vmem>>, vector<40x128xf32>,
    %get3A_2396 = arith.constant 0 : index
    %get3A_2397 = arith.constant 1024 : index
    %get3A_2398 = vector.load %arg0[%get3A_2396, %get3A_2397] : memref<1x6400xf32, #tpu.memory_space<vmem>>, vector<1x128xf32>
    %add3A_2399 = vector.broadcast %get3A_2398 : vector<1x128xf32> to vector<40x128xf32>
    %add3A_2400 = arith.addf %add3A_2399, %get3A_2331 : vector<40x128xf32>
    %swap3A_2401 = arith.constant 160 : index
    %swap3A_2402 = arith.constant 1024 : index
    %swap3A_2403 = vector.load %arg2[%swap3A_2401, %swap3A_2402] : memref<200x6400xf32, #tpu.memory_space<vmem>>, vector<40x128xf32>
    tpu.vector_store %arg2[%swap3A_2401, %swap3A_2402], %add3A_2400 {strides = array<i32>} : memref<200x6400xf32, #tpu.memory_space<vmem>>, vector<40x128xf32>,
    %get3A_2404 = arith.constant 0 : index
    %get3A_2405 = arith.constant 1152 : index
    %get3A_2406 = vector.load %arg0[%get3A_2404, %get3A_2405] : memref<1x6400xf32, #tpu.memory_space<vmem>>, vector<1x128xf32>
    %add3A_2407 = vector.broadcast %get3A_2406 : vector<1x128xf32> to vector<40x128xf32>
    %add3A_2408 = arith.addf %add3A_2407, %get3A_2331 : vector<40x128xf32>
    %swap3A_2409 = arith.constant 160 : index
    %swap3A_2410 = arith.constant 1152 : index
    %swap3A_2411 = vector.load %arg2[%swap3A_2409, %swap3A_2410] : memref<200x6400xf32, #tpu.memory_space<vmem>>, vector<40x128xf32>
    tpu.vector_store %arg2[%swap3A_2409, %swap3A_2410], %add3A_2408 {strides = array<i32>} : memref<200x6400xf32, #tpu.memory_space<vmem>>, vector<40x128xf32>,
    %get3A_2412 = arith.constant 0 : index
    %get3A_2413 = arith.constant 1280 : index
    %get3A_2414 = vector.load %arg0[%get3A_2412, %get3A_2413] : memref<1x6400xf32, #tpu.memory_space<vmem>>, vector<1x128xf32>
    %add3A_2415 = vector.broadcast %get3A_2414 : vector<1x128xf32> to vector<40x128xf32>
    %add3A_2416 = arith.addf %add3A_2415, %get3A_2331 : vector<40x128xf32>
    %swap3A_2417 = arith.constant 160 : index
    %swap3A_2418 = arith.constant 1280 : index
    %swap3A_2419 = vector.load %arg2[%swap3A_2417, %swap3A_2418] : memref<200x6400xf32, #tpu.memory_space<vmem>>, vector<40x128xf32>
    tpu.vector_store %arg2[%swap3A_2417, %swap3A_2418], %add3A_2416 {strides = array<i32>} : memref<200x6400xf32, #tpu.memory_space<vmem>>, vector<40x128xf32>,
    %get3A_2420 = arith.constant 0 : index
    %get3A_2421 = arith.constant 1408 : index
    %get3A_2422 = vector.load %arg0[%get3A_2420, %get3A_2421] : memref<1x6400xf32, #tpu.memory_space<vmem>>, vector<1x128xf32>
    %add3A_2423 = vector.broadcast %get3A_2422 : vector<1x128xf32> to vector<40x128xf32>
    %add3A_2424 = arith.addf %add3A_2423, %get3A_2331 : vector<40x128xf32>
    %swap3A_2425 = arith.constant 160 : index
    %swap3A_2426 = arith.constant 1408 : index
    %swap3A_2427 = vector.load %arg2[%swap3A_2425, %swap3A_2426] : memref<200x6400xf32, #tpu.memory_space<vmem>>, vector<40x128xf32>
    tpu.vector_store %arg2[%swap3A_2425, %swap3A_2426], %add3A_2424 {strides = array<i32>} : memref<200x6400xf32, #tpu.memory_space<vmem>>, vector<40x128xf32>,
    %get3A_2428 = arith.constant 0 : index
    %get3A_2429 = arith.constant 1536 : index
    %get3A_2430 = vector.load %arg0[%get3A_2428, %get3A_2429] : memref<1x6400xf32, #tpu.memory_space<vmem>>, vector<1x128xf32>
    %add3A_2431 = vector.broadcast %get3A_2430 : vector<1x128xf32> to vector<40x128xf32>
    %add3A_2432 = arith.addf %add3A_2431, %get3A_2331 : vector<40x128xf32>
    %swap3A_2433 = arith.constant 160 : index
    %swap3A_2434 = arith.constant 1536 : index
    %swap3A_2435 = vector.load %arg2[%swap3A_2433, %swap3A_2434] : memref<200x6400xf32, #tpu.memory_space<vmem>>, vector<40x128xf32>
    tpu.vector_store %arg2[%swap3A_2433, %swap3A_2434], %add3A_2432 {strides = array<i32>} : memref<200x6400xf32, #tpu.memory_space<vmem>>, vector<40x128xf32>,
    %get3A_2436 = arith.constant 0 : index
    %get3A_2437 = arith.constant 1664 : index
    %get3A_2438 = vector.load %arg0[%get3A_2436, %get3A_2437] : memref<1x6400xf32, #tpu.memory_space<vmem>>, vector<1x128xf32>
    %add3A_2439 = vector.broadcast %get3A_2438 : vector<1x128xf32> to vector<40x128xf32>
    %add3A_2440 = arith.addf %add3A_2439, %get3A_2331 : vector<40x128xf32>
    %swap3A_2441 = arith.constant 160 : index
    %swap3A_2442 = arith.constant 1664 : index
    %swap3A_2443 = vector.load %arg2[%swap3A_2441, %swap3A_2442] : memref<200x6400xf32, #tpu.memory_space<vmem>>, vector<40x128xf32>
    tpu.vector_store %arg2[%swap3A_2441, %swap3A_2442], %add3A_2440 {strides = array<i32>} : memref<200x6400xf32, #tpu.memory_space<vmem>>, vector<40x128xf32>,
    %get3A_2444 = arith.constant 0 : index
    %get3A_2445 = arith.constant 1792 : index
    %get3A_2446 = vector.load %arg0[%get3A_2444, %get3A_2445] : memref<1x6400xf32, #tpu.memory_space<vmem>>, vector<1x128xf32>
    %add3A_2447 = vector.broadcast %get3A_2446 : vector<1x128xf32> to vector<40x128xf32>
    %add3A_2448 = arith.addf %add3A_2447, %get3A_2331 : vector<40x128xf32>
    %swap3A_2449 = arith.constant 160 : index
    %swap3A_2450 = arith.constant 1792 : index
    %swap3A_2451 = vector.load %arg2[%swap3A_2449, %swap3A_2450] : memref<200x6400xf32, #tpu.memory_space<vmem>>, vector<40x128xf32>
    tpu.vector_store %arg2[%swap3A_2449, %swap3A_2450], %add3A_2448 {strides = array<i32>} : memref<200x6400xf32, #tpu.memory_space<vmem>>, vector<40x128xf32>,
    %get3A_2452 = arith.constant 0 : index
    %get3A_2453 = arith.constant 1920 : index
    %get3A_2454 = vector.load %arg0[%get3A_2452, %get3A_2453] : memref<1x6400xf32, #tpu.memory_space<vmem>>, vector<1x128xf32>
    %add3A_2455 = vector.broadcast %get3A_2454 : vector<1x128xf32> to vector<40x128xf32>
    %add3A_2456 = arith.addf %add3A_2455, %get3A_2331 : vector<40x128xf32>
    %swap3A_2457 = arith.constant 160 : index
    %swap3A_2458 = arith.constant 1920 : index
    %swap3A_2459 = vector.load %arg2[%swap3A_2457, %swap3A_2458] : memref<200x6400xf32, #tpu.memory_space<vmem>>, vector<40x128xf32>
    tpu.vector_store %arg2[%swap3A_2457, %swap3A_2458], %add3A_2456 {strides = array<i32>} : memref<200x6400xf32, #tpu.memory_space<vmem>>, vector<40x128xf32>,
    %get3A_2460 = arith.constant 0 : index
    %get3A_2461 = arith.constant 2048 : index
    %get3A_2462 = vector.load %arg0[%get3A_2460, %get3A_2461] : memref<1x6400xf32, #tpu.memory_space<vmem>>, vector<1x128xf32>
    %add3A_2463 = vector.broadcast %get3A_2462 : vector<1x128xf32> to vector<40x128xf32>
    %add3A_2464 = arith.addf %add3A_2463, %get3A_2331 : vector<40x128xf32>
    %swap3A_2465 = arith.constant 160 : index
    %swap3A_2466 = arith.constant 2048 : index
    %swap3A_2467 = vector.load %arg2[%swap3A_2465, %swap3A_2466] : memref<200x6400xf32, #tpu.memory_space<vmem>>, vector<40x128xf32>
    tpu.vector_store %arg2[%swap3A_2465, %swap3A_2466], %add3A_2464 {strides = array<i32>} : memref<200x6400xf32, #tpu.memory_space<vmem>>, vector<40x128xf32>,
    %get3A_2468 = arith.constant 0 : index
    %get3A_2469 = arith.constant 2176 : index
    %get3A_2470 = vector.load %arg0[%get3A_2468, %get3A_2469] : memref<1x6400xf32, #tpu.memory_space<vmem>>, vector<1x128xf32>
    %add3A_2471 = vector.broadcast %get3A_2470 : vector<1x128xf32> to vector<40x128xf32>
    %add3A_2472 = arith.addf %add3A_2471, %get3A_2331 : vector<40x128xf32>
    %swap3A_2473 = arith.constant 160 : index
    %swap3A_2474 = arith.constant 2176 : index
    %swap3A_2475 = vector.load %arg2[%swap3A_2473, %swap3A_2474] : memref<200x6400xf32, #tpu.memory_space<vmem>>, vector<40x128xf32>
    tpu.vector_store %arg2[%swap3A_2473, %swap3A_2474], %add3A_2472 {strides = array<i32>} : memref<200x6400xf32, #tpu.memory_space<vmem>>, vector<40x128xf32>,
    %get3A_2476 = arith.constant 0 : index
    %get3A_2477 = arith.constant 2304 : index
    %get3A_2478 = vector.load %arg0[%get3A_2476, %get3A_2477] : memref<1x6400xf32, #tpu.memory_space<vmem>>, vector<1x128xf32>
    %add3A_2479 = vector.broadcast %get3A_2478 : vector<1x128xf32> to vector<40x128xf32>
    %add3A_2480 = arith.addf %add3A_2479, %get3A_2331 : vector<40x128xf32>
    %swap3A_2481 = arith.constant 160 : index
    %swap3A_2482 = arith.constant 2304 : index
    %swap3A_2483 = vector.load %arg2[%swap3A_2481, %swap3A_2482] : memref<200x6400xf32, #tpu.memory_space<vmem>>, vector<40x128xf32>
    tpu.vector_store %arg2[%swap3A_2481, %swap3A_2482], %add3A_2480 {strides = array<i32>} : memref<200x6400xf32, #tpu.memory_space<vmem>>, vector<40x128xf32>,
    %get3A_2484 = arith.constant 0 : index
    %get3A_2485 = arith.constant 2432 : index
    %get3A_2486 = vector.load %arg0[%get3A_2484, %get3A_2485] : memref<1x6400xf32, #tpu.memory_space<vmem>>, vector<1x128xf32>
    %add3A_2487 = vector.broadcast %get3A_2486 : vector<1x128xf32> to vector<40x128xf32>
    %add3A_2488 = arith.addf %add3A_2487, %get3A_2331 : vector<40x128xf32>
    %swap3A_2489 = arith.constant 160 : index
    %swap3A_2490 = arith.constant 2432 : index
    %swap3A_2491 = vector.load %arg2[%swap3A_2489, %swap3A_2490] : memref<200x6400xf32, #tpu.memory_space<vmem>>, vector<40x128xf32>
    tpu.vector_store %arg2[%swap3A_2489, %swap3A_2490], %add3A_2488 {strides = array<i32>} : memref<200x6400xf32, #tpu.memory_space<vmem>>, vector<40x128xf32>,
    %get3A_2492 = arith.constant 0 : index
    %get3A_2493 = arith.constant 2560 : index
    %get3A_2494 = vector.load %arg0[%get3A_2492, %get3A_2493] : memref<1x6400xf32, #tpu.memory_space<vmem>>, vector<1x128xf32>
    %add3A_2495 = vector.broadcast %get3A_2494 : vector<1x128xf32> to vector<40x128xf32>
    %add3A_2496 = arith.addf %add3A_2495, %get3A_2331 : vector<40x128xf32>
    %swap3A_2497 = arith.constant 160 : index
    %swap3A_2498 = arith.constant 2560 : index
    %swap3A_2499 = vector.load %arg2[%swap3A_2497, %swap3A_2498] : memref<200x6400xf32, #tpu.memory_space<vmem>>, vector<40x128xf32>
    tpu.vector_store %arg2[%swap3A_2497, %swap3A_2498], %add3A_2496 {strides = array<i32>} : memref<200x6400xf32, #tpu.memory_space<vmem>>, vector<40x128xf32>,
    %get3A_2500 = arith.constant 0 : index
    %get3A_2501 = arith.constant 2688 : index
    %get3A_2502 = vector.load %arg0[%get3A_2500, %get3A_2501] : memref<1x6400xf32, #tpu.memory_space<vmem>>, vector<1x128xf32>
    %add3A_2503 = vector.broadcast %get3A_2502 : vector<1x128xf32> to vector<40x128xf32>
    %add3A_2504 = arith.addf %add3A_2503, %get3A_2331 : vector<40x128xf32>
    %swap3A_2505 = arith.constant 160 : index
    %swap3A_2506 = arith.constant 2688 : index
    %swap3A_2507 = vector.load %arg2[%swap3A_2505, %swap3A_2506] : memref<200x6400xf32, #tpu.memory_space<vmem>>, vector<40x128xf32>
    tpu.vector_store %arg2[%swap3A_2505, %swap3A_2506], %add3A_2504 {strides = array<i32>} : memref<200x6400xf32, #tpu.memory_space<vmem>>, vector<40x128xf32>,
    %get3A_2508 = arith.constant 0 : index
    %get3A_2509 = arith.constant 2816 : index
    %get3A_2510 = vector.load %arg0[%get3A_2508, %get3A_2509] : memref<1x6400xf32, #tpu.memory_space<vmem>>, vector<1x128xf32>
    %add3A_2511 = vector.broadcast %get3A_2510 : vector<1x128xf32> to vector<40x128xf32>
    %add3A_2512 = arith.addf %add3A_2511, %get3A_2331 : vector<40x128xf32>
    %swap3A_2513 = arith.constant 160 : index
    %swap3A_2514 = arith.constant 2816 : index
    %swap3A_2515 = vector.load %arg2[%swap3A_2513, %swap3A_2514] : memref<200x6400xf32, #tpu.memory_space<vmem>>, vector<40x128xf32>
    tpu.vector_store %arg2[%swap3A_2513, %swap3A_2514], %add3A_2512 {strides = array<i32>} : memref<200x6400xf32, #tpu.memory_space<vmem>>, vector<40x128xf32>,
    %get3A_2516 = arith.constant 0 : index
    %get3A_2517 = arith.constant 2944 : index
    %get3A_2518 = vector.load %arg0[%get3A_2516, %get3A_2517] : memref<1x6400xf32, #tpu.memory_space<vmem>>, vector<1x128xf32>
    %add3A_2519 = vector.broadcast %get3A_2518 : vector<1x128xf32> to vector<40x128xf32>
    %add3A_2520 = arith.addf %add3A_2519, %get3A_2331 : vector<40x128xf32>
    %swap3A_2521 = arith.constant 160 : index
    %swap3A_2522 = arith.constant 2944 : index
    %swap3A_2523 = vector.load %arg2[%swap3A_2521, %swap3A_2522] : memref<200x6400xf32, #tpu.memory_space<vmem>>, vector<40x128xf32>
    tpu.vector_store %arg2[%swap3A_2521, %swap3A_2522], %add3A_2520 {strides = array<i32>} : memref<200x6400xf32, #tpu.memory_space<vmem>>, vector<40x128xf32>,
    %get3A_2524 = arith.constant 0 : index
    %get3A_2525 = arith.constant 3072 : index
    %get3A_2526 = vector.load %arg0[%get3A_2524, %get3A_2525] : memref<1x6400xf32, #tpu.memory_space<vmem>>, vector<1x128xf32>
    %add3A_2527 = vector.broadcast %get3A_2526 : vector<1x128xf32> to vector<40x128xf32>
    %add3A_2528 = arith.addf %add3A_2527, %get3A_2331 : vector<40x128xf32>
    %swap3A_2529 = arith.constant 160 : index
    %swap3A_2530 = arith.constant 3072 : index
    %swap3A_2531 = vector.load %arg2[%swap3A_2529, %swap3A_2530] : memref<200x6400xf32, #tpu.memory_space<vmem>>, vector<40x128xf32>
    tpu.vector_store %arg2[%swap3A_2529, %swap3A_2530], %add3A_2528 {strides = array<i32>} : memref<200x6400xf32, #tpu.memory_space<vmem>>, vector<40x128xf32>,
    %get3A_2532 = arith.constant 0 : index
    %get3A_2533 = arith.constant 3200 : index
    %get3A_2534 = vector.load %arg0[%get3A_2532, %get3A_2533] : memref<1x6400xf32, #tpu.memory_space<vmem>>, vector<1x128xf32>
    %add3A_2535 = vector.broadcast %get3A_2534 : vector<1x128xf32> to vector<40x128xf32>
    %add3A_2536 = arith.addf %add3A_2535, %get3A_2331 : vector<40x128xf32>
    %swap3A_2537 = arith.constant 160 : index
    %swap3A_2538 = arith.constant 3200 : index
    %swap3A_2539 = vector.load %arg2[%swap3A_2537, %swap3A_2538] : memref<200x6400xf32, #tpu.memory_space<vmem>>, vector<40x128xf32>
    tpu.vector_store %arg2[%swap3A_2537, %swap3A_2538], %add3A_2536 {strides = array<i32>} : memref<200x6400xf32, #tpu.memory_space<vmem>>, vector<40x128xf32>,
    %get3A_2540 = arith.constant 0 : index
    %get3A_2541 = arith.constant 3328 : index
    %get3A_2542 = vector.load %arg0[%get3A_2540, %get3A_2541] : memref<1x6400xf32, #tpu.memory_space<vmem>>, vector<1x128xf32>
    %add3A_2543 = vector.broadcast %get3A_2542 : vector<1x128xf32> to vector<40x128xf32>
    %add3A_2544 = arith.addf %add3A_2543, %get3A_2331 : vector<40x128xf32>
    %swap3A_2545 = arith.constant 160 : index
    %swap3A_2546 = arith.constant 3328 : index
    %swap3A_2547 = vector.load %arg2[%swap3A_2545, %swap3A_2546] : memref<200x6400xf32, #tpu.memory_space<vmem>>, vector<40x128xf32>
    tpu.vector_store %arg2[%swap3A_2545, %swap3A_2546], %add3A_2544 {strides = array<i32>} : memref<200x6400xf32, #tpu.memory_space<vmem>>, vector<40x128xf32>,
    %get3A_2548 = arith.constant 0 : index
    %get3A_2549 = arith.constant 3456 : index
    %get3A_2550 = vector.load %arg0[%get3A_2548, %get3A_2549] : memref<1x6400xf32, #tpu.memory_space<vmem>>, vector<1x128xf32>
    %add3A_2551 = vector.broadcast %get3A_2550 : vector<1x128xf32> to vector<40x128xf32>
    %add3A_2552 = arith.addf %add3A_2551, %get3A_2331 : vector<40x128xf32>
    %swap3A_2553 = arith.constant 160 : index
    %swap3A_2554 = arith.constant 3456 : index
    %swap3A_2555 = vector.load %arg2[%swap3A_2553, %swap3A_2554] : memref<200x6400xf32, #tpu.memory_space<vmem>>, vector<40x128xf32>
    tpu.vector_store %arg2[%swap3A_2553, %swap3A_2554], %add3A_2552 {strides = array<i32>} : memref<200x6400xf32, #tpu.memory_space<vmem>>, vector<40x128xf32>,
    %get3A_2556 = arith.constant 0 : index
    %get3A_2557 = arith.constant 3584 : index
    %get3A_2558 = vector.load %arg0[%get3A_2556, %get3A_2557] : memref<1x6400xf32, #tpu.memory_space<vmem>>, vector<1x128xf32>
    %add3A_2559 = vector.broadcast %get3A_2558 : vector<1x128xf32> to vector<40x128xf32>
    %add3A_2560 = arith.addf %add3A_2559, %get3A_2331 : vector<40x128xf32>
    %swap3A_2561 = arith.constant 160 : index
    %swap3A_2562 = arith.constant 3584 : index
    %swap3A_2563 = vector.load %arg2[%swap3A_2561, %swap3A_2562] : memref<200x6400xf32, #tpu.memory_space<vmem>>, vector<40x128xf32>
    tpu.vector_store %arg2[%swap3A_2561, %swap3A_2562], %add3A_2560 {strides = array<i32>} : memref<200x6400xf32, #tpu.memory_space<vmem>>, vector<40x128xf32>,
    %get3A_2564 = arith.constant 0 : index
    %get3A_2565 = arith.constant 3712 : index
    %get3A_2566 = vector.load %arg0[%get3A_2564, %get3A_2565] : memref<1x6400xf32, #tpu.memory_space<vmem>>, vector<1x128xf32>
    %add3A_2567 = vector.broadcast %get3A_2566 : vector<1x128xf32> to vector<40x128xf32>
    %add3A_2568 = arith.addf %add3A_2567, %get3A_2331 : vector<40x128xf32>
    %swap3A_2569 = arith.constant 160 : index
    %swap3A_2570 = arith.constant 3712 : index
    %swap3A_2571 = vector.load %arg2[%swap3A_2569, %swap3A_2570] : memref<200x6400xf32, #tpu.memory_space<vmem>>, vector<40x128xf32>
    tpu.vector_store %arg2[%swap3A_2569, %swap3A_2570], %add3A_2568 {strides = array<i32>} : memref<200x6400xf32, #tpu.memory_space<vmem>>, vector<40x128xf32>,
    %get3A_2572 = arith.constant 0 : index
    %get3A_2573 = arith.constant 3840 : index
    %get3A_2574 = vector.load %arg0[%get3A_2572, %get3A_2573] : memref<1x6400xf32, #tpu.memory_space<vmem>>, vector<1x128xf32>
    %add3A_2575 = vector.broadcast %get3A_2574 : vector<1x128xf32> to vector<40x128xf32>
    %add3A_2576 = arith.addf %add3A_2575, %get3A_2331 : vector<40x128xf32>
    %swap3A_2577 = arith.constant 160 : index
    %swap3A_2578 = arith.constant 3840 : index
    %swap3A_2579 = vector.load %arg2[%swap3A_2577, %swap3A_2578] : memref<200x6400xf32, #tpu.memory_space<vmem>>, vector<40x128xf32>
    tpu.vector_store %arg2[%swap3A_2577, %swap3A_2578], %add3A_2576 {strides = array<i32>} : memref<200x6400xf32, #tpu.memory_space<vmem>>, vector<40x128xf32>,
    %get3A_2580 = arith.constant 0 : index
    %get3A_2581 = arith.constant 3968 : index
    %get3A_2582 = vector.load %arg0[%get3A_2580, %get3A_2581] : memref<1x6400xf32, #tpu.memory_space<vmem>>, vector<1x128xf32>
    %add3A_2583 = vector.broadcast %get3A_2582 : vector<1x128xf32> to vector<40x128xf32>
    %add3A_2584 = arith.addf %add3A_2583, %get3A_2331 : vector<40x128xf32>
    %swap3A_2585 = arith.constant 160 : index
    %swap3A_2586 = arith.constant 3968 : index
    %swap3A_2587 = vector.load %arg2[%swap3A_2585, %swap3A_2586] : memref<200x6400xf32, #tpu.memory_space<vmem>>, vector<40x128xf32>
    tpu.vector_store %arg2[%swap3A_2585, %swap3A_2586], %add3A_2584 {strides = array<i32>} : memref<200x6400xf32, #tpu.memory_space<vmem>>, vector<40x128xf32>,
    %get3A_2588 = arith.constant 0 : index
    %get3A_2589 = arith.constant 4096 : index
    %get3A_2590 = vector.load %arg0[%get3A_2588, %get3A_2589] : memref<1x6400xf32, #tpu.memory_space<vmem>>, vector<1x128xf32>
    %add3A_2591 = vector.broadcast %get3A_2590 : vector<1x128xf32> to vector<40x128xf32>
    %add3A_2592 = arith.addf %add3A_2591, %get3A_2331 : vector<40x128xf32>
    %swap3A_2593 = arith.constant 160 : index
    %swap3A_2594 = arith.constant 4096 : index
    %swap3A_2595 = vector.load %arg2[%swap3A_2593, %swap3A_2594] : memref<200x6400xf32, #tpu.memory_space<vmem>>, vector<40x128xf32>
    tpu.vector_store %arg2[%swap3A_2593, %swap3A_2594], %add3A_2592 {strides = array<i32>} : memref<200x6400xf32, #tpu.memory_space<vmem>>, vector<40x128xf32>,
    %get3A_2596 = arith.constant 0 : index
    %get3A_2597 = arith.constant 4224 : index
    %get3A_2598 = vector.load %arg0[%get3A_2596, %get3A_2597] : memref<1x6400xf32, #tpu.memory_space<vmem>>, vector<1x128xf32>
    %add3A_2599 = vector.broadcast %get3A_2598 : vector<1x128xf32> to vector<40x128xf32>
    %add3A_2600 = arith.addf %add3A_2599, %get3A_2331 : vector<40x128xf32>
    %swap3A_2601 = arith.constant 160 : index
    %swap3A_2602 = arith.constant 4224 : index
    %swap3A_2603 = vector.load %arg2[%swap3A_2601, %swap3A_2602] : memref<200x6400xf32, #tpu.memory_space<vmem>>, vector<40x128xf32>
    tpu.vector_store %arg2[%swap3A_2601, %swap3A_2602], %add3A_2600 {strides = array<i32>} : memref<200x6400xf32, #tpu.memory_space<vmem>>, vector<40x128xf32>,
    %get3A_2604 = arith.constant 0 : index
    %get3A_2605 = arith.constant 4352 : index
    %get3A_2606 = vector.load %arg0[%get3A_2604, %get3A_2605] : memref<1x6400xf32, #tpu.memory_space<vmem>>, vector<1x128xf32>
    %add3A_2607 = vector.broadcast %get3A_2606 : vector<1x128xf32> to vector<40x128xf32>
    %add3A_2608 = arith.addf %add3A_2607, %get3A_2331 : vector<40x128xf32>
    %swap3A_2609 = arith.constant 160 : index
    %swap3A_2610 = arith.constant 4352 : index
    %swap3A_2611 = vector.load %arg2[%swap3A_2609, %swap3A_2610] : memref<200x6400xf32, #tpu.memory_space<vmem>>, vector<40x128xf32>
    tpu.vector_store %arg2[%swap3A_2609, %swap3A_2610], %add3A_2608 {strides = array<i32>} : memref<200x6400xf32, #tpu.memory_space<vmem>>, vector<40x128xf32>,
    %get3A_2612 = arith.constant 0 : index
    %get3A_2613 = arith.constant 4480 : index
    %get3A_2614 = vector.load %arg0[%get3A_2612, %get3A_2613] : memref<1x6400xf32, #tpu.memory_space<vmem>>, vector<1x128xf32>
    %add3A_2615 = vector.broadcast %get3A_2614 : vector<1x128xf32> to vector<40x128xf32>
    %add3A_2616 = arith.addf %add3A_2615, %get3A_2331 : vector<40x128xf32>
    %swap3A_2617 = arith.constant 160 : index
    %swap3A_2618 = arith.constant 4480 : index
    %swap3A_2619 = vector.load %arg2[%swap3A_2617, %swap3A_2618] : memref<200x6400xf32, #tpu.memory_space<vmem>>, vector<40x128xf32>
    tpu.vector_store %arg2[%swap3A_2617, %swap3A_2618], %add3A_2616 {strides = array<i32>} : memref<200x6400xf32, #tpu.memory_space<vmem>>, vector<40x128xf32>,
    %get3A_2620 = arith.constant 0 : index
    %get3A_2621 = arith.constant 4608 : index
    %get3A_2622 = vector.load %arg0[%get3A_2620, %get3A_2621] : memref<1x6400xf32, #tpu.memory_space<vmem>>, vector<1x128xf32>
    %add3A_2623 = vector.broadcast %get3A_2622 : vector<1x128xf32> to vector<40x128xf32>
    %add3A_2624 = arith.addf %add3A_2623, %get3A_2331 : vector<40x128xf32>
    %swap3A_2625 = arith.constant 160 : index
    %swap3A_2626 = arith.constant 4608 : index
    %swap3A_2627 = vector.load %arg2[%swap3A_2625, %swap3A_2626] : memref<200x6400xf32, #tpu.memory_space<vmem>>, vector<40x128xf32>
    tpu.vector_store %arg2[%swap3A_2625, %swap3A_2626], %add3A_2624 {strides = array<i32>} : memref<200x6400xf32, #tpu.memory_space<vmem>>, vector<40x128xf32>,
    %get3A_2628 = arith.constant 0 : index
    %get3A_2629 = arith.constant 4736 : index
    %get3A_2630 = vector.load %arg0[%get3A_2628, %get3A_2629] : memref<1x6400xf32, #tpu.memory_space<vmem>>, vector<1x128xf32>
    %add3A_2631 = vector.broadcast %get3A_2630 : vector<1x128xf32> to vector<40x128xf32>
    %add3A_2632 = arith.addf %add3A_2631, %get3A_2331 : vector<40x128xf32>
    %swap3A_2633 = arith.constant 160 : index
    %swap3A_2634 = arith.constant 4736 : index
    %swap3A_2635 = vector.load %arg2[%swap3A_2633, %swap3A_2634] : memref<200x6400xf32, #tpu.memory_space<vmem>>, vector<40x128xf32>
    tpu.vector_store %arg2[%swap3A_2633, %swap3A_2634], %add3A_2632 {strides = array<i32>} : memref<200x6400xf32, #tpu.memory_space<vmem>>, vector<40x128xf32>,
    %get3A_2636 = arith.constant 0 : index
    %get3A_2637 = arith.constant 4864 : index
    %get3A_2638 = vector.load %arg0[%get3A_2636, %get3A_2637] : memref<1x6400xf32, #tpu.memory_space<vmem>>, vector<1x128xf32>
    %add3A_2639 = vector.broadcast %get3A_2638 : vector<1x128xf32> to vector<40x128xf32>
    %add3A_2640 = arith.addf %add3A_2639, %get3A_2331 : vector<40x128xf32>
    %swap3A_2641 = arith.constant 160 : index
    %swap3A_2642 = arith.constant 4864 : index
    %swap3A_2643 = vector.load %arg2[%swap3A_2641, %swap3A_2642] : memref<200x6400xf32, #tpu.memory_space<vmem>>, vector<40x128xf32>
    tpu.vector_store %arg2[%swap3A_2641, %swap3A_2642], %add3A_2640 {strides = array<i32>} : memref<200x6400xf32, #tpu.memory_space<vmem>>, vector<40x128xf32>,
    %get3A_2644 = arith.constant 0 : index
    %get3A_2645 = arith.constant 4992 : index
    %get3A_2646 = vector.load %arg0[%get3A_2644, %get3A_2645] : memref<1x6400xf32, #tpu.memory_space<vmem>>, vector<1x128xf32>
    %add3A_2647 = vector.broadcast %get3A_2646 : vector<1x128xf32> to vector<40x128xf32>
    %add3A_2648 = arith.addf %add3A_2647, %get3A_2331 : vector<40x128xf32>
    %swap3A_2649 = arith.constant 160 : index
    %swap3A_2650 = arith.constant 4992 : index
    %swap3A_2651 = vector.load %arg2[%swap3A_2649, %swap3A_2650] : memref<200x6400xf32, #tpu.memory_space<vmem>>, vector<40x128xf32>
    tpu.vector_store %arg2[%swap3A_2649, %swap3A_2650], %add3A_2648 {strides = array<i32>} : memref<200x6400xf32, #tpu.memory_space<vmem>>, vector<40x128xf32>,
    %get3A_2652 = arith.constant 0 : index
    %get3A_2653 = arith.constant 5120 : index
    %get3A_2654 = vector.load %arg0[%get3A_2652, %get3A_2653] : memref<1x6400xf32, #tpu.memory_space<vmem>>, vector<1x128xf32>
    %add3A_2655 = vector.broadcast %get3A_2654 : vector<1x128xf32> to vector<40x128xf32>
    %add3A_2656 = arith.addf %add3A_2655, %get3A_2331 : vector<40x128xf32>
    %swap3A_2657 = arith.constant 160 : index
    %swap3A_2658 = arith.constant 5120 : index
    %swap3A_2659 = vector.load %arg2[%swap3A_2657, %swap3A_2658] : memref<200x6400xf32, #tpu.memory_space<vmem>>, vector<40x128xf32>
    tpu.vector_store %arg2[%swap3A_2657, %swap3A_2658], %add3A_2656 {strides = array<i32>} : memref<200x6400xf32, #tpu.memory_space<vmem>>, vector<40x128xf32>,
    %get3A_2660 = arith.constant 0 : index
    %get3A_2661 = arith.constant 5248 : index
    %get3A_2662 = vector.load %arg0[%get3A_2660, %get3A_2661] : memref<1x6400xf32, #tpu.memory_space<vmem>>, vector<1x128xf32>
    %add3A_2663 = vector.broadcast %get3A_2662 : vector<1x128xf32> to vector<40x128xf32>
    %add3A_2664 = arith.addf %add3A_2663, %get3A_2331 : vector<40x128xf32>
    %swap3A_2665 = arith.constant 160 : index
    %swap3A_2666 = arith.constant 5248 : index
    %swap3A_2667 = vector.load %arg2[%swap3A_2665, %swap3A_2666] : memref<200x6400xf32, #tpu.memory_space<vmem>>, vector<40x128xf32>
    tpu.vector_store %arg2[%swap3A_2665, %swap3A_2666], %add3A_2664 {strides = array<i32>} : memref<200x6400xf32, #tpu.memory_space<vmem>>, vector<40x128xf32>,
    %get3A_2668 = arith.constant 0 : index
    %get3A_2669 = arith.constant 5376 : index
    %get3A_2670 = vector.load %arg0[%get3A_2668, %get3A_2669] : memref<1x6400xf32, #tpu.memory_space<vmem>>, vector<1x128xf32>
    %add3A_2671 = vector.broadcast %get3A_2670 : vector<1x128xf32> to vector<40x128xf32>
    %add3A_2672 = arith.addf %add3A_2671, %get3A_2331 : vector<40x128xf32>
    %swap3A_2673 = arith.constant 160 : index
    %swap3A_2674 = arith.constant 5376 : index
    %swap3A_2675 = vector.load %arg2[%swap3A_2673, %swap3A_2674] : memref<200x6400xf32, #tpu.memory_space<vmem>>, vector<40x128xf32>
    tpu.vector_store %arg2[%swap3A_2673, %swap3A_2674], %add3A_2672 {strides = array<i32>} : memref<200x6400xf32, #tpu.memory_space<vmem>>, vector<40x128xf32>,
    %get3A_2676 = arith.constant 0 : index
    %get3A_2677 = arith.constant 5504 : index
    %get3A_2678 = vector.load %arg0[%get3A_2676, %get3A_2677] : memref<1x6400xf32, #tpu.memory_space<vmem>>, vector<1x128xf32>
    %add3A_2679 = vector.broadcast %get3A_2678 : vector<1x128xf32> to vector<40x128xf32>
    %add3A_2680 = arith.addf %add3A_2679, %get3A_2331 : vector<40x128xf32>
    %swap3A_2681 = arith.constant 160 : index
    %swap3A_2682 = arith.constant 5504 : index
    %swap3A_2683 = vector.load %arg2[%swap3A_2681, %swap3A_2682] : memref<200x6400xf32, #tpu.memory_space<vmem>>, vector<40x128xf32>
    tpu.vector_store %arg2[%swap3A_2681, %swap3A_2682], %add3A_2680 {strides = array<i32>} : memref<200x6400xf32, #tpu.memory_space<vmem>>, vector<40x128xf32>,
    %get3A_2684 = arith.constant 0 : index
    %get3A_2685 = arith.constant 5632 : index
    %get3A_2686 = vector.load %arg0[%get3A_2684, %get3A_2685] : memref<1x6400xf32, #tpu.memory_space<vmem>>, vector<1x128xf32>
    %add3A_2687 = vector.broadcast %get3A_2686 : vector<1x128xf32> to vector<40x128xf32>
    %add3A_2688 = arith.addf %add3A_2687, %get3A_2331 : vector<40x128xf32>
    %swap3A_2689 = arith.constant 160 : index
    %swap3A_2690 = arith.constant 5632 : index
    %swap3A_2691 = vector.load %arg2[%swap3A_2689, %swap3A_2690] : memref<200x6400xf32, #tpu.memory_space<vmem>>, vector<40x128xf32>
    tpu.vector_store %arg2[%swap3A_2689, %swap3A_2690], %add3A_2688 {strides = array<i32>} : memref<200x6400xf32, #tpu.memory_space<vmem>>, vector<40x128xf32>,
    %get3A_2692 = arith.constant 0 : index
    %get3A_2693 = arith.constant 5760 : index
    %get3A_2694 = vector.load %arg0[%get3A_2692, %get3A_2693] : memref<1x6400xf32, #tpu.memory_space<vmem>>, vector<1x128xf32>
    %add3A_2695 = vector.broadcast %get3A_2694 : vector<1x128xf32> to vector<40x128xf32>
    %add3A_2696 = arith.addf %add3A_2695, %get3A_2331 : vector<40x128xf32>
    %swap3A_2697 = arith.constant 160 : index
    %swap3A_2698 = arith.constant 5760 : index
    %swap3A_2699 = vector.load %arg2[%swap3A_2697, %swap3A_2698] : memref<200x6400xf32, #tpu.memory_space<vmem>>, vector<40x128xf32>
    tpu.vector_store %arg2[%swap3A_2697, %swap3A_2698], %add3A_2696 {strides = array<i32>} : memref<200x6400xf32, #tpu.memory_space<vmem>>, vector<40x128xf32>,
    %get3A_2700 = arith.constant 0 : index
    %get3A_2701 = arith.constant 5888 : index
    %get3A_2702 = vector.load %arg0[%get3A_2700, %get3A_2701] : memref<1x6400xf32, #tpu.memory_space<vmem>>, vector<1x128xf32>
    %add3A_2703 = vector.broadcast %get3A_2702 : vector<1x128xf32> to vector<40x128xf32>
    %add3A_2704 = arith.addf %add3A_2703, %get3A_2331 : vector<40x128xf32>
    %swap3A_2705 = arith.constant 160 : index
    %swap3A_2706 = arith.constant 5888 : index
    %swap3A_2707 = vector.load %arg2[%swap3A_2705, %swap3A_2706] : memref<200x6400xf32, #tpu.memory_space<vmem>>, vector<40x128xf32>
    tpu.vector_store %arg2[%swap3A_2705, %swap3A_2706], %add3A_2704 {strides = array<i32>} : memref<200x6400xf32, #tpu.memory_space<vmem>>, vector<40x128xf32>,
    %get3A_2708 = arith.constant 0 : index
    %get3A_2709 = arith.constant 6016 : index
    %get3A_2710 = vector.load %arg0[%get3A_2708, %get3A_2709] : memref<1x6400xf32, #tpu.memory_space<vmem>>, vector<1x128xf32>
    %add3A_2711 = vector.broadcast %get3A_2710 : vector<1x128xf32> to vector<40x128xf32>
    %add3A_2712 = arith.addf %add3A_2711, %get3A_2331 : vector<40x128xf32>
    %swap3A_2713 = arith.constant 160 : index
    %swap3A_2714 = arith.constant 6016 : index
    %swap3A_2715 = vector.load %arg2[%swap3A_2713, %swap3A_2714] : memref<200x6400xf32, #tpu.memory_space<vmem>>, vector<40x128xf32>
    tpu.vector_store %arg2[%swap3A_2713, %swap3A_2714], %add3A_2712 {strides = array<i32>} : memref<200x6400xf32, #tpu.memory_space<vmem>>, vector<40x128xf32>,
    %get3A_2716 = arith.constant 0 : index
    %get3A_2717 = arith.constant 6144 : index
    %get3A_2718 = vector.load %arg0[%get3A_2716, %get3A_2717] : memref<1x6400xf32, #tpu.memory_space<vmem>>, vector<1x128xf32>
    %add3A_2719 = vector.broadcast %get3A_2718 : vector<1x128xf32> to vector<40x128xf32>
    %add3A_2720 = arith.addf %add3A_2719, %get3A_2331 : vector<40x128xf32>
    %swap3A_2721 = arith.constant 160 : index
    %swap3A_2722 = arith.constant 6144 : index
    %swap3A_2723 = vector.load %arg2[%swap3A_2721, %swap3A_2722] : memref<200x6400xf32, #tpu.memory_space<vmem>>, vector<40x128xf32>
    tpu.vector_store %arg2[%swap3A_2721, %swap3A_2722], %add3A_2720 {strides = array<i32>} : memref<200x6400xf32, #tpu.memory_space<vmem>>, vector<40x128xf32>,
    %get3A_2724 = arith.constant 0 : index
    %get3A_2725 = arith.constant 6272 : index
    %get3A_2726 = vector.load %arg0[%get3A_2724, %get3A_2725] : memref<1x6400xf32, #tpu.memory_space<vmem>>, vector<1x128xf32>
    %add3A_2727 = vector.broadcast %get3A_2726 : vector<1x128xf32> to vector<40x128xf32>
    %add3A_2728 = arith.addf %add3A_2727, %get3A_2331 : vector<40x128xf32>
    %swap3A_2729 = arith.constant 160 : index
    %swap3A_2730 = arith.constant 6272 : index
    %swap3A_2731 = vector.load %arg2[%swap3A_2729, %swap3A_2730] : memref<200x6400xf32, #tpu.memory_space<vmem>>, vector<40x128xf32>
    tpu.vector_store %arg2[%swap3A_2729, %swap3A_2730], %add3A_2728 {strides = array<i32>} : memref<200x6400xf32, #tpu.memory_space<vmem>>, vector<40x128xf32>,
    %dma_start3A_2732 = arith.constant 0 : i32
    %dma_start3A_2733 = arith.constant 0 : i32
    %dma_start3A_2734 = tpu.memref_slice %arg4[%dma_start3A_2733] : memref<16x!tpu.dma_semaphore, #tpu.memory_space<semaphore_mem>> -> memref<1x!tpu.dma_semaphore, #tpu.memory_space<semaphore_mem>>
    %dma_start3A_2735 = tpu.memref_squeeze %dma_start3A_2734 : memref<1x!tpu.dma_semaphore, #tpu.memory_space<semaphore_mem>> -> memref<!tpu.dma_semaphore, #tpu.memory_space<semaphore_mem>>
    %dma_start3A_2736 = arith.constant 160 : i32
    %dma_start3A_2737 = arith.constant 0 : i32
    %dma_start3A_2738 = tpu.memref_slice %arg1[%dma_start3A_2732, %dma_start3A_2736, %dma_start3A_2737] : memref<16x200x6400xf32, #tpu.memory_space<any>> -> memref<1x40x6400xf32, #tpu.memory_space<any>>
    %dma_start3A_2739 = tpu.memref_squeeze %dma_start3A_2738 : memref<1x40x6400xf32, #tpu.memory_space<any>> -> memref<40x6400xf32, #tpu.memory_space<any>>
    %dma_start3A_2740 = arith.constant 160 : i32
    %dma_start3A_2741 = arith.constant 0 : i32
    %dma_start3A_2742 = tpu.memref_slice %arg2[%dma_start3A_2740, %dma_start3A_2741] : memref<200x6400xf32, #tpu.memory_space<vmem>> -> memref<40x6400xf32, #tpu.memory_space<vmem>>
    tpu.enqueue_dma source(%dma_start3A_2742 : memref<40x6400xf32, #tpu.memory_space<vmem>>) target(%dma_start3A_2739 : memref<40x6400xf32, #tpu.memory_space<any>>) target_semaphore(%dma_start3A_2735 : memref<!tpu.dma_semaphore, #tpu.memory_space<semaphore_mem>>)
    %dma_start3A_2743 = arith.constant 1 : i32
    %dma_start3A_2744 = arith.constant 1 : i32
    %dma_start3A_2745 = tpu.memref_slice %arg4[%dma_start3A_2744] : memref<16x!tpu.dma_semaphore, #tpu.memory_space<semaphore_mem>> -> memref<1x!tpu.dma_semaphore, #tpu.memory_space<semaphore_mem>>
    %dma_start3A_2746 = tpu.memref_squeeze %dma_start3A_2745 : memref<1x!tpu.dma_semaphore, #tpu.memory_space<semaphore_mem>> -> memref<!tpu.dma_semaphore, #tpu.memory_space<semaphore_mem>>
    %dma_start3A_2747 = arith.constant 160 : i32
    %dma_start3A_2748 = arith.constant 0 : i32
    %dma_start3A_2749 = tpu.memref_slice %arg1[%dma_start3A_2743, %dma_start3A_2747, %dma_start3A_2748] : memref<16x200x6400xf32, #tpu.memory_space<any>> -> memref<1x40x6400xf32, #tpu.memory_space<any>>
    %dma_start3A_2750 = tpu.memref_squeeze %dma_start3A_2749 : memref<1x40x6400xf32, #tpu.memory_space<any>> -> memref<40x6400xf32, #tpu.memory_space<any>>
    %dma_start3A_2751 = arith.constant 160 : i32
    %dma_start3A_2752 = arith.constant 0 : i32
    %dma_start3A_2753 = tpu.memref_slice %arg2[%dma_start3A_2751, %dma_start3A_2752] : memref<200x6400xf32, #tpu.memory_space<vmem>> -> memref<40x6400xf32, #tpu.memory_space<vmem>>
    tpu.enqueue_dma source(%dma_start3A_2753 : memref<40x6400xf32, #tpu.memory_space<vmem>>) target(%dma_start3A_2750 : memref<40x6400xf32, #tpu.memory_space<any>>) target_semaphore(%dma_start3A_2746 : memref<!tpu.dma_semaphore, #tpu.memory_space<semaphore_mem>>)
    %dma_start3A_2754 = arith.constant 2 : i32
    %dma_start3A_2755 = arith.constant 2 : i32
    %dma_start3A_2756 = tpu.memref_slice %arg4[%dma_start3A_2755] : memref<16x!tpu.dma_semaphore, #tpu.memory_space<semaphore_mem>> -> memref<1x!tpu.dma_semaphore, #tpu.memory_space<semaphore_mem>>
    %dma_start3A_2757 = tpu.memref_squeeze %dma_start3A_2756 : memref<1x!tpu.dma_semaphore, #tpu.memory_space<semaphore_mem>> -> memref<!tpu.dma_semaphore, #tpu.memory_space<semaphore_mem>>
    %dma_start3A_2758 = arith.constant 160 : i32
    %dma_start3A_2759 = arith.constant 0 : i32
    %dma_start3A_2760 = tpu.memref_slice %arg1[%dma_start3A_2754, %dma_start3A_2758, %dma_start3A_2759] : memref<16x200x6400xf32, #tpu.memory_space<any>> -> memref<1x40x6400xf32, #tpu.memory_space<any>>
    %dma_start3A_2761 = tpu.memref_squeeze %dma_start3A_2760 : memref<1x40x6400xf32, #tpu.memory_space<any>> -> memref<40x6400xf32, #tpu.memory_space<any>>
    %dma_start3A_2762 = arith.constant 160 : i32
    %dma_start3A_2763 = arith.constant 0 : i32
    %dma_start3A_2764 = tpu.memref_slice %arg2[%dma_start3A_2762, %dma_start3A_2763] : memref<200x6400xf32, #tpu.memory_space<vmem>> -> memref<40x6400xf32, #tpu.memory_space<vmem>>
    tpu.enqueue_dma source(%dma_start3A_2764 : memref<40x6400xf32, #tpu.memory_space<vmem>>) target(%dma_start3A_2761 : memref<40x6400xf32, #tpu.memory_space<any>>) target_semaphore(%dma_start3A_2757 : memref<!tpu.dma_semaphore, #tpu.memory_space<semaphore_mem>>)
    %dma_start3A_2765 = arith.constant 3 : i32
    %dma_start3A_2766 = arith.constant 3 : i32
    %dma_start3A_2767 = tpu.memref_slice %arg4[%dma_start3A_2766] : memref<16x!tpu.dma_semaphore, #tpu.memory_space<semaphore_mem>> -> memref<1x!tpu.dma_semaphore, #tpu.memory_space<semaphore_mem>>
    %dma_start3A_2768 = tpu.memref_squeeze %dma_start3A_2767 : memref<1x!tpu.dma_semaphore, #tpu.memory_space<semaphore_mem>> -> memref<!tpu.dma_semaphore, #tpu.memory_space<semaphore_mem>>
    %dma_start3A_2769 = arith.constant 160 : i32
    %dma_start3A_2770 = arith.constant 0 : i32
    %dma_start3A_2771 = tpu.memref_slice %arg1[%dma_start3A_2765, %dma_start3A_2769, %dma_start3A_2770] : memref<16x200x6400xf32, #tpu.memory_space<any>> -> memref<1x40x6400xf32, #tpu.memory_space<any>>
    %dma_start3A_2772 = tpu.memref_squeeze %dma_start3A_2771 : memref<1x40x6400xf32, #tpu.memory_space<any>> -> memref<40x6400xf32, #tpu.memory_space<any>>
    %dma_start3A_2773 = arith.constant 160 : i32
    %dma_start3A_2774 = arith.constant 0 : i32
    %dma_start3A_2775 = tpu.memref_slice %arg2[%dma_start3A_2773, %dma_start3A_2774] : memref<200x6400xf32, #tpu.memory_space<vmem>> -> memref<40x6400xf32, #tpu.memory_space<vmem>>
    tpu.enqueue_dma source(%dma_start3A_2775 : memref<40x6400xf32, #tpu.memory_space<vmem>>) target(%dma_start3A_2772 : memref<40x6400xf32, #tpu.memory_space<any>>) target_semaphore(%dma_start3A_2768 : memref<!tpu.dma_semaphore, #tpu.memory_space<semaphore_mem>>)
    %dma_start3A_2776 = arith.constant 4 : i32
    %dma_start3A_2777 = arith.constant 4 : i32
    %dma_start3A_2778 = tpu.memref_slice %arg4[%dma_start3A_2777] : memref<16x!tpu.dma_semaphore, #tpu.memory_space<semaphore_mem>> -> memref<1x!tpu.dma_semaphore, #tpu.memory_space<semaphore_mem>>
    %dma_start3A_2779 = tpu.memref_squeeze %dma_start3A_2778 : memref<1x!tpu.dma_semaphore, #tpu.memory_space<semaphore_mem>> -> memref<!tpu.dma_semaphore, #tpu.memory_space<semaphore_mem>>
    %dma_start3A_2780 = arith.constant 160 : i32
    %dma_start3A_2781 = arith.constant 0 : i32
    %dma_start3A_2782 = tpu.memref_slice %arg1[%dma_start3A_2776, %dma_start3A_2780, %dma_start3A_2781] : memref<16x200x6400xf32, #tpu.memory_space<any>> -> memref<1x40x6400xf32, #tpu.memory_space<any>>
    %dma_start3A_2783 = tpu.memref_squeeze %dma_start3A_2782 : memref<1x40x6400xf32, #tpu.memory_space<any>> -> memref<40x6400xf32, #tpu.memory_space<any>>
    %dma_start3A_2784 = arith.constant 160 : i32
    %dma_start3A_2785 = arith.constant 0 : i32
    %dma_start3A_2786 = tpu.memref_slice %arg2[%dma_start3A_2784, %dma_start3A_2785] : memref<200x6400xf32, #tpu.memory_space<vmem>> -> memref<40x6400xf32, #tpu.memory_space<vmem>>
    tpu.enqueue_dma source(%dma_start3A_2786 : memref<40x6400xf32, #tpu.memory_space<vmem>>) target(%dma_start3A_2783 : memref<40x6400xf32, #tpu.memory_space<any>>) target_semaphore(%dma_start3A_2779 : memref<!tpu.dma_semaphore, #tpu.memory_space<semaphore_mem>>)
    %dma_start3A_2787 = arith.constant 5 : i32
    %dma_start3A_2788 = arith.constant 5 : i32
    %dma_start3A_2789 = tpu.memref_slice %arg4[%dma_start3A_2788] : memref<16x!tpu.dma_semaphore, #tpu.memory_space<semaphore_mem>> -> memref<1x!tpu.dma_semaphore, #tpu.memory_space<semaphore_mem>>
    %dma_start3A_2790 = tpu.memref_squeeze %dma_start3A_2789 : memref<1x!tpu.dma_semaphore, #tpu.memory_space<semaphore_mem>> -> memref<!tpu.dma_semaphore, #tpu.memory_space<semaphore_mem>>
    %dma_start3A_2791 = arith.constant 160 : i32
    %dma_start3A_2792 = arith.constant 0 : i32
    %dma_start3A_2793 = tpu.memref_slice %arg1[%dma_start3A_2787, %dma_start3A_2791, %dma_start3A_2792] : memref<16x200x6400xf32, #tpu.memory_space<any>> -> memref<1x40x6400xf32, #tpu.memory_space<any>>
    %dma_start3A_2794 = tpu.memref_squeeze %dma_start3A_2793 : memref<1x40x6400xf32, #tpu.memory_space<any>> -> memref<40x6400xf32, #tpu.memory_space<any>>
    %dma_start3A_2795 = arith.constant 160 : i32
    %dma_start3A_2796 = arith.constant 0 : i32
    %dma_start3A_2797 = tpu.memref_slice %arg2[%dma_start3A_2795, %dma_start3A_2796] : memref<200x6400xf32, #tpu.memory_space<vmem>> -> memref<40x6400xf32, #tpu.memory_space<vmem>>
    tpu.enqueue_dma source(%dma_start3A_2797 : memref<40x6400xf32, #tpu.memory_space<vmem>>) target(%dma_start3A_2794 : memref<40x6400xf32, #tpu.memory_space<any>>) target_semaphore(%dma_start3A_2790 : memref<!tpu.dma_semaphore, #tpu.memory_space<semaphore_mem>>)
    %dma_start3A_2798 = arith.constant 6 : i32
    %dma_start3A_2799 = arith.constant 6 : i32
    %dma_start3A_2800 = tpu.memref_slice %arg4[%dma_start3A_2799] : memref<16x!tpu.dma_semaphore, #tpu.memory_space<semaphore_mem>> -> memref<1x!tpu.dma_semaphore, #tpu.memory_space<semaphore_mem>>
    %dma_start3A_2801 = tpu.memref_squeeze %dma_start3A_2800 : memref<1x!tpu.dma_semaphore, #tpu.memory_space<semaphore_mem>> -> memref<!tpu.dma_semaphore, #tpu.memory_space<semaphore_mem>>
    %dma_start3A_2802 = arith.constant 160 : i32
    %dma_start3A_2803 = arith.constant 0 : i32
    %dma_start3A_2804 = tpu.memref_slice %arg1[%dma_start3A_2798, %dma_start3A_2802, %dma_start3A_2803] : memref<16x200x6400xf32, #tpu.memory_space<any>> -> memref<1x40x6400xf32, #tpu.memory_space<any>>
    %dma_start3A_2805 = tpu.memref_squeeze %dma_start3A_2804 : memref<1x40x6400xf32, #tpu.memory_space<any>> -> memref<40x6400xf32, #tpu.memory_space<any>>
    %dma_start3A_2806 = arith.constant 160 : i32
    %dma_start3A_2807 = arith.constant 0 : i32
    %dma_start3A_2808 = tpu.memref_slice %arg2[%dma_start3A_2806, %dma_start3A_2807] : memref<200x6400xf32, #tpu.memory_space<vmem>> -> memref<40x6400xf32, #tpu.memory_space<vmem>>
    tpu.enqueue_dma source(%dma_start3A_2808 : memref<40x6400xf32, #tpu.memory_space<vmem>>) target(%dma_start3A_2805 : memref<40x6400xf32, #tpu.memory_space<any>>) target_semaphore(%dma_start3A_2801 : memref<!tpu.dma_semaphore, #tpu.memory_space<semaphore_mem>>)
    %dma_start3A_2809 = arith.constant 7 : i32
    %dma_start3A_2810 = arith.constant 7 : i32
    %dma_start3A_2811 = tpu.memref_slice %arg4[%dma_start3A_2810] : memref<16x!tpu.dma_semaphore, #tpu.memory_space<semaphore_mem>> -> memref<1x!tpu.dma_semaphore, #tpu.memory_space<semaphore_mem>>
    %dma_start3A_2812 = tpu.memref_squeeze %dma_start3A_2811 : memref<1x!tpu.dma_semaphore, #tpu.memory_space<semaphore_mem>> -> memref<!tpu.dma_semaphore, #tpu.memory_space<semaphore_mem>>
    %dma_start3A_2813 = arith.constant 160 : i32
    %dma_start3A_2814 = arith.constant 0 : i32
    %dma_start3A_2815 = tpu.memref_slice %arg1[%dma_start3A_2809, %dma_start3A_2813, %dma_start3A_2814] : memref<16x200x6400xf32, #tpu.memory_space<any>> -> memref<1x40x6400xf32, #tpu.memory_space<any>>
    %dma_start3A_2816 = tpu.memref_squeeze %dma_start3A_2815 : memref<1x40x6400xf32, #tpu.memory_space<any>> -> memref<40x6400xf32, #tpu.memory_space<any>>
    %dma_start3A_2817 = arith.constant 160 : i32
    %dma_start3A_2818 = arith.constant 0 : i32
    %dma_start3A_2819 = tpu.memref_slice %arg2[%dma_start3A_2817, %dma_start3A_2818] : memref<200x6400xf32, #tpu.memory_space<vmem>> -> memref<40x6400xf32, #tpu.memory_space<vmem>>
    tpu.enqueue_dma source(%dma_start3A_2819 : memref<40x6400xf32, #tpu.memory_space<vmem>>) target(%dma_start3A_2816 : memref<40x6400xf32, #tpu.memory_space<any>>) target_semaphore(%dma_start3A_2812 : memref<!tpu.dma_semaphore, #tpu.memory_space<semaphore_mem>>)
    %dma_start3A_2820 = arith.constant 8 : i32
    %dma_start3A_2821 = arith.constant 8 : i32
    %dma_start3A_2822 = tpu.memref_slice %arg4[%dma_start3A_2821] : memref<16x!tpu.dma_semaphore, #tpu.memory_space<semaphore_mem>> -> memref<1x!tpu.dma_semaphore, #tpu.memory_space<semaphore_mem>>
    %dma_start3A_2823 = tpu.memref_squeeze %dma_start3A_2822 : memref<1x!tpu.dma_semaphore, #tpu.memory_space<semaphore_mem>> -> memref<!tpu.dma_semaphore, #tpu.memory_space<semaphore_mem>>
    %dma_start3A_2824 = arith.constant 160 : i32
    %dma_start3A_2825 = arith.constant 0 : i32
    %dma_start3A_2826 = tpu.memref_slice %arg1[%dma_start3A_2820, %dma_start3A_2824, %dma_start3A_2825] : memref<16x200x6400xf32, #tpu.memory_space<any>> -> memref<1x40x6400xf32, #tpu.memory_space<any>>
    %dma_start3A_2827 = tpu.memref_squeeze %dma_start3A_2826 : memref<1x40x6400xf32, #tpu.memory_space<any>> -> memref<40x6400xf32, #tpu.memory_space<any>>
    %dma_start3A_2828 = arith.constant 160 : i32
    %dma_start3A_2829 = arith.constant 0 : i32
    %dma_start3A_2830 = tpu.memref_slice %arg2[%dma_start3A_2828, %dma_start3A_2829] : memref<200x6400xf32, #tpu.memory_space<vmem>> -> memref<40x6400xf32, #tpu.memory_space<vmem>>
    tpu.enqueue_dma source(%dma_start3A_2830 : memref<40x6400xf32, #tpu.memory_space<vmem>>) target(%dma_start3A_2827 : memref<40x6400xf32, #tpu.memory_space<any>>) target_semaphore(%dma_start3A_2823 : memref<!tpu.dma_semaphore, #tpu.memory_space<semaphore_mem>>)
    %dma_start3A_2831 = arith.constant 9 : i32
    %dma_start3A_2832 = arith.constant 9 : i32
    %dma_start3A_2833 = tpu.memref_slice %arg4[%dma_start3A_2832] : memref<16x!tpu.dma_semaphore, #tpu.memory_space<semaphore_mem>> -> memref<1x!tpu.dma_semaphore, #tpu.memory_space<semaphore_mem>>
    %dma_start3A_2834 = tpu.memref_squeeze %dma_start3A_2833 : memref<1x!tpu.dma_semaphore, #tpu.memory_space<semaphore_mem>> -> memref<!tpu.dma_semaphore, #tpu.memory_space<semaphore_mem>>
    %dma_start3A_2835 = arith.constant 160 : i32
    %dma_start3A_2836 = arith.constant 0 : i32
    %dma_start3A_2837 = tpu.memref_slice %arg1[%dma_start3A_2831, %dma_start3A_2835, %dma_start3A_2836] : memref<16x200x6400xf32, #tpu.memory_space<any>> -> memref<1x40x6400xf32, #tpu.memory_space<any>>
    %dma_start3A_2838 = tpu.memref_squeeze %dma_start3A_2837 : memref<1x40x6400xf32, #tpu.memory_space<any>> -> memref<40x6400xf32, #tpu.memory_space<any>>
    %dma_start3A_2839 = arith.constant 160 : i32
    %dma_start3A_2840 = arith.constant 0 : i32
    %dma_start3A_2841 = tpu.memref_slice %arg2[%dma_start3A_2839, %dma_start3A_2840] : memref<200x6400xf32, #tpu.memory_space<vmem>> -> memref<40x6400xf32, #tpu.memory_space<vmem>>
    tpu.enqueue_dma source(%dma_start3A_2841 : memref<40x6400xf32, #tpu.memory_space<vmem>>) target(%dma_start3A_2838 : memref<40x6400xf32, #tpu.memory_space<any>>) target_semaphore(%dma_start3A_2834 : memref<!tpu.dma_semaphore, #tpu.memory_space<semaphore_mem>>)
    %dma_start3A_2842 = arith.constant 10 : i32
    %dma_start3A_2843 = arith.constant 10 : i32
    %dma_start3A_2844 = tpu.memref_slice %arg4[%dma_start3A_2843] : memref<16x!tpu.dma_semaphore, #tpu.memory_space<semaphore_mem>> -> memref<1x!tpu.dma_semaphore, #tpu.memory_space<semaphore_mem>>
    %dma_start3A_2845 = tpu.memref_squeeze %dma_start3A_2844 : memref<1x!tpu.dma_semaphore, #tpu.memory_space<semaphore_mem>> -> memref<!tpu.dma_semaphore, #tpu.memory_space<semaphore_mem>>
    %dma_start3A_2846 = arith.constant 160 : i32
    %dma_start3A_2847 = arith.constant 0 : i32
    %dma_start3A_2848 = tpu.memref_slice %arg1[%dma_start3A_2842, %dma_start3A_2846, %dma_start3A_2847] : memref<16x200x6400xf32, #tpu.memory_space<any>> -> memref<1x40x6400xf32, #tpu.memory_space<any>>
    %dma_start3A_2849 = tpu.memref_squeeze %dma_start3A_2848 : memref<1x40x6400xf32, #tpu.memory_space<any>> -> memref<40x6400xf32, #tpu.memory_space<any>>
    %dma_start3A_2850 = arith.constant 160 : i32
    %dma_start3A_2851 = arith.constant 0 : i32
    %dma_start3A_2852 = tpu.memref_slice %arg2[%dma_start3A_2850, %dma_start3A_2851] : memref<200x6400xf32, #tpu.memory_space<vmem>> -> memref<40x6400xf32, #tpu.memory_space<vmem>>
    tpu.enqueue_dma source(%dma_start3A_2852 : memref<40x6400xf32, #tpu.memory_space<vmem>>) target(%dma_start3A_2849 : memref<40x6400xf32, #tpu.memory_space<any>>) target_semaphore(%dma_start3A_2845 : memref<!tpu.dma_semaphore, #tpu.memory_space<semaphore_mem>>)
    %dma_start3A_2853 = arith.constant 11 : i32
    %dma_start3A_2854 = arith.constant 11 : i32
    %dma_start3A_2855 = tpu.memref_slice %arg4[%dma_start3A_2854] : memref<16x!tpu.dma_semaphore, #tpu.memory_space<semaphore_mem>> -> memref<1x!tpu.dma_semaphore, #tpu.memory_space<semaphore_mem>>
    %dma_start3A_2856 = tpu.memref_squeeze %dma_start3A_2855 : memref<1x!tpu.dma_semaphore, #tpu.memory_space<semaphore_mem>> -> memref<!tpu.dma_semaphore, #tpu.memory_space<semaphore_mem>>
    %dma_start3A_2857 = arith.constant 160 : i32
    %dma_start3A_2858 = arith.constant 0 : i32
    %dma_start3A_2859 = tpu.memref_slice %arg1[%dma_start3A_2853, %dma_start3A_2857, %dma_start3A_2858] : memref<16x200x6400xf32, #tpu.memory_space<any>> -> memref<1x40x6400xf32, #tpu.memory_space<any>>
    %dma_start3A_2860 = tpu.memref_squeeze %dma_start3A_2859 : memref<1x40x6400xf32, #tpu.memory_space<any>> -> memref<40x6400xf32, #tpu.memory_space<any>>
    %dma_start3A_2861 = arith.constant 160 : i32
    %dma_start3A_2862 = arith.constant 0 : i32
    %dma_start3A_2863 = tpu.memref_slice %arg2[%dma_start3A_2861, %dma_start3A_2862] : memref<200x6400xf32, #tpu.memory_space<vmem>> -> memref<40x6400xf32, #tpu.memory_space<vmem>>
    tpu.enqueue_dma source(%dma_start3A_2863 : memref<40x6400xf32, #tpu.memory_space<vmem>>) target(%dma_start3A_2860 : memref<40x6400xf32, #tpu.memory_space<any>>) target_semaphore(%dma_start3A_2856 : memref<!tpu.dma_semaphore, #tpu.memory_space<semaphore_mem>>)
    %dma_start3A_2864 = arith.constant 12 : i32
    %dma_start3A_2865 = arith.constant 12 : i32
    %dma_start3A_2866 = tpu.memref_slice %arg4[%dma_start3A_2865] : memref<16x!tpu.dma_semaphore, #tpu.memory_space<semaphore_mem>> -> memref<1x!tpu.dma_semaphore, #tpu.memory_space<semaphore_mem>>
    %dma_start3A_2867 = tpu.memref_squeeze %dma_start3A_2866 : memref<1x!tpu.dma_semaphore, #tpu.memory_space<semaphore_mem>> -> memref<!tpu.dma_semaphore, #tpu.memory_space<semaphore_mem>>
    %dma_start3A_2868 = arith.constant 160 : i32
    %dma_start3A_2869 = arith.constant 0 : i32
    %dma_start3A_2870 = tpu.memref_slice %arg1[%dma_start3A_2864, %dma_start3A_2868, %dma_start3A_2869] : memref<16x200x6400xf32, #tpu.memory_space<any>> -> memref<1x40x6400xf32, #tpu.memory_space<any>>
    %dma_start3A_2871 = tpu.memref_squeeze %dma_start3A_2870 : memref<1x40x6400xf32, #tpu.memory_space<any>> -> memref<40x6400xf32, #tpu.memory_space<any>>
    %dma_start3A_2872 = arith.constant 160 : i32
    %dma_start3A_2873 = arith.constant 0 : i32
    %dma_start3A_2874 = tpu.memref_slice %arg2[%dma_start3A_2872, %dma_start3A_2873] : memref<200x6400xf32, #tpu.memory_space<vmem>> -> memref<40x6400xf32, #tpu.memory_space<vmem>>
    tpu.enqueue_dma source(%dma_start3A_2874 : memref<40x6400xf32, #tpu.memory_space<vmem>>) target(%dma_start3A_2871 : memref<40x6400xf32, #tpu.memory_space<any>>) target_semaphore(%dma_start3A_2867 : memref<!tpu.dma_semaphore, #tpu.memory_space<semaphore_mem>>)
    %dma_start3A_2875 = arith.constant 13 : i32
    %dma_start3A_2876 = arith.constant 13 : i32
    %dma_start3A_2877 = tpu.memref_slice %arg4[%dma_start3A_2876] : memref<16x!tpu.dma_semaphore, #tpu.memory_space<semaphore_mem>> -> memref<1x!tpu.dma_semaphore, #tpu.memory_space<semaphore_mem>>
    %dma_start3A_2878 = tpu.memref_squeeze %dma_start3A_2877 : memref<1x!tpu.dma_semaphore, #tpu.memory_space<semaphore_mem>> -> memref<!tpu.dma_semaphore, #tpu.memory_space<semaphore_mem>>
    %dma_start3A_2879 = arith.constant 160 : i32
    %dma_start3A_2880 = arith.constant 0 : i32
    %dma_start3A_2881 = tpu.memref_slice %arg1[%dma_start3A_2875, %dma_start3A_2879, %dma_start3A_2880] : memref<16x200x6400xf32, #tpu.memory_space<any>> -> memref<1x40x6400xf32, #tpu.memory_space<any>>
    %dma_start3A_2882 = tpu.memref_squeeze %dma_start3A_2881 : memref<1x40x6400xf32, #tpu.memory_space<any>> -> memref<40x6400xf32, #tpu.memory_space<any>>
    %dma_start3A_2883 = arith.constant 160 : i32
    %dma_start3A_2884 = arith.constant 0 : i32
    %dma_start3A_2885 = tpu.memref_slice %arg2[%dma_start3A_2883, %dma_start3A_2884] : memref<200x6400xf32, #tpu.memory_space<vmem>> -> memref<40x6400xf32, #tpu.memory_space<vmem>>
    tpu.enqueue_dma source(%dma_start3A_2885 : memref<40x6400xf32, #tpu.memory_space<vmem>>) target(%dma_start3A_2882 : memref<40x6400xf32, #tpu.memory_space<any>>) target_semaphore(%dma_start3A_2878 : memref<!tpu.dma_semaphore, #tpu.memory_space<semaphore_mem>>)
    %dma_start3A_2886 = arith.constant 14 : i32
    %dma_start3A_2887 = arith.constant 14 : i32
    %dma_start3A_2888 = tpu.memref_slice %arg4[%dma_start3A_2887] : memref<16x!tpu.dma_semaphore, #tpu.memory_space<semaphore_mem>> -> memref<1x!tpu.dma_semaphore, #tpu.memory_space<semaphore_mem>>
    %dma_start3A_2889 = tpu.memref_squeeze %dma_start3A_2888 : memref<1x!tpu.dma_semaphore, #tpu.memory_space<semaphore_mem>> -> memref<!tpu.dma_semaphore, #tpu.memory_space<semaphore_mem>>
    %dma_start3A_2890 = arith.constant 160 : i32
    %dma_start3A_2891 = arith.constant 0 : i32
    %dma_start3A_2892 = tpu.memref_slice %arg1[%dma_start3A_2886, %dma_start3A_2890, %dma_start3A_2891] : memref<16x200x6400xf32, #tpu.memory_space<any>> -> memref<1x40x6400xf32, #tpu.memory_space<any>>
    %dma_start3A_2893 = tpu.memref_squeeze %dma_start3A_2892 : memref<1x40x6400xf32, #tpu.memory_space<any>> -> memref<40x6400xf32, #tpu.memory_space<any>>
    %dma_start3A_2894 = arith.constant 160 : i32
    %dma_start3A_2895 = arith.constant 0 : i32
    %dma_start3A_2896 = tpu.memref_slice %arg2[%dma_start3A_2894, %dma_start3A_2895] : memref<200x6400xf32, #tpu.memory_space<vmem>> -> memref<40x6400xf32, #tpu.memory_space<vmem>>
    tpu.enqueue_dma source(%dma_start3A_2896 : memref<40x6400xf32, #tpu.memory_space<vmem>>) target(%dma_start3A_2893 : memref<40x6400xf32, #tpu.memory_space<any>>) target_semaphore(%dma_start3A_2889 : memref<!tpu.dma_semaphore, #tpu.memory_space<semaphore_mem>>)
    %dma_start3A_2897 = arith.constant 15 : i32
    %dma_start3A_2898 = arith.constant 15 : i32
    %dma_start3A_2899 = tpu.memref_slice %arg4[%dma_start3A_2898] : memref<16x!tpu.dma_semaphore, #tpu.memory_space<semaphore_mem>> -> memref<1x!tpu.dma_semaphore, #tpu.memory_space<semaphore_mem>>
    %dma_start3A_2900 = tpu.memref_squeeze %dma_start3A_2899 : memref<1x!tpu.dma_semaphore, #tpu.memory_space<semaphore_mem>> -> memref<!tpu.dma_semaphore, #tpu.memory_space<semaphore_mem>>
    %dma_start3A_2901 = arith.constant 160 : i32
    %dma_start3A_2902 = arith.constant 0 : i32
    %dma_start3A_2903 = tpu.memref_slice %arg1[%dma_start3A_2897, %dma_start3A_2901, %dma_start3A_2902] : memref<16x200x6400xf32, #tpu.memory_space<any>> -> memref<1x40x6400xf32, #tpu.memory_space<any>>
    %dma_start3A_2904 = tpu.memref_squeeze %dma_start3A_2903 : memref<1x40x6400xf32, #tpu.memory_space<any>> -> memref<40x6400xf32, #tpu.memory_space<any>>
    %dma_start3A_2905 = arith.constant 160 : i32
    %dma_start3A_2906 = arith.constant 0 : i32
    %dma_start3A_2907 = tpu.memref_slice %arg2[%dma_start3A_2905, %dma_start3A_2906] : memref<200x6400xf32, #tpu.memory_space<vmem>> -> memref<40x6400xf32, #tpu.memory_space<vmem>>
    tpu.enqueue_dma source(%dma_start3A_2907 : memref<40x6400xf32, #tpu.memory_space<vmem>>) target(%dma_start3A_2904 : memref<40x6400xf32, #tpu.memory_space<any>>) target_semaphore(%dma_start3A_2900 : memref<!tpu.dma_semaphore, #tpu.memory_space<semaphore_mem>>)
    %dma_wait3A = arith.constant 0 : i32
    %dma_wait3A_2908 = arith.constant 0 : i32
    %dma_wait3A_2909 = tpu.memref_slice %arg4[%dma_wait3A_2908] : memref<16x!tpu.dma_semaphore, #tpu.memory_space<semaphore_mem>> -> memref<1x!tpu.dma_semaphore, #tpu.memory_space<semaphore_mem>>
    %dma_wait3A_2910 = tpu.memref_squeeze %dma_wait3A_2909 : memref<1x!tpu.dma_semaphore, #tpu.memory_space<semaphore_mem>> -> memref<!tpu.dma_semaphore, #tpu.memory_space<semaphore_mem>>
    %dma_wait3A_2911 = arith.constant 0 : i32
    %dma_wait3A_2912 = arith.constant 0 : i32
    %dma_wait3A_2913 = tpu.memref_slice %arg1[%dma_wait3A, %dma_wait3A_2911, %dma_wait3A_2912] : memref<16x200x6400xf32, #tpu.memory_space<any>> -> memref<1x40x6400xf32, #tpu.memory_space<any>>
    %dma_wait3A_2914 = tpu.memref_squeeze %dma_wait3A_2913 : memref<1x40x6400xf32, #tpu.memory_space<any>> -> memref<40x6400xf32, #tpu.memory_space<any>>
    %dma_wait3A_2915 = arith.constant 0 : i32
    %dma_wait3A_2916 = arith.constant 0 : i32
    %dma_wait3A_2917 = tpu.memref_slice %arg2[%dma_wait3A_2915, %dma_wait3A_2916] : memref<200x6400xf32, #tpu.memory_space<vmem>> -> memref<40x6400xf32, #tpu.memory_space<vmem>>
    tpu.wait_dma2 semaphore(%dma_wait3A_2910 : memref<!tpu.dma_semaphore, #tpu.memory_space<semaphore_mem>>) src(%dma_wait3A_2917 : memref<40x6400xf32, #tpu.memory_space<vmem>>) dst(%dma_wait3A_2914 : memref<40x6400xf32, #tpu.memory_space<any>>)
    %dma_wait3A_2918 = arith.constant 1 : i32
    %dma_wait3A_2919 = arith.constant 1 : i32
    %dma_wait3A_2920 = tpu.memref_slice %arg4[%dma_wait3A_2919] : memref<16x!tpu.dma_semaphore, #tpu.memory_space<semaphore_mem>> -> memref<1x!tpu.dma_semaphore, #tpu.memory_space<semaphore_mem>>
    %dma_wait3A_2921 = tpu.memref_squeeze %dma_wait3A_2920 : memref<1x!tpu.dma_semaphore, #tpu.memory_space<semaphore_mem>> -> memref<!tpu.dma_semaphore, #tpu.memory_space<semaphore_mem>>
    %dma_wait3A_2922 = arith.constant 0 : i32
    %dma_wait3A_2923 = arith.constant 0 : i32
    %dma_wait3A_2924 = tpu.memref_slice %arg1[%dma_wait3A_2918, %dma_wait3A_2922, %dma_wait3A_2923] : memref<16x200x6400xf32, #tpu.memory_space<any>> -> memref<1x40x6400xf32, #tpu.memory_space<any>>
    %dma_wait3A_2925 = tpu.memref_squeeze %dma_wait3A_2924 : memref<1x40x6400xf32, #tpu.memory_space<any>> -> memref<40x6400xf32, #tpu.memory_space<any>>
    %dma_wait3A_2926 = arith.constant 0 : i32
    %dma_wait3A_2927 = arith.constant 0 : i32
    %dma_wait3A_2928 = tpu.memref_slice %arg2[%dma_wait3A_2926, %dma_wait3A_2927] : memref<200x6400xf32, #tpu.memory_space<vmem>> -> memref<40x6400xf32, #tpu.memory_space<vmem>>
    tpu.wait_dma2 semaphore(%dma_wait3A_2921 : memref<!tpu.dma_semaphore, #tpu.memory_space<semaphore_mem>>) src(%dma_wait3A_2928 : memref<40x6400xf32, #tpu.memory_space<vmem>>) dst(%dma_wait3A_2925 : memref<40x6400xf32, #tpu.memory_space<any>>)
    %dma_wait3A_2929 = arith.constant 2 : i32
    %dma_wait3A_2930 = arith.constant 2 : i32
    %dma_wait3A_2931 = tpu.memref_slice %arg4[%dma_wait3A_2930] : memref<16x!tpu.dma_semaphore, #tpu.memory_space<semaphore_mem>> -> memref<1x!tpu.dma_semaphore, #tpu.memory_space<semaphore_mem>>
    %dma_wait3A_2932 = tpu.memref_squeeze %dma_wait3A_2931 : memref<1x!tpu.dma_semaphore, #tpu.memory_space<semaphore_mem>> -> memref<!tpu.dma_semaphore, #tpu.memory_space<semaphore_mem>>
    %dma_wait3A_2933 = arith.constant 0 : i32
    %dma_wait3A_2934 = arith.constant 0 : i32
    %dma_wait3A_2935 = tpu.memref_slice %arg1[%dma_wait3A_2929, %dma_wait3A_2933, %dma_wait3A_2934] : memref<16x200x6400xf32, #tpu.memory_space<any>> -> memref<1x40x6400xf32, #tpu.memory_space<any>>
    %dma_wait3A_2936 = tpu.memref_squeeze %dma_wait3A_2935 : memref<1x40x6400xf32, #tpu.memory_space<any>> -> memref<40x6400xf32, #tpu.memory_space<any>>
    %dma_wait3A_2937 = arith.constant 0 : i32
    %dma_wait3A_2938 = arith.constant 0 : i32
    %dma_wait3A_2939 = tpu.memref_slice %arg2[%dma_wait3A_2937, %dma_wait3A_2938] : memref<200x6400xf32, #tpu.memory_space<vmem>> -> memref<40x6400xf32, #tpu.memory_space<vmem>>
    tpu.wait_dma2 semaphore(%dma_wait3A_2932 : memref<!tpu.dma_semaphore, #tpu.memory_space<semaphore_mem>>) src(%dma_wait3A_2939 : memref<40x6400xf32, #tpu.memory_space<vmem>>) dst(%dma_wait3A_2936 : memref<40x6400xf32, #tpu.memory_space<any>>)
    %dma_wait3A_2940 = arith.constant 3 : i32
    %dma_wait3A_2941 = arith.constant 3 : i32
    %dma_wait3A_2942 = tpu.memref_slice %arg4[%dma_wait3A_2941] : memref<16x!tpu.dma_semaphore, #tpu.memory_space<semaphore_mem>> -> memref<1x!tpu.dma_semaphore, #tpu.memory_space<semaphore_mem>>
    %dma_wait3A_2943 = tpu.memref_squeeze %dma_wait3A_2942 : memref<1x!tpu.dma_semaphore, #tpu.memory_space<semaphore_mem>> -> memref<!tpu.dma_semaphore, #tpu.memory_space<semaphore_mem>>
    %dma_wait3A_2944 = arith.constant 0 : i32
    %dma_wait3A_2945 = arith.constant 0 : i32
    %dma_wait3A_2946 = tpu.memref_slice %arg1[%dma_wait3A_2940, %dma_wait3A_2944, %dma_wait3A_2945] : memref<16x200x6400xf32, #tpu.memory_space<any>> -> memref<1x40x6400xf32, #tpu.memory_space<any>>
    %dma_wait3A_2947 = tpu.memref_squeeze %dma_wait3A_2946 : memref<1x40x6400xf32, #tpu.memory_space<any>> -> memref<40x6400xf32, #tpu.memory_space<any>>
    %dma_wait3A_2948 = arith.constant 0 : i32
    %dma_wait3A_2949 = arith.constant 0 : i32
    %dma_wait3A_2950 = tpu.memref_slice %arg2[%dma_wait3A_2948, %dma_wait3A_2949] : memref<200x6400xf32, #tpu.memory_space<vmem>> -> memref<40x6400xf32, #tpu.memory_space<vmem>>
    tpu.wait_dma2 semaphore(%dma_wait3A_2943 : memref<!tpu.dma_semaphore, #tpu.memory_space<semaphore_mem>>) src(%dma_wait3A_2950 : memref<40x6400xf32, #tpu.memory_space<vmem>>) dst(%dma_wait3A_2947 : memref<40x6400xf32, #tpu.memory_space<any>>)
    %dma_wait3A_2951 = arith.constant 4 : i32
    %dma_wait3A_2952 = arith.constant 4 : i32
    %dma_wait3A_2953 = tpu.memref_slice %arg4[%dma_wait3A_2952] : memref<16x!tpu.dma_semaphore, #tpu.memory_space<semaphore_mem>> -> memref<1x!tpu.dma_semaphore, #tpu.memory_space<semaphore_mem>>
    %dma_wait3A_2954 = tpu.memref_squeeze %dma_wait3A_2953 : memref<1x!tpu.dma_semaphore, #tpu.memory_space<semaphore_mem>> -> memref<!tpu.dma_semaphore, #tpu.memory_space<semaphore_mem>>
    %dma_wait3A_2955 = arith.constant 0 : i32
    %dma_wait3A_2956 = arith.constant 0 : i32
    %dma_wait3A_2957 = tpu.memref_slice %arg1[%dma_wait3A_2951, %dma_wait3A_2955, %dma_wait3A_2956] : memref<16x200x6400xf32, #tpu.memory_space<any>> -> memref<1x40x6400xf32, #tpu.memory_space<any>>
    %dma_wait3A_2958 = tpu.memref_squeeze %dma_wait3A_2957 : memref<1x40x6400xf32, #tpu.memory_space<any>> -> memref<40x6400xf32, #tpu.memory_space<any>>
    %dma_wait3A_2959 = arith.constant 0 : i32
    %dma_wait3A_2960 = arith.constant 0 : i32
    %dma_wait3A_2961 = tpu.memref_slice %arg2[%dma_wait3A_2959, %dma_wait3A_2960] : memref<200x6400xf32, #tpu.memory_space<vmem>> -> memref<40x6400xf32, #tpu.memory_space<vmem>>
    tpu.wait_dma2 semaphore(%dma_wait3A_2954 : memref<!tpu.dma_semaphore, #tpu.memory_space<semaphore_mem>>) src(%dma_wait3A_2961 : memref<40x6400xf32, #tpu.memory_space<vmem>>) dst(%dma_wait3A_2958 : memref<40x6400xf32, #tpu.memory_space<any>>)
    %dma_wait3A_2962 = arith.constant 5 : i32
    %dma_wait3A_2963 = arith.constant 5 : i32
    %dma_wait3A_2964 = tpu.memref_slice %arg4[%dma_wait3A_2963] : memref<16x!tpu.dma_semaphore, #tpu.memory_space<semaphore_mem>> -> memref<1x!tpu.dma_semaphore, #tpu.memory_space<semaphore_mem>>
    %dma_wait3A_2965 = tpu.memref_squeeze %dma_wait3A_2964 : memref<1x!tpu.dma_semaphore, #tpu.memory_space<semaphore_mem>> -> memref<!tpu.dma_semaphore, #tpu.memory_space<semaphore_mem>>
    %dma_wait3A_2966 = arith.constant 0 : i32
    %dma_wait3A_2967 = arith.constant 0 : i32
    %dma_wait3A_2968 = tpu.memref_slice %arg1[%dma_wait3A_2962, %dma_wait3A_2966, %dma_wait3A_2967] : memref<16x200x6400xf32, #tpu.memory_space<any>> -> memref<1x40x6400xf32, #tpu.memory_space<any>>
    %dma_wait3A_2969 = tpu.memref_squeeze %dma_wait3A_2968 : memref<1x40x6400xf32, #tpu.memory_space<any>> -> memref<40x6400xf32, #tpu.memory_space<any>>
    %dma_wait3A_2970 = arith.constant 0 : i32
    %dma_wait3A_2971 = arith.constant 0 : i32
    %dma_wait3A_2972 = tpu.memref_slice %arg2[%dma_wait3A_2970, %dma_wait3A_2971] : memref<200x6400xf32, #tpu.memory_space<vmem>> -> memref<40x6400xf32, #tpu.memory_space<vmem>>
    tpu.wait_dma2 semaphore(%dma_wait3A_2965 : memref<!tpu.dma_semaphore, #tpu.memory_space<semaphore_mem>>) src(%dma_wait3A_2972 : memref<40x6400xf32, #tpu.memory_space<vmem>>) dst(%dma_wait3A_2969 : memref<40x6400xf32, #tpu.memory_space<any>>)
    %dma_wait3A_2973 = arith.constant 6 : i32
    %dma_wait3A_2974 = arith.constant 6 : i32
    %dma_wait3A_2975 = tpu.memref_slice %arg4[%dma_wait3A_2974] : memref<16x!tpu.dma_semaphore, #tpu.memory_space<semaphore_mem>> -> memref<1x!tpu.dma_semaphore, #tpu.memory_space<semaphore_mem>>
    %dma_wait3A_2976 = tpu.memref_squeeze %dma_wait3A_2975 : memref<1x!tpu.dma_semaphore, #tpu.memory_space<semaphore_mem>> -> memref<!tpu.dma_semaphore, #tpu.memory_space<semaphore_mem>>
    %dma_wait3A_2977 = arith.constant 0 : i32
    %dma_wait3A_2978 = arith.constant 0 : i32
    %dma_wait3A_2979 = tpu.memref_slice %arg1[%dma_wait3A_2973, %dma_wait3A_2977, %dma_wait3A_2978] : memref<16x200x6400xf32, #tpu.memory_space<any>> -> memref<1x40x6400xf32, #tpu.memory_space<any>>
    %dma_wait3A_2980 = tpu.memref_squeeze %dma_wait3A_2979 : memref<1x40x6400xf32, #tpu.memory_space<any>> -> memref<40x6400xf32, #tpu.memory_space<any>>
    %dma_wait3A_2981 = arith.constant 0 : i32
    %dma_wait3A_2982 = arith.constant 0 : i32
    %dma_wait3A_2983 = tpu.memref_slice %arg2[%dma_wait3A_2981, %dma_wait3A_2982] : memref<200x6400xf32, #tpu.memory_space<vmem>> -> memref<40x6400xf32, #tpu.memory_space<vmem>>
    tpu.wait_dma2 semaphore(%dma_wait3A_2976 : memref<!tpu.dma_semaphore, #tpu.memory_space<semaphore_mem>>) src(%dma_wait3A_2983 : memref<40x6400xf32, #tpu.memory_space<vmem>>) dst(%dma_wait3A_2980 : memref<40x6400xf32, #tpu.memory_space<any>>)
    %dma_wait3A_2984 = arith.constant 7 : i32
    %dma_wait3A_2985 = arith.constant 7 : i32
    %dma_wait3A_2986 = tpu.memref_slice %arg4[%dma_wait3A_2985] : memref<16x!tpu.dma_semaphore, #tpu.memory_space<semaphore_mem>> -> memref<1x!tpu.dma_semaphore, #tpu.memory_space<semaphore_mem>>
    %dma_wait3A_2987 = tpu.memref_squeeze %dma_wait3A_2986 : memref<1x!tpu.dma_semaphore, #tpu.memory_space<semaphore_mem>> -> memref<!tpu.dma_semaphore, #tpu.memory_space<semaphore_mem>>
    %dma_wait3A_2988 = arith.constant 0 : i32
    %dma_wait3A_2989 = arith.constant 0 : i32
    %dma_wait3A_2990 = tpu.memref_slice %arg1[%dma_wait3A_2984, %dma_wait3A_2988, %dma_wait3A_2989] : memref<16x200x6400xf32, #tpu.memory_space<any>> -> memref<1x40x6400xf32, #tpu.memory_space<any>>
    %dma_wait3A_2991 = tpu.memref_squeeze %dma_wait3A_2990 : memref<1x40x6400xf32, #tpu.memory_space<any>> -> memref<40x6400xf32, #tpu.memory_space<any>>
    %dma_wait3A_2992 = arith.constant 0 : i32
    %dma_wait3A_2993 = arith.constant 0 : i32
    %dma_wait3A_2994 = tpu.memref_slice %arg2[%dma_wait3A_2992, %dma_wait3A_2993] : memref<200x6400xf32, #tpu.memory_space<vmem>> -> memref<40x6400xf32, #tpu.memory_space<vmem>>
    tpu.wait_dma2 semaphore(%dma_wait3A_2987 : memref<!tpu.dma_semaphore, #tpu.memory_space<semaphore_mem>>) src(%dma_wait3A_2994 : memref<40x6400xf32, #tpu.memory_space<vmem>>) dst(%dma_wait3A_2991 : memref<40x6400xf32, #tpu.memory_space<any>>)
    %dma_wait3A_2995 = arith.constant 8 : i32
    %dma_wait3A_2996 = arith.constant 8 : i32
    %dma_wait3A_2997 = tpu.memref_slice %arg4[%dma_wait3A_2996] : memref<16x!tpu.dma_semaphore, #tpu.memory_space<semaphore_mem>> -> memref<1x!tpu.dma_semaphore, #tpu.memory_space<semaphore_mem>>
    %dma_wait3A_2998 = tpu.memref_squeeze %dma_wait3A_2997 : memref<1x!tpu.dma_semaphore, #tpu.memory_space<semaphore_mem>> -> memref<!tpu.dma_semaphore, #tpu.memory_space<semaphore_mem>>
    %dma_wait3A_2999 = arith.constant 0 : i32
    %dma_wait3A_3000 = arith.constant 0 : i32
    %dma_wait3A_3001 = tpu.memref_slice %arg1[%dma_wait3A_2995, %dma_wait3A_2999, %dma_wait3A_3000] : memref<16x200x6400xf32, #tpu.memory_space<any>> -> memref<1x40x6400xf32, #tpu.memory_space<any>>
    %dma_wait3A_3002 = tpu.memref_squeeze %dma_wait3A_3001 : memref<1x40x6400xf32, #tpu.memory_space<any>> -> memref<40x6400xf32, #tpu.memory_space<any>>
    %dma_wait3A_3003 = arith.constant 0 : i32
    %dma_wait3A_3004 = arith.constant 0 : i32
    %dma_wait3A_3005 = tpu.memref_slice %arg2[%dma_wait3A_3003, %dma_wait3A_3004] : memref<200x6400xf32, #tpu.memory_space<vmem>> -> memref<40x6400xf32, #tpu.memory_space<vmem>>
    tpu.wait_dma2 semaphore(%dma_wait3A_2998 : memref<!tpu.dma_semaphore, #tpu.memory_space<semaphore_mem>>) src(%dma_wait3A_3005 : memref<40x6400xf32, #tpu.memory_space<vmem>>) dst(%dma_wait3A_3002 : memref<40x6400xf32, #tpu.memory_space<any>>)
    %dma_wait3A_3006 = arith.constant 9 : i32
    %dma_wait3A_3007 = arith.constant 9 : i32
    %dma_wait3A_3008 = tpu.memref_slice %arg4[%dma_wait3A_3007] : memref<16x!tpu.dma_semaphore, #tpu.memory_space<semaphore_mem>> -> memref<1x!tpu.dma_semaphore, #tpu.memory_space<semaphore_mem>>
    %dma_wait3A_3009 = tpu.memref_squeeze %dma_wait3A_3008 : memref<1x!tpu.dma_semaphore, #tpu.memory_space<semaphore_mem>> -> memref<!tpu.dma_semaphore, #tpu.memory_space<semaphore_mem>>
    %dma_wait3A_3010 = arith.constant 0 : i32
    %dma_wait3A_3011 = arith.constant 0 : i32
    %dma_wait3A_3012 = tpu.memref_slice %arg1[%dma_wait3A_3006, %dma_wait3A_3010, %dma_wait3A_3011] : memref<16x200x6400xf32, #tpu.memory_space<any>> -> memref<1x40x6400xf32, #tpu.memory_space<any>>
    %dma_wait3A_3013 = tpu.memref_squeeze %dma_wait3A_3012 : memref<1x40x6400xf32, #tpu.memory_space<any>> -> memref<40x6400xf32, #tpu.memory_space<any>>
    %dma_wait3A_3014 = arith.constant 0 : i32
    %dma_wait3A_3015 = arith.constant 0 : i32
    %dma_wait3A_3016 = tpu.memref_slice %arg2[%dma_wait3A_3014, %dma_wait3A_3015] : memref<200x6400xf32, #tpu.memory_space<vmem>> -> memref<40x6400xf32, #tpu.memory_space<vmem>>
    tpu.wait_dma2 semaphore(%dma_wait3A_3009 : memref<!tpu.dma_semaphore, #tpu.memory_space<semaphore_mem>>) src(%dma_wait3A_3016 : memref<40x6400xf32, #tpu.memory_space<vmem>>) dst(%dma_wait3A_3013 : memref<40x6400xf32, #tpu.memory_space<any>>)
    %dma_wait3A_3017 = arith.constant 10 : i32
    %dma_wait3A_3018 = arith.constant 10 : i32
    %dma_wait3A_3019 = tpu.memref_slice %arg4[%dma_wait3A_3018] : memref<16x!tpu.dma_semaphore, #tpu.memory_space<semaphore_mem>> -> memref<1x!tpu.dma_semaphore, #tpu.memory_space<semaphore_mem>>
    %dma_wait3A_3020 = tpu.memref_squeeze %dma_wait3A_3019 : memref<1x!tpu.dma_semaphore, #tpu.memory_space<semaphore_mem>> -> memref<!tpu.dma_semaphore, #tpu.memory_space<semaphore_mem>>
    %dma_wait3A_3021 = arith.constant 0 : i32
    %dma_wait3A_3022 = arith.constant 0 : i32
    %dma_wait3A_3023 = tpu.memref_slice %arg1[%dma_wait3A_3017, %dma_wait3A_3021, %dma_wait3A_3022] : memref<16x200x6400xf32, #tpu.memory_space<any>> -> memref<1x40x6400xf32, #tpu.memory_space<any>>
    %dma_wait3A_3024 = tpu.memref_squeeze %dma_wait3A_3023 : memref<1x40x6400xf32, #tpu.memory_space<any>> -> memref<40x6400xf32, #tpu.memory_space<any>>
    %dma_wait3A_3025 = arith.constant 0 : i32
    %dma_wait3A_3026 = arith.constant 0 : i32
    %dma_wait3A_3027 = tpu.memref_slice %arg2[%dma_wait3A_3025, %dma_wait3A_3026] : memref<200x6400xf32, #tpu.memory_space<vmem>> -> memref<40x6400xf32, #tpu.memory_space<vmem>>
    tpu.wait_dma2 semaphore(%dma_wait3A_3020 : memref<!tpu.dma_semaphore, #tpu.memory_space<semaphore_mem>>) src(%dma_wait3A_3027 : memref<40x6400xf32, #tpu.memory_space<vmem>>) dst(%dma_wait3A_3024 : memref<40x6400xf32, #tpu.memory_space<any>>)
    %dma_wait3A_3028 = arith.constant 11 : i32
    %dma_wait3A_3029 = arith.constant 11 : i32
    %dma_wait3A_3030 = tpu.memref_slice %arg4[%dma_wait3A_3029] : memref<16x!tpu.dma_semaphore, #tpu.memory_space<semaphore_mem>> -> memref<1x!tpu.dma_semaphore, #tpu.memory_space<semaphore_mem>>
    %dma_wait3A_3031 = tpu.memref_squeeze %dma_wait3A_3030 : memref<1x!tpu.dma_semaphore, #tpu.memory_space<semaphore_mem>> -> memref<!tpu.dma_semaphore, #tpu.memory_space<semaphore_mem>>
    %dma_wait3A_3032 = arith.constant 0 : i32
    %dma_wait3A_3033 = arith.constant 0 : i32
    %dma_wait3A_3034 = tpu.memref_slice %arg1[%dma_wait3A_3028, %dma_wait3A_3032, %dma_wait3A_3033] : memref<16x200x6400xf32, #tpu.memory_space<any>> -> memref<1x40x6400xf32, #tpu.memory_space<any>>
    %dma_wait3A_3035 = tpu.memref_squeeze %dma_wait3A_3034 : memref<1x40x6400xf32, #tpu.memory_space<any>> -> memref<40x6400xf32, #tpu.memory_space<any>>
    %dma_wait3A_3036 = arith.constant 0 : i32
    %dma_wait3A_3037 = arith.constant 0 : i32
    %dma_wait3A_3038 = tpu.memref_slice %arg2[%dma_wait3A_3036, %dma_wait3A_3037] : memref<200x6400xf32, #tpu.memory_space<vmem>> -> memref<40x6400xf32, #tpu.memory_space<vmem>>
    tpu.wait_dma2 semaphore(%dma_wait3A_3031 : memref<!tpu.dma_semaphore, #tpu.memory_space<semaphore_mem>>) src(%dma_wait3A_3038 : memref<40x6400xf32, #tpu.memory_space<vmem>>) dst(%dma_wait3A_3035 : memref<40x6400xf32, #tpu.memory_space<any>>)
    %dma_wait3A_3039 = arith.constant 12 : i32
    %dma_wait3A_3040 = arith.constant 12 : i32
    %dma_wait3A_3041 = tpu.memref_slice %arg4[%dma_wait3A_3040] : memref<16x!tpu.dma_semaphore, #tpu.memory_space<semaphore_mem>> -> memref<1x!tpu.dma_semaphore, #tpu.memory_space<semaphore_mem>>
    %dma_wait3A_3042 = tpu.memref_squeeze %dma_wait3A_3041 : memref<1x!tpu.dma_semaphore, #tpu.memory_space<semaphore_mem>> -> memref<!tpu.dma_semaphore, #tpu.memory_space<semaphore_mem>>
    %dma_wait3A_3043 = arith.constant 0 : i32
    %dma_wait3A_3044 = arith.constant 0 : i32
    %dma_wait3A_3045 = tpu.memref_slice %arg1[%dma_wait3A_3039, %dma_wait3A_3043, %dma_wait3A_3044] : memref<16x200x6400xf32, #tpu.memory_space<any>> -> memref<1x40x6400xf32, #tpu.memory_space<any>>
    %dma_wait3A_3046 = tpu.memref_squeeze %dma_wait3A_3045 : memref<1x40x6400xf32, #tpu.memory_space<any>> -> memref<40x6400xf32, #tpu.memory_space<any>>
    %dma_wait3A_3047 = arith.constant 0 : i32
    %dma_wait3A_3048 = arith.constant 0 : i32
    %dma_wait3A_3049 = tpu.memref_slice %arg2[%dma_wait3A_3047, %dma_wait3A_3048] : memref<200x6400xf32, #tpu.memory_space<vmem>> -> memref<40x6400xf32, #tpu.memory_space<vmem>>
    tpu.wait_dma2 semaphore(%dma_wait3A_3042 : memref<!tpu.dma_semaphore, #tpu.memory_space<semaphore_mem>>) src(%dma_wait3A_3049 : memref<40x6400xf32, #tpu.memory_space<vmem>>) dst(%dma_wait3A_3046 : memref<40x6400xf32, #tpu.memory_space<any>>)
    %dma_wait3A_3050 = arith.constant 13 : i32
    %dma_wait3A_3051 = arith.constant 13 : i32
    %dma_wait3A_3052 = tpu.memref_slice %arg4[%dma_wait3A_3051] : memref<16x!tpu.dma_semaphore, #tpu.memory_space<semaphore_mem>> -> memref<1x!tpu.dma_semaphore, #tpu.memory_space<semaphore_mem>>
    %dma_wait3A_3053 = tpu.memref_squeeze %dma_wait3A_3052 : memref<1x!tpu.dma_semaphore, #tpu.memory_space<semaphore_mem>> -> memref<!tpu.dma_semaphore, #tpu.memory_space<semaphore_mem>>
    %dma_wait3A_3054 = arith.constant 0 : i32
    %dma_wait3A_3055 = arith.constant 0 : i32
    %dma_wait3A_3056 = tpu.memref_slice %arg1[%dma_wait3A_3050, %dma_wait3A_3054, %dma_wait3A_3055] : memref<16x200x6400xf32, #tpu.memory_space<any>> -> memref<1x40x6400xf32, #tpu.memory_space<any>>
    %dma_wait3A_3057 = tpu.memref_squeeze %dma_wait3A_3056 : memref<1x40x6400xf32, #tpu.memory_space<any>> -> memref<40x6400xf32, #tpu.memory_space<any>>
    %dma_wait3A_3058 = arith.constant 0 : i32
    %dma_wait3A_3059 = arith.constant 0 : i32
    %dma_wait3A_3060 = tpu.memref_slice %arg2[%dma_wait3A_3058, %dma_wait3A_3059] : memref<200x6400xf32, #tpu.memory_space<vmem>> -> memref<40x6400xf32, #tpu.memory_space<vmem>>
    tpu.wait_dma2 semaphore(%dma_wait3A_3053 : memref<!tpu.dma_semaphore, #tpu.memory_space<semaphore_mem>>) src(%dma_wait3A_3060 : memref<40x6400xf32, #tpu.memory_space<vmem>>) dst(%dma_wait3A_3057 : memref<40x6400xf32, #tpu.memory_space<any>>)
    %dma_wait3A_3061 = arith.constant 14 : i32
    %dma_wait3A_3062 = arith.constant 14 : i32
    %dma_wait3A_3063 = tpu.memref_slice %arg4[%dma_wait3A_3062] : memref<16x!tpu.dma_semaphore, #tpu.memory_space<semaphore_mem>> -> memref<1x!tpu.dma_semaphore, #tpu.memory_space<semaphore_mem>>
    %dma_wait3A_3064 = tpu.memref_squeeze %dma_wait3A_3063 : memref<1x!tpu.dma_semaphore, #tpu.memory_space<semaphore_mem>> -> memref<!tpu.dma_semaphore, #tpu.memory_space<semaphore_mem>>
    %dma_wait3A_3065 = arith.constant 0 : i32
    %dma_wait3A_3066 = arith.constant 0 : i32
    %dma_wait3A_3067 = tpu.memref_slice %arg1[%dma_wait3A_3061, %dma_wait3A_3065, %dma_wait3A_3066] : memref<16x200x6400xf32, #tpu.memory_space<any>> -> memref<1x40x6400xf32, #tpu.memory_space<any>>
    %dma_wait3A_3068 = tpu.memref_squeeze %dma_wait3A_3067 : memref<1x40x6400xf32, #tpu.memory_space<any>> -> memref<40x6400xf32, #tpu.memory_space<any>>
    %dma_wait3A_3069 = arith.constant 0 : i32
    %dma_wait3A_3070 = arith.constant 0 : i32
    %dma_wait3A_3071 = tpu.memref_slice %arg2[%dma_wait3A_3069, %dma_wait3A_3070] : memref<200x6400xf32, #tpu.memory_space<vmem>> -> memref<40x6400xf32, #tpu.memory_space<vmem>>
    tpu.wait_dma2 semaphore(%dma_wait3A_3064 : memref<!tpu.dma_semaphore, #tpu.memory_space<semaphore_mem>>) src(%dma_wait3A_3071 : memref<40x6400xf32, #tpu.memory_space<vmem>>) dst(%dma_wait3A_3068 : memref<40x6400xf32, #tpu.memory_space<any>>)
    %dma_wait3A_3072 = arith.constant 15 : i32
    %dma_wait3A_3073 = arith.constant 15 : i32
    %dma_wait3A_3074 = tpu.memref_slice %arg4[%dma_wait3A_3073] : memref<16x!tpu.dma_semaphore, #tpu.memory_space<semaphore_mem>> -> memref<1x!tpu.dma_semaphore, #tpu.memory_space<semaphore_mem>>
    %dma_wait3A_3075 = tpu.memref_squeeze %dma_wait3A_3074 : memref<1x!tpu.dma_semaphore, #tpu.memory_space<semaphore_mem>> -> memref<!tpu.dma_semaphore, #tpu.memory_space<semaphore_mem>>
    %dma_wait3A_3076 = arith.constant 0 : i32
    %dma_wait3A_3077 = arith.constant 0 : i32
    %dma_wait3A_3078 = tpu.memref_slice %arg1[%dma_wait3A_3072, %dma_wait3A_3076, %dma_wait3A_3077] : memref<16x200x6400xf32, #tpu.memory_space<any>> -> memref<1x40x6400xf32, #tpu.memory_space<any>>
    %dma_wait3A_3079 = tpu.memref_squeeze %dma_wait3A_3078 : memref<1x40x6400xf32, #tpu.memory_space<any>> -> memref<40x6400xf32, #tpu.memory_space<any>>
    %dma_wait3A_3080 = arith.constant 0 : i32
    %dma_wait3A_3081 = arith.constant 0 : i32
    %dma_wait3A_3082 = tpu.memref_slice %arg2[%dma_wait3A_3080, %dma_wait3A_3081] : memref<200x6400xf32, #tpu.memory_space<vmem>> -> memref<40x6400xf32, #tpu.memory_space<vmem>>
    tpu.wait_dma2 semaphore(%dma_wait3A_3075 : memref<!tpu.dma_semaphore, #tpu.memory_space<semaphore_mem>>) src(%dma_wait3A_3082 : memref<40x6400xf32, #tpu.memory_space<vmem>>) dst(%dma_wait3A_3079 : memref<40x6400xf32, #tpu.memory_space<any>>)
    %dma_wait3A_3083 = arith.constant 0 : i32
    %dma_wait3A_3084 = arith.constant 0 : i32
    %dma_wait3A_3085 = tpu.memref_slice %arg4[%dma_wait3A_3084] : memref<16x!tpu.dma_semaphore, #tpu.memory_space<semaphore_mem>> -> memref<1x!tpu.dma_semaphore, #tpu.memory_space<semaphore_mem>>
    %dma_wait3A_3086 = tpu.memref_squeeze %dma_wait3A_3085 : memref<1x!tpu.dma_semaphore, #tpu.memory_space<semaphore_mem>> -> memref<!tpu.dma_semaphore, #tpu.memory_space<semaphore_mem>>
    %dma_wait3A_3087 = arith.constant 40 : i32
    %dma_wait3A_3088 = arith.constant 0 : i32
    %dma_wait3A_3089 = tpu.memref_slice %arg1[%dma_wait3A_3083, %dma_wait3A_3087, %dma_wait3A_3088] : memref<16x200x6400xf32, #tpu.memory_space<any>> -> memref<1x40x6400xf32, #tpu.memory_space<any>>
    %dma_wait3A_3090 = tpu.memref_squeeze %dma_wait3A_3089 : memref<1x40x6400xf32, #tpu.memory_space<any>> -> memref<40x6400xf32, #tpu.memory_space<any>>
    %dma_wait3A_3091 = arith.constant 40 : i32
    %dma_wait3A_3092 = arith.constant 0 : i32
    %dma_wait3A_3093 = tpu.memref_slice %arg2[%dma_wait3A_3091, %dma_wait3A_3092] : memref<200x6400xf32, #tpu.memory_space<vmem>> -> memref<40x6400xf32, #tpu.memory_space<vmem>>
    tpu.wait_dma2 semaphore(%dma_wait3A_3086 : memref<!tpu.dma_semaphore, #tpu.memory_space<semaphore_mem>>) src(%dma_wait3A_3093 : memref<40x6400xf32, #tpu.memory_space<vmem>>) dst(%dma_wait3A_3090 : memref<40x6400xf32, #tpu.memory_space<any>>)
    %dma_wait3A_3094 = arith.constant 1 : i32
    %dma_wait3A_3095 = arith.constant 1 : i32
    %dma_wait3A_3096 = tpu.memref_slice %arg4[%dma_wait3A_3095] : memref<16x!tpu.dma_semaphore, #tpu.memory_space<semaphore_mem>> -> memref<1x!tpu.dma_semaphore, #tpu.memory_space<semaphore_mem>>
    %dma_wait3A_3097 = tpu.memref_squeeze %dma_wait3A_3096 : memref<1x!tpu.dma_semaphore, #tpu.memory_space<semaphore_mem>> -> memref<!tpu.dma_semaphore, #tpu.memory_space<semaphore_mem>>
    %dma_wait3A_3098 = arith.constant 40 : i32
    %dma_wait3A_3099 = arith.constant 0 : i32
    %dma_wait3A_3100 = tpu.memref_slice %arg1[%dma_wait3A_3094, %dma_wait3A_3098, %dma_wait3A_3099] : memref<16x200x6400xf32, #tpu.memory_space<any>> -> memref<1x40x6400xf32, #tpu.memory_space<any>>
    %dma_wait3A_3101 = tpu.memref_squeeze %dma_wait3A_3100 : memref<1x40x6400xf32, #tpu.memory_space<any>> -> memref<40x6400xf32, #tpu.memory_space<any>>
    %dma_wait3A_3102 = arith.constant 40 : i32
    %dma_wait3A_3103 = arith.constant 0 : i32
    %dma_wait3A_3104 = tpu.memref_slice %arg2[%dma_wait3A_3102, %dma_wait3A_3103] : memref<200x6400xf32, #tpu.memory_space<vmem>> -> memref<40x6400xf32, #tpu.memory_space<vmem>>
    tpu.wait_dma2 semaphore(%dma_wait3A_3097 : memref<!tpu.dma_semaphore, #tpu.memory_space<semaphore_mem>>) src(%dma_wait3A_3104 : memref<40x6400xf32, #tpu.memory_space<vmem>>) dst(%dma_wait3A_3101 : memref<40x6400xf32, #tpu.memory_space<any>>)
    %dma_wait3A_3105 = arith.constant 2 : i32
    %dma_wait3A_3106 = arith.constant 2 : i32
    %dma_wait3A_3107 = tpu.memref_slice %arg4[%dma_wait3A_3106] : memref<16x!tpu.dma_semaphore, #tpu.memory_space<semaphore_mem>> -> memref<1x!tpu.dma_semaphore, #tpu.memory_space<semaphore_mem>>
    %dma_wait3A_3108 = tpu.memref_squeeze %dma_wait3A_3107 : memref<1x!tpu.dma_semaphore, #tpu.memory_space<semaphore_mem>> -> memref<!tpu.dma_semaphore, #tpu.memory_space<semaphore_mem>>
    %dma_wait3A_3109 = arith.constant 40 : i32
    %dma_wait3A_3110 = arith.constant 0 : i32
    %dma_wait3A_3111 = tpu.memref_slice %arg1[%dma_wait3A_3105, %dma_wait3A_3109, %dma_wait3A_3110] : memref<16x200x6400xf32, #tpu.memory_space<any>> -> memref<1x40x6400xf32, #tpu.memory_space<any>>
    %dma_wait3A_3112 = tpu.memref_squeeze %dma_wait3A_3111 : memref<1x40x6400xf32, #tpu.memory_space<any>> -> memref<40x6400xf32, #tpu.memory_space<any>>
    %dma_wait3A_3113 = arith.constant 40 : i32
    %dma_wait3A_3114 = arith.constant 0 : i32
    %dma_wait3A_3115 = tpu.memref_slice %arg2[%dma_wait3A_3113, %dma_wait3A_3114] : memref<200x6400xf32, #tpu.memory_space<vmem>> -> memref<40x6400xf32, #tpu.memory_space<vmem>>
    tpu.wait_dma2 semaphore(%dma_wait3A_3108 : memref<!tpu.dma_semaphore, #tpu.memory_space<semaphore_mem>>) src(%dma_wait3A_3115 : memref<40x6400xf32, #tpu.memory_space<vmem>>) dst(%dma_wait3A_3112 : memref<40x6400xf32, #tpu.memory_space<any>>)
    %dma_wait3A_3116 = arith.constant 3 : i32
    %dma_wait3A_3117 = arith.constant 3 : i32
    %dma_wait3A_3118 = tpu.memref_slice %arg4[%dma_wait3A_3117] : memref<16x!tpu.dma_semaphore, #tpu.memory_space<semaphore_mem>> -> memref<1x!tpu.dma_semaphore, #tpu.memory_space<semaphore_mem>>
    %dma_wait3A_3119 = tpu.memref_squeeze %dma_wait3A_3118 : memref<1x!tpu.dma_semaphore, #tpu.memory_space<semaphore_mem>> -> memref<!tpu.dma_semaphore, #tpu.memory_space<semaphore_mem>>
    %dma_wait3A_3120 = arith.constant 40 : i32
    %dma_wait3A_3121 = arith.constant 0 : i32
    %dma_wait3A_3122 = tpu.memref_slice %arg1[%dma_wait3A_3116, %dma_wait3A_3120, %dma_wait3A_3121] : memref<16x200x6400xf32, #tpu.memory_space<any>> -> memref<1x40x6400xf32, #tpu.memory_space<any>>
    %dma_wait3A_3123 = tpu.memref_squeeze %dma_wait3A_3122 : memref<1x40x6400xf32, #tpu.memory_space<any>> -> memref<40x6400xf32, #tpu.memory_space<any>>
    %dma_wait3A_3124 = arith.constant 40 : i32
    %dma_wait3A_3125 = arith.constant 0 : i32
    %dma_wait3A_3126 = tpu.memref_slice %arg2[%dma_wait3A_3124, %dma_wait3A_3125] : memref<200x6400xf32, #tpu.memory_space<vmem>> -> memref<40x6400xf32, #tpu.memory_space<vmem>>
    tpu.wait_dma2 semaphore(%dma_wait3A_3119 : memref<!tpu.dma_semaphore, #tpu.memory_space<semaphore_mem>>) src(%dma_wait3A_3126 : memref<40x6400xf32, #tpu.memory_space<vmem>>) dst(%dma_wait3A_3123 : memref<40x6400xf32, #tpu.memory_space<any>>)
    %dma_wait3A_3127 = arith.constant 4 : i32
    %dma_wait3A_3128 = arith.constant 4 : i32
    %dma_wait3A_3129 = tpu.memref_slice %arg4[%dma_wait3A_3128] : memref<16x!tpu.dma_semaphore, #tpu.memory_space<semaphore_mem>> -> memref<1x!tpu.dma_semaphore, #tpu.memory_space<semaphore_mem>>
    %dma_wait3A_3130 = tpu.memref_squeeze %dma_wait3A_3129 : memref<1x!tpu.dma_semaphore, #tpu.memory_space<semaphore_mem>> -> memref<!tpu.dma_semaphore, #tpu.memory_space<semaphore_mem>>
    %dma_wait3A_3131 = arith.constant 40 : i32
    %dma_wait3A_3132 = arith.constant 0 : i32
    %dma_wait3A_3133 = tpu.memref_slice %arg1[%dma_wait3A_3127, %dma_wait3A_3131, %dma_wait3A_3132] : memref<16x200x6400xf32, #tpu.memory_space<any>> -> memref<1x40x6400xf32, #tpu.memory_space<any>>
    %dma_wait3A_3134 = tpu.memref_squeeze %dma_wait3A_3133 : memref<1x40x6400xf32, #tpu.memory_space<any>> -> memref<40x6400xf32, #tpu.memory_space<any>>
    %dma_wait3A_3135 = arith.constant 40 : i32
    %dma_wait3A_3136 = arith.constant 0 : i32
    %dma_wait3A_3137 = tpu.memref_slice %arg2[%dma_wait3A_3135, %dma_wait3A_3136] : memref<200x6400xf32, #tpu.memory_space<vmem>> -> memref<40x6400xf32, #tpu.memory_space<vmem>>
    tpu.wait_dma2 semaphore(%dma_wait3A_3130 : memref<!tpu.dma_semaphore, #tpu.memory_space<semaphore_mem>>) src(%dma_wait3A_3137 : memref<40x6400xf32, #tpu.memory_space<vmem>>) dst(%dma_wait3A_3134 : memref<40x6400xf32, #tpu.memory_space<any>>)
    %dma_wait3A_3138 = arith.constant 5 : i32
    %dma_wait3A_3139 = arith.constant 5 : i32
    %dma_wait3A_3140 = tpu.memref_slice %arg4[%dma_wait3A_3139] : memref<16x!tpu.dma_semaphore, #tpu.memory_space<semaphore_mem>> -> memref<1x!tpu.dma_semaphore, #tpu.memory_space<semaphore_mem>>
    %dma_wait3A_3141 = tpu.memref_squeeze %dma_wait3A_3140 : memref<1x!tpu.dma_semaphore, #tpu.memory_space<semaphore_mem>> -> memref<!tpu.dma_semaphore, #tpu.memory_space<semaphore_mem>>
    %dma_wait3A_3142 = arith.constant 40 : i32
    %dma_wait3A_3143 = arith.constant 0 : i32
    %dma_wait3A_3144 = tpu.memref_slice %arg1[%dma_wait3A_3138, %dma_wait3A_3142, %dma_wait3A_3143] : memref<16x200x6400xf32, #tpu.memory_space<any>> -> memref<1x40x6400xf32, #tpu.memory_space<any>>
    %dma_wait3A_3145 = tpu.memref_squeeze %dma_wait3A_3144 : memref<1x40x6400xf32, #tpu.memory_space<any>> -> memref<40x6400xf32, #tpu.memory_space<any>>
    %dma_wait3A_3146 = arith.constant 40 : i32
    %dma_wait3A_3147 = arith.constant 0 : i32
    %dma_wait3A_3148 = tpu.memref_slice %arg2[%dma_wait3A_3146, %dma_wait3A_3147] : memref<200x6400xf32, #tpu.memory_space<vmem>> -> memref<40x6400xf32, #tpu.memory_space<vmem>>
    tpu.wait_dma2 semaphore(%dma_wait3A_3141 : memref<!tpu.dma_semaphore, #tpu.memory_space<semaphore_mem>>) src(%dma_wait3A_3148 : memref<40x6400xf32, #tpu.memory_space<vmem>>) dst(%dma_wait3A_3145 : memref<40x6400xf32, #tpu.memory_space<any>>)
    %dma_wait3A_3149 = arith.constant 6 : i32
    %dma_wait3A_3150 = arith.constant 6 : i32
    %dma_wait3A_3151 = tpu.memref_slice %arg4[%dma_wait3A_3150] : memref<16x!tpu.dma_semaphore, #tpu.memory_space<semaphore_mem>> -> memref<1x!tpu.dma_semaphore, #tpu.memory_space<semaphore_mem>>
    %dma_wait3A_3152 = tpu.memref_squeeze %dma_wait3A_3151 : memref<1x!tpu.dma_semaphore, #tpu.memory_space<semaphore_mem>> -> memref<!tpu.dma_semaphore, #tpu.memory_space<semaphore_mem>>
    %dma_wait3A_3153 = arith.constant 40 : i32
    %dma_wait3A_3154 = arith.constant 0 : i32
    %dma_wait3A_3155 = tpu.memref_slice %arg1[%dma_wait3A_3149, %dma_wait3A_3153, %dma_wait3A_3154] : memref<16x200x6400xf32, #tpu.memory_space<any>> -> memref<1x40x6400xf32, #tpu.memory_space<any>>
    %dma_wait3A_3156 = tpu.memref_squeeze %dma_wait3A_3155 : memref<1x40x6400xf32, #tpu.memory_space<any>> -> memref<40x6400xf32, #tpu.memory_space<any>>
    %dma_wait3A_3157 = arith.constant 40 : i32
    %dma_wait3A_3158 = arith.constant 0 : i32
    %dma_wait3A_3159 = tpu.memref_slice %arg2[%dma_wait3A_3157, %dma_wait3A_3158] : memref<200x6400xf32, #tpu.memory_space<vmem>> -> memref<40x6400xf32, #tpu.memory_space<vmem>>
    tpu.wait_dma2 semaphore(%dma_wait3A_3152 : memref<!tpu.dma_semaphore, #tpu.memory_space<semaphore_mem>>) src(%dma_wait3A_3159 : memref<40x6400xf32, #tpu.memory_space<vmem>>) dst(%dma_wait3A_3156 : memref<40x6400xf32, #tpu.memory_space<any>>)
    %dma_wait3A_3160 = arith.constant 7 : i32
    %dma_wait3A_3161 = arith.constant 7 : i32
    %dma_wait3A_3162 = tpu.memref_slice %arg4[%dma_wait3A_3161] : memref<16x!tpu.dma_semaphore, #tpu.memory_space<semaphore_mem>> -> memref<1x!tpu.dma_semaphore, #tpu.memory_space<semaphore_mem>>
    %dma_wait3A_3163 = tpu.memref_squeeze %dma_wait3A_3162 : memref<1x!tpu.dma_semaphore, #tpu.memory_space<semaphore_mem>> -> memref<!tpu.dma_semaphore, #tpu.memory_space<semaphore_mem>>
    %dma_wait3A_3164 = arith.constant 40 : i32
    %dma_wait3A_3165 = arith.constant 0 : i32
    %dma_wait3A_3166 = tpu.memref_slice %arg1[%dma_wait3A_3160, %dma_wait3A_3164, %dma_wait3A_3165] : memref<16x200x6400xf32, #tpu.memory_space<any>> -> memref<1x40x6400xf32, #tpu.memory_space<any>>
    %dma_wait3A_3167 = tpu.memref_squeeze %dma_wait3A_3166 : memref<1x40x6400xf32, #tpu.memory_space<any>> -> memref<40x6400xf32, #tpu.memory_space<any>>
    %dma_wait3A_3168 = arith.constant 40 : i32
    %dma_wait3A_3169 = arith.constant 0 : i32
    %dma_wait3A_3170 = tpu.memref_slice %arg2[%dma_wait3A_3168, %dma_wait3A_3169] : memref<200x6400xf32, #tpu.memory_space<vmem>> -> memref<40x6400xf32, #tpu.memory_space<vmem>>
    tpu.wait_dma2 semaphore(%dma_wait3A_3163 : memref<!tpu.dma_semaphore, #tpu.memory_space<semaphore_mem>>) src(%dma_wait3A_3170 : memref<40x6400xf32, #tpu.memory_space<vmem>>) dst(%dma_wait3A_3167 : memref<40x6400xf32, #tpu.memory_space<any>>)
    %dma_wait3A_3171 = arith.constant 8 : i32
    %dma_wait3A_3172 = arith.constant 8 : i32
    %dma_wait3A_3173 = tpu.memref_slice %arg4[%dma_wait3A_3172] : memref<16x!tpu.dma_semaphore, #tpu.memory_space<semaphore_mem>> -> memref<1x!tpu.dma_semaphore, #tpu.memory_space<semaphore_mem>>
    %dma_wait3A_3174 = tpu.memref_squeeze %dma_wait3A_3173 : memref<1x!tpu.dma_semaphore, #tpu.memory_space<semaphore_mem>> -> memref<!tpu.dma_semaphore, #tpu.memory_space<semaphore_mem>>
    %dma_wait3A_3175 = arith.constant 40 : i32
    %dma_wait3A_3176 = arith.constant 0 : i32
    %dma_wait3A_3177 = tpu.memref_slice %arg1[%dma_wait3A_3171, %dma_wait3A_3175, %dma_wait3A_3176] : memref<16x200x6400xf32, #tpu.memory_space<any>> -> memref<1x40x6400xf32, #tpu.memory_space<any>>
    %dma_wait3A_3178 = tpu.memref_squeeze %dma_wait3A_3177 : memref<1x40x6400xf32, #tpu.memory_space<any>> -> memref<40x6400xf32, #tpu.memory_space<any>>
    %dma_wait3A_3179 = arith.constant 40 : i32
    %dma_wait3A_3180 = arith.constant 0 : i32
    %dma_wait3A_3181 = tpu.memref_slice %arg2[%dma_wait3A_3179, %dma_wait3A_3180] : memref<200x6400xf32, #tpu.memory_space<vmem>> -> memref<40x6400xf32, #tpu.memory_space<vmem>>
    tpu.wait_dma2 semaphore(%dma_wait3A_3174 : memref<!tpu.dma_semaphore, #tpu.memory_space<semaphore_mem>>) src(%dma_wait3A_3181 : memref<40x6400xf32, #tpu.memory_space<vmem>>) dst(%dma_wait3A_3178 : memref<40x6400xf32, #tpu.memory_space<any>>)
    %dma_wait3A_3182 = arith.constant 9 : i32
    %dma_wait3A_3183 = arith.constant 9 : i32
    %dma_wait3A_3184 = tpu.memref_slice %arg4[%dma_wait3A_3183] : memref<16x!tpu.dma_semaphore, #tpu.memory_space<semaphore_mem>> -> memref<1x!tpu.dma_semaphore, #tpu.memory_space<semaphore_mem>>
    %dma_wait3A_3185 = tpu.memref_squeeze %dma_wait3A_3184 : memref<1x!tpu.dma_semaphore, #tpu.memory_space<semaphore_mem>> -> memref<!tpu.dma_semaphore, #tpu.memory_space<semaphore_mem>>
    %dma_wait3A_3186 = arith.constant 40 : i32
    %dma_wait3A_3187 = arith.constant 0 : i32
    %dma_wait3A_3188 = tpu.memref_slice %arg1[%dma_wait3A_3182, %dma_wait3A_3186, %dma_wait3A_3187] : memref<16x200x6400xf32, #tpu.memory_space<any>> -> memref<1x40x6400xf32, #tpu.memory_space<any>>
    %dma_wait3A_3189 = tpu.memref_squeeze %dma_wait3A_3188 : memref<1x40x6400xf32, #tpu.memory_space<any>> -> memref<40x6400xf32, #tpu.memory_space<any>>
    %dma_wait3A_3190 = arith.constant 40 : i32
    %dma_wait3A_3191 = arith.constant 0 : i32
    %dma_wait3A_3192 = tpu.memref_slice %arg2[%dma_wait3A_3190, %dma_wait3A_3191] : memref<200x6400xf32, #tpu.memory_space<vmem>> -> memref<40x6400xf32, #tpu.memory_space<vmem>>
    tpu.wait_dma2 semaphore(%dma_wait3A_3185 : memref<!tpu.dma_semaphore, #tpu.memory_space<semaphore_mem>>) src(%dma_wait3A_3192 : memref<40x6400xf32, #tpu.memory_space<vmem>>) dst(%dma_wait3A_3189 : memref<40x6400xf32, #tpu.memory_space<any>>)
    %dma_wait3A_3193 = arith.constant 10 : i32
    %dma_wait3A_3194 = arith.constant 10 : i32
    %dma_wait3A_3195 = tpu.memref_slice %arg4[%dma_wait3A_3194] : memref<16x!tpu.dma_semaphore, #tpu.memory_space<semaphore_mem>> -> memref<1x!tpu.dma_semaphore, #tpu.memory_space<semaphore_mem>>
    %dma_wait3A_3196 = tpu.memref_squeeze %dma_wait3A_3195 : memref<1x!tpu.dma_semaphore, #tpu.memory_space<semaphore_mem>> -> memref<!tpu.dma_semaphore, #tpu.memory_space<semaphore_mem>>
    %dma_wait3A_3197 = arith.constant 40 : i32
    %dma_wait3A_3198 = arith.constant 0 : i32
    %dma_wait3A_3199 = tpu.memref_slice %arg1[%dma_wait3A_3193, %dma_wait3A_3197, %dma_wait3A_3198] : memref<16x200x6400xf32, #tpu.memory_space<any>> -> memref<1x40x6400xf32, #tpu.memory_space<any>>
    %dma_wait3A_3200 = tpu.memref_squeeze %dma_wait3A_3199 : memref<1x40x6400xf32, #tpu.memory_space<any>> -> memref<40x6400xf32, #tpu.memory_space<any>>
    %dma_wait3A_3201 = arith.constant 40 : i32
    %dma_wait3A_3202 = arith.constant 0 : i32
    %dma_wait3A_3203 = tpu.memref_slice %arg2[%dma_wait3A_3201, %dma_wait3A_3202] : memref<200x6400xf32, #tpu.memory_space<vmem>> -> memref<40x6400xf32, #tpu.memory_space<vmem>>
    tpu.wait_dma2 semaphore(%dma_wait3A_3196 : memref<!tpu.dma_semaphore, #tpu.memory_space<semaphore_mem>>) src(%dma_wait3A_3203 : memref<40x6400xf32, #tpu.memory_space<vmem>>) dst(%dma_wait3A_3200 : memref<40x6400xf32, #tpu.memory_space<any>>)
    %dma_wait3A_3204 = arith.constant 11 : i32
    %dma_wait3A_3205 = arith.constant 11 : i32
    %dma_wait3A_3206 = tpu.memref_slice %arg4[%dma_wait3A_3205] : memref<16x!tpu.dma_semaphore, #tpu.memory_space<semaphore_mem>> -> memref<1x!tpu.dma_semaphore, #tpu.memory_space<semaphore_mem>>
    %dma_wait3A_3207 = tpu.memref_squeeze %dma_wait3A_3206 : memref<1x!tpu.dma_semaphore, #tpu.memory_space<semaphore_mem>> -> memref<!tpu.dma_semaphore, #tpu.memory_space<semaphore_mem>>
    %dma_wait3A_3208 = arith.constant 40 : i32
    %dma_wait3A_3209 = arith.constant 0 : i32
    %dma_wait3A_3210 = tpu.memref_slice %arg1[%dma_wait3A_3204, %dma_wait3A_3208, %dma_wait3A_3209] : memref<16x200x6400xf32, #tpu.memory_space<any>> -> memref<1x40x6400xf32, #tpu.memory_space<any>>
    %dma_wait3A_3211 = tpu.memref_squeeze %dma_wait3A_3210 : memref<1x40x6400xf32, #tpu.memory_space<any>> -> memref<40x6400xf32, #tpu.memory_space<any>>
    %dma_wait3A_3212 = arith.constant 40 : i32
    %dma_wait3A_3213 = arith.constant 0 : i32
    %dma_wait3A_3214 = tpu.memref_slice %arg2[%dma_wait3A_3212, %dma_wait3A_3213] : memref<200x6400xf32, #tpu.memory_space<vmem>> -> memref<40x6400xf32, #tpu.memory_space<vmem>>
    tpu.wait_dma2 semaphore(%dma_wait3A_3207 : memref<!tpu.dma_semaphore, #tpu.memory_space<semaphore_mem>>) src(%dma_wait3A_3214 : memref<40x6400xf32, #tpu.memory_space<vmem>>) dst(%dma_wait3A_3211 : memref<40x6400xf32, #tpu.memory_space<any>>)
    %dma_wait3A_3215 = arith.constant 12 : i32
    %dma_wait3A_3216 = arith.constant 12 : i32
    %dma_wait3A_3217 = tpu.memref_slice %arg4[%dma_wait3A_3216] : memref<16x!tpu.dma_semaphore, #tpu.memory_space<semaphore_mem>> -> memref<1x!tpu.dma_semaphore, #tpu.memory_space<semaphore_mem>>
    %dma_wait3A_3218 = tpu.memref_squeeze %dma_wait3A_3217 : memref<1x!tpu.dma_semaphore, #tpu.memory_space<semaphore_mem>> -> memref<!tpu.dma_semaphore, #tpu.memory_space<semaphore_mem>>
    %dma_wait3A_3219 = arith.constant 40 : i32
    %dma_wait3A_3220 = arith.constant 0 : i32
    %dma_wait3A_3221 = tpu.memref_slice %arg1[%dma_wait3A_3215, %dma_wait3A_3219, %dma_wait3A_3220] : memref<16x200x6400xf32, #tpu.memory_space<any>> -> memref<1x40x6400xf32, #tpu.memory_space<any>>
    %dma_wait3A_3222 = tpu.memref_squeeze %dma_wait3A_3221 : memref<1x40x6400xf32, #tpu.memory_space<any>> -> memref<40x6400xf32, #tpu.memory_space<any>>
    %dma_wait3A_3223 = arith.constant 40 : i32
    %dma_wait3A_3224 = arith.constant 0 : i32
    %dma_wait3A_3225 = tpu.memref_slice %arg2[%dma_wait3A_3223, %dma_wait3A_3224] : memref<200x6400xf32, #tpu.memory_space<vmem>> -> memref<40x6400xf32, #tpu.memory_space<vmem>>
    tpu.wait_dma2 semaphore(%dma_wait3A_3218 : memref<!tpu.dma_semaphore, #tpu.memory_space<semaphore_mem>>) src(%dma_wait3A_3225 : memref<40x6400xf32, #tpu.memory_space<vmem>>) dst(%dma_wait3A_3222 : memref<40x6400xf32, #tpu.memory_space<any>>)
    %dma_wait3A_3226 = arith.constant 13 : i32
    %dma_wait3A_3227 = arith.constant 13 : i32
    %dma_wait3A_3228 = tpu.memref_slice %arg4[%dma_wait3A_3227] : memref<16x!tpu.dma_semaphore, #tpu.memory_space<semaphore_mem>> -> memref<1x!tpu.dma_semaphore, #tpu.memory_space<semaphore_mem>>
    %dma_wait3A_3229 = tpu.memref_squeeze %dma_wait3A_3228 : memref<1x!tpu.dma_semaphore, #tpu.memory_space<semaphore_mem>> -> memref<!tpu.dma_semaphore, #tpu.memory_space<semaphore_mem>>
    %dma_wait3A_3230 = arith.constant 40 : i32
    %dma_wait3A_3231 = arith.constant 0 : i32
    %dma_wait3A_3232 = tpu.memref_slice %arg1[%dma_wait3A_3226, %dma_wait3A_3230, %dma_wait3A_3231] : memref<16x200x6400xf32, #tpu.memory_space<any>> -> memref<1x40x6400xf32, #tpu.memory_space<any>>
    %dma_wait3A_3233 = tpu.memref_squeeze %dma_wait3A_3232 : memref<1x40x6400xf32, #tpu.memory_space<any>> -> memref<40x6400xf32, #tpu.memory_space<any>>
    %dma_wait3A_3234 = arith.constant 40 : i32
    %dma_wait3A_3235 = arith.constant 0 : i32
    %dma_wait3A_3236 = tpu.memref_slice %arg2[%dma_wait3A_3234, %dma_wait3A_3235] : memref<200x6400xf32, #tpu.memory_space<vmem>> -> memref<40x6400xf32, #tpu.memory_space<vmem>>
    tpu.wait_dma2 semaphore(%dma_wait3A_3229 : memref<!tpu.dma_semaphore, #tpu.memory_space<semaphore_mem>>) src(%dma_wait3A_3236 : memref<40x6400xf32, #tpu.memory_space<vmem>>) dst(%dma_wait3A_3233 : memref<40x6400xf32, #tpu.memory_space<any>>)
    %dma_wait3A_3237 = arith.constant 14 : i32
    %dma_wait3A_3238 = arith.constant 14 : i32
    %dma_wait3A_3239 = tpu.memref_slice %arg4[%dma_wait3A_3238] : memref<16x!tpu.dma_semaphore, #tpu.memory_space<semaphore_mem>> -> memref<1x!tpu.dma_semaphore, #tpu.memory_space<semaphore_mem>>
    %dma_wait3A_3240 = tpu.memref_squeeze %dma_wait3A_3239 : memref<1x!tpu.dma_semaphore, #tpu.memory_space<semaphore_mem>> -> memref<!tpu.dma_semaphore, #tpu.memory_space<semaphore_mem>>
    %dma_wait3A_3241 = arith.constant 40 : i32
    %dma_wait3A_3242 = arith.constant 0 : i32
    %dma_wait3A_3243 = tpu.memref_slice %arg1[%dma_wait3A_3237, %dma_wait3A_3241, %dma_wait3A_3242] : memref<16x200x6400xf32, #tpu.memory_space<any>> -> memref<1x40x6400xf32, #tpu.memory_space<any>>
    %dma_wait3A_3244 = tpu.memref_squeeze %dma_wait3A_3243 : memref<1x40x6400xf32, #tpu.memory_space<any>> -> memref<40x6400xf32, #tpu.memory_space<any>>
    %dma_wait3A_3245 = arith.constant 40 : i32
    %dma_wait3A_3246 = arith.constant 0 : i32
    %dma_wait3A_3247 = tpu.memref_slice %arg2[%dma_wait3A_3245, %dma_wait3A_3246] : memref<200x6400xf32, #tpu.memory_space<vmem>> -> memref<40x6400xf32, #tpu.memory_space<vmem>>
    tpu.wait_dma2 semaphore(%dma_wait3A_3240 : memref<!tpu.dma_semaphore, #tpu.memory_space<semaphore_mem>>) src(%dma_wait3A_3247 : memref<40x6400xf32, #tpu.memory_space<vmem>>) dst(%dma_wait3A_3244 : memref<40x6400xf32, #tpu.memory_space<any>>)
    %dma_wait3A_3248 = arith.constant 15 : i32
    %dma_wait3A_3249 = arith.constant 15 : i32
    %dma_wait3A_3250 = tpu.memref_slice %arg4[%dma_wait3A_3249] : memref<16x!tpu.dma_semaphore, #tpu.memory_space<semaphore_mem>> -> memref<1x!tpu.dma_semaphore, #tpu.memory_space<semaphore_mem>>
    %dma_wait3A_3251 = tpu.memref_squeeze %dma_wait3A_3250 : memref<1x!tpu.dma_semaphore, #tpu.memory_space<semaphore_mem>> -> memref<!tpu.dma_semaphore, #tpu.memory_space<semaphore_mem>>
    %dma_wait3A_3252 = arith.constant 40 : i32
    %dma_wait3A_3253 = arith.constant 0 : i32
    %dma_wait3A_3254 = tpu.memref_slice %arg1[%dma_wait3A_3248, %dma_wait3A_3252, %dma_wait3A_3253] : memref<16x200x6400xf32, #tpu.memory_space<any>> -> memref<1x40x6400xf32, #tpu.memory_space<any>>
    %dma_wait3A_3255 = tpu.memref_squeeze %dma_wait3A_3254 : memref<1x40x6400xf32, #tpu.memory_space<any>> -> memref<40x6400xf32, #tpu.memory_space<any>>
    %dma_wait3A_3256 = arith.constant 40 : i32
    %dma_wait3A_3257 = arith.constant 0 : i32
    %dma_wait3A_3258 = tpu.memref_slice %arg2[%dma_wait3A_3256, %dma_wait3A_3257] : memref<200x6400xf32, #tpu.memory_space<vmem>> -> memref<40x6400xf32, #tpu.memory_space<vmem>>
    tpu.wait_dma2 semaphore(%dma_wait3A_3251 : memref<!tpu.dma_semaphore, #tpu.memory_space<semaphore_mem>>) src(%dma_wait3A_3258 : memref<40x6400xf32, #tpu.memory_space<vmem>>) dst(%dma_wait3A_3255 : memref<40x6400xf32, #tpu.memory_space<any>>)
    %dma_wait3A_3259 = arith.constant 0 : i32
    %dma_wait3A_3260 = arith.constant 0 : i32
    %dma_wait3A_3261 = tpu.memref_slice %arg4[%dma_wait3A_3260] : memref<16x!tpu.dma_semaphore, #tpu.memory_space<semaphore_mem>> -> memref<1x!tpu.dma_semaphore, #tpu.memory_space<semaphore_mem>>
    %dma_wait3A_3262 = tpu.memref_squeeze %dma_wait3A_3261 : memref<1x!tpu.dma_semaphore, #tpu.memory_space<semaphore_mem>> -> memref<!tpu.dma_semaphore, #tpu.memory_space<semaphore_mem>>
    %dma_wait3A_3263 = arith.constant 80 : i32
    %dma_wait3A_3264 = arith.constant 0 : i32
    %dma_wait3A_3265 = tpu.memref_slice %arg1[%dma_wait3A_3259, %dma_wait3A_3263, %dma_wait3A_3264] : memref<16x200x6400xf32, #tpu.memory_space<any>> -> memref<1x40x6400xf32, #tpu.memory_space<any>>
    %dma_wait3A_3266 = tpu.memref_squeeze %dma_wait3A_3265 : memref<1x40x6400xf32, #tpu.memory_space<any>> -> memref<40x6400xf32, #tpu.memory_space<any>>
    %dma_wait3A_3267 = arith.constant 80 : i32
    %dma_wait3A_3268 = arith.constant 0 : i32
    %dma_wait3A_3269 = tpu.memref_slice %arg2[%dma_wait3A_3267, %dma_wait3A_3268] : memref<200x6400xf32, #tpu.memory_space<vmem>> -> memref<40x6400xf32, #tpu.memory_space<vmem>>
    tpu.wait_dma2 semaphore(%dma_wait3A_3262 : memref<!tpu.dma_semaphore, #tpu.memory_space<semaphore_mem>>) src(%dma_wait3A_3269 : memref<40x6400xf32, #tpu.memory_space<vmem>>) dst(%dma_wait3A_3266 : memref<40x6400xf32, #tpu.memory_space<any>>)
    %dma_wait3A_3270 = arith.constant 1 : i32
    %dma_wait3A_3271 = arith.constant 1 : i32
    %dma_wait3A_3272 = tpu.memref_slice %arg4[%dma_wait3A_3271] : memref<16x!tpu.dma_semaphore, #tpu.memory_space<semaphore_mem>> -> memref<1x!tpu.dma_semaphore, #tpu.memory_space<semaphore_mem>>
    %dma_wait3A_3273 = tpu.memref_squeeze %dma_wait3A_3272 : memref<1x!tpu.dma_semaphore, #tpu.memory_space<semaphore_mem>> -> memref<!tpu.dma_semaphore, #tpu.memory_space<semaphore_mem>>
    %dma_wait3A_3274 = arith.constant 80 : i32
    %dma_wait3A_3275 = arith.constant 0 : i32
    %dma_wait3A_3276 = tpu.memref_slice %arg1[%dma_wait3A_3270, %dma_wait3A_3274, %dma_wait3A_3275] : memref<16x200x6400xf32, #tpu.memory_space<any>> -> memref<1x40x6400xf32, #tpu.memory_space<any>>
    %dma_wait3A_3277 = tpu.memref_squeeze %dma_wait3A_3276 : memref<1x40x6400xf32, #tpu.memory_space<any>> -> memref<40x6400xf32, #tpu.memory_space<any>>
    %dma_wait3A_3278 = arith.constant 80 : i32
    %dma_wait3A_3279 = arith.constant 0 : i32
    %dma_wait3A_3280 = tpu.memref_slice %arg2[%dma_wait3A_3278, %dma_wait3A_3279] : memref<200x6400xf32, #tpu.memory_space<vmem>> -> memref<40x6400xf32, #tpu.memory_space<vmem>>
    tpu.wait_dma2 semaphore(%dma_wait3A_3273 : memref<!tpu.dma_semaphore, #tpu.memory_space<semaphore_mem>>) src(%dma_wait3A_3280 : memref<40x6400xf32, #tpu.memory_space<vmem>>) dst(%dma_wait3A_3277 : memref<40x6400xf32, #tpu.memory_space<any>>)
    %dma_wait3A_3281 = arith.constant 2 : i32
    %dma_wait3A_3282 = arith.constant 2 : i32
    %dma_wait3A_3283 = tpu.memref_slice %arg4[%dma_wait3A_3282] : memref<16x!tpu.dma_semaphore, #tpu.memory_space<semaphore_mem>> -> memref<1x!tpu.dma_semaphore, #tpu.memory_space<semaphore_mem>>
    %dma_wait3A_3284 = tpu.memref_squeeze %dma_wait3A_3283 : memref<1x!tpu.dma_semaphore, #tpu.memory_space<semaphore_mem>> -> memref<!tpu.dma_semaphore, #tpu.memory_space<semaphore_mem>>
    %dma_wait3A_3285 = arith.constant 80 : i32
    %dma_wait3A_3286 = arith.constant 0 : i32
    %dma_wait3A_3287 = tpu.memref_slice %arg1[%dma_wait3A_3281, %dma_wait3A_3285, %dma_wait3A_3286] : memref<16x200x6400xf32, #tpu.memory_space<any>> -> memref<1x40x6400xf32, #tpu.memory_space<any>>
    %dma_wait3A_3288 = tpu.memref_squeeze %dma_wait3A_3287 : memref<1x40x6400xf32, #tpu.memory_space<any>> -> memref<40x6400xf32, #tpu.memory_space<any>>
    %dma_wait3A_3289 = arith.constant 80 : i32
    %dma_wait3A_3290 = arith.constant 0 : i32
    %dma_wait3A_3291 = tpu.memref_slice %arg2[%dma_wait3A_3289, %dma_wait3A_3290] : memref<200x6400xf32, #tpu.memory_space<vmem>> -> memref<40x6400xf32, #tpu.memory_space<vmem>>
    tpu.wait_dma2 semaphore(%dma_wait3A_3284 : memref<!tpu.dma_semaphore, #tpu.memory_space<semaphore_mem>>) src(%dma_wait3A_3291 : memref<40x6400xf32, #tpu.memory_space<vmem>>) dst(%dma_wait3A_3288 : memref<40x6400xf32, #tpu.memory_space<any>>)
    %dma_wait3A_3292 = arith.constant 3 : i32
    %dma_wait3A_3293 = arith.constant 3 : i32
    %dma_wait3A_3294 = tpu.memref_slice %arg4[%dma_wait3A_3293] : memref<16x!tpu.dma_semaphore, #tpu.memory_space<semaphore_mem>> -> memref<1x!tpu.dma_semaphore, #tpu.memory_space<semaphore_mem>>
    %dma_wait3A_3295 = tpu.memref_squeeze %dma_wait3A_3294 : memref<1x!tpu.dma_semaphore, #tpu.memory_space<semaphore_mem>> -> memref<!tpu.dma_semaphore, #tpu.memory_space<semaphore_mem>>
    %dma_wait3A_3296 = arith.constant 80 : i32
    %dma_wait3A_3297 = arith.constant 0 : i32
    %dma_wait3A_3298 = tpu.memref_slice %arg1[%dma_wait3A_3292, %dma_wait3A_3296, %dma_wait3A_3297] : memref<16x200x6400xf32, #tpu.memory_space<any>> -> memref<1x40x6400xf32, #tpu.memory_space<any>>
    %dma_wait3A_3299 = tpu.memref_squeeze %dma_wait3A_3298 : memref<1x40x6400xf32, #tpu.memory_space<any>> -> memref<40x6400xf32, #tpu.memory_space<any>>
    %dma_wait3A_3300 = arith.constant 80 : i32
    %dma_wait3A_3301 = arith.constant 0 : i32
    %dma_wait3A_3302 = tpu.memref_slice %arg2[%dma_wait3A_3300, %dma_wait3A_3301] : memref<200x6400xf32, #tpu.memory_space<vmem>> -> memref<40x6400xf32, #tpu.memory_space<vmem>>
    tpu.wait_dma2 semaphore(%dma_wait3A_3295 : memref<!tpu.dma_semaphore, #tpu.memory_space<semaphore_mem>>) src(%dma_wait3A_3302 : memref<40x6400xf32, #tpu.memory_space<vmem>>) dst(%dma_wait3A_3299 : memref<40x6400xf32, #tpu.memory_space<any>>)
    %dma_wait3A_3303 = arith.constant 4 : i32
    %dma_wait3A_3304 = arith.constant 4 : i32
    %dma_wait3A_3305 = tpu.memref_slice %arg4[%dma_wait3A_3304] : memref<16x!tpu.dma_semaphore, #tpu.memory_space<semaphore_mem>> -> memref<1x!tpu.dma_semaphore, #tpu.memory_space<semaphore_mem>>
    %dma_wait3A_3306 = tpu.memref_squeeze %dma_wait3A_3305 : memref<1x!tpu.dma_semaphore, #tpu.memory_space<semaphore_mem>> -> memref<!tpu.dma_semaphore, #tpu.memory_space<semaphore_mem>>
    %dma_wait3A_3307 = arith.constant 80 : i32
    %dma_wait3A_3308 = arith.constant 0 : i32
    %dma_wait3A_3309 = tpu.memref_slice %arg1[%dma_wait3A_3303, %dma_wait3A_3307, %dma_wait3A_3308] : memref<16x200x6400xf32, #tpu.memory_space<any>> -> memref<1x40x6400xf32, #tpu.memory_space<any>>
    %dma_wait3A_3310 = tpu.memref_squeeze %dma_wait3A_3309 : memref<1x40x6400xf32, #tpu.memory_space<any>> -> memref<40x6400xf32, #tpu.memory_space<any>>
    %dma_wait3A_3311 = arith.constant 80 : i32
    %dma_wait3A_3312 = arith.constant 0 : i32
    %dma_wait3A_3313 = tpu.memref_slice %arg2[%dma_wait3A_3311, %dma_wait3A_3312] : memref<200x6400xf32, #tpu.memory_space<vmem>> -> memref<40x6400xf32, #tpu.memory_space<vmem>>
    tpu.wait_dma2 semaphore(%dma_wait3A_3306 : memref<!tpu.dma_semaphore, #tpu.memory_space<semaphore_mem>>) src(%dma_wait3A_3313 : memref<40x6400xf32, #tpu.memory_space<vmem>>) dst(%dma_wait3A_3310 : memref<40x6400xf32, #tpu.memory_space<any>>)
    %dma_wait3A_3314 = arith.constant 5 : i32
    %dma_wait3A_3315 = arith.constant 5 : i32
    %dma_wait3A_3316 = tpu.memref_slice %arg4[%dma_wait3A_3315] : memref<16x!tpu.dma_semaphore, #tpu.memory_space<semaphore_mem>> -> memref<1x!tpu.dma_semaphore, #tpu.memory_space<semaphore_mem>>
    %dma_wait3A_3317 = tpu.memref_squeeze %dma_wait3A_3316 : memref<1x!tpu.dma_semaphore, #tpu.memory_space<semaphore_mem>> -> memref<!tpu.dma_semaphore, #tpu.memory_space<semaphore_mem>>
    %dma_wait3A_3318 = arith.constant 80 : i32
    %dma_wait3A_3319 = arith.constant 0 : i32
    %dma_wait3A_3320 = tpu.memref_slice %arg1[%dma_wait3A_3314, %dma_wait3A_3318, %dma_wait3A_3319] : memref<16x200x6400xf32, #tpu.memory_space<any>> -> memref<1x40x6400xf32, #tpu.memory_space<any>>
    %dma_wait3A_3321 = tpu.memref_squeeze %dma_wait3A_3320 : memref<1x40x6400xf32, #tpu.memory_space<any>> -> memref<40x6400xf32, #tpu.memory_space<any>>
    %dma_wait3A_3322 = arith.constant 80 : i32
    %dma_wait3A_3323 = arith.constant 0 : i32
    %dma_wait3A_3324 = tpu.memref_slice %arg2[%dma_wait3A_3322, %dma_wait3A_3323] : memref<200x6400xf32, #tpu.memory_space<vmem>> -> memref<40x6400xf32, #tpu.memory_space<vmem>>
    tpu.wait_dma2 semaphore(%dma_wait3A_3317 : memref<!tpu.dma_semaphore, #tpu.memory_space<semaphore_mem>>) src(%dma_wait3A_3324 : memref<40x6400xf32, #tpu.memory_space<vmem>>) dst(%dma_wait3A_3321 : memref<40x6400xf32, #tpu.memory_space<any>>)
    %dma_wait3A_3325 = arith.constant 6 : i32
    %dma_wait3A_3326 = arith.constant 6 : i32
    %dma_wait3A_3327 = tpu.memref_slice %arg4[%dma_wait3A_3326] : memref<16x!tpu.dma_semaphore, #tpu.memory_space<semaphore_mem>> -> memref<1x!tpu.dma_semaphore, #tpu.memory_space<semaphore_mem>>
    %dma_wait3A_3328 = tpu.memref_squeeze %dma_wait3A_3327 : memref<1x!tpu.dma_semaphore, #tpu.memory_space<semaphore_mem>> -> memref<!tpu.dma_semaphore, #tpu.memory_space<semaphore_mem>>
    %dma_wait3A_3329 = arith.constant 80 : i32
    %dma_wait3A_3330 = arith.constant 0 : i32
    %dma_wait3A_3331 = tpu.memref_slice %arg1[%dma_wait3A_3325, %dma_wait3A_3329, %dma_wait3A_3330] : memref<16x200x6400xf32, #tpu.memory_space<any>> -> memref<1x40x6400xf32, #tpu.memory_space<any>>
    %dma_wait3A_3332 = tpu.memref_squeeze %dma_wait3A_3331 : memref<1x40x6400xf32, #tpu.memory_space<any>> -> memref<40x6400xf32, #tpu.memory_space<any>>
    %dma_wait3A_3333 = arith.constant 80 : i32
    %dma_wait3A_3334 = arith.constant 0 : i32
    %dma_wait3A_3335 = tpu.memref_slice %arg2[%dma_wait3A_3333, %dma_wait3A_3334] : memref<200x6400xf32, #tpu.memory_space<vmem>> -> memref<40x6400xf32, #tpu.memory_space<vmem>>
    tpu.wait_dma2 semaphore(%dma_wait3A_3328 : memref<!tpu.dma_semaphore, #tpu.memory_space<semaphore_mem>>) src(%dma_wait3A_3335 : memref<40x6400xf32, #tpu.memory_space<vmem>>) dst(%dma_wait3A_3332 : memref<40x6400xf32, #tpu.memory_space<any>>)
    %dma_wait3A_3336 = arith.constant 7 : i32
    %dma_wait3A_3337 = arith.constant 7 : i32
    %dma_wait3A_3338 = tpu.memref_slice %arg4[%dma_wait3A_3337] : memref<16x!tpu.dma_semaphore, #tpu.memory_space<semaphore_mem>> -> memref<1x!tpu.dma_semaphore, #tpu.memory_space<semaphore_mem>>
    %dma_wait3A_3339 = tpu.memref_squeeze %dma_wait3A_3338 : memref<1x!tpu.dma_semaphore, #tpu.memory_space<semaphore_mem>> -> memref<!tpu.dma_semaphore, #tpu.memory_space<semaphore_mem>>
    %dma_wait3A_3340 = arith.constant 80 : i32
    %dma_wait3A_3341 = arith.constant 0 : i32
    %dma_wait3A_3342 = tpu.memref_slice %arg1[%dma_wait3A_3336, %dma_wait3A_3340, %dma_wait3A_3341] : memref<16x200x6400xf32, #tpu.memory_space<any>> -> memref<1x40x6400xf32, #tpu.memory_space<any>>
    %dma_wait3A_3343 = tpu.memref_squeeze %dma_wait3A_3342 : memref<1x40x6400xf32, #tpu.memory_space<any>> -> memref<40x6400xf32, #tpu.memory_space<any>>
    %dma_wait3A_3344 = arith.constant 80 : i32
    %dma_wait3A_3345 = arith.constant 0 : i32
    %dma_wait3A_3346 = tpu.memref_slice %arg2[%dma_wait3A_3344, %dma_wait3A_3345] : memref<200x6400xf32, #tpu.memory_space<vmem>> -> memref<40x6400xf32, #tpu.memory_space<vmem>>
    tpu.wait_dma2 semaphore(%dma_wait3A_3339 : memref<!tpu.dma_semaphore, #tpu.memory_space<semaphore_mem>>) src(%dma_wait3A_3346 : memref<40x6400xf32, #tpu.memory_space<vmem>>) dst(%dma_wait3A_3343 : memref<40x6400xf32, #tpu.memory_space<any>>)
    %dma_wait3A_3347 = arith.constant 8 : i32
    %dma_wait3A_3348 = arith.constant 8 : i32
    %dma_wait3A_3349 = tpu.memref_slice %arg4[%dma_wait3A_3348] : memref<16x!tpu.dma_semaphore, #tpu.memory_space<semaphore_mem>> -> memref<1x!tpu.dma_semaphore, #tpu.memory_space<semaphore_mem>>
    %dma_wait3A_3350 = tpu.memref_squeeze %dma_wait3A_3349 : memref<1x!tpu.dma_semaphore, #tpu.memory_space<semaphore_mem>> -> memref<!tpu.dma_semaphore, #tpu.memory_space<semaphore_mem>>
    %dma_wait3A_3351 = arith.constant 80 : i32
    %dma_wait3A_3352 = arith.constant 0 : i32
    %dma_wait3A_3353 = tpu.memref_slice %arg1[%dma_wait3A_3347, %dma_wait3A_3351, %dma_wait3A_3352] : memref<16x200x6400xf32, #tpu.memory_space<any>> -> memref<1x40x6400xf32, #tpu.memory_space<any>>
    %dma_wait3A_3354 = tpu.memref_squeeze %dma_wait3A_3353 : memref<1x40x6400xf32, #tpu.memory_space<any>> -> memref<40x6400xf32, #tpu.memory_space<any>>
    %dma_wait3A_3355 = arith.constant 80 : i32
    %dma_wait3A_3356 = arith.constant 0 : i32
    %dma_wait3A_3357 = tpu.memref_slice %arg2[%dma_wait3A_3355, %dma_wait3A_3356] : memref<200x6400xf32, #tpu.memory_space<vmem>> -> memref<40x6400xf32, #tpu.memory_space<vmem>>
    tpu.wait_dma2 semaphore(%dma_wait3A_3350 : memref<!tpu.dma_semaphore, #tpu.memory_space<semaphore_mem>>) src(%dma_wait3A_3357 : memref<40x6400xf32, #tpu.memory_space<vmem>>) dst(%dma_wait3A_3354 : memref<40x6400xf32, #tpu.memory_space<any>>)
    %dma_wait3A_3358 = arith.constant 9 : i32
    %dma_wait3A_3359 = arith.constant 9 : i32
    %dma_wait3A_3360 = tpu.memref_slice %arg4[%dma_wait3A_3359] : memref<16x!tpu.dma_semaphore, #tpu.memory_space<semaphore_mem>> -> memref<1x!tpu.dma_semaphore, #tpu.memory_space<semaphore_mem>>
    %dma_wait3A_3361 = tpu.memref_squeeze %dma_wait3A_3360 : memref<1x!tpu.dma_semaphore, #tpu.memory_space<semaphore_mem>> -> memref<!tpu.dma_semaphore, #tpu.memory_space<semaphore_mem>>
    %dma_wait3A_3362 = arith.constant 80 : i32
    %dma_wait3A_3363 = arith.constant 0 : i32
    %dma_wait3A_3364 = tpu.memref_slice %arg1[%dma_wait3A_3358, %dma_wait3A_3362, %dma_wait3A_3363] : memref<16x200x6400xf32, #tpu.memory_space<any>> -> memref<1x40x6400xf32, #tpu.memory_space<any>>
    %dma_wait3A_3365 = tpu.memref_squeeze %dma_wait3A_3364 : memref<1x40x6400xf32, #tpu.memory_space<any>> -> memref<40x6400xf32, #tpu.memory_space<any>>
    %dma_wait3A_3366 = arith.constant 80 : i32
    %dma_wait3A_3367 = arith.constant 0 : i32
    %dma_wait3A_3368 = tpu.memref_slice %arg2[%dma_wait3A_3366, %dma_wait3A_3367] : memref<200x6400xf32, #tpu.memory_space<vmem>> -> memref<40x6400xf32, #tpu.memory_space<vmem>>
    tpu.wait_dma2 semaphore(%dma_wait3A_3361 : memref<!tpu.dma_semaphore, #tpu.memory_space<semaphore_mem>>) src(%dma_wait3A_3368 : memref<40x6400xf32, #tpu.memory_space<vmem>>) dst(%dma_wait3A_3365 : memref<40x6400xf32, #tpu.memory_space<any>>)
    %dma_wait3A_3369 = arith.constant 10 : i32
    %dma_wait3A_3370 = arith.constant 10 : i32
    %dma_wait3A_3371 = tpu.memref_slice %arg4[%dma_wait3A_3370] : memref<16x!tpu.dma_semaphore, #tpu.memory_space<semaphore_mem>> -> memref<1x!tpu.dma_semaphore, #tpu.memory_space<semaphore_mem>>
    %dma_wait3A_3372 = tpu.memref_squeeze %dma_wait3A_3371 : memref<1x!tpu.dma_semaphore, #tpu.memory_space<semaphore_mem>> -> memref<!tpu.dma_semaphore, #tpu.memory_space<semaphore_mem>>
    %dma_wait3A_3373 = arith.constant 80 : i32
    %dma_wait3A_3374 = arith.constant 0 : i32
    %dma_wait3A_3375 = tpu.memref_slice %arg1[%dma_wait3A_3369, %dma_wait3A_3373, %dma_wait3A_3374] : memref<16x200x6400xf32, #tpu.memory_space<any>> -> memref<1x40x6400xf32, #tpu.memory_space<any>>
    %dma_wait3A_3376 = tpu.memref_squeeze %dma_wait3A_3375 : memref<1x40x6400xf32, #tpu.memory_space<any>> -> memref<40x6400xf32, #tpu.memory_space<any>>
    %dma_wait3A_3377 = arith.constant 80 : i32
    %dma_wait3A_3378 = arith.constant 0 : i32
    %dma_wait3A_3379 = tpu.memref_slice %arg2[%dma_wait3A_3377, %dma_wait3A_3378] : memref<200x6400xf32, #tpu.memory_space<vmem>> -> memref<40x6400xf32, #tpu.memory_space<vmem>>
    tpu.wait_dma2 semaphore(%dma_wait3A_3372 : memref<!tpu.dma_semaphore, #tpu.memory_space<semaphore_mem>>) src(%dma_wait3A_3379 : memref<40x6400xf32, #tpu.memory_space<vmem>>) dst(%dma_wait3A_3376 : memref<40x6400xf32, #tpu.memory_space<any>>)
    %dma_wait3A_3380 = arith.constant 11 : i32
    %dma_wait3A_3381 = arith.constant 11 : i32
    %dma_wait3A_3382 = tpu.memref_slice %arg4[%dma_wait3A_3381] : memref<16x!tpu.dma_semaphore, #tpu.memory_space<semaphore_mem>> -> memref<1x!tpu.dma_semaphore, #tpu.memory_space<semaphore_mem>>
    %dma_wait3A_3383 = tpu.memref_squeeze %dma_wait3A_3382 : memref<1x!tpu.dma_semaphore, #tpu.memory_space<semaphore_mem>> -> memref<!tpu.dma_semaphore, #tpu.memory_space<semaphore_mem>>
    %dma_wait3A_3384 = arith.constant 80 : i32
    %dma_wait3A_3385 = arith.constant 0 : i32
    %dma_wait3A_3386 = tpu.memref_slice %arg1[%dma_wait3A_3380, %dma_wait3A_3384, %dma_wait3A_3385] : memref<16x200x6400xf32, #tpu.memory_space<any>> -> memref<1x40x6400xf32, #tpu.memory_space<any>>
    %dma_wait3A_3387 = tpu.memref_squeeze %dma_wait3A_3386 : memref<1x40x6400xf32, #tpu.memory_space<any>> -> memref<40x6400xf32, #tpu.memory_space<any>>
    %dma_wait3A_3388 = arith.constant 80 : i32
    %dma_wait3A_3389 = arith.constant 0 : i32
    %dma_wait3A_3390 = tpu.memref_slice %arg2[%dma_wait3A_3388, %dma_wait3A_3389] : memref<200x6400xf32, #tpu.memory_space<vmem>> -> memref<40x6400xf32, #tpu.memory_space<vmem>>
    tpu.wait_dma2 semaphore(%dma_wait3A_3383 : memref<!tpu.dma_semaphore, #tpu.memory_space<semaphore_mem>>) src(%dma_wait3A_3390 : memref<40x6400xf32, #tpu.memory_space<vmem>>) dst(%dma_wait3A_3387 : memref<40x6400xf32, #tpu.memory_space<any>>)
    %dma_wait3A_3391 = arith.constant 12 : i32
    %dma_wait3A_3392 = arith.constant 12 : i32
    %dma_wait3A_3393 = tpu.memref_slice %arg4[%dma_wait3A_3392] : memref<16x!tpu.dma_semaphore, #tpu.memory_space<semaphore_mem>> -> memref<1x!tpu.dma_semaphore, #tpu.memory_space<semaphore_mem>>
    %dma_wait3A_3394 = tpu.memref_squeeze %dma_wait3A_3393 : memref<1x!tpu.dma_semaphore, #tpu.memory_space<semaphore_mem>> -> memref<!tpu.dma_semaphore, #tpu.memory_space<semaphore_mem>>
    %dma_wait3A_3395 = arith.constant 80 : i32
    %dma_wait3A_3396 = arith.constant 0 : i32
    %dma_wait3A_3397 = tpu.memref_slice %arg1[%dma_wait3A_3391, %dma_wait3A_3395, %dma_wait3A_3396] : memref<16x200x6400xf32, #tpu.memory_space<any>> -> memref<1x40x6400xf32, #tpu.memory_space<any>>
    %dma_wait3A_3398 = tpu.memref_squeeze %dma_wait3A_3397 : memref<1x40x6400xf32, #tpu.memory_space<any>> -> memref<40x6400xf32, #tpu.memory_space<any>>
    %dma_wait3A_3399 = arith.constant 80 : i32
    %dma_wait3A_3400 = arith.constant 0 : i32
    %dma_wait3A_3401 = tpu.memref_slice %arg2[%dma_wait3A_3399, %dma_wait3A_3400] : memref<200x6400xf32, #tpu.memory_space<vmem>> -> memref<40x6400xf32, #tpu.memory_space<vmem>>
    tpu.wait_dma2 semaphore(%dma_wait3A_3394 : memref<!tpu.dma_semaphore, #tpu.memory_space<semaphore_mem>>) src(%dma_wait3A_3401 : memref<40x6400xf32, #tpu.memory_space<vmem>>) dst(%dma_wait3A_3398 : memref<40x6400xf32, #tpu.memory_space<any>>)
    %dma_wait3A_3402 = arith.constant 13 : i32
    %dma_wait3A_3403 = arith.constant 13 : i32
    %dma_wait3A_3404 = tpu.memref_slice %arg4[%dma_wait3A_3403] : memref<16x!tpu.dma_semaphore, #tpu.memory_space<semaphore_mem>> -> memref<1x!tpu.dma_semaphore, #tpu.memory_space<semaphore_mem>>
    %dma_wait3A_3405 = tpu.memref_squeeze %dma_wait3A_3404 : memref<1x!tpu.dma_semaphore, #tpu.memory_space<semaphore_mem>> -> memref<!tpu.dma_semaphore, #tpu.memory_space<semaphore_mem>>
    %dma_wait3A_3406 = arith.constant 80 : i32
    %dma_wait3A_3407 = arith.constant 0 : i32
    %dma_wait3A_3408 = tpu.memref_slice %arg1[%dma_wait3A_3402, %dma_wait3A_3406, %dma_wait3A_3407] : memref<16x200x6400xf32, #tpu.memory_space<any>> -> memref<1x40x6400xf32, #tpu.memory_space<any>>
    %dma_wait3A_3409 = tpu.memref_squeeze %dma_wait3A_3408 : memref<1x40x6400xf32, #tpu.memory_space<any>> -> memref<40x6400xf32, #tpu.memory_space<any>>
    %dma_wait3A_3410 = arith.constant 80 : i32
    %dma_wait3A_3411 = arith.constant 0 : i32
    %dma_wait3A_3412 = tpu.memref_slice %arg2[%dma_wait3A_3410, %dma_wait3A_3411] : memref<200x6400xf32, #tpu.memory_space<vmem>> -> memref<40x6400xf32, #tpu.memory_space<vmem>>
    tpu.wait_dma2 semaphore(%dma_wait3A_3405 : memref<!tpu.dma_semaphore, #tpu.memory_space<semaphore_mem>>) src(%dma_wait3A_3412 : memref<40x6400xf32, #tpu.memory_space<vmem>>) dst(%dma_wait3A_3409 : memref<40x6400xf32, #tpu.memory_space<any>>)
    %dma_wait3A_3413 = arith.constant 14 : i32
    %dma_wait3A_3414 = arith.constant 14 : i32
    %dma_wait3A_3415 = tpu.memref_slice %arg4[%dma_wait3A_3414] : memref<16x!tpu.dma_semaphore, #tpu.memory_space<semaphore_mem>> -> memref<1x!tpu.dma_semaphore, #tpu.memory_space<semaphore_mem>>
    %dma_wait3A_3416 = tpu.memref_squeeze %dma_wait3A_3415 : memref<1x!tpu.dma_semaphore, #tpu.memory_space<semaphore_mem>> -> memref<!tpu.dma_semaphore, #tpu.memory_space<semaphore_mem>>
    %dma_wait3A_3417 = arith.constant 80 : i32
    %dma_wait3A_3418 = arith.constant 0 : i32
    %dma_wait3A_3419 = tpu.memref_slice %arg1[%dma_wait3A_3413, %dma_wait3A_3417, %dma_wait3A_3418] : memref<16x200x6400xf32, #tpu.memory_space<any>> -> memref<1x40x6400xf32, #tpu.memory_space<any>>
    %dma_wait3A_3420 = tpu.memref_squeeze %dma_wait3A_3419 : memref<1x40x6400xf32, #tpu.memory_space<any>> -> memref<40x6400xf32, #tpu.memory_space<any>>
    %dma_wait3A_3421 = arith.constant 80 : i32
    %dma_wait3A_3422 = arith.constant 0 : i32
    %dma_wait3A_3423 = tpu.memref_slice %arg2[%dma_wait3A_3421, %dma_wait3A_3422] : memref<200x6400xf32, #tpu.memory_space<vmem>> -> memref<40x6400xf32, #tpu.memory_space<vmem>>
    tpu.wait_dma2 semaphore(%dma_wait3A_3416 : memref<!tpu.dma_semaphore, #tpu.memory_space<semaphore_mem>>) src(%dma_wait3A_3423 : memref<40x6400xf32, #tpu.memory_space<vmem>>) dst(%dma_wait3A_3420 : memref<40x6400xf32, #tpu.memory_space<any>>)
    %dma_wait3A_3424 = arith.constant 15 : i32
    %dma_wait3A_3425 = arith.constant 15 : i32
    %dma_wait3A_3426 = tpu.memref_slice %arg4[%dma_wait3A_3425] : memref<16x!tpu.dma_semaphore, #tpu.memory_space<semaphore_mem>> -> memref<1x!tpu.dma_semaphore, #tpu.memory_space<semaphore_mem>>
    %dma_wait3A_3427 = tpu.memref_squeeze %dma_wait3A_3426 : memref<1x!tpu.dma_semaphore, #tpu.memory_space<semaphore_mem>> -> memref<!tpu.dma_semaphore, #tpu.memory_space<semaphore_mem>>
    %dma_wait3A_3428 = arith.constant 80 : i32
    %dma_wait3A_3429 = arith.constant 0 : i32
    %dma_wait3A_3430 = tpu.memref_slice %arg1[%dma_wait3A_3424, %dma_wait3A_3428, %dma_wait3A_3429] : memref<16x200x6400xf32, #tpu.memory_space<any>> -> memref<1x40x6400xf32, #tpu.memory_space<any>>
    %dma_wait3A_3431 = tpu.memref_squeeze %dma_wait3A_3430 : memref<1x40x6400xf32, #tpu.memory_space<any>> -> memref<40x6400xf32, #tpu.memory_space<any>>
    %dma_wait3A_3432 = arith.constant 80 : i32
    %dma_wait3A_3433 = arith.constant 0 : i32
    %dma_wait3A_3434 = tpu.memref_slice %arg2[%dma_wait3A_3432, %dma_wait3A_3433] : memref<200x6400xf32, #tpu.memory_space<vmem>> -> memref<40x6400xf32, #tpu.memory_space<vmem>>
    tpu.wait_dma2 semaphore(%dma_wait3A_3427 : memref<!tpu.dma_semaphore, #tpu.memory_space<semaphore_mem>>) src(%dma_wait3A_3434 : memref<40x6400xf32, #tpu.memory_space<vmem>>) dst(%dma_wait3A_3431 : memref<40x6400xf32, #tpu.memory_space<any>>)
    %dma_wait3A_3435 = arith.constant 0 : i32
    %dma_wait3A_3436 = arith.constant 0 : i32
    %dma_wait3A_3437 = tpu.memref_slice %arg4[%dma_wait3A_3436] : memref<16x!tpu.dma_semaphore, #tpu.memory_space<semaphore_mem>> -> memref<1x!tpu.dma_semaphore, #tpu.memory_space<semaphore_mem>>
    %dma_wait3A_3438 = tpu.memref_squeeze %dma_wait3A_3437 : memref<1x!tpu.dma_semaphore, #tpu.memory_space<semaphore_mem>> -> memref<!tpu.dma_semaphore, #tpu.memory_space<semaphore_mem>>
    %dma_wait3A_3439 = arith.constant 120 : i32
    %dma_wait3A_3440 = arith.constant 0 : i32
    %dma_wait3A_3441 = tpu.memref_slice %arg1[%dma_wait3A_3435, %dma_wait3A_3439, %dma_wait3A_3440] : memref<16x200x6400xf32, #tpu.memory_space<any>> -> memref<1x40x6400xf32, #tpu.memory_space<any>>
    %dma_wait3A_3442 = tpu.memref_squeeze %dma_wait3A_3441 : memref<1x40x6400xf32, #tpu.memory_space<any>> -> memref<40x6400xf32, #tpu.memory_space<any>>
    %dma_wait3A_3443 = arith.constant 120 : i32
    %dma_wait3A_3444 = arith.constant 0 : i32
    %dma_wait3A_3445 = tpu.memref_slice %arg2[%dma_wait3A_3443, %dma_wait3A_3444] : memref<200x6400xf32, #tpu.memory_space<vmem>> -> memref<40x6400xf32, #tpu.memory_space<vmem>>
    tpu.wait_dma2 semaphore(%dma_wait3A_3438 : memref<!tpu.dma_semaphore, #tpu.memory_space<semaphore_mem>>) src(%dma_wait3A_3445 : memref<40x6400xf32, #tpu.memory_space<vmem>>) dst(%dma_wait3A_3442 : memref<40x6400xf32, #tpu.memory_space<any>>)
    %dma_wait3A_3446 = arith.constant 1 : i32
    %dma_wait3A_3447 = arith.constant 1 : i32
    %dma_wait3A_3448 = tpu.memref_slice %arg4[%dma_wait3A_3447] : memref<16x!tpu.dma_semaphore, #tpu.memory_space<semaphore_mem>> -> memref<1x!tpu.dma_semaphore, #tpu.memory_space<semaphore_mem>>
    %dma_wait3A_3449 = tpu.memref_squeeze %dma_wait3A_3448 : memref<1x!tpu.dma_semaphore, #tpu.memory_space<semaphore_mem>> -> memref<!tpu.dma_semaphore, #tpu.memory_space<semaphore_mem>>
    %dma_wait3A_3450 = arith.constant 120 : i32
    %dma_wait3A_3451 = arith.constant 0 : i32
    %dma_wait3A_3452 = tpu.memref_slice %arg1[%dma_wait3A_3446, %dma_wait3A_3450, %dma_wait3A_3451] : memref<16x200x6400xf32, #tpu.memory_space<any>> -> memref<1x40x6400xf32, #tpu.memory_space<any>>
    %dma_wait3A_3453 = tpu.memref_squeeze %dma_wait3A_3452 : memref<1x40x6400xf32, #tpu.memory_space<any>> -> memref<40x6400xf32, #tpu.memory_space<any>>
    %dma_wait3A_3454 = arith.constant 120 : i32
    %dma_wait3A_3455 = arith.constant 0 : i32
    %dma_wait3A_3456 = tpu.memref_slice %arg2[%dma_wait3A_3454, %dma_wait3A_3455] : memref<200x6400xf32, #tpu.memory_space<vmem>> -> memref<40x6400xf32, #tpu.memory_space<vmem>>
    tpu.wait_dma2 semaphore(%dma_wait3A_3449 : memref<!tpu.dma_semaphore, #tpu.memory_space<semaphore_mem>>) src(%dma_wait3A_3456 : memref<40x6400xf32, #tpu.memory_space<vmem>>) dst(%dma_wait3A_3453 : memref<40x6400xf32, #tpu.memory_space<any>>)
    %dma_wait3A_3457 = arith.constant 2 : i32
    %dma_wait3A_3458 = arith.constant 2 : i32
    %dma_wait3A_3459 = tpu.memref_slice %arg4[%dma_wait3A_3458] : memref<16x!tpu.dma_semaphore, #tpu.memory_space<semaphore_mem>> -> memref<1x!tpu.dma_semaphore, #tpu.memory_space<semaphore_mem>>
    %dma_wait3A_3460 = tpu.memref_squeeze %dma_wait3A_3459 : memref<1x!tpu.dma_semaphore, #tpu.memory_space<semaphore_mem>> -> memref<!tpu.dma_semaphore, #tpu.memory_space<semaphore_mem>>
    %dma_wait3A_3461 = arith.constant 120 : i32
    %dma_wait3A_3462 = arith.constant 0 : i32
    %dma_wait3A_3463 = tpu.memref_slice %arg1[%dma_wait3A_3457, %dma_wait3A_3461, %dma_wait3A_3462] : memref<16x200x6400xf32, #tpu.memory_space<any>> -> memref<1x40x6400xf32, #tpu.memory_space<any>>
    %dma_wait3A_3464 = tpu.memref_squeeze %dma_wait3A_3463 : memref<1x40x6400xf32, #tpu.memory_space<any>> -> memref<40x6400xf32, #tpu.memory_space<any>>
    %dma_wait3A_3465 = arith.constant 120 : i32
    %dma_wait3A_3466 = arith.constant 0 : i32
    %dma_wait3A_3467 = tpu.memref_slice %arg2[%dma_wait3A_3465, %dma_wait3A_3466] : memref<200x6400xf32, #tpu.memory_space<vmem>> -> memref<40x6400xf32, #tpu.memory_space<vmem>>
    tpu.wait_dma2 semaphore(%dma_wait3A_3460 : memref<!tpu.dma_semaphore, #tpu.memory_space<semaphore_mem>>) src(%dma_wait3A_3467 : memref<40x6400xf32, #tpu.memory_space<vmem>>) dst(%dma_wait3A_3464 : memref<40x6400xf32, #tpu.memory_space<any>>)
    %dma_wait3A_3468 = arith.constant 3 : i32
    %dma_wait3A_3469 = arith.constant 3 : i32
    %dma_wait3A_3470 = tpu.memref_slice %arg4[%dma_wait3A_3469] : memref<16x!tpu.dma_semaphore, #tpu.memory_space<semaphore_mem>> -> memref<1x!tpu.dma_semaphore, #tpu.memory_space<semaphore_mem>>
    %dma_wait3A_3471 = tpu.memref_squeeze %dma_wait3A_3470 : memref<1x!tpu.dma_semaphore, #tpu.memory_space<semaphore_mem>> -> memref<!tpu.dma_semaphore, #tpu.memory_space<semaphore_mem>>
    %dma_wait3A_3472 = arith.constant 120 : i32
    %dma_wait3A_3473 = arith.constant 0 : i32
    %dma_wait3A_3474 = tpu.memref_slice %arg1[%dma_wait3A_3468, %dma_wait3A_3472, %dma_wait3A_3473] : memref<16x200x6400xf32, #tpu.memory_space<any>> -> memref<1x40x6400xf32, #tpu.memory_space<any>>
    %dma_wait3A_3475 = tpu.memref_squeeze %dma_wait3A_3474 : memref<1x40x6400xf32, #tpu.memory_space<any>> -> memref<40x6400xf32, #tpu.memory_space<any>>
    %dma_wait3A_3476 = arith.constant 120 : i32
    %dma_wait3A_3477 = arith.constant 0 : i32
    %dma_wait3A_3478 = tpu.memref_slice %arg2[%dma_wait3A_3476, %dma_wait3A_3477] : memref<200x6400xf32, #tpu.memory_space<vmem>> -> memref<40x6400xf32, #tpu.memory_space<vmem>>
    tpu.wait_dma2 semaphore(%dma_wait3A_3471 : memref<!tpu.dma_semaphore, #tpu.memory_space<semaphore_mem>>) src(%dma_wait3A_3478 : memref<40x6400xf32, #tpu.memory_space<vmem>>) dst(%dma_wait3A_3475 : memref<40x6400xf32, #tpu.memory_space<any>>)
    %dma_wait3A_3479 = arith.constant 4 : i32
    %dma_wait3A_3480 = arith.constant 4 : i32
    %dma_wait3A_3481 = tpu.memref_slice %arg4[%dma_wait3A_3480] : memref<16x!tpu.dma_semaphore, #tpu.memory_space<semaphore_mem>> -> memref<1x!tpu.dma_semaphore, #tpu.memory_space<semaphore_mem>>
    %dma_wait3A_3482 = tpu.memref_squeeze %dma_wait3A_3481 : memref<1x!tpu.dma_semaphore, #tpu.memory_space<semaphore_mem>> -> memref<!tpu.dma_semaphore, #tpu.memory_space<semaphore_mem>>
    %dma_wait3A_3483 = arith.constant 120 : i32
    %dma_wait3A_3484 = arith.constant 0 : i32
    %dma_wait3A_3485 = tpu.memref_slice %arg1[%dma_wait3A_3479, %dma_wait3A_3483, %dma_wait3A_3484] : memref<16x200x6400xf32, #tpu.memory_space<any>> -> memref<1x40x6400xf32, #tpu.memory_space<any>>
    %dma_wait3A_3486 = tpu.memref_squeeze %dma_wait3A_3485 : memref<1x40x6400xf32, #tpu.memory_space<any>> -> memref<40x6400xf32, #tpu.memory_space<any>>
    %dma_wait3A_3487 = arith.constant 120 : i32
    %dma_wait3A_3488 = arith.constant 0 : i32
    %dma_wait3A_3489 = tpu.memref_slice %arg2[%dma_wait3A_3487, %dma_wait3A_3488] : memref<200x6400xf32, #tpu.memory_space<vmem>> -> memref<40x6400xf32, #tpu.memory_space<vmem>>
    tpu.wait_dma2 semaphore(%dma_wait3A_3482 : memref<!tpu.dma_semaphore, #tpu.memory_space<semaphore_mem>>) src(%dma_wait3A_3489 : memref<40x6400xf32, #tpu.memory_space<vmem>>) dst(%dma_wait3A_3486 : memref<40x6400xf32, #tpu.memory_space<any>>)
    %dma_wait3A_3490 = arith.constant 5 : i32
    %dma_wait3A_3491 = arith.constant 5 : i32
    %dma_wait3A_3492 = tpu.memref_slice %arg4[%dma_wait3A_3491] : memref<16x!tpu.dma_semaphore, #tpu.memory_space<semaphore_mem>> -> memref<1x!tpu.dma_semaphore, #tpu.memory_space<semaphore_mem>>
    %dma_wait3A_3493 = tpu.memref_squeeze %dma_wait3A_3492 : memref<1x!tpu.dma_semaphore, #tpu.memory_space<semaphore_mem>> -> memref<!tpu.dma_semaphore, #tpu.memory_space<semaphore_mem>>
    %dma_wait3A_3494 = arith.constant 120 : i32
    %dma_wait3A_3495 = arith.constant 0 : i32
    %dma_wait3A_3496 = tpu.memref_slice %arg1[%dma_wait3A_3490, %dma_wait3A_3494, %dma_wait3A_3495] : memref<16x200x6400xf32, #tpu.memory_space<any>> -> memref<1x40x6400xf32, #tpu.memory_space<any>>
    %dma_wait3A_3497 = tpu.memref_squeeze %dma_wait3A_3496 : memref<1x40x6400xf32, #tpu.memory_space<any>> -> memref<40x6400xf32, #tpu.memory_space<any>>
    %dma_wait3A_3498 = arith.constant 120 : i32
    %dma_wait3A_3499 = arith.constant 0 : i32
    %dma_wait3A_3500 = tpu.memref_slice %arg2[%dma_wait3A_3498, %dma_wait3A_3499] : memref<200x6400xf32, #tpu.memory_space<vmem>> -> memref<40x6400xf32, #tpu.memory_space<vmem>>
    tpu.wait_dma2 semaphore(%dma_wait3A_3493 : memref<!tpu.dma_semaphore, #tpu.memory_space<semaphore_mem>>) src(%dma_wait3A_3500 : memref<40x6400xf32, #tpu.memory_space<vmem>>) dst(%dma_wait3A_3497 : memref<40x6400xf32, #tpu.memory_space<any>>)
    %dma_wait3A_3501 = arith.constant 6 : i32
    %dma_wait3A_3502 = arith.constant 6 : i32
    %dma_wait3A_3503 = tpu.memref_slice %arg4[%dma_wait3A_3502] : memref<16x!tpu.dma_semaphore, #tpu.memory_space<semaphore_mem>> -> memref<1x!tpu.dma_semaphore, #tpu.memory_space<semaphore_mem>>
    %dma_wait3A_3504 = tpu.memref_squeeze %dma_wait3A_3503 : memref<1x!tpu.dma_semaphore, #tpu.memory_space<semaphore_mem>> -> memref<!tpu.dma_semaphore, #tpu.memory_space<semaphore_mem>>
    %dma_wait3A_3505 = arith.constant 120 : i32
    %dma_wait3A_3506 = arith.constant 0 : i32
    %dma_wait3A_3507 = tpu.memref_slice %arg1[%dma_wait3A_3501, %dma_wait3A_3505, %dma_wait3A_3506] : memref<16x200x6400xf32, #tpu.memory_space<any>> -> memref<1x40x6400xf32, #tpu.memory_space<any>>
    %dma_wait3A_3508 = tpu.memref_squeeze %dma_wait3A_3507 : memref<1x40x6400xf32, #tpu.memory_space<any>> -> memref<40x6400xf32, #tpu.memory_space<any>>
    %dma_wait3A_3509 = arith.constant 120 : i32
    %dma_wait3A_3510 = arith.constant 0 : i32
    %dma_wait3A_3511 = tpu.memref_slice %arg2[%dma_wait3A_3509, %dma_wait3A_3510] : memref<200x6400xf32, #tpu.memory_space<vmem>> -> memref<40x6400xf32, #tpu.memory_space<vmem>>
    tpu.wait_dma2 semaphore(%dma_wait3A_3504 : memref<!tpu.dma_semaphore, #tpu.memory_space<semaphore_mem>>) src(%dma_wait3A_3511 : memref<40x6400xf32, #tpu.memory_space<vmem>>) dst(%dma_wait3A_3508 : memref<40x6400xf32, #tpu.memory_space<any>>)
    %dma_wait3A_3512 = arith.constant 7 : i32
    %dma_wait3A_3513 = arith.constant 7 : i32
    %dma_wait3A_3514 = tpu.memref_slice %arg4[%dma_wait3A_3513] : memref<16x!tpu.dma_semaphore, #tpu.memory_space<semaphore_mem>> -> memref<1x!tpu.dma_semaphore, #tpu.memory_space<semaphore_mem>>
    %dma_wait3A_3515 = tpu.memref_squeeze %dma_wait3A_3514 : memref<1x!tpu.dma_semaphore, #tpu.memory_space<semaphore_mem>> -> memref<!tpu.dma_semaphore, #tpu.memory_space<semaphore_mem>>
    %dma_wait3A_3516 = arith.constant 120 : i32
    %dma_wait3A_3517 = arith.constant 0 : i32
    %dma_wait3A_3518 = tpu.memref_slice %arg1[%dma_wait3A_3512, %dma_wait3A_3516, %dma_wait3A_3517] : memref<16x200x6400xf32, #tpu.memory_space<any>> -> memref<1x40x6400xf32, #tpu.memory_space<any>>
    %dma_wait3A_3519 = tpu.memref_squeeze %dma_wait3A_3518 : memref<1x40x6400xf32, #tpu.memory_space<any>> -> memref<40x6400xf32, #tpu.memory_space<any>>
    %dma_wait3A_3520 = arith.constant 120 : i32
    %dma_wait3A_3521 = arith.constant 0 : i32
    %dma_wait3A_3522 = tpu.memref_slice %arg2[%dma_wait3A_3520, %dma_wait3A_3521] : memref<200x6400xf32, #tpu.memory_space<vmem>> -> memref<40x6400xf32, #tpu.memory_space<vmem>>
    tpu.wait_dma2 semaphore(%dma_wait3A_3515 : memref<!tpu.dma_semaphore, #tpu.memory_space<semaphore_mem>>) src(%dma_wait3A_3522 : memref<40x6400xf32, #tpu.memory_space<vmem>>) dst(%dma_wait3A_3519 : memref<40x6400xf32, #tpu.memory_space<any>>)
    %dma_wait3A_3523 = arith.constant 8 : i32
    %dma_wait3A_3524 = arith.constant 8 : i32
    %dma_wait3A_3525 = tpu.memref_slice %arg4[%dma_wait3A_3524] : memref<16x!tpu.dma_semaphore, #tpu.memory_space<semaphore_mem>> -> memref<1x!tpu.dma_semaphore, #tpu.memory_space<semaphore_mem>>
    %dma_wait3A_3526 = tpu.memref_squeeze %dma_wait3A_3525 : memref<1x!tpu.dma_semaphore, #tpu.memory_space<semaphore_mem>> -> memref<!tpu.dma_semaphore, #tpu.memory_space<semaphore_mem>>
    %dma_wait3A_3527 = arith.constant 120 : i32
    %dma_wait3A_3528 = arith.constant 0 : i32
    %dma_wait3A_3529 = tpu.memref_slice %arg1[%dma_wait3A_3523, %dma_wait3A_3527, %dma_wait3A_3528] : memref<16x200x6400xf32, #tpu.memory_space<any>> -> memref<1x40x6400xf32, #tpu.memory_space<any>>
    %dma_wait3A_3530 = tpu.memref_squeeze %dma_wait3A_3529 : memref<1x40x6400xf32, #tpu.memory_space<any>> -> memref<40x6400xf32, #tpu.memory_space<any>>
    %dma_wait3A_3531 = arith.constant 120 : i32
    %dma_wait3A_3532 = arith.constant 0 : i32
    %dma_wait3A_3533 = tpu.memref_slice %arg2[%dma_wait3A_3531, %dma_wait3A_3532] : memref<200x6400xf32, #tpu.memory_space<vmem>> -> memref<40x6400xf32, #tpu.memory_space<vmem>>
    tpu.wait_dma2 semaphore(%dma_wait3A_3526 : memref<!tpu.dma_semaphore, #tpu.memory_space<semaphore_mem>>) src(%dma_wait3A_3533 : memref<40x6400xf32, #tpu.memory_space<vmem>>) dst(%dma_wait3A_3530 : memref<40x6400xf32, #tpu.memory_space<any>>)
    %dma_wait3A_3534 = arith.constant 9 : i32
    %dma_wait3A_3535 = arith.constant 9 : i32
    %dma_wait3A_3536 = tpu.memref_slice %arg4[%dma_wait3A_3535] : memref<16x!tpu.dma_semaphore, #tpu.memory_space<semaphore_mem>> -> memref<1x!tpu.dma_semaphore, #tpu.memory_space<semaphore_mem>>
    %dma_wait3A_3537 = tpu.memref_squeeze %dma_wait3A_3536 : memref<1x!tpu.dma_semaphore, #tpu.memory_space<semaphore_mem>> -> memref<!tpu.dma_semaphore, #tpu.memory_space<semaphore_mem>>
    %dma_wait3A_3538 = arith.constant 120 : i32
    %dma_wait3A_3539 = arith.constant 0 : i32
    %dma_wait3A_3540 = tpu.memref_slice %arg1[%dma_wait3A_3534, %dma_wait3A_3538, %dma_wait3A_3539] : memref<16x200x6400xf32, #tpu.memory_space<any>> -> memref<1x40x6400xf32, #tpu.memory_space<any>>
    %dma_wait3A_3541 = tpu.memref_squeeze %dma_wait3A_3540 : memref<1x40x6400xf32, #tpu.memory_space<any>> -> memref<40x6400xf32, #tpu.memory_space<any>>
    %dma_wait3A_3542 = arith.constant 120 : i32
    %dma_wait3A_3543 = arith.constant 0 : i32
    %dma_wait3A_3544 = tpu.memref_slice %arg2[%dma_wait3A_3542, %dma_wait3A_3543] : memref<200x6400xf32, #tpu.memory_space<vmem>> -> memref<40x6400xf32, #tpu.memory_space<vmem>>
    tpu.wait_dma2 semaphore(%dma_wait3A_3537 : memref<!tpu.dma_semaphore, #tpu.memory_space<semaphore_mem>>) src(%dma_wait3A_3544 : memref<40x6400xf32, #tpu.memory_space<vmem>>) dst(%dma_wait3A_3541 : memref<40x6400xf32, #tpu.memory_space<any>>)
    %dma_wait3A_3545 = arith.constant 10 : i32
    %dma_wait3A_3546 = arith.constant 10 : i32
    %dma_wait3A_3547 = tpu.memref_slice %arg4[%dma_wait3A_3546] : memref<16x!tpu.dma_semaphore, #tpu.memory_space<semaphore_mem>> -> memref<1x!tpu.dma_semaphore, #tpu.memory_space<semaphore_mem>>
    %dma_wait3A_3548 = tpu.memref_squeeze %dma_wait3A_3547 : memref<1x!tpu.dma_semaphore, #tpu.memory_space<semaphore_mem>> -> memref<!tpu.dma_semaphore, #tpu.memory_space<semaphore_mem>>
    %dma_wait3A_3549 = arith.constant 120 : i32
    %dma_wait3A_3550 = arith.constant 0 : i32
    %dma_wait3A_3551 = tpu.memref_slice %arg1[%dma_wait3A_3545, %dma_wait3A_3549, %dma_wait3A_3550] : memref<16x200x6400xf32, #tpu.memory_space<any>> -> memref<1x40x6400xf32, #tpu.memory_space<any>>
    %dma_wait3A_3552 = tpu.memref_squeeze %dma_wait3A_3551 : memref<1x40x6400xf32, #tpu.memory_space<any>> -> memref<40x6400xf32, #tpu.memory_space<any>>
    %dma_wait3A_3553 = arith.constant 120 : i32
    %dma_wait3A_3554 = arith.constant 0 : i32
    %dma_wait3A_3555 = tpu.memref_slice %arg2[%dma_wait3A_3553, %dma_wait3A_3554] : memref<200x6400xf32, #tpu.memory_space<vmem>> -> memref<40x6400xf32, #tpu.memory_space<vmem>>
    tpu.wait_dma2 semaphore(%dma_wait3A_3548 : memref<!tpu.dma_semaphore, #tpu.memory_space<semaphore_mem>>) src(%dma_wait3A_3555 : memref<40x6400xf32, #tpu.memory_space<vmem>>) dst(%dma_wait3A_3552 : memref<40x6400xf32, #tpu.memory_space<any>>)
    %dma_wait3A_3556 = arith.constant 11 : i32
    %dma_wait3A_3557 = arith.constant 11 : i32
    %dma_wait3A_3558 = tpu.memref_slice %arg4[%dma_wait3A_3557] : memref<16x!tpu.dma_semaphore, #tpu.memory_space<semaphore_mem>> -> memref<1x!tpu.dma_semaphore, #tpu.memory_space<semaphore_mem>>
    %dma_wait3A_3559 = tpu.memref_squeeze %dma_wait3A_3558 : memref<1x!tpu.dma_semaphore, #tpu.memory_space<semaphore_mem>> -> memref<!tpu.dma_semaphore, #tpu.memory_space<semaphore_mem>>
    %dma_wait3A_3560 = arith.constant 120 : i32
    %dma_wait3A_3561 = arith.constant 0 : i32
    %dma_wait3A_3562 = tpu.memref_slice %arg1[%dma_wait3A_3556, %dma_wait3A_3560, %dma_wait3A_3561] : memref<16x200x6400xf32, #tpu.memory_space<any>> -> memref<1x40x6400xf32, #tpu.memory_space<any>>
    %dma_wait3A_3563 = tpu.memref_squeeze %dma_wait3A_3562 : memref<1x40x6400xf32, #tpu.memory_space<any>> -> memref<40x6400xf32, #tpu.memory_space<any>>
    %dma_wait3A_3564 = arith.constant 120 : i32
    %dma_wait3A_3565 = arith.constant 0 : i32
    %dma_wait3A_3566 = tpu.memref_slice %arg2[%dma_wait3A_3564, %dma_wait3A_3565] : memref<200x6400xf32, #tpu.memory_space<vmem>> -> memref<40x6400xf32, #tpu.memory_space<vmem>>
    tpu.wait_dma2 semaphore(%dma_wait3A_3559 : memref<!tpu.dma_semaphore, #tpu.memory_space<semaphore_mem>>) src(%dma_wait3A_3566 : memref<40x6400xf32, #tpu.memory_space<vmem>>) dst(%dma_wait3A_3563 : memref<40x6400xf32, #tpu.memory_space<any>>)
    %dma_wait3A_3567 = arith.constant 12 : i32
    %dma_wait3A_3568 = arith.constant 12 : i32
    %dma_wait3A_3569 = tpu.memref_slice %arg4[%dma_wait3A_3568] : memref<16x!tpu.dma_semaphore, #tpu.memory_space<semaphore_mem>> -> memref<1x!tpu.dma_semaphore, #tpu.memory_space<semaphore_mem>>
    %dma_wait3A_3570 = tpu.memref_squeeze %dma_wait3A_3569 : memref<1x!tpu.dma_semaphore, #tpu.memory_space<semaphore_mem>> -> memref<!tpu.dma_semaphore, #tpu.memory_space<semaphore_mem>>
    %dma_wait3A_3571 = arith.constant 120 : i32
    %dma_wait3A_3572 = arith.constant 0 : i32
    %dma_wait3A_3573 = tpu.memref_slice %arg1[%dma_wait3A_3567, %dma_wait3A_3571, %dma_wait3A_3572] : memref<16x200x6400xf32, #tpu.memory_space<any>> -> memref<1x40x6400xf32, #tpu.memory_space<any>>
    %dma_wait3A_3574 = tpu.memref_squeeze %dma_wait3A_3573 : memref<1x40x6400xf32, #tpu.memory_space<any>> -> memref<40x6400xf32, #tpu.memory_space<any>>
    %dma_wait3A_3575 = arith.constant 120 : i32
    %dma_wait3A_3576 = arith.constant 0 : i32
    %dma_wait3A_3577 = tpu.memref_slice %arg2[%dma_wait3A_3575, %dma_wait3A_3576] : memref<200x6400xf32, #tpu.memory_space<vmem>> -> memref<40x6400xf32, #tpu.memory_space<vmem>>
    tpu.wait_dma2 semaphore(%dma_wait3A_3570 : memref<!tpu.dma_semaphore, #tpu.memory_space<semaphore_mem>>) src(%dma_wait3A_3577 : memref<40x6400xf32, #tpu.memory_space<vmem>>) dst(%dma_wait3A_3574 : memref<40x6400xf32, #tpu.memory_space<any>>)
    %dma_wait3A_3578 = arith.constant 13 : i32
    %dma_wait3A_3579 = arith.constant 13 : i32
    %dma_wait3A_3580 = tpu.memref_slice %arg4[%dma_wait3A_3579] : memref<16x!tpu.dma_semaphore, #tpu.memory_space<semaphore_mem>> -> memref<1x!tpu.dma_semaphore, #tpu.memory_space<semaphore_mem>>
    %dma_wait3A_3581 = tpu.memref_squeeze %dma_wait3A_3580 : memref<1x!tpu.dma_semaphore, #tpu.memory_space<semaphore_mem>> -> memref<!tpu.dma_semaphore, #tpu.memory_space<semaphore_mem>>
    %dma_wait3A_3582 = arith.constant 120 : i32
    %dma_wait3A_3583 = arith.constant 0 : i32
    %dma_wait3A_3584 = tpu.memref_slice %arg1[%dma_wait3A_3578, %dma_wait3A_3582, %dma_wait3A_3583] : memref<16x200x6400xf32, #tpu.memory_space<any>> -> memref<1x40x6400xf32, #tpu.memory_space<any>>
    %dma_wait3A_3585 = tpu.memref_squeeze %dma_wait3A_3584 : memref<1x40x6400xf32, #tpu.memory_space<any>> -> memref<40x6400xf32, #tpu.memory_space<any>>
    %dma_wait3A_3586 = arith.constant 120 : i32
    %dma_wait3A_3587 = arith.constant 0 : i32
    %dma_wait3A_3588 = tpu.memref_slice %arg2[%dma_wait3A_3586, %dma_wait3A_3587] : memref<200x6400xf32, #tpu.memory_space<vmem>> -> memref<40x6400xf32, #tpu.memory_space<vmem>>
    tpu.wait_dma2 semaphore(%dma_wait3A_3581 : memref<!tpu.dma_semaphore, #tpu.memory_space<semaphore_mem>>) src(%dma_wait3A_3588 : memref<40x6400xf32, #tpu.memory_space<vmem>>) dst(%dma_wait3A_3585 : memref<40x6400xf32, #tpu.memory_space<any>>)
    %dma_wait3A_3589 = arith.constant 14 : i32
    %dma_wait3A_3590 = arith.constant 14 : i32
    %dma_wait3A_3591 = tpu.memref_slice %arg4[%dma_wait3A_3590] : memref<16x!tpu.dma_semaphore, #tpu.memory_space<semaphore_mem>> -> memref<1x!tpu.dma_semaphore, #tpu.memory_space<semaphore_mem>>
    %dma_wait3A_3592 = tpu.memref_squeeze %dma_wait3A_3591 : memref<1x!tpu.dma_semaphore, #tpu.memory_space<semaphore_mem>> -> memref<!tpu.dma_semaphore, #tpu.memory_space<semaphore_mem>>
    %dma_wait3A_3593 = arith.constant 120 : i32
    %dma_wait3A_3594 = arith.constant 0 : i32
    %dma_wait3A_3595 = tpu.memref_slice %arg1[%dma_wait3A_3589, %dma_wait3A_3593, %dma_wait3A_3594] : memref<16x200x6400xf32, #tpu.memory_space<any>> -> memref<1x40x6400xf32, #tpu.memory_space<any>>
    %dma_wait3A_3596 = tpu.memref_squeeze %dma_wait3A_3595 : memref<1x40x6400xf32, #tpu.memory_space<any>> -> memref<40x6400xf32, #tpu.memory_space<any>>
    %dma_wait3A_3597 = arith.constant 120 : i32
    %dma_wait3A_3598 = arith.constant 0 : i32
    %dma_wait3A_3599 = tpu.memref_slice %arg2[%dma_wait3A_3597, %dma_wait3A_3598] : memref<200x6400xf32, #tpu.memory_space<vmem>> -> memref<40x6400xf32, #tpu.memory_space<vmem>>
    tpu.wait_dma2 semaphore(%dma_wait3A_3592 : memref<!tpu.dma_semaphore, #tpu.memory_space<semaphore_mem>>) src(%dma_wait3A_3599 : memref<40x6400xf32, #tpu.memory_space<vmem>>) dst(%dma_wait3A_3596 : memref<40x6400xf32, #tpu.memory_space<any>>)
    %dma_wait3A_3600 = arith.constant 15 : i32
    %dma_wait3A_3601 = arith.constant 15 : i32
    %dma_wait3A_3602 = tpu.memref_slice %arg4[%dma_wait3A_3601] : memref<16x!tpu.dma_semaphore, #tpu.memory_space<semaphore_mem>> -> memref<1x!tpu.dma_semaphore, #tpu.memory_space<semaphore_mem>>
    %dma_wait3A_3603 = tpu.memref_squeeze %dma_wait3A_3602 : memref<1x!tpu.dma_semaphore, #tpu.memory_space<semaphore_mem>> -> memref<!tpu.dma_semaphore, #tpu.memory_space<semaphore_mem>>
    %dma_wait3A_3604 = arith.constant 120 : i32
    %dma_wait3A_3605 = arith.constant 0 : i32
    %dma_wait3A_3606 = tpu.memref_slice %arg1[%dma_wait3A_3600, %dma_wait3A_3604, %dma_wait3A_3605] : memref<16x200x6400xf32, #tpu.memory_space<any>> -> memref<1x40x6400xf32, #tpu.memory_space<any>>
    %dma_wait3A_3607 = tpu.memref_squeeze %dma_wait3A_3606 : memref<1x40x6400xf32, #tpu.memory_space<any>> -> memref<40x6400xf32, #tpu.memory_space<any>>
    %dma_wait3A_3608 = arith.constant 120 : i32
    %dma_wait3A_3609 = arith.constant 0 : i32
    %dma_wait3A_3610 = tpu.memref_slice %arg2[%dma_wait3A_3608, %dma_wait3A_3609] : memref<200x6400xf32, #tpu.memory_space<vmem>> -> memref<40x6400xf32, #tpu.memory_space<vmem>>
    tpu.wait_dma2 semaphore(%dma_wait3A_3603 : memref<!tpu.dma_semaphore, #tpu.memory_space<semaphore_mem>>) src(%dma_wait3A_3610 : memref<40x6400xf32, #tpu.memory_space<vmem>>) dst(%dma_wait3A_3607 : memref<40x6400xf32, #tpu.memory_space<any>>)
    %dma_wait3A_3611 = arith.constant 0 : i32
    %dma_wait3A_3612 = arith.constant 0 : i32
    %dma_wait3A_3613 = tpu.memref_slice %arg4[%dma_wait3A_3612] : memref<16x!tpu.dma_semaphore, #tpu.memory_space<semaphore_mem>> -> memref<1x!tpu.dma_semaphore, #tpu.memory_space<semaphore_mem>>
    %dma_wait3A_3614 = tpu.memref_squeeze %dma_wait3A_3613 : memref<1x!tpu.dma_semaphore, #tpu.memory_space<semaphore_mem>> -> memref<!tpu.dma_semaphore, #tpu.memory_space<semaphore_mem>>
    %dma_wait3A_3615 = arith.constant 160 : i32
    %dma_wait3A_3616 = arith.constant 0 : i32
    %dma_wait3A_3617 = tpu.memref_slice %arg1[%dma_wait3A_3611, %dma_wait3A_3615, %dma_wait3A_3616] : memref<16x200x6400xf32, #tpu.memory_space<any>> -> memref<1x40x6400xf32, #tpu.memory_space<any>>
    %dma_wait3A_3618 = tpu.memref_squeeze %dma_wait3A_3617 : memref<1x40x6400xf32, #tpu.memory_space<any>> -> memref<40x6400xf32, #tpu.memory_space<any>>
    %dma_wait3A_3619 = arith.constant 160 : i32
    %dma_wait3A_3620 = arith.constant 0 : i32
    %dma_wait3A_3621 = tpu.memref_slice %arg2[%dma_wait3A_3619, %dma_wait3A_3620] : memref<200x6400xf32, #tpu.memory_space<vmem>> -> memref<40x6400xf32, #tpu.memory_space<vmem>>
    tpu.wait_dma2 semaphore(%dma_wait3A_3614 : memref<!tpu.dma_semaphore, #tpu.memory_space<semaphore_mem>>) src(%dma_wait3A_3621 : memref<40x6400xf32, #tpu.memory_space<vmem>>) dst(%dma_wait3A_3618 : memref<40x6400xf32, #tpu.memory_space<any>>)
    %dma_wait3A_3622 = arith.constant 1 : i32
    %dma_wait3A_3623 = arith.constant 1 : i32
    %dma_wait3A_3624 = tpu.memref_slice %arg4[%dma_wait3A_3623] : memref<16x!tpu.dma_semaphore, #tpu.memory_space<semaphore_mem>> -> memref<1x!tpu.dma_semaphore, #tpu.memory_space<semaphore_mem>>
    %dma_wait3A_3625 = tpu.memref_squeeze %dma_wait3A_3624 : memref<1x!tpu.dma_semaphore, #tpu.memory_space<semaphore_mem>> -> memref<!tpu.dma_semaphore, #tpu.memory_space<semaphore_mem>>
    %dma_wait3A_3626 = arith.constant 160 : i32
    %dma_wait3A_3627 = arith.constant 0 : i32
    %dma_wait3A_3628 = tpu.memref_slice %arg1[%dma_wait3A_3622, %dma_wait3A_3626, %dma_wait3A_3627] : memref<16x200x6400xf32, #tpu.memory_space<any>> -> memref<1x40x6400xf32, #tpu.memory_space<any>>
    %dma_wait3A_3629 = tpu.memref_squeeze %dma_wait3A_3628 : memref<1x40x6400xf32, #tpu.memory_space<any>> -> memref<40x6400xf32, #tpu.memory_space<any>>
    %dma_wait3A_3630 = arith.constant 160 : i32
    %dma_wait3A_3631 = arith.constant 0 : i32
    %dma_wait3A_3632 = tpu.memref_slice %arg2[%dma_wait3A_3630, %dma_wait3A_3631] : memref<200x6400xf32, #tpu.memory_space<vmem>> -> memref<40x6400xf32, #tpu.memory_space<vmem>>
    tpu.wait_dma2 semaphore(%dma_wait3A_3625 : memref<!tpu.dma_semaphore, #tpu.memory_space<semaphore_mem>>) src(%dma_wait3A_3632 : memref<40x6400xf32, #tpu.memory_space<vmem>>) dst(%dma_wait3A_3629 : memref<40x6400xf32, #tpu.memory_space<any>>)
    %dma_wait3A_3633 = arith.constant 2 : i32
    %dma_wait3A_3634 = arith.constant 2 : i32
    %dma_wait3A_3635 = tpu.memref_slice %arg4[%dma_wait3A_3634] : memref<16x!tpu.dma_semaphore, #tpu.memory_space<semaphore_mem>> -> memref<1x!tpu.dma_semaphore, #tpu.memory_space<semaphore_mem>>
    %dma_wait3A_3636 = tpu.memref_squeeze %dma_wait3A_3635 : memref<1x!tpu.dma_semaphore, #tpu.memory_space<semaphore_mem>> -> memref<!tpu.dma_semaphore, #tpu.memory_space<semaphore_mem>>
    %dma_wait3A_3637 = arith.constant 160 : i32
    %dma_wait3A_3638 = arith.constant 0 : i32
    %dma_wait3A_3639 = tpu.memref_slice %arg1[%dma_wait3A_3633, %dma_wait3A_3637, %dma_wait3A_3638] : memref<16x200x6400xf32, #tpu.memory_space<any>> -> memref<1x40x6400xf32, #tpu.memory_space<any>>
    %dma_wait3A_3640 = tpu.memref_squeeze %dma_wait3A_3639 : memref<1x40x6400xf32, #tpu.memory_space<any>> -> memref<40x6400xf32, #tpu.memory_space<any>>
    %dma_wait3A_3641 = arith.constant 160 : i32
    %dma_wait3A_3642 = arith.constant 0 : i32
    %dma_wait3A_3643 = tpu.memref_slice %arg2[%dma_wait3A_3641, %dma_wait3A_3642] : memref<200x6400xf32, #tpu.memory_space<vmem>> -> memref<40x6400xf32, #tpu.memory_space<vmem>>
    tpu.wait_dma2 semaphore(%dma_wait3A_3636 : memref<!tpu.dma_semaphore, #tpu.memory_space<semaphore_mem>>) src(%dma_wait3A_3643 : memref<40x6400xf32, #tpu.memory_space<vmem>>) dst(%dma_wait3A_3640 : memref<40x6400xf32, #tpu.memory_space<any>>)
    %dma_wait3A_3644 = arith.constant 3 : i32
    %dma_wait3A_3645 = arith.constant 3 : i32
    %dma_wait3A_3646 = tpu.memref_slice %arg4[%dma_wait3A_3645] : memref<16x!tpu.dma_semaphore, #tpu.memory_space<semaphore_mem>> -> memref<1x!tpu.dma_semaphore, #tpu.memory_space<semaphore_mem>>
    %dma_wait3A_3647 = tpu.memref_squeeze %dma_wait3A_3646 : memref<1x!tpu.dma_semaphore, #tpu.memory_space<semaphore_mem>> -> memref<!tpu.dma_semaphore, #tpu.memory_space<semaphore_mem>>
    %dma_wait3A_3648 = arith.constant 160 : i32
    %dma_wait3A_3649 = arith.constant 0 : i32
    %dma_wait3A_3650 = tpu.memref_slice %arg1[%dma_wait3A_3644, %dma_wait3A_3648, %dma_wait3A_3649] : memref<16x200x6400xf32, #tpu.memory_space<any>> -> memref<1x40x6400xf32, #tpu.memory_space<any>>
    %dma_wait3A_3651 = tpu.memref_squeeze %dma_wait3A_3650 : memref<1x40x6400xf32, #tpu.memory_space<any>> -> memref<40x6400xf32, #tpu.memory_space<any>>
    %dma_wait3A_3652 = arith.constant 160 : i32
    %dma_wait3A_3653 = arith.constant 0 : i32
    %dma_wait3A_3654 = tpu.memref_slice %arg2[%dma_wait3A_3652, %dma_wait3A_3653] : memref<200x6400xf32, #tpu.memory_space<vmem>> -> memref<40x6400xf32, #tpu.memory_space<vmem>>
    tpu.wait_dma2 semaphore(%dma_wait3A_3647 : memref<!tpu.dma_semaphore, #tpu.memory_space<semaphore_mem>>) src(%dma_wait3A_3654 : memref<40x6400xf32, #tpu.memory_space<vmem>>) dst(%dma_wait3A_3651 : memref<40x6400xf32, #tpu.memory_space<any>>)
    %dma_wait3A_3655 = arith.constant 4 : i32
    %dma_wait3A_3656 = arith.constant 4 : i32
    %dma_wait3A_3657 = tpu.memref_slice %arg4[%dma_wait3A_3656] : memref<16x!tpu.dma_semaphore, #tpu.memory_space<semaphore_mem>> -> memref<1x!tpu.dma_semaphore, #tpu.memory_space<semaphore_mem>>
    %dma_wait3A_3658 = tpu.memref_squeeze %dma_wait3A_3657 : memref<1x!tpu.dma_semaphore, #tpu.memory_space<semaphore_mem>> -> memref<!tpu.dma_semaphore, #tpu.memory_space<semaphore_mem>>
    %dma_wait3A_3659 = arith.constant 160 : i32
    %dma_wait3A_3660 = arith.constant 0 : i32
    %dma_wait3A_3661 = tpu.memref_slice %arg1[%dma_wait3A_3655, %dma_wait3A_3659, %dma_wait3A_3660] : memref<16x200x6400xf32, #tpu.memory_space<any>> -> memref<1x40x6400xf32, #tpu.memory_space<any>>
    %dma_wait3A_3662 = tpu.memref_squeeze %dma_wait3A_3661 : memref<1x40x6400xf32, #tpu.memory_space<any>> -> memref<40x6400xf32, #tpu.memory_space<any>>
    %dma_wait3A_3663 = arith.constant 160 : i32
    %dma_wait3A_3664 = arith.constant 0 : i32
    %dma_wait3A_3665 = tpu.memref_slice %arg2[%dma_wait3A_3663, %dma_wait3A_3664] : memref<200x6400xf32, #tpu.memory_space<vmem>> -> memref<40x6400xf32, #tpu.memory_space<vmem>>
    tpu.wait_dma2 semaphore(%dma_wait3A_3658 : memref<!tpu.dma_semaphore, #tpu.memory_space<semaphore_mem>>) src(%dma_wait3A_3665 : memref<40x6400xf32, #tpu.memory_space<vmem>>) dst(%dma_wait3A_3662 : memref<40x6400xf32, #tpu.memory_space<any>>)
    %dma_wait3A_3666 = arith.constant 5 : i32
    %dma_wait3A_3667 = arith.constant 5 : i32
    %dma_wait3A_3668 = tpu.memref_slice %arg4[%dma_wait3A_3667] : memref<16x!tpu.dma_semaphore, #tpu.memory_space<semaphore_mem>> -> memref<1x!tpu.dma_semaphore, #tpu.memory_space<semaphore_mem>>
    %dma_wait3A_3669 = tpu.memref_squeeze %dma_wait3A_3668 : memref<1x!tpu.dma_semaphore, #tpu.memory_space<semaphore_mem>> -> memref<!tpu.dma_semaphore, #tpu.memory_space<semaphore_mem>>
    %dma_wait3A_3670 = arith.constant 160 : i32
    %dma_wait3A_3671 = arith.constant 0 : i32
    %dma_wait3A_3672 = tpu.memref_slice %arg1[%dma_wait3A_3666, %dma_wait3A_3670, %dma_wait3A_3671] : memref<16x200x6400xf32, #tpu.memory_space<any>> -> memref<1x40x6400xf32, #tpu.memory_space<any>>
    %dma_wait3A_3673 = tpu.memref_squeeze %dma_wait3A_3672 : memref<1x40x6400xf32, #tpu.memory_space<any>> -> memref<40x6400xf32, #tpu.memory_space<any>>
    %dma_wait3A_3674 = arith.constant 160 : i32
    %dma_wait3A_3675 = arith.constant 0 : i32
    %dma_wait3A_3676 = tpu.memref_slice %arg2[%dma_wait3A_3674, %dma_wait3A_3675] : memref<200x6400xf32, #tpu.memory_space<vmem>> -> memref<40x6400xf32, #tpu.memory_space<vmem>>
    tpu.wait_dma2 semaphore(%dma_wait3A_3669 : memref<!tpu.dma_semaphore, #tpu.memory_space<semaphore_mem>>) src(%dma_wait3A_3676 : memref<40x6400xf32, #tpu.memory_space<vmem>>) dst(%dma_wait3A_3673 : memref<40x6400xf32, #tpu.memory_space<any>>)
    %dma_wait3A_3677 = arith.constant 6 : i32
    %dma_wait3A_3678 = arith.constant 6 : i32
    %dma_wait3A_3679 = tpu.memref_slice %arg4[%dma_wait3A_3678] : memref<16x!tpu.dma_semaphore, #tpu.memory_space<semaphore_mem>> -> memref<1x!tpu.dma_semaphore, #tpu.memory_space<semaphore_mem>>
    %dma_wait3A_3680 = tpu.memref_squeeze %dma_wait3A_3679 : memref<1x!tpu.dma_semaphore, #tpu.memory_space<semaphore_mem>> -> memref<!tpu.dma_semaphore, #tpu.memory_space<semaphore_mem>>
    %dma_wait3A_3681 = arith.constant 160 : i32
    %dma_wait3A_3682 = arith.constant 0 : i32
    %dma_wait3A_3683 = tpu.memref_slice %arg1[%dma_wait3A_3677, %dma_wait3A_3681, %dma_wait3A_3682] : memref<16x200x6400xf32, #tpu.memory_space<any>> -> memref<1x40x6400xf32, #tpu.memory_space<any>>
    %dma_wait3A_3684 = tpu.memref_squeeze %dma_wait3A_3683 : memref<1x40x6400xf32, #tpu.memory_space<any>> -> memref<40x6400xf32, #tpu.memory_space<any>>
    %dma_wait3A_3685 = arith.constant 160 : i32
    %dma_wait3A_3686 = arith.constant 0 : i32
    %dma_wait3A_3687 = tpu.memref_slice %arg2[%dma_wait3A_3685, %dma_wait3A_3686] : memref<200x6400xf32, #tpu.memory_space<vmem>> -> memref<40x6400xf32, #tpu.memory_space<vmem>>
    tpu.wait_dma2 semaphore(%dma_wait3A_3680 : memref<!tpu.dma_semaphore, #tpu.memory_space<semaphore_mem>>) src(%dma_wait3A_3687 : memref<40x6400xf32, #tpu.memory_space<vmem>>) dst(%dma_wait3A_3684 : memref<40x6400xf32, #tpu.memory_space<any>>)
    %dma_wait3A_3688 = arith.constant 7 : i32
    %dma_wait3A_3689 = arith.constant 7 : i32
    %dma_wait3A_3690 = tpu.memref_slice %arg4[%dma_wait3A_3689] : memref<16x!tpu.dma_semaphore, #tpu.memory_space<semaphore_mem>> -> memref<1x!tpu.dma_semaphore, #tpu.memory_space<semaphore_mem>>
    %dma_wait3A_3691 = tpu.memref_squeeze %dma_wait3A_3690 : memref<1x!tpu.dma_semaphore, #tpu.memory_space<semaphore_mem>> -> memref<!tpu.dma_semaphore, #tpu.memory_space<semaphore_mem>>
    %dma_wait3A_3692 = arith.constant 160 : i32
    %dma_wait3A_3693 = arith.constant 0 : i32
    %dma_wait3A_3694 = tpu.memref_slice %arg1[%dma_wait3A_3688, %dma_wait3A_3692, %dma_wait3A_3693] : memref<16x200x6400xf32, #tpu.memory_space<any>> -> memref<1x40x6400xf32, #tpu.memory_space<any>>
    %dma_wait3A_3695 = tpu.memref_squeeze %dma_wait3A_3694 : memref<1x40x6400xf32, #tpu.memory_space<any>> -> memref<40x6400xf32, #tpu.memory_space<any>>
    %dma_wait3A_3696 = arith.constant 160 : i32
    %dma_wait3A_3697 = arith.constant 0 : i32
    %dma_wait3A_3698 = tpu.memref_slice %arg2[%dma_wait3A_3696, %dma_wait3A_3697] : memref<200x6400xf32, #tpu.memory_space<vmem>> -> memref<40x6400xf32, #tpu.memory_space<vmem>>
    tpu.wait_dma2 semaphore(%dma_wait3A_3691 : memref<!tpu.dma_semaphore, #tpu.memory_space<semaphore_mem>>) src(%dma_wait3A_3698 : memref<40x6400xf32, #tpu.memory_space<vmem>>) dst(%dma_wait3A_3695 : memref<40x6400xf32, #tpu.memory_space<any>>)
    %dma_wait3A_3699 = arith.constant 8 : i32
    %dma_wait3A_3700 = arith.constant 8 : i32
    %dma_wait3A_3701 = tpu.memref_slice %arg4[%dma_wait3A_3700] : memref<16x!tpu.dma_semaphore, #tpu.memory_space<semaphore_mem>> -> memref<1x!tpu.dma_semaphore, #tpu.memory_space<semaphore_mem>>
    %dma_wait3A_3702 = tpu.memref_squeeze %dma_wait3A_3701 : memref<1x!tpu.dma_semaphore, #tpu.memory_space<semaphore_mem>> -> memref<!tpu.dma_semaphore, #tpu.memory_space<semaphore_mem>>
    %dma_wait3A_3703 = arith.constant 160 : i32
    %dma_wait3A_3704 = arith.constant 0 : i32
    %dma_wait3A_3705 = tpu.memref_slice %arg1[%dma_wait3A_3699, %dma_wait3A_3703, %dma_wait3A_3704] : memref<16x200x6400xf32, #tpu.memory_space<any>> -> memref<1x40x6400xf32, #tpu.memory_space<any>>
    %dma_wait3A_3706 = tpu.memref_squeeze %dma_wait3A_3705 : memref<1x40x6400xf32, #tpu.memory_space<any>> -> memref<40x6400xf32, #tpu.memory_space<any>>
    %dma_wait3A_3707 = arith.constant 160 : i32
    %dma_wait3A_3708 = arith.constant 0 : i32
    %dma_wait3A_3709 = tpu.memref_slice %arg2[%dma_wait3A_3707, %dma_wait3A_3708] : memref<200x6400xf32, #tpu.memory_space<vmem>> -> memref<40x6400xf32, #tpu.memory_space<vmem>>
    tpu.wait_dma2 semaphore(%dma_wait3A_3702 : memref<!tpu.dma_semaphore, #tpu.memory_space<semaphore_mem>>) src(%dma_wait3A_3709 : memref<40x6400xf32, #tpu.memory_space<vmem>>) dst(%dma_wait3A_3706 : memref<40x6400xf32, #tpu.memory_space<any>>)
    %dma_wait3A_3710 = arith.constant 9 : i32
    %dma_wait3A_3711 = arith.constant 9 : i32
    %dma_wait3A_3712 = tpu.memref_slice %arg4[%dma_wait3A_3711] : memref<16x!tpu.dma_semaphore, #tpu.memory_space<semaphore_mem>> -> memref<1x!tpu.dma_semaphore, #tpu.memory_space<semaphore_mem>>
    %dma_wait3A_3713 = tpu.memref_squeeze %dma_wait3A_3712 : memref<1x!tpu.dma_semaphore, #tpu.memory_space<semaphore_mem>> -> memref<!tpu.dma_semaphore, #tpu.memory_space<semaphore_mem>>
    %dma_wait3A_3714 = arith.constant 160 : i32
    %dma_wait3A_3715 = arith.constant 0 : i32
    %dma_wait3A_3716 = tpu.memref_slice %arg1[%dma_wait3A_3710, %dma_wait3A_3714, %dma_wait3A_3715] : memref<16x200x6400xf32, #tpu.memory_space<any>> -> memref<1x40x6400xf32, #tpu.memory_space<any>>
    %dma_wait3A_3717 = tpu.memref_squeeze %dma_wait3A_3716 : memref<1x40x6400xf32, #tpu.memory_space<any>> -> memref<40x6400xf32, #tpu.memory_space<any>>
    %dma_wait3A_3718 = arith.constant 160 : i32
    %dma_wait3A_3719 = arith.constant 0 : i32
    %dma_wait3A_3720 = tpu.memref_slice %arg2[%dma_wait3A_3718, %dma_wait3A_3719] : memref<200x6400xf32, #tpu.memory_space<vmem>> -> memref<40x6400xf32, #tpu.memory_space<vmem>>
    tpu.wait_dma2 semaphore(%dma_wait3A_3713 : memref<!tpu.dma_semaphore, #tpu.memory_space<semaphore_mem>>) src(%dma_wait3A_3720 : memref<40x6400xf32, #tpu.memory_space<vmem>>) dst(%dma_wait3A_3717 : memref<40x6400xf32, #tpu.memory_space<any>>)
    %dma_wait3A_3721 = arith.constant 10 : i32
    %dma_wait3A_3722 = arith.constant 10 : i32
    %dma_wait3A_3723 = tpu.memref_slice %arg4[%dma_wait3A_3722] : memref<16x!tpu.dma_semaphore, #tpu.memory_space<semaphore_mem>> -> memref<1x!tpu.dma_semaphore, #tpu.memory_space<semaphore_mem>>
    %dma_wait3A_3724 = tpu.memref_squeeze %dma_wait3A_3723 : memref<1x!tpu.dma_semaphore, #tpu.memory_space<semaphore_mem>> -> memref<!tpu.dma_semaphore, #tpu.memory_space<semaphore_mem>>
    %dma_wait3A_3725 = arith.constant 160 : i32
    %dma_wait3A_3726 = arith.constant 0 : i32
    %dma_wait3A_3727 = tpu.memref_slice %arg1[%dma_wait3A_3721, %dma_wait3A_3725, %dma_wait3A_3726] : memref<16x200x6400xf32, #tpu.memory_space<any>> -> memref<1x40x6400xf32, #tpu.memory_space<any>>
    %dma_wait3A_3728 = tpu.memref_squeeze %dma_wait3A_3727 : memref<1x40x6400xf32, #tpu.memory_space<any>> -> memref<40x6400xf32, #tpu.memory_space<any>>
    %dma_wait3A_3729 = arith.constant 160 : i32
    %dma_wait3A_3730 = arith.constant 0 : i32
    %dma_wait3A_3731 = tpu.memref_slice %arg2[%dma_wait3A_3729, %dma_wait3A_3730] : memref<200x6400xf32, #tpu.memory_space<vmem>> -> memref<40x6400xf32, #tpu.memory_space<vmem>>
    tpu.wait_dma2 semaphore(%dma_wait3A_3724 : memref<!tpu.dma_semaphore, #tpu.memory_space<semaphore_mem>>) src(%dma_wait3A_3731 : memref<40x6400xf32, #tpu.memory_space<vmem>>) dst(%dma_wait3A_3728 : memref<40x6400xf32, #tpu.memory_space<any>>)
    %dma_wait3A_3732 = arith.constant 11 : i32
    %dma_wait3A_3733 = arith.constant 11 : i32
    %dma_wait3A_3734 = tpu.memref_slice %arg4[%dma_wait3A_3733] : memref<16x!tpu.dma_semaphore, #tpu.memory_space<semaphore_mem>> -> memref<1x!tpu.dma_semaphore, #tpu.memory_space<semaphore_mem>>
    %dma_wait3A_3735 = tpu.memref_squeeze %dma_wait3A_3734 : memref<1x!tpu.dma_semaphore, #tpu.memory_space<semaphore_mem>> -> memref<!tpu.dma_semaphore, #tpu.memory_space<semaphore_mem>>
    %dma_wait3A_3736 = arith.constant 160 : i32
    %dma_wait3A_3737 = arith.constant 0 : i32
    %dma_wait3A_3738 = tpu.memref_slice %arg1[%dma_wait3A_3732, %dma_wait3A_3736, %dma_wait3A_3737] : memref<16x200x6400xf32, #tpu.memory_space<any>> -> memref<1x40x6400xf32, #tpu.memory_space<any>>
    %dma_wait3A_3739 = tpu.memref_squeeze %dma_wait3A_3738 : memref<1x40x6400xf32, #tpu.memory_space<any>> -> memref<40x6400xf32, #tpu.memory_space<any>>
    %dma_wait3A_3740 = arith.constant 160 : i32
    %dma_wait3A_3741 = arith.constant 0 : i32
    %dma_wait3A_3742 = tpu.memref_slice %arg2[%dma_wait3A_3740, %dma_wait3A_3741] : memref<200x6400xf32, #tpu.memory_space<vmem>> -> memref<40x6400xf32, #tpu.memory_space<vmem>>
    tpu.wait_dma2 semaphore(%dma_wait3A_3735 : memref<!tpu.dma_semaphore, #tpu.memory_space<semaphore_mem>>) src(%dma_wait3A_3742 : memref<40x6400xf32, #tpu.memory_space<vmem>>) dst(%dma_wait3A_3739 : memref<40x6400xf32, #tpu.memory_space<any>>)
    %dma_wait3A_3743 = arith.constant 12 : i32
    %dma_wait3A_3744 = arith.constant 12 : i32
    %dma_wait3A_3745 = tpu.memref_slice %arg4[%dma_wait3A_3744] : memref<16x!tpu.dma_semaphore, #tpu.memory_space<semaphore_mem>> -> memref<1x!tpu.dma_semaphore, #tpu.memory_space<semaphore_mem>>
    %dma_wait3A_3746 = tpu.memref_squeeze %dma_wait3A_3745 : memref<1x!tpu.dma_semaphore, #tpu.memory_space<semaphore_mem>> -> memref<!tpu.dma_semaphore, #tpu.memory_space<semaphore_mem>>
    %dma_wait3A_3747 = arith.constant 160 : i32
    %dma_wait3A_3748 = arith.constant 0 : i32
    %dma_wait3A_3749 = tpu.memref_slice %arg1[%dma_wait3A_3743, %dma_wait3A_3747, %dma_wait3A_3748] : memref<16x200x6400xf32, #tpu.memory_space<any>> -> memref<1x40x6400xf32, #tpu.memory_space<any>>
    %dma_wait3A_3750 = tpu.memref_squeeze %dma_wait3A_3749 : memref<1x40x6400xf32, #tpu.memory_space<any>> -> memref<40x6400xf32, #tpu.memory_space<any>>
    %dma_wait3A_3751 = arith.constant 160 : i32
    %dma_wait3A_3752 = arith.constant 0 : i32
    %dma_wait3A_3753 = tpu.memref_slice %arg2[%dma_wait3A_3751, %dma_wait3A_3752] : memref<200x6400xf32, #tpu.memory_space<vmem>> -> memref<40x6400xf32, #tpu.memory_space<vmem>>
    tpu.wait_dma2 semaphore(%dma_wait3A_3746 : memref<!tpu.dma_semaphore, #tpu.memory_space<semaphore_mem>>) src(%dma_wait3A_3753 : memref<40x6400xf32, #tpu.memory_space<vmem>>) dst(%dma_wait3A_3750 : memref<40x6400xf32, #tpu.memory_space<any>>)
    %dma_wait3A_3754 = arith.constant 13 : i32
    %dma_wait3A_3755 = arith.constant 13 : i32
    %dma_wait3A_3756 = tpu.memref_slice %arg4[%dma_wait3A_3755] : memref<16x!tpu.dma_semaphore, #tpu.memory_space<semaphore_mem>> -> memref<1x!tpu.dma_semaphore, #tpu.memory_space<semaphore_mem>>
    %dma_wait3A_3757 = tpu.memref_squeeze %dma_wait3A_3756 : memref<1x!tpu.dma_semaphore, #tpu.memory_space<semaphore_mem>> -> memref<!tpu.dma_semaphore, #tpu.memory_space<semaphore_mem>>
    %dma_wait3A_3758 = arith.constant 160 : i32
    %dma_wait3A_3759 = arith.constant 0 : i32
    %dma_wait3A_3760 = tpu.memref_slice %arg1[%dma_wait3A_3754, %dma_wait3A_3758, %dma_wait3A_3759] : memref<16x200x6400xf32, #tpu.memory_space<any>> -> memref<1x40x6400xf32, #tpu.memory_space<any>>
    %dma_wait3A_3761 = tpu.memref_squeeze %dma_wait3A_3760 : memref<1x40x6400xf32, #tpu.memory_space<any>> -> memref<40x6400xf32, #tpu.memory_space<any>>
    %dma_wait3A_3762 = arith.constant 160 : i32
    %dma_wait3A_3763 = arith.constant 0 : i32
    %dma_wait3A_3764 = tpu.memref_slice %arg2[%dma_wait3A_3762, %dma_wait3A_3763] : memref<200x6400xf32, #tpu.memory_space<vmem>> -> memref<40x6400xf32, #tpu.memory_space<vmem>>
    tpu.wait_dma2 semaphore(%dma_wait3A_3757 : memref<!tpu.dma_semaphore, #tpu.memory_space<semaphore_mem>>) src(%dma_wait3A_3764 : memref<40x6400xf32, #tpu.memory_space<vmem>>) dst(%dma_wait3A_3761 : memref<40x6400xf32, #tpu.memory_space<any>>)
    %dma_wait3A_3765 = arith.constant 14 : i32
    %dma_wait3A_3766 = arith.constant 14 : i32
    %dma_wait3A_3767 = tpu.memref_slice %arg4[%dma_wait3A_3766] : memref<16x!tpu.dma_semaphore, #tpu.memory_space<semaphore_mem>> -> memref<1x!tpu.dma_semaphore, #tpu.memory_space<semaphore_mem>>
    %dma_wait3A_3768 = tpu.memref_squeeze %dma_wait3A_3767 : memref<1x!tpu.dma_semaphore, #tpu.memory_space<semaphore_mem>> -> memref<!tpu.dma_semaphore, #tpu.memory_space<semaphore_mem>>
    %dma_wait3A_3769 = arith.constant 160 : i32
    %dma_wait3A_3770 = arith.constant 0 : i32
    %dma_wait3A_3771 = tpu.memref_slice %arg1[%dma_wait3A_3765, %dma_wait3A_3769, %dma_wait3A_3770] : memref<16x200x6400xf32, #tpu.memory_space<any>> -> memref<1x40x6400xf32, #tpu.memory_space<any>>
    %dma_wait3A_3772 = tpu.memref_squeeze %dma_wait3A_3771 : memref<1x40x6400xf32, #tpu.memory_space<any>> -> memref<40x6400xf32, #tpu.memory_space<any>>
    %dma_wait3A_3773 = arith.constant 160 : i32
    %dma_wait3A_3774 = arith.constant 0 : i32
    %dma_wait3A_3775 = tpu.memref_slice %arg2[%dma_wait3A_3773, %dma_wait3A_3774] : memref<200x6400xf32, #tpu.memory_space<vmem>> -> memref<40x6400xf32, #tpu.memory_space<vmem>>
    tpu.wait_dma2 semaphore(%dma_wait3A_3768 : memref<!tpu.dma_semaphore, #tpu.memory_space<semaphore_mem>>) src(%dma_wait3A_3775 : memref<40x6400xf32, #tpu.memory_space<vmem>>) dst(%dma_wait3A_3772 : memref<40x6400xf32, #tpu.memory_space<any>>)
    %dma_wait3A_3776 = arith.constant 15 : i32
    %dma_wait3A_3777 = arith.constant 15 : i32
    %dma_wait3A_3778 = tpu.memref_slice %arg4[%dma_wait3A_3777] : memref<16x!tpu.dma_semaphore, #tpu.memory_space<semaphore_mem>> -> memref<1x!tpu.dma_semaphore, #tpu.memory_space<semaphore_mem>>
    %dma_wait3A_3779 = tpu.memref_squeeze %dma_wait3A_3778 : memref<1x!tpu.dma_semaphore, #tpu.memory_space<semaphore_mem>> -> memref<!tpu.dma_semaphore, #tpu.memory_space<semaphore_mem>>
    %dma_wait3A_3780 = arith.constant 160 : i32
    %dma_wait3A_3781 = arith.constant 0 : i32
    %dma_wait3A_3782 = tpu.memref_slice %arg1[%dma_wait3A_3776, %dma_wait3A_3780, %dma_wait3A_3781] : memref<16x200x6400xf32, #tpu.memory_space<any>> -> memref<1x40x6400xf32, #tpu.memory_space<any>>
    %dma_wait3A_3783 = tpu.memref_squeeze %dma_wait3A_3782 : memref<1x40x6400xf32, #tpu.memory_space<any>> -> memref<40x6400xf32, #tpu.memory_space<any>>
    %dma_wait3A_3784 = arith.constant 160 : i32
    %dma_wait3A_3785 = arith.constant 0 : i32
    %dma_wait3A_3786 = tpu.memref_slice %arg2[%dma_wait3A_3784, %dma_wait3A_3785] : memref<200x6400xf32, #tpu.memory_space<vmem>> -> memref<40x6400xf32, #tpu.memory_space<vmem>>
    tpu.wait_dma2 semaphore(%dma_wait3A_3779 : memref<!tpu.dma_semaphore, #tpu.memory_space<semaphore_mem>>) src(%dma_wait3A_3786 : memref<40x6400xf32, #tpu.memory_space<vmem>>) dst(%dma_wait3A_3783 : memref<40x6400xf32, #tpu.memory_space<any>>)
    return
  }
}

</mosaic_0001>

<sc_bundles>
// kernel: sparse-core-data-format-call.cloned.1.call-start
scs
called_computation_lowered:
.L_overlay_start_0:
0x0: {  	s2 =	sld [smem:$0x3FD9]  }
0x1: {  	s3 =	sld [smem:$0x3FFE];
	_ =	sdelay $0x1  }
0x2: {  	s1 =	srdreg.scid  }
0x3: {  	s0 =	sand.u32 $0x1, s1  }
0x4: {  	s18 =	sshll.u32 s0, $0xA;
	s2 =	sadd.s32 s3, s2  }
0x5: {  	s2 =	sadd.s32 s2, s18  }
0x6: {  	[smem:$0x3FC7] =	sst s2  }
0x7: {  	_ = 	snop  }
0x8: {  	s2 =	sld [smem:$0x3FD0];
	(tm) =	ssettm $0x1  }
0x9: {  	s19 =	sld [smem:$0x3FFB];
	_ =	sdelay $0x3  }
0xa: {  	_ =	strace s19  }
0xb: {  	s3 =	sld [smem:$0x3FFC];
	_ =	sdelay $0x3  }
0xc: {  	_ =	strace s3  }
0xd: {  	s3 =	sld [smem:$0x3FFD];
	_ =	sdelay $0x3  }
0xe: {  	_ =	strace s3  }
0xf: {  	_ =	strace $0x8FFFFFFF  }
0x10: {  	s20 =	sld [smem:$0x3FDB];
	_ =	sdelay $0x1  }
0x11: {  	s4 =	simm.s32 $_scs_section_size  }
0x12: {  	s5 =	simm.s32 $_size__tile_overlayer_lowered;
	s6 =	simm.s32 $_tile_overlayer_lowered  }
0x13: {  	s23 =	simm.s32 $0x1BFF;
	s22 =	sshll.u32 s6, $0x1;
	s3 =	sadd.s32 s4, s20  }
0x14: {  	s7 =	simm.s32 $0x0;
	s21 =	sshll.u32 s5, $0x1;
	s5 =	sadd.s32 s22, s3  }
0x15: {  	[timem:s7], [sflag:s23] =	dma.local [hbm:s5], s21  }
0x16: {  	_ =	swait.ge [sflag:s23], s21  }
0x17: {  	s4 =	ssub.s32 $0x0, s21;
	[sflag:s23] =	ssyncset.done $0x0  }
0x18: {  	[sflag:s23] =	ssyncadd.s32 s4;
	_ =	sdelay $0x1  }
0x19: {  	s24 =	simm.s32 $0x1B8B  }
0x1a: {  	_ =	swait.ge [sflag:s24], $0x1  }
0x1b: {  	[sflag:s24] =	ssyncset.done $0x0  }
0x1c: {  	s26 =	simm.s32 $0x1B8E;
	s25 =	sld [smem:$0x3FFE];
	[sflag:s24] =	ssyncadd.s32 $0xFFFFFFFF  }
0x1d: {  	s27 =	simm.s32 $execute0_lowered;
	[smem:$0x3FD2] =	sst s26  }
0x1e: {  	s5 =	sshll.u32 s27, $0x1;
	_ =	strace $0x80000046;
	[dreg:$0x1] =	wrdreg $0xFFFFFFFF  }
0x1f: {  	s28 =	simm.s32 $_size_execute0_lowered;
	s3 =	sadd.s32 s3, s5;
	[dreg:$0x0] =	wrdreg $0x0  }
0x20: {  	s5 =	sshll.u32 s28, $0x1;
	[dreg:$0x2] =	wrdreg s3  }
0x21: {  	[dreg:$0x3] =	wrdreg s5  }
0x22: {  	[dreg:$0x4] =	wrdreg $0xC0  }
0x23: {  	_ =	task [dreg:s7], $0x5FFFF  }
0x24: {  	[dreg:$0x1] =	wrdreg $0xFFFFFFFF  }
0x25: {  	[dreg:$0x0] =	wrdreg $0x60  }
0x26: {  	[dreg:$0x2] =	wrdreg s25  }
0x27: {  	[dreg:$0x3] =	wrdreg s2  }
0x28: {  	[dreg:$0x4] =	wrdreg $0x9  }
0x29: {  	_ =	task.clear_ibuf [dreg:s7], $0x5FFFF;
	_ =	strace $0x90000046  }
0x2a: {  	s29 =	simm.s32 $0x9;
	_ =	strace $0x80000048  }
0x2b: {  	_ =	swait.ge [sflag:s29], $0x1  }
0x2c: {  	[sflag:s29] =	ssyncadd.s32 $0xFFFFFFFF  }
0x2d: {  	_ =	strace $0x90000048  }
0x2e: {  	_ =	sfence  }
0x2f: {  	s30 =	sld [smem:$0x0];
	_ =	sdelay $0x2  }
0x30: {  	s31 =	sshll.u32 s1, $0xD;
	s1 =	sshrl.u32 s1, $0x2  }
0x31: {  	s3 =	sand.u32 $0x4000, s31;
	s1 =	sadd.s32 s1, s30  }
0x32: {  	s0 =	sor.u32 s3, s0;
	s1 =	sshll.u32 s1, $0x11  }
0x33: {  	s0 =	sor.u32 s1, s0  }
0x34: {  	s0 =	sadd.s32 $0x8F2B, s0  }
0x35: {  	[sflag:s0] =	ssyncadd.remote.s32 $0x1  }
0x36: {  	_ =	sfence.sel $0xFFFF  }
0x37: {  	[dreg:$0x0] =	wrdreg $0xFFFFFFFF;
	(pc) =	sbr.abs _section_cstart, $3  }
0x38: {  	[dreg:$0x1] =	wrdreg $0xFFFFFFFF  }
0x39: {  	_ =	task.clear_ibuf [dreg:s7], $0x2FFFF;
	_ =	strace $0x9FFFFFFF  }
0x3a: {  	(tm) =	ssettm $0x7FFFFFFF  }
0x3b: {  	_ =	shalt  }
tec
execute0_lowered:
.L_overlay_start_1:
0x0: {  	(tag) =	ssettag $0x1  }
0x1: {  	s0 =	rddreg [dreg:$0x0]  }
0x2: {  	s1 =	srdreg.scid;
	_ =	strace $0x80000047;
	s8 =	stileid.u32  }
0x3: {  	s2 =	simm.s32 $0x1;
	s31 =	simm.s32 $0x2;
	s23 =	simm.s32 $0x0  }
0x4: {  	p0 =	por $0x0, $0x0;
	s22 =	simm.s32 $0x0;
	s21 =	simm.s32 $0x0  }
0x5: {  	s24 =	simm.s32 $0x0;
	s12 =	simm.s32 $0x0;
	s13 =	simm.s32 $0x0  }
0x6: {  	s14 =	simm.s32 $0x0;
	s15 =	simm.s32 $0x0;
	s9 =	sand.u32 $0x1, s1  }
0x7: {  	s16 =	simm.s32 $0x0;
	s18 =	simm.s32 $0x0;
	s29 =	ssub.s32 $0x40, s9  }
.Ltmp0:
0x8: {  	s0 =	sadd.s32 $0x400, s0;
	s30 =	sshrl.u32 s29, $0x1;
	(pc) =	sbr.rel .LBB1_1-.Ltmp0, $4  }
0x9: {  	s19 =	stileid.u32;
	[dreg:$0x4] =	wrdreg s0;
	s0 =	ssub.s32 s29, s30  }
0xa: {  	s20 =	simm.s32 $0x0;
	[dreg:$0x3] =	wrdreg s9;
	s10 =	sshll.u32 s0, $0x1  }
0xb: {  	[sflag:s2] =	ssyncpa.u1 $0x0;
	s11 =	sshllo.u32 s0, $0x1;
	[dreg:$0x5] =	wrdreg s10  }
0xc: {  	[sflag:s31] =	ssyncpa.u1 $0x0;
	s17 =	smov.u32 s9;
	[dreg:$0x6] =	wrdreg s11  }
.LBB1_17:
0xd: {  	s14 =	rddreg [dreg:$0x9]  }
0xe: {  	s13 =	rddreg [dreg:$0x8]  }
0xf: {  	s3 =	rddreg [dreg:$0x16]  }
0x10: {  	s12 =	rddreg [dreg:$0x7]  }
0x11: {  	s4 =	rddreg [dreg:$0x14]  }
0x12: {  	s22 =	rddreg [dreg:$0x18]  }
0x13: {  	s23 =	rddreg [dreg:$0x17]  }
0x14: {  	s5 =	rddreg [dreg:$0x15]  }
0x15: {  	s15 =	rddreg [dreg:$0xa]  }
0x16: {  	s27 =	rddreg [dreg:$0x1]  }
0x17: {  	s9 =	rddreg [dreg:$0x3]  }
0x18: {  	s10 =	rddreg [dreg:$0x5]  }
0x19: {  	s11 =	rddreg [dreg:$0x6]  }
0x1a: {  	s16 =	rddreg [dreg:$0xb]  }
0x1b: {  	s17 =	rddreg [dreg:$0xc]  }
0x1c: {  	s18 =	rddreg [dreg:$0xd]  }
0x1d: {  	s19 =	rddreg [dreg:$0xe]  }
0x1e: {  	s31 =	simm.s32 $0x2000;
	s8 =	stileid.u32;
	s20 =	rddreg [dreg:$0xf]  }
0x1f: {  	p1 =	sgt.s32 s14, $0x0;
	s0 =	smov.u32 s14;
	s1 =	sshll.u32 s13, $0x7  }
0x20: {  	s21 =	sshll.u32 s14, $0x3;
	s24 =	smul.u32 $0x32000, s15;
	s25 =	sshrl.u32 s14, $0x3  }
0x21: {  	s28 =	sshll.u32 s12, $0xA;
	s29 =	sand.u32 $0x7, s14;
	s0 =	simm.s32 @!p1 $0x0  }
0x22: {  	s2 =	sand.u32 $0x1C00, s1;
	s1 =	sand.u32 $0x380, s1;
	s26 =	sand.u32 $0xF, s25  }
0x23: {  	s0 =	sadd.s32 s0, s3;
	s3 =	sand.u32 $0x1C00, s21;
	s21 =	rddreg [dreg:$0x10]  }
0x24: {  	p1 =	sgt.s32 s0, $0x7F;
	s0 =	ssub.s32 $0x80, s0;
	s2 =	sadd.s32 s3, s2  }
0x25: {  	s3 =	smov.u32 s12;
	s0 =	simm.s32 @p1 $0x0;
	p1 =	sgt.s32 s12, $0x48  }
0x26: {  	s1 =	sor.u32 s1, s2;
	s3 =	simm.s32 @!p1 $0x48;
	s0 =	smul.u32 s4, s0  }
0x27: {  	s4 =	smul.u32 $0x4080, s22;
	s1 =	sshrl.u32 s1, $0x3;
	s2 =	sadd.s32 s23, s3  }
0x28: {  	s22 =	rddreg [dreg:$0x11];
	s1 =	sand.u32 $0x3F0, s1;
	s3 =	sadd.s32 $0xFFFFFFB8, s2  }
0x29: {  	s0 =	smul.u32 s5, s0;
	s2 =	ssub.s32 $0xC8, s2;
	p1 =	sgt.s32 s3, $0x7F  }
0x2a: {  	s23 =	rddreg [dreg:$0x12];
	s3 =	sadd.s32 s27, s24;
	s2 =	simm.s32 @p1 $0x0  }
0x2b: {  	s4 =	sor.u32 $0x8000, s4;
	s0 =	smul.u32 s2, s0;
	s2 =	sadd.s32 s26, s3  }
0x2c: {  	s24 =	rddreg [dreg:$0x13];
	s3 =	sshll.u32 s29, $0x12;
	s2 =	sadd.s32 s28, s2  }
0x2d: {  	s30 =	sor.u32 $0x80, s3;
	s0 =	sand.u32 $0x3FFFFFFF, s0;
	s1 =	sadd.s32 s1, s2  }
0x2e: {  	[hbm4b:s1+s30] =	stream.strided.scatter [tilespmem:s4], [sflag:$0x2], s0, s31, s30, $0x20;
	[tilespmem:$0x10100] =	vst v63  }
.LBB1_18:
0x2f: {  	p1 =	slt.u32 s20, $0x2;
	s0 =	smov.u32 s24  }
0x30: {  	s5 =	smov.u32 s17;
	p0 =	por !p0, !p0;
	p2 =	sgt.s32 @!p1 s24, $0xF  }
0x31: {  	s1 =	sshra.s32 @!p1 s24, $0x1F;
	s2 =	sshra.s32 @!p1 s23, $0x1F;
	p4 =	sgt.s32 @!p1 s22, $0x3F  }
0x32: {  	s4 =	ssub.s32 @!p1 $0x0, s21;
	p2 =	por !p2, p1;
	s1 =	sand.u32 @!p1 s1, s24  }
0x33: {  	s2 =	sand.u32 @!p1 s2, s23;
	p4 =	por !p4, p1;
	s4 =	smin.u32 @!p1 s21, s4  }
0x34: {  	s21 =	smov.u32 s14;
	s0 =	simm.s32 @p2 $0xF;
	p2 =	sgt.s32 @!p1 s23, $0x48  }
0x35: {  	s0 =	ssub.s32 @!p1 s0, s1;
	p2 =	por !p2, p1;
	s1 =	smov.u32 s23  }
0x36: {  	s24 =	smov.u32 s15;
	s3 =	sadd.s32 @!p1 $0xFFFFFFF1, s0;
	s1 =	simm.s32 @p2 $0x48  }
0x37: {  	s0 =	ssub.s32 @!p1 $0x10, s0;
	p2 =	sgt.s32 @!p1 s3, $0x0;
	s1 =	ssub.s32 @!p1 s1, s2  }
0x38: {  	s3 =	smov.u32 s22;
	p3 =	por !p2, p1;
	s2 =	sadd.s32 @!p1 $0xFFFFFFB8, s1  }
0x39: {  	s3 =	simm.s32 @p4 $0x3F;
	p2 =	sgt.s32 @!p1 s2, $0x7F;
	s2 =	sshra.s32 @!p1 s22, $0x1F  }
0x3a: {  	s1 =	ssub.s32 @!p1 $0xC8, s1;
	s0 =	simm.s32 @!p3 $0x0;
	s2 =	sand.u32 @!p1 s2, s22  }
0x3b: {  	p3 =	sgt.s32 @!p1 s4, $0x7F;
	s4 =	ssub.s32 @!p1 $0x80, s4;
	s2 =	ssub.s32 @!p1 s3, s2  }
0x3c: {  	p3 =	por !p3, p1;
	p2 =	por !p2, p1;
	s3 =	sadd.s32 @!p1 $0xFFFFFFC1, s2  }
0x3d: {  	s4 =	simm.s32 @!p3 $0x0;
	s2 =	ssub.s32 @!p1 $0x40, s2;
	p3 =	sgt.s32 @!p1 s3, $0x0  }
0x3e: {  	s0 =	smul.u32 @!p1 s0, s4;
	s3 =	sadd.s32 $0x80, s16;
	p3 =	por !p3, p1  }
0x3f: {  	s4 =	sadd.s32 $0x2, s17;
	s2 =	simm.s32 @!p3 $0x0;
	p3 =	sgt.s32 s3, $0xC7  }
0x40: {  	s1 =	simm.s32 @!p2 $0x0;
	s0 =	smul.u32 @!p1 s2, s0;
	s5 =	smov.u32 @p3 s4  }
0x41: {  	s2 =	sadd.s32 $0x80, s18;
	s4 =	smov.u32 s18;
	p2 =	sgt.s32 s5, $0x3F  }
0x42: {  	s3 =	simm.s32 @p3 $0x0;
	s0 =	smul.u32 @!p1 s1, s0;
	s4 =	smov.u32 @p2 s2  }
0x43: {  	s1 =	sadd.s32 $0x10, s19;
	s2 =	smov.u32 s19;
	p3 =	sgt.s32 s4, $0x63  }
0x44: {  	s14 =	smov.u32 s18;
	s15 =	smov.u32 s19;
	s2 =	smov.u32 @p3 s1  }
0x45: {  	s23 =	smov.u32 s12;
	s5 =	smov.u32 @p2 s9;
	p2 =	sgt.s32 s2, $0xF  }
0x46: {  	s12 =	smov.u32 s16;
	s2 =	smov.u32 @p2 s8;
	p2 =	sne.s32 s20, s11  }
.Ltmp1:
0x47: {  	s22 =	smov.u32 s13;
	s13 =	smov.u32 s17;
	(pc) =	sbr.rel @!p2 .LBB1_19-.Ltmp1, $4  }
0x48: {  	s16 =	smov.u32 s3;
	s0 =	sand.u32 @!p1 $0x3FFFFFFF, s0;
	s1 =	simm.s32 @!p1 $0x2  }
0x49: {  	s17 =	smov.u32 s5;
	s4 =	simm.s32 @p3 $0x0;
	_ =	swait.ge @!p1 [sflag:s1], s0  }
0x4a: {  	s0 =	ssub.s32 @!p1 $0x0, s0;
	s18 =	smov.u32 s4;
	[sflag:s1] =	ssyncset.done @!p1 $0x0  }
0x4b: {  	s20 =	sadd.s32 $0x1, s20;
	[sflag:s1] =	ssyncadd.s32 @!p1 s0;
	s19 =	smov.u32 s2  }
.LBB1_1:
0x4c: {  	p1 =	sge.u32 s20, s10  }
.Ltmp2:
0x4d: {  	_ = 	snop;
	(pc) =	sbr.rel @p1 .LBB1_3-.Ltmp2, $1  }
0x4e: {  	_ =	sdelay $0x3  }
0x4f: {  	s0 =	sshll.u32 s17, $0x8;
	s1 =	sshll.u32 s16, $0x3;
	s26 =	sshll.u32 s17, $0x7  }
0x50: {  	p1 =	sgt.s32 s19, $0xF;
	s3 =	smov.u32 s19;
	s4 =	sshra.s32 s19, $0x1F  }
0x51: {  	s28 =	sshra.s32 s18, $0x1F;
	s6 =	sshra.s32 s17, $0x1F;
	s29 =	sand.u32 $0x78, s16  }
0x52: {  	s31 =	sshra.s32 s16, $0x1F;
	s25 =	smul.u32 $0x32000, s19;
	s0 =	sand.u32 $0x3800, s0  }
0x53: {  	s1 =	sand.u32 $0x3C00, s1;
	s2 =	sand.u32 $0x300, s26;
	s3 =	simm.s32 @!p1 $0xF  }
0x54: {  	s27 =	sand.u32 s4, s19;
	p1 =	sgt.s32 s18, $0xFFFFFFE4;
	s4 =	sand.u32 s28, s18  }
0x55: {  	s6 =	sand.u32 s6, s17;
	s28 =	sand.u32 $0x7, s16;
	s0 =	sadd.s32 s0, s1  }
0x56: {  	s1 =	sand.u32 $0x80, s26;
	s26 =	sshll.u32 s18, $0xB;
	s0 =	sor.u32 s2, s0  }
0x57: {  	s2 =	ssub.s32 s3, s27;
	s3 =	smov.u32 s18;
	s1 =	sor.u32 s29, s1  }
0x58: {  	s27 =	rddreg [dreg:$0x4];
	s29 =	sshll.u32 s28, $0x12;
	s5 =	sadd.s32 $0xFFFFFFF1, s2  }
0x59: {  	s3 =	simm.s32 @!p1 $0xFFFFFFE4;
	p1 =	sgt.s32 s17, $0x3F;
	s2 =	ssub.s32 $0x10, s2  }
0x5a: {  	s0 =	sshrl.u32 s0, $0x3;
	s3 =	ssub.s32 s3, s4;
	s4 =	smov.u32 s17  }
0x5b: {  	s1 =	sshrl.u32 s1, $0x3;
	s7 =	sadd.s32 $0x1C, s3;
	s4 =	simm.s32 @!p1 $0x3F  }
0x5c: {  	p1 =	sgt.s32 s5, $0x0;
	s3 =	ssub.s32 $0x64, s3;
	p2 =	sgt.s32 s7, $0x7F  }
0x5d: {  	s4 =	ssub.s32 s4, s6;
	s2 =	simm.s32 @p1 $0x0;
	s3 =	simm.s32 @p2 $0x0  }
0x5e: {  	p2 =	sgt.s32 s16, $0x80;
	s2 =	smul.u32 s2, s3;
	s3 =	smov.u32 s16  }
0x5f: {  	s5 =	sand.u32 s31, s16;
	s30 =	sadd.s32 $0xFFFFFFC1, s4;
	s3 =	simm.s32 @!p2 $0x80  }
0x60: {  	s4 =	ssub.s32 $0x40, s4;
	p1 =	sgt.s32 s30, $0x0;
	s3 =	ssub.s32 s3, s5  }
0x61: {  	s0 =	sand.u32 $0x7E0, s0;
	s4 =	simm.s32 @p1 $0x0;
	s7 =	sadd.s32 $0xFFFFFF80, s3  }
0x62: {  	s2 =	smul.u32 s4, s2;
	s3 =	ssub.s32 $0x100, s3;
	p1 =	sgt.s32 s7, $0x7F  }
0x63: {  	s31 =	simm.s32 $0x4000;
	s4 =	sadd.s32 s27, s25;
	s3 =	simm.s32 @p1 $0x0  }
0x64: {  	s6 =	sxor.u32 $0xFFFFFFFF, s20;
	s2 =	smul.u32 s3, s2;
	s3 =	sadd.s32 s26, s4  }
0x65: {  	s30 =	sor.u32 $0x80, s29;
	s5 =	sshll.u32 s6, $0xE;
	s1 =	sadd.s32 s1, s3  }
0x66: {  	s5 =	sand.u32 $0x4000, s5;
	s2 =	sand.u32 $0x3FFFFFFF, s2;
	s0 =	sadd.s32 s0, s1  }
0x67: {  	[tilespmem:s5], [sflag:$0x1] =	stream.strided.gather [hbm4b:s0+s30], s2, s31, s30, $0x38;
	[tilespmem:$0x10100] =	vst v63  }
.LBB1_3:
0x68: {  	s0 =	sadd.s32 $0xFFFFFFFF, s20  }
0x69: {  	p1 =	sge.u32 s0, s10  }
.Ltmp3:
0x6a: {  	_ = 	snop;
	(pc) =	sbr.rel @p1 .LBB1_18-.Ltmp3, $1  }
0x6b: {  	_ =	sdelay $0x3  }
0x6c: {  	[dreg:$0x13] =	wrdreg s24  }
0x6d: {  	[dreg:$0x12] =	wrdreg s23  }
0x6e: {  	[dreg:$0x11] =	wrdreg s22  }
0x6f: {  	[dreg:$0x10] =	wrdreg s21  }
0x70: {  	[dreg:$0xe] =	wrdreg s19  }
0x71: {  	[dreg:$0xd] =	wrdreg s18  }
0x72: {  	[dreg:$0xc] =	wrdreg s17  }
0x73: {  	[dreg:$0xb] =	wrdreg s16  }
0x74: {  	p1 =	sgt.s32 s15, $0xF;
	s0 =	smov.u32 s15;
	s1 =	sshra.s32 s15, $0x1F  }
0x75: {  	s18 =	ssub.s32 $0x0, s14;
	s2 =	sshra.s32 s14, $0x1F;
	p2 =	sgt.s32 s13, $0x3F  }
0x76: {  	s3 =	smov.u32 s13;
	s4 =	sshra.s32 s13, $0x1F;
	p3 =	sgt.s32 s14, $0xFFFFFFE4  }
0x77: {  	s5 =	smov.u32 s14;
	s24 =	ssub.s32 $0x0, s12;
	[dreg:$0x7] =	wrdreg s12  }
0x78: {  	s25 =	sshra.s32 s12, $0x1F;
	[dreg:$0xa] =	wrdreg s15;
	s0 =	simm.s32 @!p1 $0xF  }
0x79: {  	s1 =	sand.u32 s1, s15;
	s3 =	simm.s32 @!p2 $0x3F;
	s4 =	sand.u32 s4, s13  }
0x7a: {  	s2 =	sand.u32 s18, s2;
	s5 =	simm.s32 @!p3 $0xFFFFFFE4;
	p2 =	sgt.s32 s12, $0x80  }
0x7b: {  	s26 =	sand.u32 s24, s25;
	s0 =	ssub.s32 s0, s1;
	s19 =	ssub.s32 s3, s4  }
0x7c: {  	[dreg:$0x16] =	wrdreg s2;
	s21 =	sadd.s32 s2, s5;
	s5 =	smov.u32 s12  }
0x7d: {  	s2 =	sadd.s32 $0x1, s15;
	s1 =	sadd.s32 $0xFFFFFFF1, s0;
	s6 =	ssub.s32 $0x10, s0  }
0x7e: {  	s22 =	sadd.s32 $0xFFFFFFC1, s19;
	s23 =	sadd.s32 $0x1C, s21;
	s7 =	ssub.s32 $0x40, s19  }
0x7f: {  	s5 =	simm.s32 @!p2 $0x80;
	s0 =	ssub.s32 $0x64, s21;
	p1 =	sgt.s32 s1, $0x0  }
0x80: {  	s1 =	sadd.s32 s26, s5;
	s6 =	simm.s32 @p1 $0x0;
	p1 =	sgt.s32 s22, $0x0  }
0x81: {  	p2 =	sgt.s32 s23, $0x7F;
	s27 =	sadd.s32 $0xFFFFFF80, s1;
	s7 =	simm.s32 @p1 $0x0  }
0x82: {  	s1 =	ssub.s32 $0x100, s1;
	p1 =	sgt.s32 s27, $0x7F;
	s28 =	smul.u32 s6, s7  }
0x83: {  	s0 =	simm.s32 @p2 $0x0;
	s1 =	simm.s32 @p1 $0x0;
	p1 =	slt.s32 s2, $0x10  }
0x84: {  	s3 =	sadd.s32 $0x80, s14;
	s2 =	simm.s32 @!p1 $0x10;
	s0 =	smul.u32 s0, s28  }
0x85: {  	[dreg:$0x9] =	wrdreg s14;
	p1 =	slt.s32 s3, $0x64;
	s2 =	ssub.s32 s2, s15  }
0x86: {  	s3 =	simm.s32 @!p1 $0x64;
	s0 =	smul.u32 s1, s0;
	s1 =	sadd.s32 $0x1, s13  }
0x87: {  	s3 =	ssub.s32 s3, s14;
	p1 =	slt.s32 s2, $0x1;
	p2 =	slt.s32 s1, $0x40  }
0x88: {  	[dreg:$0x8] =	wrdreg s13;
	s1 =	simm.s32 @!p2 $0x40;
	p2 =	slt.s32 @!p1 s3, $0x1  }
0x89: {  	[dreg:$0x17] =	wrdreg s26;
	s30 =	ssub.s32 s1, s13;
	p2 =	por p1, p2  }
0x8a: {  	[dreg:$0x14] =	wrdreg s6;
	p3 =	slt.s32 @!p2 s30, $0x1  }
0x8b: {  	[dreg:$0x15] =	wrdreg s7;
	p2 =	por p2, p3  }
.Ltmp4:
0x8c: {  	[dreg:$0x19] =	wrdreg s2;
	(pc) =	sbr.rel @p2 .LBB1_17-.Ltmp4, $4  }
0x8d: {  	s29 =	simm.s32 $0x1;
	[dreg:$0x1a] =	wrdreg s3;
	s0 =	sand.u32 $0x3FFFFFFF, s0  }
0x8e: {  	s31 =	sand.u32 $0x1, s20;
	_ =	swait.ge [sflag:s29], s0  }
0x8f: {  	s0 =	ssub.s32 $0x0, s0;
	[dreg:$0xf] =	wrdreg s20;
	[sflag:s29] =	ssyncset.done $0x0  }
0x90: {  	[dreg:$0x18] =	wrdreg s31;
	[sflag:s29] =	ssyncadd.s32 s0  }
0x91: {  	s0 =	simm.s32 $0x1  }
0x92: {  	s0 =	simm.s32 @!p0 $0x0  }
0x93: {  	s0 =	smul.u32 $0x10200, s0;
	_ =	sdelay $0x1  }
0x94: {  	s2 =	sshrl.u32 s0, $0x2  }
0x95: {  	s3 =	rddreg [dreg:$0x7];
	s4 =	sadd.s32 $0xF8F0, s2  }
0x96: {  	s16 =	sadd.s32 $0xF0E0, s2;
	[dreg:$0x1b] =	wrdreg s4  }
0x97: {  	s17 =	sadd.s32 $0xE8D0, s2;
	[dreg:$0x1c] =	wrdreg s16  }
0x98: {  	s18 =	sadd.s32 $0xE0C0, s2;
	[dreg:$0x1d] =	wrdreg s17  }
0x99: {  	s19 =	sadd.s32 $0xD8B0, s2;
	[dreg:$0x1e] =	wrdreg s18  }
0x9a: {  	s20 =	sadd.s32 $0xD0A0, s2;
	[dreg:$0x1f] =	wrdreg s19  }
0x9b: {  	s21 =	sadd.s32 $0xC890, s2;
	[smem:$0x7F1] =	sst s20  }
0x9c: {  	s22 =	sadd.s32 $0xC080, s2;
	[smem:$0x7F2] =	sst s21  }
0x9d: {  	s24 =	sadd.s32 $0xB870, s2;
	[smem:$0x7F3] =	sst s22  }
0x9e: {  	s1 =	sadd.s32 $0x80, s3;
	s25 =	sadd.s32 $0xB060, s2;
	[smem:$0x7F4] =	sst s24  }
0x9f: {  	p2 =	slt.s32 s1, $0xC8;
	s26 =	sadd.s32 $0xA850, s2;
	[smem:$0x7F5] =	sst s25  }
0xa0: {  	s1 =	simm.s32 @!p2 $0xC8;
	s27 =	sadd.s32 $0xA040, s2;
	[smem:$0x7F6] =	sst s26  }
0xa1: {  	s1 =	ssub.s32 s1, s3;
	s28 =	sadd.s32 $0x9830, s2;
	[smem:$0x7F7] =	sst s27  }
0xa2: {  	s1 =	sadd.s32 $0xF, s1;
	s29 =	sadd.s32 $0x9020, s2;
	[smem:$0x7F8] =	sst s28  }
0xa3: {  	s31 =	sadd.s32 $0x8810, s2;
	s23 =	sshrl.u32 s1, $0x8;
	[smem:$0x7F9] =	sst s29  }
0xa4: {  	s2 =	sor.u32 $0x8000, s2;
	[smem:$0x7FA] =	sst s31;
	s3 =	smul.u32 $0x20400, s23  }
.Ltmp5:
0xa5: {  	[smem:$0x7FB] =	sst s2;
	(pc) =	sbr.rel .LBB1_6-.Ltmp5, $4  }
0xa6: {  	s19 =	sand.u32 $0xFFFFFFF0, s1;
	s2 =	rddreg [dreg:$0x18];
	s0 =	sadd.s32 s0, s3  }
0xa7: {  	s20 =	sand.u32 @!p1 $0xFFFFFF00, s1;
	s2 =	sshll.u32 @!p1 s2, $0xE;
	s0 =	sshra.s32 s0, $0x2  }
0xa8: {  	p1 =	slt.s32 s1, $0x100;
	[smem:$0x7FC] =	sst s2;
	s0 =	sadd.s32 $0x8000, s0  }
0xa9: {  	p2 =	sge.s32 s20, s19;
	s2 =	simm.s32 $0x0;
	[smem:$0x7FD] =	sst s0  }
.LBB1_16:
0xaa: {  	s2 =	sld [smem:$0x7EF]  }
0xab: {  	s0 =	rddreg [dreg:$0x1b]  }
0xac: {  	s12 =	rddreg [dreg:$0x1c]  }
0xad: {  	s13 =	rddreg [dreg:$0x1d]  }
0xae: {  	s14 =	rddreg [dreg:$0x1e]  }
0xaf: {  	s15 =	rddreg [dreg:$0x1f]  }
0xb0: {  	s16 =	sld [smem:$0x7F1]  }
0xb1: {  	s17 =	sld [smem:$0x7F2]  }
0xb2: {  	s18 =	sld [smem:$0x7F3]  }
0xb3: {  	s21 =	sld [smem:$0x7F4]  }
0xb4: {  	s22 =	sld [smem:$0x7F5]  }
0xb5: {  	s23 =	sld [smem:$0x7F6]  }
0xb6: {  	s24 =	sld [smem:$0x7F7]  }
0xb7: {  	s25 =	sld [smem:$0x7F8]  }
0xb8: {  	s26 =	sld [smem:$0x7F9]  }
0xb9: {  	s27 =	rddreg [dreg:$0x19]  }
0xba: {  	s28 =	sld [smem:$0x7FA]  }
0xbb: {  	s29 =	sld [smem:$0x7FB]  }
0xbc: {  	s31 =	sld [smem:$0x7FD];
	s0 =	sadd.s32 $0x4080, s0  }
0xbd: {  	[dreg:$0x1b] =	wrdreg s0;
	s0 =	sadd.s32 $0x4080, s12  }
0xbe: {  	[dreg:$0x1c] =	wrdreg s0;
	s0 =	sadd.s32 $0x4080, s13  }
0xbf: {  	[dreg:$0x1d] =	wrdreg s0;
	s0 =	sadd.s32 $0x4080, s14  }
0xc0: {  	[dreg:$0x1e] =	wrdreg s0;
	s0 =	sadd.s32 $0x4080, s15  }
0xc1: {  	[dreg:$0x1f] =	wrdreg s0;
	s0 =	sadd.s32 $0x4080, s16  }
0xc2: {  	[smem:$0x7F1] =	sst s0;
	s0 =	sadd.s32 $0x4080, s17  }
0xc3: {  	[smem:$0x7F2] =	sst s0;
	s0 =	sadd.s32 $0x4080, s18  }
0xc4: {  	[smem:$0x7F3] =	sst s0;
	s0 =	sadd.s32 $0x4080, s21  }
0xc5: {  	[smem:$0x7F4] =	sst s0;
	s0 =	sadd.s32 $0x4080, s22  }
0xc6: {  	[smem:$0x7F5] =	sst s0;
	s0 =	sadd.s32 $0x4080, s23  }
0xc7: {  	s2 =	sadd.s32 $0x1, s2;
	[smem:$0x7F6] =	sst s0;
	s0 =	sadd.s32 $0x4080, s24  }
0xc8: {  	p3 =	sne.s32 s2, s27;
	[smem:$0x7F7] =	sst s0;
	s0 =	sadd.s32 $0x4080, s25  }
.Ltmp6:
0xc9: {  	[smem:$0x7F8] =	sst s0;
	s0 =	sadd.s32 $0x4080, s26;
	(pc) =	sbr.rel @!p3 .LBB1_17-.Ltmp6, $4  }
0xca: {  	[smem:$0x7F9] =	sst s0;
	s0 =	sadd.s32 $0x4080, s28  }
0xcb: {  	[smem:$0x7FA] =	sst s0;
	s0 =	sadd.s32 $0x4080, s29  }
0xcc: {  	[smem:$0x7FB] =	sst s0;
	s0 =	sadd.s32 $0x4080, s31  }
0xcd: {  	[smem:$0x7FD] =	sst s0  }
.LBB1_6:
.Ltmp7:
0xce: {  	s1 =	sld [smem:$0x7FC];
	(pc) =	sbr.rel .LBB1_7-.Ltmp7, $4  }
0xcf: {  	s0 =	sshll.u32 s2, $0x10  }
0xd0: {  	s0 =	sshra.s32 s0, $0x2  }
0xd1: {  	[smem:$0x7EF] =	sst s2;
	s0 =	sadd.s32 s0, s1  }
0xd2: {  	s2 =	simm.s32 $0x0;
	s1 =	simm.s32 $0x0;
	[smem:$0x7F0] =	sst s0  }
.LBB1_15:
0xd3: {  	s2 =	sld [smem:$0x7EC];
	_ =	sdelay $0x2  }
0xd4: {  	s0 =	rddreg [dreg:$0x1a];
	s2 =	sadd.s32 $0x1, s2  }
0xd5: {  	p3 =	sne.s32 s2, s0  }
.Ltmp8:
0xd6: {  	_ = 	snop;
	(pc) =	sbr.rel @!p3 .LBB1_16-.Ltmp8, $2  }
0xd7: {  	s1 =	sld [smem:$0x7ED];
	_ =	sdelay $0x2  }
0xd8: {  	s1 =	sadd.s32 $0x1, s1  }
.LBB1_7:
0xd9: {  	[smem:$0x7EC] =	sst s2  }
0xda: {  	s3 =	sld [smem:$0x7F0]  }
.Ltmp9:
0xdb: {  	s31 =	sld [smem:$0x7FD];
	(pc) =	sbr.rel .LBB1_8-.Ltmp9, $4  }
0xdc: {  	s0 =	sshll.u32 s2, $0x9;
	[smem:$0x7ED] =	sst s1  }
0xdd: {  	s28 =	sand.u32 $0x7F, s1;
	s15 =	simm.s32 $0x0;
	s0 =	sshra.s32 s0, $0x2  }
0xde: {  	s29 =	sshll.u32 s28, $0x2;
	s16 =	sadd.s32 s0, s3;
	s0 =	sadd.s32 s28, s31  }
0xdf: {  	s12 =	simm.s32 $0x0;
	s18 =	sshrl.u32 s29, $0x2;
	[smem:$0x7EE] =	sst s0  }
.LBB1_14:
0xe0: {  	s12 =	sadd.s32 $0x1, s12  }
0xe1: {  	p3 =	sne.s32 s12, s30  }
.Ltmp10:
0xe2: {  	_ = 	snop;
	(pc) =	sbr.rel @!p3 .LBB1_15-.Ltmp10, $2  }
0xe3: {  	_ =	sdelay $0x2  }
0xe4: {  	s15 =	sadd.s32 $0x1, s15  }
.LBB1_8:
.Ltmp11:
0xe5: {  	(pc) =	sbr.rel @p1 .LBB1_11-.Ltmp11, $3  }
0xe6: {  	s0 =	sand.u32 $0x7, s15  }
0xe7: {  	s0 =	smul.u32 $0x204, s0;
	_ =	sdelay $0x1  }
0xe8: {  	s21 =	sshll.u32 s12, $0x7;
	s28 =	sshrl.u32 s0, $0x2  }
0xe9: {  	s0 =	rddreg [dreg:$0x1b]  }
0xea: {  	s11 =	rddreg [dreg:$0x1c]  }
0xeb: {  	s13 =	rddreg [dreg:$0x1d]  }
0xec: {  	s1 =	rddreg [dreg:$0x1e]  }
0xed: {  	s17 =	rddreg [dreg:$0x1f]  }
0xee: {  	s22 =	sld [smem:$0x7F1]  }
0xef: {  	s23 =	sld [smem:$0x7F2]  }
0xf0: {  	s3 =	sld [smem:$0x7F3]  }
0xf1: {  	s5 =	sld [smem:$0x7F4]  }
0xf2: {  	s10 =	sld [smem:$0x7F7]  }
0xf3: {  	s24 =	sld [smem:$0x7F5]  }
0xf4: {  	s6 =	sld [smem:$0x7F6];
	s27 =	sand.u32 $0x380, s21  }
0xf5: {  	s9 =	sadd.s32 s28, s11;
	s11 =	sadd.s32 s28, s10;
	s10 =	sadd.s32 s27, s16  }
0xf6: {  	s25 =	sld [smem:$0x7F8];
	v5 =	vld [tilespmem:s10+$0x70]  }
0xf7: {  	s26 =	sld [smem:$0x7F9];
	v6 =	vld [tilespmem:s10+$0x60]  }
0xf8: {  	s29 =	sld [smem:$0x7FB];
	s14 =	sadd.s32 s28, s0;
	v7 =	vld [tilespmem:s10+$0x50]  }
0xf9: {  	s0 =	sadd.s32 s28, s13;
	s8 =	sadd.s32 s28, s17;
	s17 =	sld [smem:$0x7FA];
	v0 =	vld [tilespmem:s10+$0x40]  }
0xfa: {  	s7 =	sadd.s32 s28, s5;
	s5 =	sadd.s32 s28, s24;
	s24 =	sadd.s32 s18, s14;
	v1 =	vld [tilespmem:s10+$0x30]  }
0xfb: {  	s4 =	sadd.s32 s28, s22;
	s22 =	sadd.s32 s28, s26;
	s26 =	sadd.s32 s18, s9;
	v2 =	vld [tilespmem:s10+$0x20];
	[tilespmem:s24+$0x0 ss:$0x81] =	vst.msk $0xffff, v5  }
0xfc: {  	s2 =	sadd.s32 s28, s1;
	s31 =	sadd.s32 s18, s0;
	v3 =	vld [tilespmem:s10+$0x10];
	[tilespmem:s26+$0x0 ss:$0x81] =	vst.msk $0xffff, v6  }
0xfd: {  	s1 =	sadd.s32 s28, s23;
	s23 =	sadd.s32 s28, s17;
	v4 =	vld [tilespmem:s10+$0x0];
	s17 =	sadd.s32 s18, s2;
	[tilespmem:s31+$0x0 ss:$0x81] =	vst.msk $0xffff, v7  }
0xfe: {  	s27 =	sadd.s32 s18, s8;
	[tilespmem:s17+$0x0 ss:$0x81] =	vst.msk $0xffff, v0  }
0xff: {  	s13 =	sadd.s32 s28, s25;
	s25 =	sadd.s32 s28, s29;
	s29 =	sadd.s32 s18, s4;
	[tilespmem:s27+$0x0 ss:$0x81] =	vst.msk $0xffff, v1  }
0x100: {  	p4 =	sgt.s32 s20, $0x100;
	s3 =	sadd.s32 s28, s3;
	s31 =	sadd.s32 s18, s1;
	[tilespmem:s29+$0x0 ss:$0x81] =	vst.msk $0xffff, v2  }
.Ltmp12:
0x101: {  	s17 =	sadd.s32 s18, s3;
	[tilespmem:s31+$0x0 ss:$0x81] =	vst.msk $0xffff, v3;
	(pc) =	sbr.rel @!p4 .LBB1_10-.Ltmp12, $4  }
0x102: {  	s27 =	sadd.s32 s18, s25;
	[tilespmem:s17+$0x0 ss:$0x81] =	vst.msk $0xffff, v4  }
0x103: {  	s29 =	sadd.s32 s18, s23;
	[tilespmem:s27+$0x0 ss:$0x81] =	vst.msk $0xffff, v4  }
0x104: {  	[tilespmem:s29+$0x0 ss:$0x81] =	vst.msk $0xffff, v3;
	s31 =	sadd.s32 s18, s22  }
0x105: {  	p3 =	por $0x0, $0x0;
	s6 =	sadd.s32 s28, s6;
	s24 =	sadd.s32 s18, s13;
	[tilespmem:s31+$0x0 ss:$0x81] =	vst.msk $0xffff, v2  }
0x106: {  	v2 =	vld [tilespmem:s10+$0x70];
	[tilespmem:s24+$0x0 ss:$0x81] =	vst.msk $0xffff, v1;
	s26 =	sadd.s32 s18, s11  }
0x107: {  	v4 =	vld [tilespmem:s10+$0x60];
	s17 =	sadd.s32 s18, s6;
	[tilespmem:s26+$0x0 ss:$0x81] =	vst.msk $0xffff, v0  }
0x108: {  	v3 =	vld [tilespmem:s10+$0x50];
	[tilespmem:s17+$0x0 ss:$0x81] =	vst.msk $0xffff, v7;
	s26 =	sadd.s32 s18, s5  }
0x109: {  	s14 =	sadd.s32 $0x8100, s14;
	v0 =	vld [tilespmem:s10+$0x40];
	s17 =	sadd.s32 s18, s7;
	[tilespmem:s26+$0x0 ss:$0x81] =	vst.msk $0xffff, v6  }
0x10a: {  	v1 =	vld [tilespmem:s10+$0x30];
	s31 =	sadd.s32 $0x8100, s9;
	s26 =	sadd.s32 s18, s14;
	[tilespmem:s17+$0x0 ss:$0x81] =	vst.msk $0xffff, v5  }
0x10b: {  	s0 =	sadd.s32 $0x8100, s0;
	s9 =	sadd.s32 s18, s31;
	v5 =	vld [tilespmem:s10+$0x20];
	[tilespmem:s26+$0x0 ss:$0x81] =	vst.msk $0xffff, v2  }
0x10c: {  	s2 =	sadd.s32 $0x8100, s2;
	v6 =	vld [tilespmem:s10+$0x10];
	s26 =	sadd.s32 s18, s0;
	[tilespmem:s9+$0x0 ss:$0x81] =	vst.msk $0xffff, v4  }
0x10d: {  	s8 =	sadd.s32 $0x8100, s8;
	s17 =	sadd.s32 s18, s2;
	[tilespmem:s26+$0x0 ss:$0x81] =	vst.msk $0xffff, v3  }
0x10e: {  	v7 =	vld [tilespmem:s10+$0x0];
	s9 =	sadd.s32 $0x8100, s4;
	s26 =	sadd.s32 s18, s8;
	[tilespmem:s17+$0x0 ss:$0x81] =	vst.msk $0xffff, v0  }
0x10f: {  	s1 =	sadd.s32 $0x8100, s1;
	s27 =	sadd.s32 $0x8100, s23;
	s4 =	sadd.s32 s18, s9;
	[tilespmem:s26+$0x0 ss:$0x81] =	vst.msk $0xffff, v1  }
0x110: {  	p4 =	sgt.s32 s20, $0x200;
	s11 =	sadd.s32 $0x8100, s11;
	s17 =	sadd.s32 s18, s1;
	[tilespmem:s4+$0x0 ss:$0x81] =	vst.msk $0xffff, v5  }
.Ltmp13:
0x111: {  	s23 =	sadd.s32 s18, s27;
	s4 =	sadd.s32 $0x8100, s3;
	[tilespmem:s17+$0x0 ss:$0x81] =	vst.msk $0xffff, v6;
	(pc) =	sbr.rel @!p4 .LBB1_21-.Ltmp13, $4  }
0x112: {  	p3 =	por $0x1, $0x1;
	s3 =	sadd.s32 $0x8100, s25;
	[tilespmem:s23+$0x0 ss:$0x81] =	vst.msk $0xffff, v6;
	s26 =	sadd.s32 s18, s4  }
0x113: {  	s29 =	smov.u32 s5;
	s17 =	sadd.s32 s18, s3;
	[tilespmem:s26+$0x0 ss:$0x81] =	vst.msk $0xffff, v7;
	s26 =	sadd.s32 $0x8100, s22  }
0x114: {  	s25 =	simm.s32 $0x200;
	s23 =	sadd.s32 $0x8100, s13;
	[tilespmem:s17+$0x0 ss:$0x81] =	vst.msk $0xffff, v7;
	s22 =	sadd.s32 s18, s26  }
0x115: {  	s13 =	smov.u32 s7;
	s24 =	sadd.s32 s18, s23;
	[tilespmem:s22+$0x0 ss:$0x81] =	vst.msk $0xffff, v5;
	s22 =	smov.u32 s6  }
.LBB1_22:
0x116: {  	v5 =	vld [tilespmem:s10+$0x70];
	[tilespmem:s24+$0x0 ss:$0x81] =	vst.msk $0xffff, v1;
	s24 =	sadd.s32 s18, s11;
	s22 =	sadd.s32 $0x8100, s22  }
0x117: {  	s29 =	sadd.s32 $0x8100, s29;
	v6 =	vld [tilespmem:s10+$0x60];
	[tilespmem:s24+$0x0 ss:$0x81] =	vst.msk $0xffff, v0;
	s24 =	sadd.s32 s18, s22  }
0x118: {  	s13 =	sadd.s32 $0x8100, s13;
	[tilespmem:s24+$0x0 ss:$0x81] =	vst.msk $0xffff, v3;
	v3 =	vld [tilespmem:s10+$0x50];
	s24 =	sadd.s32 s18, s29  }
0x119: {  	s14 =	sadd.s32 $0x8100, s14;
	v0 =	vld [tilespmem:s10+$0x40];
	[tilespmem:s24+$0x0 ss:$0x81] =	vst.msk $0xffff, v4;
	s24 =	sadd.s32 s18, s13  }
0x11a: {  	s31 =	sadd.s32 $0x8100, s31;
	s17 =	sadd.s32 s18, s14;
	v1 =	vld [tilespmem:s10+$0x30];
	[tilespmem:s24+$0x0 ss:$0x81] =	vst.msk $0xffff, v2  }
0x11b: {  	s0 =	sadd.s32 $0x8100, s0;
	s24 =	sadd.s32 s18, s31;
	v7 =	vld [tilespmem:s10+$0x20];
	[tilespmem:s17+$0x0 ss:$0x81] =	vst.msk $0xffff, v5;
	v2 =	vmov v5  }
0x11c: {  	s2 =	sadd.s32 $0x8100, s2;
	s17 =	sadd.s32 s18, s0;
	v5 =	vld [tilespmem:s10+$0x10];
	[tilespmem:s24+$0x0 ss:$0x81] =	vst.msk $0xffff, v6;
	v4 =	vmov v6  }
0x11d: {  	s25 =	sadd.s32 $0x100, s25;
	s8 =	sadd.s32 $0x8100, s8;
	s24 =	sadd.s32 s18, s2;
	v6 =	vld [tilespmem:s10+$0x0];
	[tilespmem:s17+$0x0 ss:$0x81] =	vst.msk $0xffff, v3  }
0x11e: {  	s9 =	sadd.s32 $0x8100, s9;
	p4 =	slt.s32 s25, s20;
	s17 =	sadd.s32 s18, s8;
	[tilespmem:s24+$0x0 ss:$0x81] =	vst.msk $0xffff, v0  }
0x11f: {  	s1 =	sadd.s32 $0x8100, s1;
	s24 =	sadd.s32 s18, s9;
	[tilespmem:s17+$0x0 ss:$0x81] =	vst.msk $0xffff, v1  }
0x120: {  	s4 =	sadd.s32 $0x8100, s4;
	s17 =	sadd.s32 s18, s1;
	[tilespmem:s24+$0x0 ss:$0x81] =	vst.msk $0xffff, v7  }
.Ltmp14:
0x121: {  	s3 =	sadd.s32 $0x8100, s3;
	s24 =	sadd.s32 s18, s4;
	[tilespmem:s17+$0x0 ss:$0x81] =	vst.msk $0xffff, v5;
	(pc) =	sbr.rel @p4 .LBB1_22-.Ltmp14, $4  }
0x122: {  	s27 =	sadd.s32 $0x8100, s27;
	s17 =	sadd.s32 s18, s3;
	[tilespmem:s24+$0x0 ss:$0x81] =	vst.msk $0xffff, v6  }
0x123: {  	s26 =	sadd.s32 $0x8100, s26;
	[tilespmem:s17+$0x0 ss:$0x81] =	vst.msk $0xffff, v6;
	s17 =	sadd.s32 s18, s27  }
0x124: {  	s23 =	sadd.s32 $0x8100, s23;
	[tilespmem:s17+$0x0 ss:$0x81] =	vst.msk $0xffff, v5;
	s17 =	sadd.s32 s18, s26  }
0x125: {  	s11 =	sadd.s32 $0x8100, s11;
	s24 =	sadd.s32 s18, s23;
	[tilespmem:s17+$0x0 ss:$0x81] =	vst.msk $0xffff, v7  }
0x126: {  	v7 =	vmov v3;
	v6 =	vmov v4;
	v5 =	vmov v2  }
.LBB1_24:
0x127: {  	s0 =	sadd.s32 @p3 $0x8100, s22  }
0x128: {  	[tilespmem:s24+$0x0 ss:$0x81] =	vst.msk $0xffff, v1;
	s1 =	sadd.s32 s18, s11;
	s6 =	smov.u32 @p3 s0;
	s0 =	sadd.s32 @p3 $0x8100, s29  }
0x129: {  	[tilespmem:s1+$0x0 ss:$0x81] =	vst.msk $0xffff, v0;
	s29 =	sadd.s32 s18, s6;
	s5 =	smov.u32 @p3 s0;
	s0 =	sadd.s32 @p3 $0x8100, s13  }
0x12a: {  	[tilespmem:s29+$0x0 ss:$0x81] =	vst.msk $0xffff, v7;
	s31 =	sadd.s32 s18, s5;
	s7 =	smov.u32 @p3 s0  }
0x12b: {  	[tilespmem:s31+$0x0 ss:$0x81] =	vst.msk $0xffff, v6;
	s0 =	sadd.s32 s18, s7  }
0x12c: {  	[tilespmem:s0+$0x0 ss:$0x81] =	vst.msk $0xffff, v5  }
.LBB1_11:
.Ltmp15:
0x12d: {  	(pc) =	sbr.rel @p2 .LBB1_14-.Ltmp15, $1  }
0x12e: {  	_ =	sdelay $0x3  }
0x12f: {  	s0 =	sand.u32 $0x380, s21  }
0x130: {  	s1 =	sadd.s32 s0, s16  }
0x131: {  	s31 =	sld [smem:$0x7EE];
	v0 =	vmov s1;
	_ =	sdelay $0x2  }
0x132: {  	s1 =	smov.u32 s20;
	s0 =	sadd.s32 s28, s31  }
.LBB1_13:
0x133: {  	s2 =	sand.u32 $0x70, s1;
	s1 =	sadd.s32 $0x10, s1  }
0x134: {  	v1 =	vld.idx.msk [tilespmem:v0+s2+$0x0 ss:$0x1], $0xffff;
	p3 =	slt.s32 s1, s19  }
.Ltmp16:
0x135: {  	_ = 	snop;
	(pc) =	sbr.rel @p3 .LBB1_13-.Ltmp16, $2  }
0x136: {  	_ =	sdelay $0x2  }
0x137: {  	[tilespmem:s0+$0x0 ss:$0x81] =	vst.msk $0xffff, v1;
	s0 =	sadd.s32 $0x810, s0  }
.Ltmp17:
0x138: {  	_ = 	snop;
	(pc) =	sbr.rel .LBB1_14-.Ltmp17, $1  }
0x139: {  	_ =	sdelay $0x3  }
.LBB1_10:
.Ltmp18:
0x13a: {  	(pc) =	sbr.rel .LBB1_24-.Ltmp18, $2  }
0x13b: {  	_ =	sdelay $0x2  }
0x13c: {  	s22 =	smov.u32 s6;
	s29 =	smov.u32 s5;
	s13 =	smov.u32 s7  }
.LBB1_21:
.Ltmp19:
0x13d: {  	(pc) =	sbr.rel .LBB1_24-.Ltmp19, $2  }
0x13e: {  	_ =	sdelay $0x2  }
0x13f: {  	s22 =	smov.u32 s6;
	s29 =	smov.u32 s5;
	v7 =	vmov v3;
	s13 =	smov.u32 s7;
	v6 =	vmov v4;
	v5 =	vmov v2  }
.LBB1_19:
0x140: {  	_ =	sfence.sel $0x180000  }
0x141: {  	s0 =	simm.s32 $0x1;
	[bflag:$0x0] =	sbarrier.arrive $0xFFFF  }
0x142: {  	s31 =	simm.s32 $0x2;
	[sflag:s0] =	ssyncpa.u1 $0x1  }
0x143: {  	[sflag:s31] =	ssyncpa.u1 $0x1  }
0x144: {  	_ =	strace $0x90000047  }
0x145: {  	[bflag:$0x2] =	sbarrier.arrive $0xFFFF  }
0x146: {  	p0 =	sne.s32 s8, $0x0;
	s0 =	rddreg [dreg:$0x2]  }
0x147: {  	s0 =	sadd.s32 @!p0 $0x100000, s0  }
0x148: {  	[sflag:s0] =	ssyncadd.tile.s32 @!p0 $0x1;
	_ =	shalt  }
.Lfunc_end1:
_tile_overlayer_lowered:
.L_overlay_start_2:
0x149: {  	(tag) =	ssettag $0x2  }
0x14a: {  	s0 =	rddreg [dreg:$0x0];
	s2 =	stileid.u32  }
0x14b: {  	s1 =	rddreg [dreg:$0x1];
	p0 =	sne.s32 s2, $0x0  }
0x14c: {  	s3 =	rddreg [dreg:$0x2];
	[bflag:$0x3] =	sbarrier.arrive $0xFFFF;
	s2 =	simm.s32 @!p0 $0x1C01  }
0x14d: {  	[timem:s3], [sflag:s2] =	dma.local @!p0 [hbm:s0], s1  }
0x14e: {  	s0 =	simm.s32 @!p0 $0x1  }
0x14f: {  	_ =	swait.ge @!p0 [sflag:s0], s1  }
0x150: {  	s1 =	ssub.s32 @!p0 $0x0, s1;
	[sflag:s0] =	ssyncset.done @!p0 $0x0  }
0x151: {  	[sflag:s0] =	ssyncadd.s32 @!p0 s1  }
0x152: {  	[bflag:$0x3] =	sbarrier.arrive $0xFFFF  }
0x153: {  	_ =	shalt  }

</sc_bundles>
